<compile_context>
chip_gen: v7x
topology: tpu7x:2x2x1
jax: 0.10.2.dev20260603
libtpu: 0.0.44.dev20260713+nightly
codegen_flags: <defaults>
</compile_context>

<pallas_src>
import functools

import jax
import jax.numpy as jnp
from jax import lax
from jax.experimental import pallas as pl
from jax.experimental.pallas import tpu as pltpu
from jax.experimental.pallas import tpu_sc as plsc

B, L, V, D = 16384, 20, 1000000, 16
LP = 24
T_TILES = LP * D // 128
NW = 32
NH = 2
BH = B // NH
RH = BH // 8
BW = BH // NW
IDX_PER_WT = BW * 8
CHUNK = 128
N_STREAMS = IDX_PER_WT // CHUNK


def _format_table(emb):
    embT = emb.T
    emb_lin = embT.reshape(D, V // 8, 8).transpose(1, 2, 0).reshape(V * D)
    return jax.lax.optimization_barrier(emb_lin).reshape(V, D)


def _gather_sc(xT, emb, half):
    mesh = plsc.VectorSubcoreMesh(core_axis_name="c", subcore_axis_name="s")
    base_b = half * BH

    @functools.partial(
        pl.kernel,
        out_type=jax.ShapeDtypeStruct((T_TILES, RH * 64, D), jnp.float32),
        mesh=mesh,
        scratch_types=[
            pltpu.VMEM((L, BW), jnp.int32),
            pltpu.VMEM((T_TILES * IDX_PER_WT,), jnp.int32),
            pltpu.VMEM((IDX_PER_WT, D), jnp.float32),
            pltpu.VMEM((IDX_PER_WT, D), jnp.float32),
            pltpu.SemaphoreType.DMA,
            pltpu.SemaphoreType.DMA,
        ],
        compiler_params=pltpu.CompilerParams(
            use_tc_tiling_on_sc=False, needs_layout_passes=False),
    )
    def k(xT_hbm, emb_hbm, out_hbm, xcols_v, idx_v, rows_a, rows_b, sem, osem):
        wid = lax.axis_index("s") * 2 + lax.axis_index("c")
        xdescs = [
            pltpu.async_copy(
                xT_hbm.at[l, pl.ds(base_b + wid * BW, BW)], xcols_v.at[l], sem)
            for l in range(L)
        ]
        for dsc in xdescs:
            dsc.wait()
        u = lax.iota(jnp.int32, 16)
        lane_l = jnp.bitwise_and(u, 7)
        grp = jnp.right_shift(u, 3)

        def qbody(q, carry):
            for t in range(T_TILES):
                rv = 8 * t + lane_l
                l_idx = jnp.where(rv >= L, rv - L, rv)
                b_idx = 2 * q + grp
                g = plsc.load_gather(xcols_v, [l_idx, b_idx])
                idx_v[pl.ds(t * IDX_PER_WT + q * 16, 16)] = g
            return carry

        lax.fori_loop(0, IDX_PER_WT // 16, qbody, 0)

        bufs = [rows_a, rows_b]
        outd = [None, None]
        for t in range(T_TILES):
            buf = bufs[t % 2]
            if outd[t % 2] is not None:
                outd[t % 2].wait()
            descs = []
            for j in range(N_STREAMS):
                descs.append(pltpu.async_copy(
                    emb_hbm.at[idx_v.at[pl.ds(t * IDX_PER_WT + j * CHUNK, CHUNK)]],
                    buf.at[pl.ds(j * CHUNK, CHUNK)],
                    sem))
            for dsc in descs:
                dsc.wait()
            outd[t % 2] = pltpu.async_copy(
                buf, out_hbm.at[t, pl.ds(wid * IDX_PER_WT, IDX_PER_WT)], osem)
        for dsc in outd:
            if dsc is not None:
                dsc.wait()

    return k(xT, emb)


def _mlp_tc(h3, W1p, b1, W2, b2, W3, b3):
    BM = 512
    RB = BM // 8

    def body(h_ref, w1_ref, b1_ref, w2_ref, b2_ref, w3_ref, b3_ref, o_ref):
        z1 = b1_ref[...]
        for t in range(T_TILES):
            a_t = h_ref[t].reshape(BM, 128)
            z1 = z1 + jnp.dot(a_t, w1_ref[t], preferred_element_type=jnp.float32)
        z1 = jnp.where(z1 > 0, z1, 0.2 * z1)
        z2 = jnp.dot(z1, w2_ref[...], preferred_element_type=jnp.float32) + b2_ref[...]
        z2 = jnp.where(z2 > 0, z2, 0.2 * z2)
        o_ref[...] = jnp.dot(z2, w3_ref[...], preferred_element_type=jnp.float32) + b3_ref[...]

    return pl.pallas_call(
        body,
        grid=(BH // BM,),
        in_specs=[
            pl.BlockSpec((T_TILES, RB, 8, 128), lambda i: (0, i, 0, 0)),
            pl.BlockSpec((T_TILES, 128, 512), lambda i: (0, 0, 0)),
            pl.BlockSpec((1, 512), lambda i: (0, 0)),
            pl.BlockSpec((512, 256), lambda i: (0, 0)),
            pl.BlockSpec((1, 256), lambda i: (0, 0)),
            pl.BlockSpec((256, 1), lambda i: (0, 0)),
            pl.BlockSpec((1, 1), lambda i: (0, 0)),
        ],
        out_specs=pl.BlockSpec((BM, 1), lambda i: (i, 0)),
        out_shape=jax.ShapeDtypeStruct((BH, 1), jnp.float32),
    )(h3, W1p, b1.reshape(1, -1), W2, b2.reshape(1, -1), W3, b3.reshape(1, -1))


def kernel(x, emb, W1, b1, W2, b2, W3, b3):
    xT = x.astype(jnp.int32).T
    emb_lin = _format_table(emb)
    W1p = jnp.pad(W1, ((0, T_TILES * 128 - L * D), (0, 0))).reshape(T_TILES, 128, 512)
    outs = []
    for half in range(NH):
        h3 = _gather_sc(xT, emb_lin, half).reshape(T_TILES, RH, 8, 128)
        outs.append(_mlp_tc(h3, W1p, b1, W2, b2, W3, b3))
    return jnp.concatenate(outs, axis=0)

# --- scband reference (transcript-rebuilt; emitter-appended) ---
"""Pipeline reference for scband-small-music-discriminator-25658134626829 (READ-ONLY COPY).

The authoritative reference and input builder live on the scoring server;
editing this copy changes nothing except your own understanding.
"""

import jax, jax.numpy as jnp
import numpy as np

B, L, V, D = 16384, 20, 1000000, 16
F_IN = L * D

def setup_inputs(seed: int = 0) -> dict:
    key = jax.random.key(seed)
    ks = jax.random.split(key, 8)
    x = jax.random.randint(ks[0], (B, L), 0, V)
    emb = jax.random.normal(ks[1], (V, D), dtype=jnp.float32) * 0.02
    W1 = jax.random.normal(ks[2], (F_IN, 512), dtype=jnp.float32) * (1.0 / np.sqrt(F_IN))
    b1 = jnp.zeros((512,), dtype=jnp.float32)
    W2 = jax.random.normal(ks[3], (512, 256), dtype=jnp.float32) * (1.0 / np.sqrt(512))
    b2 = jnp.zeros((256,), dtype=jnp.float32)
    W3 = jax.random.normal(ks[4], (256, 1), dtype=jnp.float32) * (1.0 / np.sqrt(256))
    b3 = jnp.zeros((1,), dtype=jnp.float32)
    return {"x": x, "emb": emb, "W1": W1, "b1": b1, "W2": W2, "b2": b2, "W3": W3, "b3": b3}

def reference(x, emb, W1, b1, W2, b2, W3, b3):
    # embedding lookup (SparseCore gather)
    h = jnp.take(emb, x, axis=0)            # [B, L, D]
    h = h.reshape(h.shape[0], -1)            # [B, L*D]
    h = jax.nn.leaky_relu(h @ W1 + b1, negative_slope=0.2)
    # dropout is identity in eval mode
    h = jax.nn.leaky_relu(h @ W2 + b2, negative_slope=0.2)
    out = h @ W3 + b3                        # [B, 1]
    return out

if __name__ == "__main__":
    import jax
    _d = setup_inputs()
    print(jax.jit(kernel)(*tuple(_d.values())))

</pallas_src>

<mosaic_0001>
#map = affine_map<(d0, d1) -> (0, 0)>
#map1 = affine_map<(d0, d1) -> (0, 0, 0)>
module attributes {stable_mosaic.version = 14 : i64} {
  func.func @k(%arg0: i32, %arg1: i32, %arg2: memref<20x16384xi32, #tpu.memory_space<hbm>>, %arg3: memref<1000000x16xf32, #tpu.memory_space<hbm>>, %arg4: memref<3x65536x16xf32, #tpu.memory_space<hbm>>, %arg5: memref<20x256xi32, #tpu.memory_space<vmem>>, %arg6: memref<6144xi32, #tpu.memory_space<vmem>>, %arg7: memref<2048x16xf32, #tpu.memory_space<vmem>>, %arg8: memref<2048x16xf32, #tpu.memory_space<vmem>>, %arg9: memref<!tpu.dma_semaphore, #tpu.memory_space<semaphore_mem>>, %arg10: memref<!tpu.dma_semaphore, #tpu.memory_space<semaphore_mem>>) attributes {dimension_semantics = [#tpu.dimension_semantics<core_parallel>, #tpu.dimension_semantics<subcore_parallel>], iteration_bounds = array<i64: 2, 16>, scalar_prefetch = 0 : i64, scratch_operands = 6 : i64, tpu.core_type = #tpu.core_type<sc_vector_subcore>, window_params = [{transform_indices = #map}, {transform_indices = #map}, {transform_indices = #map1}]} {
    %mul3A = arith.constant 2 : i32
    %mul3A_0 = arith.muli %arg1, %mul3A : i32
    %add3A = arith.addi %mul3A_0, %arg0 : i32
    %mul3A_1 = arith.constant 256 : i32
    %mul3A_2 = arith.muli %add3A, %mul3A_1 : i32
    %add3A_3 = arith.constant 8192 : i32
    %add3A_4 = arith.addi %add3A_3, %mul3A_2 : i32
    %dma_start3A = arith.constant 0 : i32
    %dma_start3A_5 = arith.constant 0 : i32
    %dma_start3A_6 = arith.constant 0 : i32
    %dma_start3A_7 = tpu.memref_slice %arg5[%dma_start3A_5, %dma_start3A_6] : memref<20x256xi32, #tpu.memory_space<vmem>> -> memref<1x256xi32, #tpu.memory_space<vmem>>
    %dma_start3A_8 = tpu.memref_squeeze %dma_start3A_7 : memref<1x256xi32, #tpu.memory_space<vmem>> -> memref<256xi32, #tpu.memory_space<vmem>>
    %dma_start3A_9 = tpu.memref_slice %arg2[%dma_start3A, %add3A_4] : memref<20x16384xi32, #tpu.memory_space<hbm>> -> memref<1x256xi32, #tpu.memory_space<hbm>>
    %dma_start3A_10 = tpu.memref_squeeze %dma_start3A_9 : memref<1x256xi32, #tpu.memory_space<hbm>> -> memref<256xi32, #tpu.memory_space<hbm>>
    %dma_start3A_11 = arith.constant 0 : i32
    %dma_start3A_12 = tpu.memref_slice %arg5[%dma_start3A_5, %dma_start3A_11] : memref<20x256xi32, #tpu.memory_space<vmem>> -> memref<1x256xi32, #tpu.memory_space<vmem>>
    %dma_start3A_13 = tpu.memref_squeeze %dma_start3A_12 : memref<1x256xi32, #tpu.memory_space<vmem>> -> memref<256xi32, #tpu.memory_space<vmem>>
    %dma_start3A_14 = tpu.memref_slice %arg2[%dma_start3A, %add3A_4] : memref<20x16384xi32, #tpu.memory_space<hbm>> -> memref<1x256xi32, #tpu.memory_space<hbm>>
    %dma_start3A_15 = tpu.memref_squeeze %dma_start3A_14 : memref<1x256xi32, #tpu.memory_space<hbm>> -> memref<256xi32, #tpu.memory_space<hbm>>
    tpu.enqueue_dma source(%dma_start3A_15 : memref<256xi32, #tpu.memory_space<hbm>>) target(%dma_start3A_13 : memref<256xi32, #tpu.memory_space<vmem>>) target_semaphore(%arg9 : memref<!tpu.dma_semaphore, #tpu.memory_space<semaphore_mem>>)
    %mul3A_16 = arith.constant 256 : i32
    %mul3A_17 = arith.muli %add3A, %mul3A_16 : i32
    %add3A_18 = arith.constant 8192 : i32
    %add3A_19 = arith.addi %add3A_18, %mul3A_17 : i32
    %dma_start3A_20 = arith.constant 1 : i32
    %dma_start3A_21 = arith.constant 1 : i32
    %dma_start3A_22 = arith.constant 0 : i32
    %dma_start3A_23 = tpu.memref_slice %arg5[%dma_start3A_21, %dma_start3A_22] : memref<20x256xi32, #tpu.memory_space<vmem>> -> memref<1x256xi32, #tpu.memory_space<vmem>>
    %dma_start3A_24 = tpu.memref_squeeze %dma_start3A_23 : memref<1x256xi32, #tpu.memory_space<vmem>> -> memref<256xi32, #tpu.memory_space<vmem>>
    %dma_start3A_25 = tpu.memref_slice %arg2[%dma_start3A_20, %add3A_19] : memref<20x16384xi32, #tpu.memory_space<hbm>> -> memref<1x256xi32, #tpu.memory_space<hbm>>
    %dma_start3A_26 = tpu.memref_squeeze %dma_start3A_25 : memref<1x256xi32, #tpu.memory_space<hbm>> -> memref<256xi32, #tpu.memory_space<hbm>>
    %dma_start3A_27 = arith.constant 0 : i32
    %dma_start3A_28 = tpu.memref_slice %arg5[%dma_start3A_21, %dma_start3A_27] : memref<20x256xi32, #tpu.memory_space<vmem>> -> memref<1x256xi32, #tpu.memory_space<vmem>>
    %dma_start3A_29 = tpu.memref_squeeze %dma_start3A_28 : memref<1x256xi32, #tpu.memory_space<vmem>> -> memref<256xi32, #tpu.memory_space<vmem>>
    %dma_start3A_30 = tpu.memref_slice %arg2[%dma_start3A_20, %add3A_19] : memref<20x16384xi32, #tpu.memory_space<hbm>> -> memref<1x256xi32, #tpu.memory_space<hbm>>
    %dma_start3A_31 = tpu.memref_squeeze %dma_start3A_30 : memref<1x256xi32, #tpu.memory_space<hbm>> -> memref<256xi32, #tpu.memory_space<hbm>>
    tpu.enqueue_dma source(%dma_start3A_31 : memref<256xi32, #tpu.memory_space<hbm>>) target(%dma_start3A_29 : memref<256xi32, #tpu.memory_space<vmem>>) target_semaphore(%arg9 : memref<!tpu.dma_semaphore, #tpu.memory_space<semaphore_mem>>)
    %mul3A_32 = arith.constant 256 : i32
    %mul3A_33 = arith.muli %add3A, %mul3A_32 : i32
    %add3A_34 = arith.constant 8192 : i32
    %add3A_35 = arith.addi %add3A_34, %mul3A_33 : i32
    %dma_start3A_36 = arith.constant 2 : i32
    %dma_start3A_37 = arith.constant 2 : i32
    %dma_start3A_38 = arith.constant 0 : i32
    %dma_start3A_39 = tpu.memref_slice %arg5[%dma_start3A_37, %dma_start3A_38] : memref<20x256xi32, #tpu.memory_space<vmem>> -> memref<1x256xi32, #tpu.memory_space<vmem>>
    %dma_start3A_40 = tpu.memref_squeeze %dma_start3A_39 : memref<1x256xi32, #tpu.memory_space<vmem>> -> memref<256xi32, #tpu.memory_space<vmem>>
    %dma_start3A_41 = tpu.memref_slice %arg2[%dma_start3A_36, %add3A_35] : memref<20x16384xi32, #tpu.memory_space<hbm>> -> memref<1x256xi32, #tpu.memory_space<hbm>>
    %dma_start3A_42 = tpu.memref_squeeze %dma_start3A_41 : memref<1x256xi32, #tpu.memory_space<hbm>> -> memref<256xi32, #tpu.memory_space<hbm>>
    %dma_start3A_43 = arith.constant 0 : i32
    %dma_start3A_44 = tpu.memref_slice %arg5[%dma_start3A_37, %dma_start3A_43] : memref<20x256xi32, #tpu.memory_space<vmem>> -> memref<1x256xi32, #tpu.memory_space<vmem>>
    %dma_start3A_45 = tpu.memref_squeeze %dma_start3A_44 : memref<1x256xi32, #tpu.memory_space<vmem>> -> memref<256xi32, #tpu.memory_space<vmem>>
    %dma_start3A_46 = tpu.memref_slice %arg2[%dma_start3A_36, %add3A_35] : memref<20x16384xi32, #tpu.memory_space<hbm>> -> memref<1x256xi32, #tpu.memory_space<hbm>>
    %dma_start3A_47 = tpu.memref_squeeze %dma_start3A_46 : memref<1x256xi32, #tpu.memory_space<hbm>> -> memref<256xi32, #tpu.memory_space<hbm>>
    tpu.enqueue_dma source(%dma_start3A_47 : memref<256xi32, #tpu.memory_space<hbm>>) target(%dma_start3A_45 : memref<256xi32, #tpu.memory_space<vmem>>) target_semaphore(%arg9 : memref<!tpu.dma_semaphore, #tpu.memory_space<semaphore_mem>>)
    %mul3A_48 = arith.constant 256 : i32
    %mul3A_49 = arith.muli %add3A, %mul3A_48 : i32
    %add3A_50 = arith.constant 8192 : i32
    %add3A_51 = arith.addi %add3A_50, %mul3A_49 : i32
    %dma_start3A_52 = arith.constant 3 : i32
    %dma_start3A_53 = arith.constant 3 : i32
    %dma_start3A_54 = arith.constant 0 : i32
    %dma_start3A_55 = tpu.memref_slice %arg5[%dma_start3A_53, %dma_start3A_54] : memref<20x256xi32, #tpu.memory_space<vmem>> -> memref<1x256xi32, #tpu.memory_space<vmem>>
    %dma_start3A_56 = tpu.memref_squeeze %dma_start3A_55 : memref<1x256xi32, #tpu.memory_space<vmem>> -> memref<256xi32, #tpu.memory_space<vmem>>
    %dma_start3A_57 = tpu.memref_slice %arg2[%dma_start3A_52, %add3A_51] : memref<20x16384xi32, #tpu.memory_space<hbm>> -> memref<1x256xi32, #tpu.memory_space<hbm>>
    %dma_start3A_58 = tpu.memref_squeeze %dma_start3A_57 : memref<1x256xi32, #tpu.memory_space<hbm>> -> memref<256xi32, #tpu.memory_space<hbm>>
    %dma_start3A_59 = arith.constant 0 : i32
    %dma_start3A_60 = tpu.memref_slice %arg5[%dma_start3A_53, %dma_start3A_59] : memref<20x256xi32, #tpu.memory_space<vmem>> -> memref<1x256xi32, #tpu.memory_space<vmem>>
    %dma_start3A_61 = tpu.memref_squeeze %dma_start3A_60 : memref<1x256xi32, #tpu.memory_space<vmem>> -> memref<256xi32, #tpu.memory_space<vmem>>
    %dma_start3A_62 = tpu.memref_slice %arg2[%dma_start3A_52, %add3A_51] : memref<20x16384xi32, #tpu.memory_space<hbm>> -> memref<1x256xi32, #tpu.memory_space<hbm>>
    %dma_start3A_63 = tpu.memref_squeeze %dma_start3A_62 : memref<1x256xi32, #tpu.memory_space<hbm>> -> memref<256xi32, #tpu.memory_space<hbm>>
    tpu.enqueue_dma source(%dma_start3A_63 : memref<256xi32, #tpu.memory_space<hbm>>) target(%dma_start3A_61 : memref<256xi32, #tpu.memory_space<vmem>>) target_semaphore(%arg9 : memref<!tpu.dma_semaphore, #tpu.memory_space<semaphore_mem>>)
    %mul3A_64 = arith.constant 256 : i32
    %mul3A_65 = arith.muli %add3A, %mul3A_64 : i32
    %add3A_66 = arith.constant 8192 : i32
    %add3A_67 = arith.addi %add3A_66, %mul3A_65 : i32
    %dma_start3A_68 = arith.constant 4 : i32
    %dma_start3A_69 = arith.constant 4 : i32
    %dma_start3A_70 = arith.constant 0 : i32
    %dma_start3A_71 = tpu.memref_slice %arg5[%dma_start3A_69, %dma_start3A_70] : memref<20x256xi32, #tpu.memory_space<vmem>> -> memref<1x256xi32, #tpu.memory_space<vmem>>
    %dma_start3A_72 = tpu.memref_squeeze %dma_start3A_71 : memref<1x256xi32, #tpu.memory_space<vmem>> -> memref<256xi32, #tpu.memory_space<vmem>>
    %dma_start3A_73 = tpu.memref_slice %arg2[%dma_start3A_68, %add3A_67] : memref<20x16384xi32, #tpu.memory_space<hbm>> -> memref<1x256xi32, #tpu.memory_space<hbm>>
    %dma_start3A_74 = tpu.memref_squeeze %dma_start3A_73 : memref<1x256xi32, #tpu.memory_space<hbm>> -> memref<256xi32, #tpu.memory_space<hbm>>
    %dma_start3A_75 = arith.constant 0 : i32
    %dma_start3A_76 = tpu.memref_slice %arg5[%dma_start3A_69, %dma_start3A_75] : memref<20x256xi32, #tpu.memory_space<vmem>> -> memref<1x256xi32, #tpu.memory_space<vmem>>
    %dma_start3A_77 = tpu.memref_squeeze %dma_start3A_76 : memref<1x256xi32, #tpu.memory_space<vmem>> -> memref<256xi32, #tpu.memory_space<vmem>>
    %dma_start3A_78 = tpu.memref_slice %arg2[%dma_start3A_68, %add3A_67] : memref<20x16384xi32, #tpu.memory_space<hbm>> -> memref<1x256xi32, #tpu.memory_space<hbm>>
    %dma_start3A_79 = tpu.memref_squeeze %dma_start3A_78 : memref<1x256xi32, #tpu.memory_space<hbm>> -> memref<256xi32, #tpu.memory_space<hbm>>
    tpu.enqueue_dma source(%dma_start3A_79 : memref<256xi32, #tpu.memory_space<hbm>>) target(%dma_start3A_77 : memref<256xi32, #tpu.memory_space<vmem>>) target_semaphore(%arg9 : memref<!tpu.dma_semaphore, #tpu.memory_space<semaphore_mem>>)
    %mul3A_80 = arith.constant 256 : i32
    %mul3A_81 = arith.muli %add3A, %mul3A_80 : i32
    %add3A_82 = arith.constant 8192 : i32
    %add3A_83 = arith.addi %add3A_82, %mul3A_81 : i32
    %dma_start3A_84 = arith.constant 5 : i32
    %dma_start3A_85 = arith.constant 5 : i32
    %dma_start3A_86 = arith.constant 0 : i32
    %dma_start3A_87 = tpu.memref_slice %arg5[%dma_start3A_85, %dma_start3A_86] : memref<20x256xi32, #tpu.memory_space<vmem>> -> memref<1x256xi32, #tpu.memory_space<vmem>>
    %dma_start3A_88 = tpu.memref_squeeze %dma_start3A_87 : memref<1x256xi32, #tpu.memory_space<vmem>> -> memref<256xi32, #tpu.memory_space<vmem>>
    %dma_start3A_89 = tpu.memref_slice %arg2[%dma_start3A_84, %add3A_83] : memref<20x16384xi32, #tpu.memory_space<hbm>> -> memref<1x256xi32, #tpu.memory_space<hbm>>
    %dma_start3A_90 = tpu.memref_squeeze %dma_start3A_89 : memref<1x256xi32, #tpu.memory_space<hbm>> -> memref<256xi32, #tpu.memory_space<hbm>>
    %dma_start3A_91 = arith.constant 0 : i32
    %dma_start3A_92 = tpu.memref_slice %arg5[%dma_start3A_85, %dma_start3A_91] : memref<20x256xi32, #tpu.memory_space<vmem>> -> memref<1x256xi32, #tpu.memory_space<vmem>>
    %dma_start3A_93 = tpu.memref_squeeze %dma_start3A_92 : memref<1x256xi32, #tpu.memory_space<vmem>> -> memref<256xi32, #tpu.memory_space<vmem>>
    %dma_start3A_94 = tpu.memref_slice %arg2[%dma_start3A_84, %add3A_83] : memref<20x16384xi32, #tpu.memory_space<hbm>> -> memref<1x256xi32, #tpu.memory_space<hbm>>
    %dma_start3A_95 = tpu.memref_squeeze %dma_start3A_94 : memref<1x256xi32, #tpu.memory_space<hbm>> -> memref<256xi32, #tpu.memory_space<hbm>>
    tpu.enqueue_dma source(%dma_start3A_95 : memref<256xi32, #tpu.memory_space<hbm>>) target(%dma_start3A_93 : memref<256xi32, #tpu.memory_space<vmem>>) target_semaphore(%arg9 : memref<!tpu.dma_semaphore, #tpu.memory_space<semaphore_mem>>)
    %mul3A_96 = arith.constant 256 : i32
    %mul3A_97 = arith.muli %add3A, %mul3A_96 : i32
    %add3A_98 = arith.constant 8192 : i32
    %add3A_99 = arith.addi %add3A_98, %mul3A_97 : i32
    %dma_start3A_100 = arith.constant 6 : i32
    %dma_start3A_101 = arith.constant 6 : i32
    %dma_start3A_102 = arith.constant 0 : i32
    %dma_start3A_103 = tpu.memref_slice %arg5[%dma_start3A_101, %dma_start3A_102] : memref<20x256xi32, #tpu.memory_space<vmem>> -> memref<1x256xi32, #tpu.memory_space<vmem>>
    %dma_start3A_104 = tpu.memref_squeeze %dma_start3A_103 : memref<1x256xi32, #tpu.memory_space<vmem>> -> memref<256xi32, #tpu.memory_space<vmem>>
    %dma_start3A_105 = tpu.memref_slice %arg2[%dma_start3A_100, %add3A_99] : memref<20x16384xi32, #tpu.memory_space<hbm>> -> memref<1x256xi32, #tpu.memory_space<hbm>>
    %dma_start3A_106 = tpu.memref_squeeze %dma_start3A_105 : memref<1x256xi32, #tpu.memory_space<hbm>> -> memref<256xi32, #tpu.memory_space<hbm>>
    %dma_start3A_107 = arith.constant 0 : i32
    %dma_start3A_108 = tpu.memref_slice %arg5[%dma_start3A_101, %dma_start3A_107] : memref<20x256xi32, #tpu.memory_space<vmem>> -> memref<1x256xi32, #tpu.memory_space<vmem>>
    %dma_start3A_109 = tpu.memref_squeeze %dma_start3A_108 : memref<1x256xi32, #tpu.memory_space<vmem>> -> memref<256xi32, #tpu.memory_space<vmem>>
    %dma_start3A_110 = tpu.memref_slice %arg2[%dma_start3A_100, %add3A_99] : memref<20x16384xi32, #tpu.memory_space<hbm>> -> memref<1x256xi32, #tpu.memory_space<hbm>>
    %dma_start3A_111 = tpu.memref_squeeze %dma_start3A_110 : memref<1x256xi32, #tpu.memory_space<hbm>> -> memref<256xi32, #tpu.memory_space<hbm>>
    tpu.enqueue_dma source(%dma_start3A_111 : memref<256xi32, #tpu.memory_space<hbm>>) target(%dma_start3A_109 : memref<256xi32, #tpu.memory_space<vmem>>) target_semaphore(%arg9 : memref<!tpu.dma_semaphore, #tpu.memory_space<semaphore_mem>>)
    %mul3A_112 = arith.constant 256 : i32
    %mul3A_113 = arith.muli %add3A, %mul3A_112 : i32
    %add3A_114 = arith.constant 8192 : i32
    %add3A_115 = arith.addi %add3A_114, %mul3A_113 : i32
    %dma_start3A_116 = arith.constant 7 : i32
    %dma_start3A_117 = arith.constant 7 : i32
    %dma_start3A_118 = arith.constant 0 : i32
    %dma_start3A_119 = tpu.memref_slice %arg5[%dma_start3A_117, %dma_start3A_118] : memref<20x256xi32, #tpu.memory_space<vmem>> -> memref<1x256xi32, #tpu.memory_space<vmem>>
    %dma_start3A_120 = tpu.memref_squeeze %dma_start3A_119 : memref<1x256xi32, #tpu.memory_space<vmem>> -> memref<256xi32, #tpu.memory_space<vmem>>
    %dma_start3A_121 = tpu.memref_slice %arg2[%dma_start3A_116, %add3A_115] : memref<20x16384xi32, #tpu.memory_space<hbm>> -> memref<1x256xi32, #tpu.memory_space<hbm>>
    %dma_start3A_122 = tpu.memref_squeeze %dma_start3A_121 : memref<1x256xi32, #tpu.memory_space<hbm>> -> memref<256xi32, #tpu.memory_space<hbm>>
    %dma_start3A_123 = arith.constant 0 : i32
    %dma_start3A_124 = tpu.memref_slice %arg5[%dma_start3A_117, %dma_start3A_123] : memref<20x256xi32, #tpu.memory_space<vmem>> -> memref<1x256xi32, #tpu.memory_space<vmem>>
    %dma_start3A_125 = tpu.memref_squeeze %dma_start3A_124 : memref<1x256xi32, #tpu.memory_space<vmem>> -> memref<256xi32, #tpu.memory_space<vmem>>
    %dma_start3A_126 = tpu.memref_slice %arg2[%dma_start3A_116, %add3A_115] : memref<20x16384xi32, #tpu.memory_space<hbm>> -> memref<1x256xi32, #tpu.memory_space<hbm>>
    %dma_start3A_127 = tpu.memref_squeeze %dma_start3A_126 : memref<1x256xi32, #tpu.memory_space<hbm>> -> memref<256xi32, #tpu.memory_space<hbm>>
    tpu.enqueue_dma source(%dma_start3A_127 : memref<256xi32, #tpu.memory_space<hbm>>) target(%dma_start3A_125 : memref<256xi32, #tpu.memory_space<vmem>>) target_semaphore(%arg9 : memref<!tpu.dma_semaphore, #tpu.memory_space<semaphore_mem>>)
    %mul3A_128 = arith.constant 256 : i32
    %mul3A_129 = arith.muli %add3A, %mul3A_128 : i32
    %add3A_130 = arith.constant 8192 : i32
    %add3A_131 = arith.addi %add3A_130, %mul3A_129 : i32
    %dma_start3A_132 = arith.constant 8 : i32
    %dma_start3A_133 = arith.constant 8 : i32
    %dma_start3A_134 = arith.constant 0 : i32
    %dma_start3A_135 = tpu.memref_slice %arg5[%dma_start3A_133, %dma_start3A_134] : memref<20x256xi32, #tpu.memory_space<vmem>> -> memref<1x256xi32, #tpu.memory_space<vmem>>
    %dma_start3A_136 = tpu.memref_squeeze %dma_start3A_135 : memref<1x256xi32, #tpu.memory_space<vmem>> -> memref<256xi32, #tpu.memory_space<vmem>>
    %dma_start3A_137 = tpu.memref_slice %arg2[%dma_start3A_132, %add3A_131] : memref<20x16384xi32, #tpu.memory_space<hbm>> -> memref<1x256xi32, #tpu.memory_space<hbm>>
    %dma_start3A_138 = tpu.memref_squeeze %dma_start3A_137 : memref<1x256xi32, #tpu.memory_space<hbm>> -> memref<256xi32, #tpu.memory_space<hbm>>
    %dma_start3A_139 = arith.constant 0 : i32
    %dma_start3A_140 = tpu.memref_slice %arg5[%dma_start3A_133, %dma_start3A_139] : memref<20x256xi32, #tpu.memory_space<vmem>> -> memref<1x256xi32, #tpu.memory_space<vmem>>
    %dma_start3A_141 = tpu.memref_squeeze %dma_start3A_140 : memref<1x256xi32, #tpu.memory_space<vmem>> -> memref<256xi32, #tpu.memory_space<vmem>>
    %dma_start3A_142 = tpu.memref_slice %arg2[%dma_start3A_132, %add3A_131] : memref<20x16384xi32, #tpu.memory_space<hbm>> -> memref<1x256xi32, #tpu.memory_space<hbm>>
    %dma_start3A_143 = tpu.memref_squeeze %dma_start3A_142 : memref<1x256xi32, #tpu.memory_space<hbm>> -> memref<256xi32, #tpu.memory_space<hbm>>
    tpu.enqueue_dma source(%dma_start3A_143 : memref<256xi32, #tpu.memory_space<hbm>>) target(%dma_start3A_141 : memref<256xi32, #tpu.memory_space<vmem>>) target_semaphore(%arg9 : memref<!tpu.dma_semaphore, #tpu.memory_space<semaphore_mem>>)
    %mul3A_144 = arith.constant 256 : i32
    %mul3A_145 = arith.muli %add3A, %mul3A_144 : i32
    %add3A_146 = arith.constant 8192 : i32
    %add3A_147 = arith.addi %add3A_146, %mul3A_145 : i32
    %dma_start3A_148 = arith.constant 9 : i32
    %dma_start3A_149 = arith.constant 9 : i32
    %dma_start3A_150 = arith.constant 0 : i32
    %dma_start3A_151 = tpu.memref_slice %arg5[%dma_start3A_149, %dma_start3A_150] : memref<20x256xi32, #tpu.memory_space<vmem>> -> memref<1x256xi32, #tpu.memory_space<vmem>>
    %dma_start3A_152 = tpu.memref_squeeze %dma_start3A_151 : memref<1x256xi32, #tpu.memory_space<vmem>> -> memref<256xi32, #tpu.memory_space<vmem>>
    %dma_start3A_153 = tpu.memref_slice %arg2[%dma_start3A_148, %add3A_147] : memref<20x16384xi32, #tpu.memory_space<hbm>> -> memref<1x256xi32, #tpu.memory_space<hbm>>
    %dma_start3A_154 = tpu.memref_squeeze %dma_start3A_153 : memref<1x256xi32, #tpu.memory_space<hbm>> -> memref<256xi32, #tpu.memory_space<hbm>>
    %dma_start3A_155 = arith.constant 0 : i32
    %dma_start3A_156 = tpu.memref_slice %arg5[%dma_start3A_149, %dma_start3A_155] : memref<20x256xi32, #tpu.memory_space<vmem>> -> memref<1x256xi32, #tpu.memory_space<vmem>>
    %dma_start3A_157 = tpu.memref_squeeze %dma_start3A_156 : memref<1x256xi32, #tpu.memory_space<vmem>> -> memref<256xi32, #tpu.memory_space<vmem>>
    %dma_start3A_158 = tpu.memref_slice %arg2[%dma_start3A_148, %add3A_147] : memref<20x16384xi32, #tpu.memory_space<hbm>> -> memref<1x256xi32, #tpu.memory_space<hbm>>
    %dma_start3A_159 = tpu.memref_squeeze %dma_start3A_158 : memref<1x256xi32, #tpu.memory_space<hbm>> -> memref<256xi32, #tpu.memory_space<hbm>>
    tpu.enqueue_dma source(%dma_start3A_159 : memref<256xi32, #tpu.memory_space<hbm>>) target(%dma_start3A_157 : memref<256xi32, #tpu.memory_space<vmem>>) target_semaphore(%arg9 : memref<!tpu.dma_semaphore, #tpu.memory_space<semaphore_mem>>)
    %mul3A_160 = arith.constant 256 : i32
    %mul3A_161 = arith.muli %add3A, %mul3A_160 : i32
    %add3A_162 = arith.constant 8192 : i32
    %add3A_163 = arith.addi %add3A_162, %mul3A_161 : i32
    %dma_start3A_164 = arith.constant 10 : i32
    %dma_start3A_165 = arith.constant 10 : i32
    %dma_start3A_166 = arith.constant 0 : i32
    %dma_start3A_167 = tpu.memref_slice %arg5[%dma_start3A_165, %dma_start3A_166] : memref<20x256xi32, #tpu.memory_space<vmem>> -> memref<1x256xi32, #tpu.memory_space<vmem>>
    %dma_start3A_168 = tpu.memref_squeeze %dma_start3A_167 : memref<1x256xi32, #tpu.memory_space<vmem>> -> memref<256xi32, #tpu.memory_space<vmem>>
    %dma_start3A_169 = tpu.memref_slice %arg2[%dma_start3A_164, %add3A_163] : memref<20x16384xi32, #tpu.memory_space<hbm>> -> memref<1x256xi32, #tpu.memory_space<hbm>>
    %dma_start3A_170 = tpu.memref_squeeze %dma_start3A_169 : memref<1x256xi32, #tpu.memory_space<hbm>> -> memref<256xi32, #tpu.memory_space<hbm>>
    %dma_start3A_171 = arith.constant 0 : i32
    %dma_start3A_172 = tpu.memref_slice %arg5[%dma_start3A_165, %dma_start3A_171] : memref<20x256xi32, #tpu.memory_space<vmem>> -> memref<1x256xi32, #tpu.memory_space<vmem>>
    %dma_start3A_173 = tpu.memref_squeeze %dma_start3A_172 : memref<1x256xi32, #tpu.memory_space<vmem>> -> memref<256xi32, #tpu.memory_space<vmem>>
    %dma_start3A_174 = tpu.memref_slice %arg2[%dma_start3A_164, %add3A_163] : memref<20x16384xi32, #tpu.memory_space<hbm>> -> memref<1x256xi32, #tpu.memory_space<hbm>>
    %dma_start3A_175 = tpu.memref_squeeze %dma_start3A_174 : memref<1x256xi32, #tpu.memory_space<hbm>> -> memref<256xi32, #tpu.memory_space<hbm>>
    tpu.enqueue_dma source(%dma_start3A_175 : memref<256xi32, #tpu.memory_space<hbm>>) target(%dma_start3A_173 : memref<256xi32, #tpu.memory_space<vmem>>) target_semaphore(%arg9 : memref<!tpu.dma_semaphore, #tpu.memory_space<semaphore_mem>>)
    %mul3A_176 = arith.constant 256 : i32
    %mul3A_177 = arith.muli %add3A, %mul3A_176 : i32
    %add3A_178 = arith.constant 8192 : i32
    %add3A_179 = arith.addi %add3A_178, %mul3A_177 : i32
    %dma_start3A_180 = arith.constant 11 : i32
    %dma_start3A_181 = arith.constant 11 : i32
    %dma_start3A_182 = arith.constant 0 : i32
    %dma_start3A_183 = tpu.memref_slice %arg5[%dma_start3A_181, %dma_start3A_182] : memref<20x256xi32, #tpu.memory_space<vmem>> -> memref<1x256xi32, #tpu.memory_space<vmem>>
    %dma_start3A_184 = tpu.memref_squeeze %dma_start3A_183 : memref<1x256xi32, #tpu.memory_space<vmem>> -> memref<256xi32, #tpu.memory_space<vmem>>
    %dma_start3A_185 = tpu.memref_slice %arg2[%dma_start3A_180, %add3A_179] : memref<20x16384xi32, #tpu.memory_space<hbm>> -> memref<1x256xi32, #tpu.memory_space<hbm>>
    %dma_start3A_186 = tpu.memref_squeeze %dma_start3A_185 : memref<1x256xi32, #tpu.memory_space<hbm>> -> memref<256xi32, #tpu.memory_space<hbm>>
    %dma_start3A_187 = arith.constant 0 : i32
    %dma_start3A_188 = tpu.memref_slice %arg5[%dma_start3A_181, %dma_start3A_187] : memref<20x256xi32, #tpu.memory_space<vmem>> -> memref<1x256xi32, #tpu.memory_space<vmem>>
    %dma_start3A_189 = tpu.memref_squeeze %dma_start3A_188 : memref<1x256xi32, #tpu.memory_space<vmem>> -> memref<256xi32, #tpu.memory_space<vmem>>
    %dma_start3A_190 = tpu.memref_slice %arg2[%dma_start3A_180, %add3A_179] : memref<20x16384xi32, #tpu.memory_space<hbm>> -> memref<1x256xi32, #tpu.memory_space<hbm>>
    %dma_start3A_191 = tpu.memref_squeeze %dma_start3A_190 : memref<1x256xi32, #tpu.memory_space<hbm>> -> memref<256xi32, #tpu.memory_space<hbm>>
    tpu.enqueue_dma source(%dma_start3A_191 : memref<256xi32, #tpu.memory_space<hbm>>) target(%dma_start3A_189 : memref<256xi32, #tpu.memory_space<vmem>>) target_semaphore(%arg9 : memref<!tpu.dma_semaphore, #tpu.memory_space<semaphore_mem>>)
    %mul3A_192 = arith.constant 256 : i32
    %mul3A_193 = arith.muli %add3A, %mul3A_192 : i32
    %add3A_194 = arith.constant 8192 : i32
    %add3A_195 = arith.addi %add3A_194, %mul3A_193 : i32
    %dma_start3A_196 = arith.constant 12 : i32
    %dma_start3A_197 = arith.constant 12 : i32
    %dma_start3A_198 = arith.constant 0 : i32
    %dma_start3A_199 = tpu.memref_slice %arg5[%dma_start3A_197, %dma_start3A_198] : memref<20x256xi32, #tpu.memory_space<vmem>> -> memref<1x256xi32, #tpu.memory_space<vmem>>
    %dma_start3A_200 = tpu.memref_squeeze %dma_start3A_199 : memref<1x256xi32, #tpu.memory_space<vmem>> -> memref<256xi32, #tpu.memory_space<vmem>>
    %dma_start3A_201 = tpu.memref_slice %arg2[%dma_start3A_196, %add3A_195] : memref<20x16384xi32, #tpu.memory_space<hbm>> -> memref<1x256xi32, #tpu.memory_space<hbm>>
    %dma_start3A_202 = tpu.memref_squeeze %dma_start3A_201 : memref<1x256xi32, #tpu.memory_space<hbm>> -> memref<256xi32, #tpu.memory_space<hbm>>
    %dma_start3A_203 = arith.constant 0 : i32
    %dma_start3A_204 = tpu.memref_slice %arg5[%dma_start3A_197, %dma_start3A_203] : memref<20x256xi32, #tpu.memory_space<vmem>> -> memref<1x256xi32, #tpu.memory_space<vmem>>
    %dma_start3A_205 = tpu.memref_squeeze %dma_start3A_204 : memref<1x256xi32, #tpu.memory_space<vmem>> -> memref<256xi32, #tpu.memory_space<vmem>>
    %dma_start3A_206 = tpu.memref_slice %arg2[%dma_start3A_196, %add3A_195] : memref<20x16384xi32, #tpu.memory_space<hbm>> -> memref<1x256xi32, #tpu.memory_space<hbm>>
    %dma_start3A_207 = tpu.memref_squeeze %dma_start3A_206 : memref<1x256xi32, #tpu.memory_space<hbm>> -> memref<256xi32, #tpu.memory_space<hbm>>
    tpu.enqueue_dma source(%dma_start3A_207 : memref<256xi32, #tpu.memory_space<hbm>>) target(%dma_start3A_205 : memref<256xi32, #tpu.memory_space<vmem>>) target_semaphore(%arg9 : memref<!tpu.dma_semaphore, #tpu.memory_space<semaphore_mem>>)
    %mul3A_208 = arith.constant 256 : i32
    %mul3A_209 = arith.muli %add3A, %mul3A_208 : i32
    %add3A_210 = arith.constant 8192 : i32
    %add3A_211 = arith.addi %add3A_210, %mul3A_209 : i32
    %dma_start3A_212 = arith.constant 13 : i32
    %dma_start3A_213 = arith.constant 13 : i32
    %dma_start3A_214 = arith.constant 0 : i32
    %dma_start3A_215 = tpu.memref_slice %arg5[%dma_start3A_213, %dma_start3A_214] : memref<20x256xi32, #tpu.memory_space<vmem>> -> memref<1x256xi32, #tpu.memory_space<vmem>>
    %dma_start3A_216 = tpu.memref_squeeze %dma_start3A_215 : memref<1x256xi32, #tpu.memory_space<vmem>> -> memref<256xi32, #tpu.memory_space<vmem>>
    %dma_start3A_217 = tpu.memref_slice %arg2[%dma_start3A_212, %add3A_211] : memref<20x16384xi32, #tpu.memory_space<hbm>> -> memref<1x256xi32, #tpu.memory_space<hbm>>
    %dma_start3A_218 = tpu.memref_squeeze %dma_start3A_217 : memref<1x256xi32, #tpu.memory_space<hbm>> -> memref<256xi32, #tpu.memory_space<hbm>>
    %dma_start3A_219 = arith.constant 0 : i32
    %dma_start3A_220 = tpu.memref_slice %arg5[%dma_start3A_213, %dma_start3A_219] : memref<20x256xi32, #tpu.memory_space<vmem>> -> memref<1x256xi32, #tpu.memory_space<vmem>>
    %dma_start3A_221 = tpu.memref_squeeze %dma_start3A_220 : memref<1x256xi32, #tpu.memory_space<vmem>> -> memref<256xi32, #tpu.memory_space<vmem>>
    %dma_start3A_222 = tpu.memref_slice %arg2[%dma_start3A_212, %add3A_211] : memref<20x16384xi32, #tpu.memory_space<hbm>> -> memref<1x256xi32, #tpu.memory_space<hbm>>
    %dma_start3A_223 = tpu.memref_squeeze %dma_start3A_222 : memref<1x256xi32, #tpu.memory_space<hbm>> -> memref<256xi32, #tpu.memory_space<hbm>>
    tpu.enqueue_dma source(%dma_start3A_223 : memref<256xi32, #tpu.memory_space<hbm>>) target(%dma_start3A_221 : memref<256xi32, #tpu.memory_space<vmem>>) target_semaphore(%arg9 : memref<!tpu.dma_semaphore, #tpu.memory_space<semaphore_mem>>)
    %mul3A_224 = arith.constant 256 : i32
    %mul3A_225 = arith.muli %add3A, %mul3A_224 : i32
    %add3A_226 = arith.constant 8192 : i32
    %add3A_227 = arith.addi %add3A_226, %mul3A_225 : i32
    %dma_start3A_228 = arith.constant 14 : i32
    %dma_start3A_229 = arith.constant 14 : i32
    %dma_start3A_230 = arith.constant 0 : i32
    %dma_start3A_231 = tpu.memref_slice %arg5[%dma_start3A_229, %dma_start3A_230] : memref<20x256xi32, #tpu.memory_space<vmem>> -> memref<1x256xi32, #tpu.memory_space<vmem>>
    %dma_start3A_232 = tpu.memref_squeeze %dma_start3A_231 : memref<1x256xi32, #tpu.memory_space<vmem>> -> memref<256xi32, #tpu.memory_space<vmem>>
    %dma_start3A_233 = tpu.memref_slice %arg2[%dma_start3A_228, %add3A_227] : memref<20x16384xi32, #tpu.memory_space<hbm>> -> memref<1x256xi32, #tpu.memory_space<hbm>>
    %dma_start3A_234 = tpu.memref_squeeze %dma_start3A_233 : memref<1x256xi32, #tpu.memory_space<hbm>> -> memref<256xi32, #tpu.memory_space<hbm>>
    %dma_start3A_235 = arith.constant 0 : i32
    %dma_start3A_236 = tpu.memref_slice %arg5[%dma_start3A_229, %dma_start3A_235] : memref<20x256xi32, #tpu.memory_space<vmem>> -> memref<1x256xi32, #tpu.memory_space<vmem>>
    %dma_start3A_237 = tpu.memref_squeeze %dma_start3A_236 : memref<1x256xi32, #tpu.memory_space<vmem>> -> memref<256xi32, #tpu.memory_space<vmem>>
    %dma_start3A_238 = tpu.memref_slice %arg2[%dma_start3A_228, %add3A_227] : memref<20x16384xi32, #tpu.memory_space<hbm>> -> memref<1x256xi32, #tpu.memory_space<hbm>>
    %dma_start3A_239 = tpu.memref_squeeze %dma_start3A_238 : memref<1x256xi32, #tpu.memory_space<hbm>> -> memref<256xi32, #tpu.memory_space<hbm>>
    tpu.enqueue_dma source(%dma_start3A_239 : memref<256xi32, #tpu.memory_space<hbm>>) target(%dma_start3A_237 : memref<256xi32, #tpu.memory_space<vmem>>) target_semaphore(%arg9 : memref<!tpu.dma_semaphore, #tpu.memory_space<semaphore_mem>>)
    %mul3A_240 = arith.constant 256 : i32
    %mul3A_241 = arith.muli %add3A, %mul3A_240 : i32
    %add3A_242 = arith.constant 8192 : i32
    %add3A_243 = arith.addi %add3A_242, %mul3A_241 : i32
    %dma_start3A_244 = arith.constant 15 : i32
    %dma_start3A_245 = arith.constant 15 : i32
    %dma_start3A_246 = arith.constant 0 : i32
    %dma_start3A_247 = tpu.memref_slice %arg5[%dma_start3A_245, %dma_start3A_246] : memref<20x256xi32, #tpu.memory_space<vmem>> -> memref<1x256xi32, #tpu.memory_space<vmem>>
    %dma_start3A_248 = tpu.memref_squeeze %dma_start3A_247 : memref<1x256xi32, #tpu.memory_space<vmem>> -> memref<256xi32, #tpu.memory_space<vmem>>
    %dma_start3A_249 = tpu.memref_slice %arg2[%dma_start3A_244, %add3A_243] : memref<20x16384xi32, #tpu.memory_space<hbm>> -> memref<1x256xi32, #tpu.memory_space<hbm>>
    %dma_start3A_250 = tpu.memref_squeeze %dma_start3A_249 : memref<1x256xi32, #tpu.memory_space<hbm>> -> memref<256xi32, #tpu.memory_space<hbm>>
    %dma_start3A_251 = arith.constant 0 : i32
    %dma_start3A_252 = tpu.memref_slice %arg5[%dma_start3A_245, %dma_start3A_251] : memref<20x256xi32, #tpu.memory_space<vmem>> -> memref<1x256xi32, #tpu.memory_space<vmem>>
    %dma_start3A_253 = tpu.memref_squeeze %dma_start3A_252 : memref<1x256xi32, #tpu.memory_space<vmem>> -> memref<256xi32, #tpu.memory_space<vmem>>
    %dma_start3A_254 = tpu.memref_slice %arg2[%dma_start3A_244, %add3A_243] : memref<20x16384xi32, #tpu.memory_space<hbm>> -> memref<1x256xi32, #tpu.memory_space<hbm>>
    %dma_start3A_255 = tpu.memref_squeeze %dma_start3A_254 : memref<1x256xi32, #tpu.memory_space<hbm>> -> memref<256xi32, #tpu.memory_space<hbm>>
    tpu.enqueue_dma source(%dma_start3A_255 : memref<256xi32, #tpu.memory_space<hbm>>) target(%dma_start3A_253 : memref<256xi32, #tpu.memory_space<vmem>>) target_semaphore(%arg9 : memref<!tpu.dma_semaphore, #tpu.memory_space<semaphore_mem>>)
    %mul3A_256 = arith.constant 256 : i32
    %mul3A_257 = arith.muli %add3A, %mul3A_256 : i32
    %add3A_258 = arith.constant 8192 : i32
    %add3A_259 = arith.addi %add3A_258, %mul3A_257 : i32
    %dma_start3A_260 = arith.constant 16 : i32
    %dma_start3A_261 = arith.constant 16 : i32
    %dma_start3A_262 = arith.constant 0 : i32
    %dma_start3A_263 = tpu.memref_slice %arg5[%dma_start3A_261, %dma_start3A_262] : memref<20x256xi32, #tpu.memory_space<vmem>> -> memref<1x256xi32, #tpu.memory_space<vmem>>
    %dma_start3A_264 = tpu.memref_squeeze %dma_start3A_263 : memref<1x256xi32, #tpu.memory_space<vmem>> -> memref<256xi32, #tpu.memory_space<vmem>>
    %dma_start3A_265 = tpu.memref_slice %arg2[%dma_start3A_260, %add3A_259] : memref<20x16384xi32, #tpu.memory_space<hbm>> -> memref<1x256xi32, #tpu.memory_space<hbm>>
    %dma_start3A_266 = tpu.memref_squeeze %dma_start3A_265 : memref<1x256xi32, #tpu.memory_space<hbm>> -> memref<256xi32, #tpu.memory_space<hbm>>
    %dma_start3A_267 = arith.constant 0 : i32
    %dma_start3A_268 = tpu.memref_slice %arg5[%dma_start3A_261, %dma_start3A_267] : memref<20x256xi32, #tpu.memory_space<vmem>> -> memref<1x256xi32, #tpu.memory_space<vmem>>
    %dma_start3A_269 = tpu.memref_squeeze %dma_start3A_268 : memref<1x256xi32, #tpu.memory_space<vmem>> -> memref<256xi32, #tpu.memory_space<vmem>>
    %dma_start3A_270 = tpu.memref_slice %arg2[%dma_start3A_260, %add3A_259] : memref<20x16384xi32, #tpu.memory_space<hbm>> -> memref<1x256xi32, #tpu.memory_space<hbm>>
    %dma_start3A_271 = tpu.memref_squeeze %dma_start3A_270 : memref<1x256xi32, #tpu.memory_space<hbm>> -> memref<256xi32, #tpu.memory_space<hbm>>
    tpu.enqueue_dma source(%dma_start3A_271 : memref<256xi32, #tpu.memory_space<hbm>>) target(%dma_start3A_269 : memref<256xi32, #tpu.memory_space<vmem>>) target_semaphore(%arg9 : memref<!tpu.dma_semaphore, #tpu.memory_space<semaphore_mem>>)
    %mul3A_272 = arith.constant 256 : i32
    %mul3A_273 = arith.muli %add3A, %mul3A_272 : i32
    %add3A_274 = arith.constant 8192 : i32
    %add3A_275 = arith.addi %add3A_274, %mul3A_273 : i32
    %dma_start3A_276 = arith.constant 17 : i32
    %dma_start3A_277 = arith.constant 17 : i32
    %dma_start3A_278 = arith.constant 0 : i32
    %dma_start3A_279 = tpu.memref_slice %arg5[%dma_start3A_277, %dma_start3A_278] : memref<20x256xi32, #tpu.memory_space<vmem>> -> memref<1x256xi32, #tpu.memory_space<vmem>>
    %dma_start3A_280 = tpu.memref_squeeze %dma_start3A_279 : memref<1x256xi32, #tpu.memory_space<vmem>> -> memref<256xi32, #tpu.memory_space<vmem>>
    %dma_start3A_281 = tpu.memref_slice %arg2[%dma_start3A_276, %add3A_275] : memref<20x16384xi32, #tpu.memory_space<hbm>> -> memref<1x256xi32, #tpu.memory_space<hbm>>
    %dma_start3A_282 = tpu.memref_squeeze %dma_start3A_281 : memref<1x256xi32, #tpu.memory_space<hbm>> -> memref<256xi32, #tpu.memory_space<hbm>>
    %dma_start3A_283 = arith.constant 0 : i32
    %dma_start3A_284 = tpu.memref_slice %arg5[%dma_start3A_277, %dma_start3A_283] : memref<20x256xi32, #tpu.memory_space<vmem>> -> memref<1x256xi32, #tpu.memory_space<vmem>>
    %dma_start3A_285 = tpu.memref_squeeze %dma_start3A_284 : memref<1x256xi32, #tpu.memory_space<vmem>> -> memref<256xi32, #tpu.memory_space<vmem>>
    %dma_start3A_286 = tpu.memref_slice %arg2[%dma_start3A_276, %add3A_275] : memref<20x16384xi32, #tpu.memory_space<hbm>> -> memref<1x256xi32, #tpu.memory_space<hbm>>
    %dma_start3A_287 = tpu.memref_squeeze %dma_start3A_286 : memref<1x256xi32, #tpu.memory_space<hbm>> -> memref<256xi32, #tpu.memory_space<hbm>>
    tpu.enqueue_dma source(%dma_start3A_287 : memref<256xi32, #tpu.memory_space<hbm>>) target(%dma_start3A_285 : memref<256xi32, #tpu.memory_space<vmem>>) target_semaphore(%arg9 : memref<!tpu.dma_semaphore, #tpu.memory_space<semaphore_mem>>)
    %mul3A_288 = arith.constant 256 : i32
    %mul3A_289 = arith.muli %add3A, %mul3A_288 : i32
    %add3A_290 = arith.constant 8192 : i32
    %add3A_291 = arith.addi %add3A_290, %mul3A_289 : i32
    %dma_start3A_292 = arith.constant 18 : i32
    %dma_start3A_293 = arith.constant 18 : i32
    %dma_start3A_294 = arith.constant 0 : i32
    %dma_start3A_295 = tpu.memref_slice %arg5[%dma_start3A_293, %dma_start3A_294] : memref<20x256xi32, #tpu.memory_space<vmem>> -> memref<1x256xi32, #tpu.memory_space<vmem>>
    %dma_start3A_296 = tpu.memref_squeeze %dma_start3A_295 : memref<1x256xi32, #tpu.memory_space<vmem>> -> memref<256xi32, #tpu.memory_space<vmem>>
    %dma_start3A_297 = tpu.memref_slice %arg2[%dma_start3A_292, %add3A_291] : memref<20x16384xi32, #tpu.memory_space<hbm>> -> memref<1x256xi32, #tpu.memory_space<hbm>>
    %dma_start3A_298 = tpu.memref_squeeze %dma_start3A_297 : memref<1x256xi32, #tpu.memory_space<hbm>> -> memref<256xi32, #tpu.memory_space<hbm>>
    %dma_start3A_299 = arith.constant 0 : i32
    %dma_start3A_300 = tpu.memref_slice %arg5[%dma_start3A_293, %dma_start3A_299] : memref<20x256xi32, #tpu.memory_space<vmem>> -> memref<1x256xi32, #tpu.memory_space<vmem>>
    %dma_start3A_301 = tpu.memref_squeeze %dma_start3A_300 : memref<1x256xi32, #tpu.memory_space<vmem>> -> memref<256xi32, #tpu.memory_space<vmem>>
    %dma_start3A_302 = tpu.memref_slice %arg2[%dma_start3A_292, %add3A_291] : memref<20x16384xi32, #tpu.memory_space<hbm>> -> memref<1x256xi32, #tpu.memory_space<hbm>>
    %dma_start3A_303 = tpu.memref_squeeze %dma_start3A_302 : memref<1x256xi32, #tpu.memory_space<hbm>> -> memref<256xi32, #tpu.memory_space<hbm>>
    tpu.enqueue_dma source(%dma_start3A_303 : memref<256xi32, #tpu.memory_space<hbm>>) target(%dma_start3A_301 : memref<256xi32, #tpu.memory_space<vmem>>) target_semaphore(%arg9 : memref<!tpu.dma_semaphore, #tpu.memory_space<semaphore_mem>>)
    %mul3A_304 = arith.constant 256 : i32
    %mul3A_305 = arith.muli %add3A, %mul3A_304 : i32
    %add3A_306 = arith.constant 8192 : i32
    %add3A_307 = arith.addi %add3A_306, %mul3A_305 : i32
    %dma_start3A_308 = arith.constant 19 : i32
    %dma_start3A_309 = arith.constant 19 : i32
    %dma_start3A_310 = arith.constant 0 : i32
    %dma_start3A_311 = tpu.memref_slice %arg5[%dma_start3A_309, %dma_start3A_310] : memref<20x256xi32, #tpu.memory_space<vmem>> -> memref<1x256xi32, #tpu.memory_space<vmem>>
    %dma_start3A_312 = tpu.memref_squeeze %dma_start3A_311 : memref<1x256xi32, #tpu.memory_space<vmem>> -> memref<256xi32, #tpu.memory_space<vmem>>
    %dma_start3A_313 = tpu.memref_slice %arg2[%dma_start3A_308, %add3A_307] : memref<20x16384xi32, #tpu.memory_space<hbm>> -> memref<1x256xi32, #tpu.memory_space<hbm>>
    %dma_start3A_314 = tpu.memref_squeeze %dma_start3A_313 : memref<1x256xi32, #tpu.memory_space<hbm>> -> memref<256xi32, #tpu.memory_space<hbm>>
    %dma_start3A_315 = arith.constant 0 : i32
    %dma_start3A_316 = tpu.memref_slice %arg5[%dma_start3A_309, %dma_start3A_315] : memref<20x256xi32, #tpu.memory_space<vmem>> -> memref<1x256xi32, #tpu.memory_space<vmem>>
    %dma_start3A_317 = tpu.memref_squeeze %dma_start3A_316 : memref<1x256xi32, #tpu.memory_space<vmem>> -> memref<256xi32, #tpu.memory_space<vmem>>
    %dma_start3A_318 = tpu.memref_slice %arg2[%dma_start3A_308, %add3A_307] : memref<20x16384xi32, #tpu.memory_space<hbm>> -> memref<1x256xi32, #tpu.memory_space<hbm>>
    %dma_start3A_319 = tpu.memref_squeeze %dma_start3A_318 : memref<1x256xi32, #tpu.memory_space<hbm>> -> memref<256xi32, #tpu.memory_space<hbm>>
    tpu.enqueue_dma source(%dma_start3A_319 : memref<256xi32, #tpu.memory_space<hbm>>) target(%dma_start3A_317 : memref<256xi32, #tpu.memory_space<vmem>>) target_semaphore(%arg9 : memref<!tpu.dma_semaphore, #tpu.memory_space<semaphore_mem>>)
    %dma_wait3A = arith.constant 0 : i32
    %dma_wait3A_320 = arith.constant 0 : i32
    %dma_wait3A_321 = arith.constant 0 : i32
    %dma_wait3A_322 = tpu.memref_slice %arg5[%dma_wait3A_320, %dma_wait3A_321] : memref<20x256xi32, #tpu.memory_space<vmem>> -> memref<1x256xi32, #tpu.memory_space<vmem>>
    %dma_wait3A_323 = tpu.memref_squeeze %dma_wait3A_322 : memref<1x256xi32, #tpu.memory_space<vmem>> -> memref<256xi32, #tpu.memory_space<vmem>>
    %dma_wait3A_324 = tpu.memref_slice %arg2[%dma_wait3A, %add3A_4] : memref<20x16384xi32, #tpu.memory_space<hbm>> -> memref<1x256xi32, #tpu.memory_space<hbm>>
    %dma_wait3A_325 = tpu.memref_squeeze %dma_wait3A_324 : memref<1x256xi32, #tpu.memory_space<hbm>> -> memref<256xi32, #tpu.memory_space<hbm>>
    %dma_wait3A_326 = arith.constant 0 : i32
    %dma_wait3A_327 = tpu.memref_slice %arg5[%dma_wait3A_320, %dma_wait3A_326] : memref<20x256xi32, #tpu.memory_space<vmem>> -> memref<1x256xi32, #tpu.memory_space<vmem>>
    %dma_wait3A_328 = tpu.memref_squeeze %dma_wait3A_327 : memref<1x256xi32, #tpu.memory_space<vmem>> -> memref<256xi32, #tpu.memory_space<vmem>>
    %dma_wait3A_329 = tpu.memref_slice %arg2[%dma_wait3A, %add3A_4] : memref<20x16384xi32, #tpu.memory_space<hbm>> -> memref<1x256xi32, #tpu.memory_space<hbm>>
    %dma_wait3A_330 = tpu.memref_squeeze %dma_wait3A_329 : memref<1x256xi32, #tpu.memory_space<hbm>> -> memref<256xi32, #tpu.memory_space<hbm>>
    tpu.wait_dma2 semaphore(%arg9 : memref<!tpu.dma_semaphore, #tpu.memory_space<semaphore_mem>>) src(%dma_wait3A_330 : memref<256xi32, #tpu.memory_space<hbm>>) dst(%dma_wait3A_328 : memref<256xi32, #tpu.memory_space<vmem>>)
    %dma_wait3A_331 = arith.constant 1 : i32
    %dma_wait3A_332 = arith.constant 1 : i32
    %dma_wait3A_333 = arith.constant 0 : i32
    %dma_wait3A_334 = tpu.memref_slice %arg5[%dma_wait3A_332, %dma_wait3A_333] : memref<20x256xi32, #tpu.memory_space<vmem>> -> memref<1x256xi32, #tpu.memory_space<vmem>>
    %dma_wait3A_335 = tpu.memref_squeeze %dma_wait3A_334 : memref<1x256xi32, #tpu.memory_space<vmem>> -> memref<256xi32, #tpu.memory_space<vmem>>
    %dma_wait3A_336 = tpu.memref_slice %arg2[%dma_wait3A_331, %add3A_19] : memref<20x16384xi32, #tpu.memory_space<hbm>> -> memref<1x256xi32, #tpu.memory_space<hbm>>
    %dma_wait3A_337 = tpu.memref_squeeze %dma_wait3A_336 : memref<1x256xi32, #tpu.memory_space<hbm>> -> memref<256xi32, #tpu.memory_space<hbm>>
    %dma_wait3A_338 = arith.constant 0 : i32
    %dma_wait3A_339 = tpu.memref_slice %arg5[%dma_wait3A_332, %dma_wait3A_338] : memref<20x256xi32, #tpu.memory_space<vmem>> -> memref<1x256xi32, #tpu.memory_space<vmem>>
    %dma_wait3A_340 = tpu.memref_squeeze %dma_wait3A_339 : memref<1x256xi32, #tpu.memory_space<vmem>> -> memref<256xi32, #tpu.memory_space<vmem>>
    %dma_wait3A_341 = tpu.memref_slice %arg2[%dma_wait3A_331, %add3A_19] : memref<20x16384xi32, #tpu.memory_space<hbm>> -> memref<1x256xi32, #tpu.memory_space<hbm>>
    %dma_wait3A_342 = tpu.memref_squeeze %dma_wait3A_341 : memref<1x256xi32, #tpu.memory_space<hbm>> -> memref<256xi32, #tpu.memory_space<hbm>>
    tpu.wait_dma2 semaphore(%arg9 : memref<!tpu.dma_semaphore, #tpu.memory_space<semaphore_mem>>) src(%dma_wait3A_342 : memref<256xi32, #tpu.memory_space<hbm>>) dst(%dma_wait3A_340 : memref<256xi32, #tpu.memory_space<vmem>>)
    %dma_wait3A_343 = arith.constant 2 : i32
    %dma_wait3A_344 = arith.constant 2 : i32
    %dma_wait3A_345 = arith.constant 0 : i32
    %dma_wait3A_346 = tpu.memref_slice %arg5[%dma_wait3A_344, %dma_wait3A_345] : memref<20x256xi32, #tpu.memory_space<vmem>> -> memref<1x256xi32, #tpu.memory_space<vmem>>
    %dma_wait3A_347 = tpu.memref_squeeze %dma_wait3A_346 : memref<1x256xi32, #tpu.memory_space<vmem>> -> memref<256xi32, #tpu.memory_space<vmem>>
    %dma_wait3A_348 = tpu.memref_slice %arg2[%dma_wait3A_343, %add3A_35] : memref<20x16384xi32, #tpu.memory_space<hbm>> -> memref<1x256xi32, #tpu.memory_space<hbm>>
    %dma_wait3A_349 = tpu.memref_squeeze %dma_wait3A_348 : memref<1x256xi32, #tpu.memory_space<hbm>> -> memref<256xi32, #tpu.memory_space<hbm>>
    %dma_wait3A_350 = arith.constant 0 : i32
    %dma_wait3A_351 = tpu.memref_slice %arg5[%dma_wait3A_344, %dma_wait3A_350] : memref<20x256xi32, #tpu.memory_space<vmem>> -> memref<1x256xi32, #tpu.memory_space<vmem>>
    %dma_wait3A_352 = tpu.memref_squeeze %dma_wait3A_351 : memref<1x256xi32, #tpu.memory_space<vmem>> -> memref<256xi32, #tpu.memory_space<vmem>>
    %dma_wait3A_353 = tpu.memref_slice %arg2[%dma_wait3A_343, %add3A_35] : memref<20x16384xi32, #tpu.memory_space<hbm>> -> memref<1x256xi32, #tpu.memory_space<hbm>>
    %dma_wait3A_354 = tpu.memref_squeeze %dma_wait3A_353 : memref<1x256xi32, #tpu.memory_space<hbm>> -> memref<256xi32, #tpu.memory_space<hbm>>
    tpu.wait_dma2 semaphore(%arg9 : memref<!tpu.dma_semaphore, #tpu.memory_space<semaphore_mem>>) src(%dma_wait3A_354 : memref<256xi32, #tpu.memory_space<hbm>>) dst(%dma_wait3A_352 : memref<256xi32, #tpu.memory_space<vmem>>)
    %dma_wait3A_355 = arith.constant 3 : i32
    %dma_wait3A_356 = arith.constant 3 : i32
    %dma_wait3A_357 = arith.constant 0 : i32
    %dma_wait3A_358 = tpu.memref_slice %arg5[%dma_wait3A_356, %dma_wait3A_357] : memref<20x256xi32, #tpu.memory_space<vmem>> -> memref<1x256xi32, #tpu.memory_space<vmem>>
    %dma_wait3A_359 = tpu.memref_squeeze %dma_wait3A_358 : memref<1x256xi32, #tpu.memory_space<vmem>> -> memref<256xi32, #tpu.memory_space<vmem>>
    %dma_wait3A_360 = tpu.memref_slice %arg2[%dma_wait3A_355, %add3A_51] : memref<20x16384xi32, #tpu.memory_space<hbm>> -> memref<1x256xi32, #tpu.memory_space<hbm>>
    %dma_wait3A_361 = tpu.memref_squeeze %dma_wait3A_360 : memref<1x256xi32, #tpu.memory_space<hbm>> -> memref<256xi32, #tpu.memory_space<hbm>>
    %dma_wait3A_362 = arith.constant 0 : i32
    %dma_wait3A_363 = tpu.memref_slice %arg5[%dma_wait3A_356, %dma_wait3A_362] : memref<20x256xi32, #tpu.memory_space<vmem>> -> memref<1x256xi32, #tpu.memory_space<vmem>>
    %dma_wait3A_364 = tpu.memref_squeeze %dma_wait3A_363 : memref<1x256xi32, #tpu.memory_space<vmem>> -> memref<256xi32, #tpu.memory_space<vmem>>
    %dma_wait3A_365 = tpu.memref_slice %arg2[%dma_wait3A_355, %add3A_51] : memref<20x16384xi32, #tpu.memory_space<hbm>> -> memref<1x256xi32, #tpu.memory_space<hbm>>
    %dma_wait3A_366 = tpu.memref_squeeze %dma_wait3A_365 : memref<1x256xi32, #tpu.memory_space<hbm>> -> memref<256xi32, #tpu.memory_space<hbm>>
    tpu.wait_dma2 semaphore(%arg9 : memref<!tpu.dma_semaphore, #tpu.memory_space<semaphore_mem>>) src(%dma_wait3A_366 : memref<256xi32, #tpu.memory_space<hbm>>) dst(%dma_wait3A_364 : memref<256xi32, #tpu.memory_space<vmem>>)
    %dma_wait3A_367 = arith.constant 4 : i32
    %dma_wait3A_368 = arith.constant 4 : i32
    %dma_wait3A_369 = arith.constant 0 : i32
    %dma_wait3A_370 = tpu.memref_slice %arg5[%dma_wait3A_368, %dma_wait3A_369] : memref<20x256xi32, #tpu.memory_space<vmem>> -> memref<1x256xi32, #tpu.memory_space<vmem>>
    %dma_wait3A_371 = tpu.memref_squeeze %dma_wait3A_370 : memref<1x256xi32, #tpu.memory_space<vmem>> -> memref<256xi32, #tpu.memory_space<vmem>>
    %dma_wait3A_372 = tpu.memref_slice %arg2[%dma_wait3A_367, %add3A_67] : memref<20x16384xi32, #tpu.memory_space<hbm>> -> memref<1x256xi32, #tpu.memory_space<hbm>>
    %dma_wait3A_373 = tpu.memref_squeeze %dma_wait3A_372 : memref<1x256xi32, #tpu.memory_space<hbm>> -> memref<256xi32, #tpu.memory_space<hbm>>
    %dma_wait3A_374 = arith.constant 0 : i32
    %dma_wait3A_375 = tpu.memref_slice %arg5[%dma_wait3A_368, %dma_wait3A_374] : memref<20x256xi32, #tpu.memory_space<vmem>> -> memref<1x256xi32, #tpu.memory_space<vmem>>
    %dma_wait3A_376 = tpu.memref_squeeze %dma_wait3A_375 : memref<1x256xi32, #tpu.memory_space<vmem>> -> memref<256xi32, #tpu.memory_space<vmem>>
    %dma_wait3A_377 = tpu.memref_slice %arg2[%dma_wait3A_367, %add3A_67] : memref<20x16384xi32, #tpu.memory_space<hbm>> -> memref<1x256xi32, #tpu.memory_space<hbm>>
    %dma_wait3A_378 = tpu.memref_squeeze %dma_wait3A_377 : memref<1x256xi32, #tpu.memory_space<hbm>> -> memref<256xi32, #tpu.memory_space<hbm>>
    tpu.wait_dma2 semaphore(%arg9 : memref<!tpu.dma_semaphore, #tpu.memory_space<semaphore_mem>>) src(%dma_wait3A_378 : memref<256xi32, #tpu.memory_space<hbm>>) dst(%dma_wait3A_376 : memref<256xi32, #tpu.memory_space<vmem>>)
    %dma_wait3A_379 = arith.constant 5 : i32
    %dma_wait3A_380 = arith.constant 5 : i32
    %dma_wait3A_381 = arith.constant 0 : i32
    %dma_wait3A_382 = tpu.memref_slice %arg5[%dma_wait3A_380, %dma_wait3A_381] : memref<20x256xi32, #tpu.memory_space<vmem>> -> memref<1x256xi32, #tpu.memory_space<vmem>>
    %dma_wait3A_383 = tpu.memref_squeeze %dma_wait3A_382 : memref<1x256xi32, #tpu.memory_space<vmem>> -> memref<256xi32, #tpu.memory_space<vmem>>
    %dma_wait3A_384 = tpu.memref_slice %arg2[%dma_wait3A_379, %add3A_83] : memref<20x16384xi32, #tpu.memory_space<hbm>> -> memref<1x256xi32, #tpu.memory_space<hbm>>
    %dma_wait3A_385 = tpu.memref_squeeze %dma_wait3A_384 : memref<1x256xi32, #tpu.memory_space<hbm>> -> memref<256xi32, #tpu.memory_space<hbm>>
    %dma_wait3A_386 = arith.constant 0 : i32
    %dma_wait3A_387 = tpu.memref_slice %arg5[%dma_wait3A_380, %dma_wait3A_386] : memref<20x256xi32, #tpu.memory_space<vmem>> -> memref<1x256xi32, #tpu.memory_space<vmem>>
    %dma_wait3A_388 = tpu.memref_squeeze %dma_wait3A_387 : memref<1x256xi32, #tpu.memory_space<vmem>> -> memref<256xi32, #tpu.memory_space<vmem>>
    %dma_wait3A_389 = tpu.memref_slice %arg2[%dma_wait3A_379, %add3A_83] : memref<20x16384xi32, #tpu.memory_space<hbm>> -> memref<1x256xi32, #tpu.memory_space<hbm>>
    %dma_wait3A_390 = tpu.memref_squeeze %dma_wait3A_389 : memref<1x256xi32, #tpu.memory_space<hbm>> -> memref<256xi32, #tpu.memory_space<hbm>>
    tpu.wait_dma2 semaphore(%arg9 : memref<!tpu.dma_semaphore, #tpu.memory_space<semaphore_mem>>) src(%dma_wait3A_390 : memref<256xi32, #tpu.memory_space<hbm>>) dst(%dma_wait3A_388 : memref<256xi32, #tpu.memory_space<vmem>>)
    %dma_wait3A_391 = arith.constant 6 : i32
    %dma_wait3A_392 = arith.constant 6 : i32
    %dma_wait3A_393 = arith.constant 0 : i32
    %dma_wait3A_394 = tpu.memref_slice %arg5[%dma_wait3A_392, %dma_wait3A_393] : memref<20x256xi32, #tpu.memory_space<vmem>> -> memref<1x256xi32, #tpu.memory_space<vmem>>
    %dma_wait3A_395 = tpu.memref_squeeze %dma_wait3A_394 : memref<1x256xi32, #tpu.memory_space<vmem>> -> memref<256xi32, #tpu.memory_space<vmem>>
    %dma_wait3A_396 = tpu.memref_slice %arg2[%dma_wait3A_391, %add3A_99] : memref<20x16384xi32, #tpu.memory_space<hbm>> -> memref<1x256xi32, #tpu.memory_space<hbm>>
    %dma_wait3A_397 = tpu.memref_squeeze %dma_wait3A_396 : memref<1x256xi32, #tpu.memory_space<hbm>> -> memref<256xi32, #tpu.memory_space<hbm>>
    %dma_wait3A_398 = arith.constant 0 : i32
    %dma_wait3A_399 = tpu.memref_slice %arg5[%dma_wait3A_392, %dma_wait3A_398] : memref<20x256xi32, #tpu.memory_space<vmem>> -> memref<1x256xi32, #tpu.memory_space<vmem>>
    %dma_wait3A_400 = tpu.memref_squeeze %dma_wait3A_399 : memref<1x256xi32, #tpu.memory_space<vmem>> -> memref<256xi32, #tpu.memory_space<vmem>>
    %dma_wait3A_401 = tpu.memref_slice %arg2[%dma_wait3A_391, %add3A_99] : memref<20x16384xi32, #tpu.memory_space<hbm>> -> memref<1x256xi32, #tpu.memory_space<hbm>>
    %dma_wait3A_402 = tpu.memref_squeeze %dma_wait3A_401 : memref<1x256xi32, #tpu.memory_space<hbm>> -> memref<256xi32, #tpu.memory_space<hbm>>
    tpu.wait_dma2 semaphore(%arg9 : memref<!tpu.dma_semaphore, #tpu.memory_space<semaphore_mem>>) src(%dma_wait3A_402 : memref<256xi32, #tpu.memory_space<hbm>>) dst(%dma_wait3A_400 : memref<256xi32, #tpu.memory_space<vmem>>)
    %dma_wait3A_403 = arith.constant 7 : i32
    %dma_wait3A_404 = arith.constant 7 : i32
    %dma_wait3A_405 = arith.constant 0 : i32
    %dma_wait3A_406 = tpu.memref_slice %arg5[%dma_wait3A_404, %dma_wait3A_405] : memref<20x256xi32, #tpu.memory_space<vmem>> -> memref<1x256xi32, #tpu.memory_space<vmem>>
    %dma_wait3A_407 = tpu.memref_squeeze %dma_wait3A_406 : memref<1x256xi32, #tpu.memory_space<vmem>> -> memref<256xi32, #tpu.memory_space<vmem>>
    %dma_wait3A_408 = tpu.memref_slice %arg2[%dma_wait3A_403, %add3A_115] : memref<20x16384xi32, #tpu.memory_space<hbm>> -> memref<1x256xi32, #tpu.memory_space<hbm>>
    %dma_wait3A_409 = tpu.memref_squeeze %dma_wait3A_408 : memref<1x256xi32, #tpu.memory_space<hbm>> -> memref<256xi32, #tpu.memory_space<hbm>>
    %dma_wait3A_410 = arith.constant 0 : i32
    %dma_wait3A_411 = tpu.memref_slice %arg5[%dma_wait3A_404, %dma_wait3A_410] : memref<20x256xi32, #tpu.memory_space<vmem>> -> memref<1x256xi32, #tpu.memory_space<vmem>>
    %dma_wait3A_412 = tpu.memref_squeeze %dma_wait3A_411 : memref<1x256xi32, #tpu.memory_space<vmem>> -> memref<256xi32, #tpu.memory_space<vmem>>
    %dma_wait3A_413 = tpu.memref_slice %arg2[%dma_wait3A_403, %add3A_115] : memref<20x16384xi32, #tpu.memory_space<hbm>> -> memref<1x256xi32, #tpu.memory_space<hbm>>
    %dma_wait3A_414 = tpu.memref_squeeze %dma_wait3A_413 : memref<1x256xi32, #tpu.memory_space<hbm>> -> memref<256xi32, #tpu.memory_space<hbm>>
    tpu.wait_dma2 semaphore(%arg9 : memref<!tpu.dma_semaphore, #tpu.memory_space<semaphore_mem>>) src(%dma_wait3A_414 : memref<256xi32, #tpu.memory_space<hbm>>) dst(%dma_wait3A_412 : memref<256xi32, #tpu.memory_space<vmem>>)
    %dma_wait3A_415 = arith.constant 8 : i32
    %dma_wait3A_416 = arith.constant 8 : i32
    %dma_wait3A_417 = arith.constant 0 : i32
    %dma_wait3A_418 = tpu.memref_slice %arg5[%dma_wait3A_416, %dma_wait3A_417] : memref<20x256xi32, #tpu.memory_space<vmem>> -> memref<1x256xi32, #tpu.memory_space<vmem>>
    %dma_wait3A_419 = tpu.memref_squeeze %dma_wait3A_418 : memref<1x256xi32, #tpu.memory_space<vmem>> -> memref<256xi32, #tpu.memory_space<vmem>>
    %dma_wait3A_420 = tpu.memref_slice %arg2[%dma_wait3A_415, %add3A_131] : memref<20x16384xi32, #tpu.memory_space<hbm>> -> memref<1x256xi32, #tpu.memory_space<hbm>>
    %dma_wait3A_421 = tpu.memref_squeeze %dma_wait3A_420 : memref<1x256xi32, #tpu.memory_space<hbm>> -> memref<256xi32, #tpu.memory_space<hbm>>
    %dma_wait3A_422 = arith.constant 0 : i32
    %dma_wait3A_423 = tpu.memref_slice %arg5[%dma_wait3A_416, %dma_wait3A_422] : memref<20x256xi32, #tpu.memory_space<vmem>> -> memref<1x256xi32, #tpu.memory_space<vmem>>
    %dma_wait3A_424 = tpu.memref_squeeze %dma_wait3A_423 : memref<1x256xi32, #tpu.memory_space<vmem>> -> memref<256xi32, #tpu.memory_space<vmem>>
    %dma_wait3A_425 = tpu.memref_slice %arg2[%dma_wait3A_415, %add3A_131] : memref<20x16384xi32, #tpu.memory_space<hbm>> -> memref<1x256xi32, #tpu.memory_space<hbm>>
    %dma_wait3A_426 = tpu.memref_squeeze %dma_wait3A_425 : memref<1x256xi32, #tpu.memory_space<hbm>> -> memref<256xi32, #tpu.memory_space<hbm>>
    tpu.wait_dma2 semaphore(%arg9 : memref<!tpu.dma_semaphore, #tpu.memory_space<semaphore_mem>>) src(%dma_wait3A_426 : memref<256xi32, #tpu.memory_space<hbm>>) dst(%dma_wait3A_424 : memref<256xi32, #tpu.memory_space<vmem>>)
    %dma_wait3A_427 = arith.constant 9 : i32
    %dma_wait3A_428 = arith.constant 9 : i32
    %dma_wait3A_429 = arith.constant 0 : i32
    %dma_wait3A_430 = tpu.memref_slice %arg5[%dma_wait3A_428, %dma_wait3A_429] : memref<20x256xi32, #tpu.memory_space<vmem>> -> memref<1x256xi32, #tpu.memory_space<vmem>>
    %dma_wait3A_431 = tpu.memref_squeeze %dma_wait3A_430 : memref<1x256xi32, #tpu.memory_space<vmem>> -> memref<256xi32, #tpu.memory_space<vmem>>
    %dma_wait3A_432 = tpu.memref_slice %arg2[%dma_wait3A_427, %add3A_147] : memref<20x16384xi32, #tpu.memory_space<hbm>> -> memref<1x256xi32, #tpu.memory_space<hbm>>
    %dma_wait3A_433 = tpu.memref_squeeze %dma_wait3A_432 : memref<1x256xi32, #tpu.memory_space<hbm>> -> memref<256xi32, #tpu.memory_space<hbm>>
    %dma_wait3A_434 = arith.constant 0 : i32
    %dma_wait3A_435 = tpu.memref_slice %arg5[%dma_wait3A_428, %dma_wait3A_434] : memref<20x256xi32, #tpu.memory_space<vmem>> -> memref<1x256xi32, #tpu.memory_space<vmem>>
    %dma_wait3A_436 = tpu.memref_squeeze %dma_wait3A_435 : memref<1x256xi32, #tpu.memory_space<vmem>> -> memref<256xi32, #tpu.memory_space<vmem>>
    %dma_wait3A_437 = tpu.memref_slice %arg2[%dma_wait3A_427, %add3A_147] : memref<20x16384xi32, #tpu.memory_space<hbm>> -> memref<1x256xi32, #tpu.memory_space<hbm>>
    %dma_wait3A_438 = tpu.memref_squeeze %dma_wait3A_437 : memref<1x256xi32, #tpu.memory_space<hbm>> -> memref<256xi32, #tpu.memory_space<hbm>>
    tpu.wait_dma2 semaphore(%arg9 : memref<!tpu.dma_semaphore, #tpu.memory_space<semaphore_mem>>) src(%dma_wait3A_438 : memref<256xi32, #tpu.memory_space<hbm>>) dst(%dma_wait3A_436 : memref<256xi32, #tpu.memory_space<vmem>>)
    %dma_wait3A_439 = arith.constant 10 : i32
    %dma_wait3A_440 = arith.constant 10 : i32
    %dma_wait3A_441 = arith.constant 0 : i32
    %dma_wait3A_442 = tpu.memref_slice %arg5[%dma_wait3A_440, %dma_wait3A_441] : memref<20x256xi32, #tpu.memory_space<vmem>> -> memref<1x256xi32, #tpu.memory_space<vmem>>
    %dma_wait3A_443 = tpu.memref_squeeze %dma_wait3A_442 : memref<1x256xi32, #tpu.memory_space<vmem>> -> memref<256xi32, #tpu.memory_space<vmem>>
    %dma_wait3A_444 = tpu.memref_slice %arg2[%dma_wait3A_439, %add3A_163] : memref<20x16384xi32, #tpu.memory_space<hbm>> -> memref<1x256xi32, #tpu.memory_space<hbm>>
    %dma_wait3A_445 = tpu.memref_squeeze %dma_wait3A_444 : memref<1x256xi32, #tpu.memory_space<hbm>> -> memref<256xi32, #tpu.memory_space<hbm>>
    %dma_wait3A_446 = arith.constant 0 : i32
    %dma_wait3A_447 = tpu.memref_slice %arg5[%dma_wait3A_440, %dma_wait3A_446] : memref<20x256xi32, #tpu.memory_space<vmem>> -> memref<1x256xi32, #tpu.memory_space<vmem>>
    %dma_wait3A_448 = tpu.memref_squeeze %dma_wait3A_447 : memref<1x256xi32, #tpu.memory_space<vmem>> -> memref<256xi32, #tpu.memory_space<vmem>>
    %dma_wait3A_449 = tpu.memref_slice %arg2[%dma_wait3A_439, %add3A_163] : memref<20x16384xi32, #tpu.memory_space<hbm>> -> memref<1x256xi32, #tpu.memory_space<hbm>>
    %dma_wait3A_450 = tpu.memref_squeeze %dma_wait3A_449 : memref<1x256xi32, #tpu.memory_space<hbm>> -> memref<256xi32, #tpu.memory_space<hbm>>
    tpu.wait_dma2 semaphore(%arg9 : memref<!tpu.dma_semaphore, #tpu.memory_space<semaphore_mem>>) src(%dma_wait3A_450 : memref<256xi32, #tpu.memory_space<hbm>>) dst(%dma_wait3A_448 : memref<256xi32, #tpu.memory_space<vmem>>)
    %dma_wait3A_451 = arith.constant 11 : i32
    %dma_wait3A_452 = arith.constant 11 : i32
    %dma_wait3A_453 = arith.constant 0 : i32
    %dma_wait3A_454 = tpu.memref_slice %arg5[%dma_wait3A_452, %dma_wait3A_453] : memref<20x256xi32, #tpu.memory_space<vmem>> -> memref<1x256xi32, #tpu.memory_space<vmem>>
    %dma_wait3A_455 = tpu.memref_squeeze %dma_wait3A_454 : memref<1x256xi32, #tpu.memory_space<vmem>> -> memref<256xi32, #tpu.memory_space<vmem>>
    %dma_wait3A_456 = tpu.memref_slice %arg2[%dma_wait3A_451, %add3A_179] : memref<20x16384xi32, #tpu.memory_space<hbm>> -> memref<1x256xi32, #tpu.memory_space<hbm>>
    %dma_wait3A_457 = tpu.memref_squeeze %dma_wait3A_456 : memref<1x256xi32, #tpu.memory_space<hbm>> -> memref<256xi32, #tpu.memory_space<hbm>>
    %dma_wait3A_458 = arith.constant 0 : i32
    %dma_wait3A_459 = tpu.memref_slice %arg5[%dma_wait3A_452, %dma_wait3A_458] : memref<20x256xi32, #tpu.memory_space<vmem>> -> memref<1x256xi32, #tpu.memory_space<vmem>>
    %dma_wait3A_460 = tpu.memref_squeeze %dma_wait3A_459 : memref<1x256xi32, #tpu.memory_space<vmem>> -> memref<256xi32, #tpu.memory_space<vmem>>
    %dma_wait3A_461 = tpu.memref_slice %arg2[%dma_wait3A_451, %add3A_179] : memref<20x16384xi32, #tpu.memory_space<hbm>> -> memref<1x256xi32, #tpu.memory_space<hbm>>
    %dma_wait3A_462 = tpu.memref_squeeze %dma_wait3A_461 : memref<1x256xi32, #tpu.memory_space<hbm>> -> memref<256xi32, #tpu.memory_space<hbm>>
    tpu.wait_dma2 semaphore(%arg9 : memref<!tpu.dma_semaphore, #tpu.memory_space<semaphore_mem>>) src(%dma_wait3A_462 : memref<256xi32, #tpu.memory_space<hbm>>) dst(%dma_wait3A_460 : memref<256xi32, #tpu.memory_space<vmem>>)
    %dma_wait3A_463 = arith.constant 12 : i32
    %dma_wait3A_464 = arith.constant 12 : i32
    %dma_wait3A_465 = arith.constant 0 : i32
    %dma_wait3A_466 = tpu.memref_slice %arg5[%dma_wait3A_464, %dma_wait3A_465] : memref<20x256xi32, #tpu.memory_space<vmem>> -> memref<1x256xi32, #tpu.memory_space<vmem>>
    %dma_wait3A_467 = tpu.memref_squeeze %dma_wait3A_466 : memref<1x256xi32, #tpu.memory_space<vmem>> -> memref<256xi32, #tpu.memory_space<vmem>>
    %dma_wait3A_468 = tpu.memref_slice %arg2[%dma_wait3A_463, %add3A_195] : memref<20x16384xi32, #tpu.memory_space<hbm>> -> memref<1x256xi32, #tpu.memory_space<hbm>>
    %dma_wait3A_469 = tpu.memref_squeeze %dma_wait3A_468 : memref<1x256xi32, #tpu.memory_space<hbm>> -> memref<256xi32, #tpu.memory_space<hbm>>
    %dma_wait3A_470 = arith.constant 0 : i32
    %dma_wait3A_471 = tpu.memref_slice %arg5[%dma_wait3A_464, %dma_wait3A_470] : memref<20x256xi32, #tpu.memory_space<vmem>> -> memref<1x256xi32, #tpu.memory_space<vmem>>
    %dma_wait3A_472 = tpu.memref_squeeze %dma_wait3A_471 : memref<1x256xi32, #tpu.memory_space<vmem>> -> memref<256xi32, #tpu.memory_space<vmem>>
    %dma_wait3A_473 = tpu.memref_slice %arg2[%dma_wait3A_463, %add3A_195] : memref<20x16384xi32, #tpu.memory_space<hbm>> -> memref<1x256xi32, #tpu.memory_space<hbm>>
    %dma_wait3A_474 = tpu.memref_squeeze %dma_wait3A_473 : memref<1x256xi32, #tpu.memory_space<hbm>> -> memref<256xi32, #tpu.memory_space<hbm>>
    tpu.wait_dma2 semaphore(%arg9 : memref<!tpu.dma_semaphore, #tpu.memory_space<semaphore_mem>>) src(%dma_wait3A_474 : memref<256xi32, #tpu.memory_space<hbm>>) dst(%dma_wait3A_472 : memref<256xi32, #tpu.memory_space<vmem>>)
    %dma_wait3A_475 = arith.constant 13 : i32
    %dma_wait3A_476 = arith.constant 13 : i32
    %dma_wait3A_477 = arith.constant 0 : i32
    %dma_wait3A_478 = tpu.memref_slice %arg5[%dma_wait3A_476, %dma_wait3A_477] : memref<20x256xi32, #tpu.memory_space<vmem>> -> memref<1x256xi32, #tpu.memory_space<vmem>>
    %dma_wait3A_479 = tpu.memref_squeeze %dma_wait3A_478 : memref<1x256xi32, #tpu.memory_space<vmem>> -> memref<256xi32, #tpu.memory_space<vmem>>
    %dma_wait3A_480 = tpu.memref_slice %arg2[%dma_wait3A_475, %add3A_211] : memref<20x16384xi32, #tpu.memory_space<hbm>> -> memref<1x256xi32, #tpu.memory_space<hbm>>
    %dma_wait3A_481 = tpu.memref_squeeze %dma_wait3A_480 : memref<1x256xi32, #tpu.memory_space<hbm>> -> memref<256xi32, #tpu.memory_space<hbm>>
    %dma_wait3A_482 = arith.constant 0 : i32
    %dma_wait3A_483 = tpu.memref_slice %arg5[%dma_wait3A_476, %dma_wait3A_482] : memref<20x256xi32, #tpu.memory_space<vmem>> -> memref<1x256xi32, #tpu.memory_space<vmem>>
    %dma_wait3A_484 = tpu.memref_squeeze %dma_wait3A_483 : memref<1x256xi32, #tpu.memory_space<vmem>> -> memref<256xi32, #tpu.memory_space<vmem>>
    %dma_wait3A_485 = tpu.memref_slice %arg2[%dma_wait3A_475, %add3A_211] : memref<20x16384xi32, #tpu.memory_space<hbm>> -> memref<1x256xi32, #tpu.memory_space<hbm>>
    %dma_wait3A_486 = tpu.memref_squeeze %dma_wait3A_485 : memref<1x256xi32, #tpu.memory_space<hbm>> -> memref<256xi32, #tpu.memory_space<hbm>>
    tpu.wait_dma2 semaphore(%arg9 : memref<!tpu.dma_semaphore, #tpu.memory_space<semaphore_mem>>) src(%dma_wait3A_486 : memref<256xi32, #tpu.memory_space<hbm>>) dst(%dma_wait3A_484 : memref<256xi32, #tpu.memory_space<vmem>>)
    %dma_wait3A_487 = arith.constant 14 : i32
    %dma_wait3A_488 = arith.constant 14 : i32
    %dma_wait3A_489 = arith.constant 0 : i32
    %dma_wait3A_490 = tpu.memref_slice %arg5[%dma_wait3A_488, %dma_wait3A_489] : memref<20x256xi32, #tpu.memory_space<vmem>> -> memref<1x256xi32, #tpu.memory_space<vmem>>
    %dma_wait3A_491 = tpu.memref_squeeze %dma_wait3A_490 : memref<1x256xi32, #tpu.memory_space<vmem>> -> memref<256xi32, #tpu.memory_space<vmem>>
    %dma_wait3A_492 = tpu.memref_slice %arg2[%dma_wait3A_487, %add3A_227] : memref<20x16384xi32, #tpu.memory_space<hbm>> -> memref<1x256xi32, #tpu.memory_space<hbm>>
    %dma_wait3A_493 = tpu.memref_squeeze %dma_wait3A_492 : memref<1x256xi32, #tpu.memory_space<hbm>> -> memref<256xi32, #tpu.memory_space<hbm>>
    %dma_wait3A_494 = arith.constant 0 : i32
    %dma_wait3A_495 = tpu.memref_slice %arg5[%dma_wait3A_488, %dma_wait3A_494] : memref<20x256xi32, #tpu.memory_space<vmem>> -> memref<1x256xi32, #tpu.memory_space<vmem>>
    %dma_wait3A_496 = tpu.memref_squeeze %dma_wait3A_495 : memref<1x256xi32, #tpu.memory_space<vmem>> -> memref<256xi32, #tpu.memory_space<vmem>>
    %dma_wait3A_497 = tpu.memref_slice %arg2[%dma_wait3A_487, %add3A_227] : memref<20x16384xi32, #tpu.memory_space<hbm>> -> memref<1x256xi32, #tpu.memory_space<hbm>>
    %dma_wait3A_498 = tpu.memref_squeeze %dma_wait3A_497 : memref<1x256xi32, #tpu.memory_space<hbm>> -> memref<256xi32, #tpu.memory_space<hbm>>
    tpu.wait_dma2 semaphore(%arg9 : memref<!tpu.dma_semaphore, #tpu.memory_space<semaphore_mem>>) src(%dma_wait3A_498 : memref<256xi32, #tpu.memory_space<hbm>>) dst(%dma_wait3A_496 : memref<256xi32, #tpu.memory_space<vmem>>)
    %dma_wait3A_499 = arith.constant 15 : i32
    %dma_wait3A_500 = arith.constant 15 : i32
    %dma_wait3A_501 = arith.constant 0 : i32
    %dma_wait3A_502 = tpu.memref_slice %arg5[%dma_wait3A_500, %dma_wait3A_501] : memref<20x256xi32, #tpu.memory_space<vmem>> -> memref<1x256xi32, #tpu.memory_space<vmem>>
    %dma_wait3A_503 = tpu.memref_squeeze %dma_wait3A_502 : memref<1x256xi32, #tpu.memory_space<vmem>> -> memref<256xi32, #tpu.memory_space<vmem>>
    %dma_wait3A_504 = tpu.memref_slice %arg2[%dma_wait3A_499, %add3A_243] : memref<20x16384xi32, #tpu.memory_space<hbm>> -> memref<1x256xi32, #tpu.memory_space<hbm>>
    %dma_wait3A_505 = tpu.memref_squeeze %dma_wait3A_504 : memref<1x256xi32, #tpu.memory_space<hbm>> -> memref<256xi32, #tpu.memory_space<hbm>>
    %dma_wait3A_506 = arith.constant 0 : i32
    %dma_wait3A_507 = tpu.memref_slice %arg5[%dma_wait3A_500, %dma_wait3A_506] : memref<20x256xi32, #tpu.memory_space<vmem>> -> memref<1x256xi32, #tpu.memory_space<vmem>>
    %dma_wait3A_508 = tpu.memref_squeeze %dma_wait3A_507 : memref<1x256xi32, #tpu.memory_space<vmem>> -> memref<256xi32, #tpu.memory_space<vmem>>
    %dma_wait3A_509 = tpu.memref_slice %arg2[%dma_wait3A_499, %add3A_243] : memref<20x16384xi32, #tpu.memory_space<hbm>> -> memref<1x256xi32, #tpu.memory_space<hbm>>
    %dma_wait3A_510 = tpu.memref_squeeze %dma_wait3A_509 : memref<1x256xi32, #tpu.memory_space<hbm>> -> memref<256xi32, #tpu.memory_space<hbm>>
    tpu.wait_dma2 semaphore(%arg9 : memref<!tpu.dma_semaphore, #tpu.memory_space<semaphore_mem>>) src(%dma_wait3A_510 : memref<256xi32, #tpu.memory_space<hbm>>) dst(%dma_wait3A_508 : memref<256xi32, #tpu.memory_space<vmem>>)
    %dma_wait3A_511 = arith.constant 16 : i32
    %dma_wait3A_512 = arith.constant 16 : i32
    %dma_wait3A_513 = arith.constant 0 : i32
    %dma_wait3A_514 = tpu.memref_slice %arg5[%dma_wait3A_512, %dma_wait3A_513] : memref<20x256xi32, #tpu.memory_space<vmem>> -> memref<1x256xi32, #tpu.memory_space<vmem>>
    %dma_wait3A_515 = tpu.memref_squeeze %dma_wait3A_514 : memref<1x256xi32, #tpu.memory_space<vmem>> -> memref<256xi32, #tpu.memory_space<vmem>>
    %dma_wait3A_516 = tpu.memref_slice %arg2[%dma_wait3A_511, %add3A_259] : memref<20x16384xi32, #tpu.memory_space<hbm>> -> memref<1x256xi32, #tpu.memory_space<hbm>>
    %dma_wait3A_517 = tpu.memref_squeeze %dma_wait3A_516 : memref<1x256xi32, #tpu.memory_space<hbm>> -> memref<256xi32, #tpu.memory_space<hbm>>
    %dma_wait3A_518 = arith.constant 0 : i32
    %dma_wait3A_519 = tpu.memref_slice %arg5[%dma_wait3A_512, %dma_wait3A_518] : memref<20x256xi32, #tpu.memory_space<vmem>> -> memref<1x256xi32, #tpu.memory_space<vmem>>
    %dma_wait3A_520 = tpu.memref_squeeze %dma_wait3A_519 : memref<1x256xi32, #tpu.memory_space<vmem>> -> memref<256xi32, #tpu.memory_space<vmem>>
    %dma_wait3A_521 = tpu.memref_slice %arg2[%dma_wait3A_511, %add3A_259] : memref<20x16384xi32, #tpu.memory_space<hbm>> -> memref<1x256xi32, #tpu.memory_space<hbm>>
    %dma_wait3A_522 = tpu.memref_squeeze %dma_wait3A_521 : memref<1x256xi32, #tpu.memory_space<hbm>> -> memref<256xi32, #tpu.memory_space<hbm>>
    tpu.wait_dma2 semaphore(%arg9 : memref<!tpu.dma_semaphore, #tpu.memory_space<semaphore_mem>>) src(%dma_wait3A_522 : memref<256xi32, #tpu.memory_space<hbm>>) dst(%dma_wait3A_520 : memref<256xi32, #tpu.memory_space<vmem>>)
    %dma_wait3A_523 = arith.constant 17 : i32
    %dma_wait3A_524 = arith.constant 17 : i32
    %dma_wait3A_525 = arith.constant 0 : i32
    %dma_wait3A_526 = tpu.memref_slice %arg5[%dma_wait3A_524, %dma_wait3A_525] : memref<20x256xi32, #tpu.memory_space<vmem>> -> memref<1x256xi32, #tpu.memory_space<vmem>>
    %dma_wait3A_527 = tpu.memref_squeeze %dma_wait3A_526 : memref<1x256xi32, #tpu.memory_space<vmem>> -> memref<256xi32, #tpu.memory_space<vmem>>
    %dma_wait3A_528 = tpu.memref_slice %arg2[%dma_wait3A_523, %add3A_275] : memref<20x16384xi32, #tpu.memory_space<hbm>> -> memref<1x256xi32, #tpu.memory_space<hbm>>
    %dma_wait3A_529 = tpu.memref_squeeze %dma_wait3A_528 : memref<1x256xi32, #tpu.memory_space<hbm>> -> memref<256xi32, #tpu.memory_space<hbm>>
    %dma_wait3A_530 = arith.constant 0 : i32
    %dma_wait3A_531 = tpu.memref_slice %arg5[%dma_wait3A_524, %dma_wait3A_530] : memref<20x256xi32, #tpu.memory_space<vmem>> -> memref<1x256xi32, #tpu.memory_space<vmem>>
    %dma_wait3A_532 = tpu.memref_squeeze %dma_wait3A_531 : memref<1x256xi32, #tpu.memory_space<vmem>> -> memref<256xi32, #tpu.memory_space<vmem>>
    %dma_wait3A_533 = tpu.memref_slice %arg2[%dma_wait3A_523, %add3A_275] : memref<20x16384xi32, #tpu.memory_space<hbm>> -> memref<1x256xi32, #tpu.memory_space<hbm>>
    %dma_wait3A_534 = tpu.memref_squeeze %dma_wait3A_533 : memref<1x256xi32, #tpu.memory_space<hbm>> -> memref<256xi32, #tpu.memory_space<hbm>>
    tpu.wait_dma2 semaphore(%arg9 : memref<!tpu.dma_semaphore, #tpu.memory_space<semaphore_mem>>) src(%dma_wait3A_534 : memref<256xi32, #tpu.memory_space<hbm>>) dst(%dma_wait3A_532 : memref<256xi32, #tpu.memory_space<vmem>>)
    %dma_wait3A_535 = arith.constant 18 : i32
    %dma_wait3A_536 = arith.constant 18 : i32
    %dma_wait3A_537 = arith.constant 0 : i32
    %dma_wait3A_538 = tpu.memref_slice %arg5[%dma_wait3A_536, %dma_wait3A_537] : memref<20x256xi32, #tpu.memory_space<vmem>> -> memref<1x256xi32, #tpu.memory_space<vmem>>
    %dma_wait3A_539 = tpu.memref_squeeze %dma_wait3A_538 : memref<1x256xi32, #tpu.memory_space<vmem>> -> memref<256xi32, #tpu.memory_space<vmem>>
    %dma_wait3A_540 = tpu.memref_slice %arg2[%dma_wait3A_535, %add3A_291] : memref<20x16384xi32, #tpu.memory_space<hbm>> -> memref<1x256xi32, #tpu.memory_space<hbm>>
    %dma_wait3A_541 = tpu.memref_squeeze %dma_wait3A_540 : memref<1x256xi32, #tpu.memory_space<hbm>> -> memref<256xi32, #tpu.memory_space<hbm>>
    %dma_wait3A_542 = arith.constant 0 : i32
    %dma_wait3A_543 = tpu.memref_slice %arg5[%dma_wait3A_536, %dma_wait3A_542] : memref<20x256xi32, #tpu.memory_space<vmem>> -> memref<1x256xi32, #tpu.memory_space<vmem>>
    %dma_wait3A_544 = tpu.memref_squeeze %dma_wait3A_543 : memref<1x256xi32, #tpu.memory_space<vmem>> -> memref<256xi32, #tpu.memory_space<vmem>>
    %dma_wait3A_545 = tpu.memref_slice %arg2[%dma_wait3A_535, %add3A_291] : memref<20x16384xi32, #tpu.memory_space<hbm>> -> memref<1x256xi32, #tpu.memory_space<hbm>>
    %dma_wait3A_546 = tpu.memref_squeeze %dma_wait3A_545 : memref<1x256xi32, #tpu.memory_space<hbm>> -> memref<256xi32, #tpu.memory_space<hbm>>
    tpu.wait_dma2 semaphore(%arg9 : memref<!tpu.dma_semaphore, #tpu.memory_space<semaphore_mem>>) src(%dma_wait3A_546 : memref<256xi32, #tpu.memory_space<hbm>>) dst(%dma_wait3A_544 : memref<256xi32, #tpu.memory_space<vmem>>)
    %dma_wait3A_547 = arith.constant 19 : i32
    %dma_wait3A_548 = arith.constant 19 : i32
    %dma_wait3A_549 = arith.constant 0 : i32
    %dma_wait3A_550 = tpu.memref_slice %arg5[%dma_wait3A_548, %dma_wait3A_549] : memref<20x256xi32, #tpu.memory_space<vmem>> -> memref<1x256xi32, #tpu.memory_space<vmem>>
    %dma_wait3A_551 = tpu.memref_squeeze %dma_wait3A_550 : memref<1x256xi32, #tpu.memory_space<vmem>> -> memref<256xi32, #tpu.memory_space<vmem>>
    %dma_wait3A_552 = tpu.memref_slice %arg2[%dma_wait3A_547, %add3A_307] : memref<20x16384xi32, #tpu.memory_space<hbm>> -> memref<1x256xi32, #tpu.memory_space<hbm>>
    %dma_wait3A_553 = tpu.memref_squeeze %dma_wait3A_552 : memref<1x256xi32, #tpu.memory_space<hbm>> -> memref<256xi32, #tpu.memory_space<hbm>>
    %dma_wait3A_554 = arith.constant 0 : i32
    %dma_wait3A_555 = tpu.memref_slice %arg5[%dma_wait3A_548, %dma_wait3A_554] : memref<20x256xi32, #tpu.memory_space<vmem>> -> memref<1x256xi32, #tpu.memory_space<vmem>>
    %dma_wait3A_556 = tpu.memref_squeeze %dma_wait3A_555 : memref<1x256xi32, #tpu.memory_space<vmem>> -> memref<256xi32, #tpu.memory_space<vmem>>
    %dma_wait3A_557 = tpu.memref_slice %arg2[%dma_wait3A_547, %add3A_307] : memref<20x16384xi32, #tpu.memory_space<hbm>> -> memref<1x256xi32, #tpu.memory_space<hbm>>
    %dma_wait3A_558 = tpu.memref_squeeze %dma_wait3A_557 : memref<1x256xi32, #tpu.memory_space<hbm>> -> memref<256xi32, #tpu.memory_space<hbm>>
    tpu.wait_dma2 semaphore(%arg9 : memref<!tpu.dma_semaphore, #tpu.memory_space<semaphore_mem>>) src(%dma_wait3A_558 : memref<256xi32, #tpu.memory_space<hbm>>) dst(%dma_wait3A_556 : memref<256xi32, #tpu.memory_space<vmem>>)
    %iota3A = tpu.iota {dimensions = array<i32: 0>} : vector<16xi32>
    %and3A = arith.constant 7 : i32
    %and3A_559 = vector.broadcast %and3A : i32 to vector<16xi32>
    %and3A_560 = arith.andi %iota3A, %and3A_559 : vector<16xi32>
    %shift_right_arithmetic3A = arith.constant 3 : i32
    %shift_right_arithmetic3A_561 = vector.broadcast %shift_right_arithmetic3A : i32 to vector<16xi32>
    %shift_right_arithmetic3A_562 = arith.shrsi %iota3A, %shift_right_arithmetic3A_561 : vector<16xi32>
    %scan3A = arith.constant 0 : i32
    %scan3A_563 = arith.constant 0 : i32
    %scan3A_564 = arith.constant 128 : i32
    %scan3A_565 = arith.addi %scan3A_563, %scan3A_564 : i32
    %scan3A_566 = arith.constant 1 : i32
    scf.for %scan3A_1384 = %scan3A_563 to %scan3A_565 step %scan3A_566  : i32 {
      %add3A_1385 = arith.constant 0 : i32
      %add3A_1386 = vector.broadcast %add3A_1385 : i32 to vector<16xi32>
      %add3A_1387 = arith.addi %add3A_1386, %and3A_560 : vector<16xi32>
      %ge3A = arith.constant 20 : i32
      %ge3A_1388 = vector.broadcast %ge3A : i32 to vector<16xi32>
      %ge3A_1389 = arith.cmpi sge, %add3A_1387, %ge3A_1388 : vector<16xi32>
      %sub3A = arith.constant 20 : i32
      %sub3A_1390 = vector.broadcast %sub3A : i32 to vector<16xi32>
      %sub3A_1391 = arith.subi %add3A_1387, %sub3A_1390 : vector<16xi32>
      %select_n3A = arith.select %ge3A_1389, %sub3A_1391, %add3A_1387 : vector<16xi1>, vector<16xi32>
      %mul3A_1392 = arith.constant 2 : i32
      %mul3A_1393 = arith.muli %mul3A_1392, %scan3A_1384 : i32
      %add3A_1394 = vector.broadcast %mul3A_1393 : i32 to vector<16xi32>
      %add3A_1395 = arith.addi %add3A_1394, %shift_right_arithmetic3A_562 : vector<16xi32>
      %gather3A = tpu.vector_load_idx %arg5[%select_n3A, %add3A_1395] : memref<20x256xi32, #tpu.memory_space<vmem>>[vector<16xi32>, vector<16xi32>], vector<16xi32>,
      %mul3A_1396 = arith.constant 16 : i32
      %mul3A_1397 = arith.muli %scan3A_1384, %mul3A_1396 : i32
      %add3A_1398 = arith.constant 0 : i32
      %add3A_1399 = arith.addi %add3A_1398, %mul3A_1397 : i32
      %swap3A = arith.index_cast %add3A_1399 : i32 to index
      %swap3A_1400 = tpu.vector_load %arg6[%swap3A] {strides = array<i32>} : memref<6144xi32, #tpu.memory_space<vmem>>, vector<16xi32>,
      tpu.vector_store %arg6[%swap3A], %gather3A {strides = array<i32>} : memref<6144xi32, #tpu.memory_space<vmem>>, vector<16xi32>,
      %add3A_1401 = arith.constant 8 : i32
      %add3A_1402 = vector.broadcast %add3A_1401 : i32 to vector<16xi32>
      %add3A_1403 = arith.addi %add3A_1402, %and3A_560 : vector<16xi32>
      %ge3A_1404 = arith.constant 20 : i32
      %ge3A_1405 = vector.broadcast %ge3A_1404 : i32 to vector<16xi32>
      %ge3A_1406 = arith.cmpi sge, %add3A_1403, %ge3A_1405 : vector<16xi32>
      %sub3A_1407 = arith.constant 20 : i32
      %sub3A_1408 = vector.broadcast %sub3A_1407 : i32 to vector<16xi32>
      %sub3A_1409 = arith.subi %add3A_1403, %sub3A_1408 : vector<16xi32>
      %select_n3A_1410 = arith.select %ge3A_1406, %sub3A_1409, %add3A_1403 : vector<16xi1>, vector<16xi32>
      %mul3A_1411 = arith.constant 2 : i32
      %mul3A_1412 = arith.muli %mul3A_1411, %scan3A_1384 : i32
      %add3A_1413 = vector.broadcast %mul3A_1412 : i32 to vector<16xi32>
      %add3A_1414 = arith.addi %add3A_1413, %shift_right_arithmetic3A_562 : vector<16xi32>
      %gather3A_1415 = tpu.vector_load_idx %arg5[%select_n3A_1410, %add3A_1414] : memref<20x256xi32, #tpu.memory_space<vmem>>[vector<16xi32>, vector<16xi32>], vector<16xi32>,
      %mul3A_1416 = arith.constant 16 : i32
      %mul3A_1417 = arith.muli %scan3A_1384, %mul3A_1416 : i32
      %add3A_1418 = arith.constant 2048 : i32
      %add3A_1419 = arith.addi %add3A_1418, %mul3A_1417 : i32
      %swap3A_1420 = arith.index_cast %add3A_1419 : i32 to index
      %swap3A_1421 = tpu.vector_load %arg6[%swap3A_1420] {strides = array<i32>} : memref<6144xi32, #tpu.memory_space<vmem>>, vector<16xi32>,
      tpu.vector_store %arg6[%swap3A_1420], %gather3A_1415 {strides = array<i32>} : memref<6144xi32, #tpu.memory_space<vmem>>, vector<16xi32>,
      %add3A_1422 = arith.constant 16 : i32
      %add3A_1423 = vector.broadcast %add3A_1422 : i32 to vector<16xi32>
      %add3A_1424 = arith.addi %add3A_1423, %and3A_560 : vector<16xi32>
      %ge3A_1425 = arith.constant 20 : i32
      %ge3A_1426 = vector.broadcast %ge3A_1425 : i32 to vector<16xi32>
      %ge3A_1427 = arith.cmpi sge, %add3A_1424, %ge3A_1426 : vector<16xi32>
      %sub3A_1428 = arith.constant 20 : i32
      %sub3A_1429 = vector.broadcast %sub3A_1428 : i32 to vector<16xi32>
      %sub3A_1430 = arith.subi %add3A_1424, %sub3A_1429 : vector<16xi32>
      %select_n3A_1431 = arith.select %ge3A_1427, %sub3A_1430, %add3A_1424 : vector<16xi1>, vector<16xi32>
      %mul3A_1432 = arith.constant 2 : i32
      %mul3A_1433 = arith.muli %mul3A_1432, %scan3A_1384 : i32
      %add3A_1434 = vector.broadcast %mul3A_1433 : i32 to vector<16xi32>
      %add3A_1435 = arith.addi %add3A_1434, %shift_right_arithmetic3A_562 : vector<16xi32>
      %gather3A_1436 = tpu.vector_load_idx %arg5[%select_n3A_1431, %add3A_1435] : memref<20x256xi32, #tpu.memory_space<vmem>>[vector<16xi32>, vector<16xi32>], vector<16xi32>,
      %mul3A_1437 = arith.constant 16 : i32
      %mul3A_1438 = arith.muli %scan3A_1384, %mul3A_1437 : i32
      %add3A_1439 = arith.constant 4096 : i32
      %add3A_1440 = arith.addi %add3A_1439, %mul3A_1438 : i32
      %swap3A_1441 = arith.index_cast %add3A_1440 : i32 to index
      %swap3A_1442 = tpu.vector_load %arg6[%swap3A_1441] {strides = array<i32>} : memref<6144xi32, #tpu.memory_space<vmem>>, vector<16xi32>,
      tpu.vector_store %arg6[%swap3A_1441], %gather3A_1436 {strides = array<i32>} : memref<6144xi32, #tpu.memory_space<vmem>>, vector<16xi32>,
    }
    %scan3A_567 = arith.constant 128 : i32
    %dma_start3A_568 = arith.constant 0 : i32
    %dma_start3A_569 = arith.constant 0 : i32
    %dma_start3A_570 = tpu.memref_slice %arg7[%dma_start3A_568, %dma_start3A_569] : memref<2048x16xf32, #tpu.memory_space<vmem>> -> memref<128x16xf32, #tpu.memory_space<vmem>>
    %dma_start3A_571 = arith.constant 0 : i32
    %dma_start3A_572 = tpu.memref_slice %arg6[%dma_start3A_571] : memref<6144xi32, #tpu.memory_space<vmem>> -> memref<128xi32, #tpu.memory_space<vmem>>
    %dma_start3A_573 = arith.constant 0 : i32
    %dma_start3A_574 = arith.constant 0 : i32
    %dma_start3A_575 = tpu.memref_slice %arg3[%dma_start3A_573, %dma_start3A_574] : memref<1000000x16xf32, #tpu.memory_space<hbm>> -> memref<1000000x16xf32, #tpu.memory_space<hbm>>
    tpu.enqueue_indirect_dma source(%dma_start3A_575 : memref<1000000x16xf32, #tpu.memory_space<hbm>>) target(%dma_start3A_570 : memref<128x16xf32, #tpu.memory_space<vmem>>) offsets(%dma_start3A_572 : memref<128xi32, #tpu.memory_space<vmem>>) semaphore(%arg9 : memref<!tpu.dma_semaphore, #tpu.memory_space<semaphore_mem>>)
    %dma_start3A_576 = arith.constant 128 : i32
    %dma_start3A_577 = arith.constant 0 : i32
    %dma_start3A_578 = tpu.memref_slice %arg7[%dma_start3A_576, %dma_start3A_577] : memref<2048x16xf32, #tpu.memory_space<vmem>> -> memref<128x16xf32, #tpu.memory_space<vmem>>
    %dma_start3A_579 = arith.constant 128 : i32
    %dma_start3A_580 = tpu.memref_slice %arg6[%dma_start3A_579] : memref<6144xi32, #tpu.memory_space<vmem>> -> memref<128xi32, #tpu.memory_space<vmem>>
    %dma_start3A_581 = arith.constant 0 : i32
    %dma_start3A_582 = arith.constant 0 : i32
    %dma_start3A_583 = tpu.memref_slice %arg3[%dma_start3A_581, %dma_start3A_582] : memref<1000000x16xf32, #tpu.memory_space<hbm>> -> memref<1000000x16xf32, #tpu.memory_space<hbm>>
    tpu.enqueue_indirect_dma source(%dma_start3A_583 : memref<1000000x16xf32, #tpu.memory_space<hbm>>) target(%dma_start3A_578 : memref<128x16xf32, #tpu.memory_space<vmem>>) offsets(%dma_start3A_580 : memref<128xi32, #tpu.memory_space<vmem>>) semaphore(%arg9 : memref<!tpu.dma_semaphore, #tpu.memory_space<semaphore_mem>>)
    %dma_start3A_584 = arith.constant 256 : i32
    %dma_start3A_585 = arith.constant 0 : i32
    %dma_start3A_586 = tpu.memref_slice %arg7[%dma_start3A_584, %dma_start3A_585] : memref<2048x16xf32, #tpu.memory_space<vmem>> -> memref<128x16xf32, #tpu.memory_space<vmem>>
    %dma_start3A_587 = arith.constant 256 : i32
    %dma_start3A_588 = tpu.memref_slice %arg6[%dma_start3A_587] : memref<6144xi32, #tpu.memory_space<vmem>> -> memref<128xi32, #tpu.memory_space<vmem>>
    %dma_start3A_589 = arith.constant 0 : i32
    %dma_start3A_590 = arith.constant 0 : i32
    %dma_start3A_591 = tpu.memref_slice %arg3[%dma_start3A_589, %dma_start3A_590] : memref<1000000x16xf32, #tpu.memory_space<hbm>> -> memref<1000000x16xf32, #tpu.memory_space<hbm>>
    tpu.enqueue_indirect_dma source(%dma_start3A_591 : memref<1000000x16xf32, #tpu.memory_space<hbm>>) target(%dma_start3A_586 : memref<128x16xf32, #tpu.memory_space<vmem>>) offsets(%dma_start3A_588 : memref<128xi32, #tpu.memory_space<vmem>>) semaphore(%arg9 : memref<!tpu.dma_semaphore, #tpu.memory_space<semaphore_mem>>)
    %dma_start3A_592 = arith.constant 384 : i32
    %dma_start3A_593 = arith.constant 0 : i32
    %dma_start3A_594 = tpu.memref_slice %arg7[%dma_start3A_592, %dma_start3A_593] : memref<2048x16xf32, #tpu.memory_space<vmem>> -> memref<128x16xf32, #tpu.memory_space<vmem>>
    %dma_start3A_595 = arith.constant 384 : i32
    %dma_start3A_596 = tpu.memref_slice %arg6[%dma_start3A_595] : memref<6144xi32, #tpu.memory_space<vmem>> -> memref<128xi32, #tpu.memory_space<vmem>>
    %dma_start3A_597 = arith.constant 0 : i32
    %dma_start3A_598 = arith.constant 0 : i32
    %dma_start3A_599 = tpu.memref_slice %arg3[%dma_start3A_597, %dma_start3A_598] : memref<1000000x16xf32, #tpu.memory_space<hbm>> -> memref<1000000x16xf32, #tpu.memory_space<hbm>>
    tpu.enqueue_indirect_dma source(%dma_start3A_599 : memref<1000000x16xf32, #tpu.memory_space<hbm>>) target(%dma_start3A_594 : memref<128x16xf32, #tpu.memory_space<vmem>>) offsets(%dma_start3A_596 : memref<128xi32, #tpu.memory_space<vmem>>) semaphore(%arg9 : memref<!tpu.dma_semaphore, #tpu.memory_space<semaphore_mem>>)
    %dma_start3A_600 = arith.constant 512 : i32
    %dma_start3A_601 = arith.constant 0 : i32
    %dma_start3A_602 = tpu.memref_slice %arg7[%dma_start3A_600, %dma_start3A_601] : memref<2048x16xf32, #tpu.memory_space<vmem>> -> memref<128x16xf32, #tpu.memory_space<vmem>>
    %dma_start3A_603 = arith.constant 512 : i32
    %dma_start3A_604 = tpu.memref_slice %arg6[%dma_start3A_603] : memref<6144xi32, #tpu.memory_space<vmem>> -> memref<128xi32, #tpu.memory_space<vmem>>
    %dma_start3A_605 = arith.constant 0 : i32
    %dma_start3A_606 = arith.constant 0 : i32
    %dma_start3A_607 = tpu.memref_slice %arg3[%dma_start3A_605, %dma_start3A_606] : memref<1000000x16xf32, #tpu.memory_space<hbm>> -> memref<1000000x16xf32, #tpu.memory_space<hbm>>
    tpu.enqueue_indirect_dma source(%dma_start3A_607 : memref<1000000x16xf32, #tpu.memory_space<hbm>>) target(%dma_start3A_602 : memref<128x16xf32, #tpu.memory_space<vmem>>) offsets(%dma_start3A_604 : memref<128xi32, #tpu.memory_space<vmem>>) semaphore(%arg9 : memref<!tpu.dma_semaphore, #tpu.memory_space<semaphore_mem>>)
    %dma_start3A_608 = arith.constant 640 : i32
    %dma_start3A_609 = arith.constant 0 : i32
    %dma_start3A_610 = tpu.memref_slice %arg7[%dma_start3A_608, %dma_start3A_609] : memref<2048x16xf32, #tpu.memory_space<vmem>> -> memref<128x16xf32, #tpu.memory_space<vmem>>
    %dma_start3A_611 = arith.constant 640 : i32
    %dma_start3A_612 = tpu.memref_slice %arg6[%dma_start3A_611] : memref<6144xi32, #tpu.memory_space<vmem>> -> memref<128xi32, #tpu.memory_space<vmem>>
    %dma_start3A_613 = arith.constant 0 : i32
    %dma_start3A_614 = arith.constant 0 : i32
    %dma_start3A_615 = tpu.memref_slice %arg3[%dma_start3A_613, %dma_start3A_614] : memref<1000000x16xf32, #tpu.memory_space<hbm>> -> memref<1000000x16xf32, #tpu.memory_space<hbm>>
    tpu.enqueue_indirect_dma source(%dma_start3A_615 : memref<1000000x16xf32, #tpu.memory_space<hbm>>) target(%dma_start3A_610 : memref<128x16xf32, #tpu.memory_space<vmem>>) offsets(%dma_start3A_612 : memref<128xi32, #tpu.memory_space<vmem>>) semaphore(%arg9 : memref<!tpu.dma_semaphore, #tpu.memory_space<semaphore_mem>>)
    %dma_start3A_616 = arith.constant 768 : i32
    %dma_start3A_617 = arith.constant 0 : i32
    %dma_start3A_618 = tpu.memref_slice %arg7[%dma_start3A_616, %dma_start3A_617] : memref<2048x16xf32, #tpu.memory_space<vmem>> -> memref<128x16xf32, #tpu.memory_space<vmem>>
    %dma_start3A_619 = arith.constant 768 : i32
    %dma_start3A_620 = tpu.memref_slice %arg6[%dma_start3A_619] : memref<6144xi32, #tpu.memory_space<vmem>> -> memref<128xi32, #tpu.memory_space<vmem>>
    %dma_start3A_621 = arith.constant 0 : i32
    %dma_start3A_622 = arith.constant 0 : i32
    %dma_start3A_623 = tpu.memref_slice %arg3[%dma_start3A_621, %dma_start3A_622] : memref<1000000x16xf32, #tpu.memory_space<hbm>> -> memref<1000000x16xf32, #tpu.memory_space<hbm>>
    tpu.enqueue_indirect_dma source(%dma_start3A_623 : memref<1000000x16xf32, #tpu.memory_space<hbm>>) target(%dma_start3A_618 : memref<128x16xf32, #tpu.memory_space<vmem>>) offsets(%dma_start3A_620 : memref<128xi32, #tpu.memory_space<vmem>>) semaphore(%arg9 : memref<!tpu.dma_semaphore, #tpu.memory_space<semaphore_mem>>)
    %dma_start3A_624 = arith.constant 896 : i32
    %dma_start3A_625 = arith.constant 0 : i32
    %dma_start3A_626 = tpu.memref_slice %arg7[%dma_start3A_624, %dma_start3A_625] : memref<2048x16xf32, #tpu.memory_space<vmem>> -> memref<128x16xf32, #tpu.memory_space<vmem>>
    %dma_start3A_627 = arith.constant 896 : i32
    %dma_start3A_628 = tpu.memref_slice %arg6[%dma_start3A_627] : memref<6144xi32, #tpu.memory_space<vmem>> -> memref<128xi32, #tpu.memory_space<vmem>>
    %dma_start3A_629 = arith.constant 0 : i32
    %dma_start3A_630 = arith.constant 0 : i32
    %dma_start3A_631 = tpu.memref_slice %arg3[%dma_start3A_629, %dma_start3A_630] : memref<1000000x16xf32, #tpu.memory_space<hbm>> -> memref<1000000x16xf32, #tpu.memory_space<hbm>>
    tpu.enqueue_indirect_dma source(%dma_start3A_631 : memref<1000000x16xf32, #tpu.memory_space<hbm>>) target(%dma_start3A_626 : memref<128x16xf32, #tpu.memory_space<vmem>>) offsets(%dma_start3A_628 : memref<128xi32, #tpu.memory_space<vmem>>) semaphore(%arg9 : memref<!tpu.dma_semaphore, #tpu.memory_space<semaphore_mem>>)
    %dma_start3A_632 = arith.constant 1024 : i32
    %dma_start3A_633 = arith.constant 0 : i32
    %dma_start3A_634 = tpu.memref_slice %arg7[%dma_start3A_632, %dma_start3A_633] : memref<2048x16xf32, #tpu.memory_space<vmem>> -> memref<128x16xf32, #tpu.memory_space<vmem>>
    %dma_start3A_635 = arith.constant 1024 : i32
    %dma_start3A_636 = tpu.memref_slice %arg6[%dma_start3A_635] : memref<6144xi32, #tpu.memory_space<vmem>> -> memref<128xi32, #tpu.memory_space<vmem>>
    %dma_start3A_637 = arith.constant 0 : i32
    %dma_start3A_638 = arith.constant 0 : i32
    %dma_start3A_639 = tpu.memref_slice %arg3[%dma_start3A_637, %dma_start3A_638] : memref<1000000x16xf32, #tpu.memory_space<hbm>> -> memref<1000000x16xf32, #tpu.memory_space<hbm>>
    tpu.enqueue_indirect_dma source(%dma_start3A_639 : memref<1000000x16xf32, #tpu.memory_space<hbm>>) target(%dma_start3A_634 : memref<128x16xf32, #tpu.memory_space<vmem>>) offsets(%dma_start3A_636 : memref<128xi32, #tpu.memory_space<vmem>>) semaphore(%arg9 : memref<!tpu.dma_semaphore, #tpu.memory_space<semaphore_mem>>)
    %dma_start3A_640 = arith.constant 1152 : i32
    %dma_start3A_641 = arith.constant 0 : i32
    %dma_start3A_642 = tpu.memref_slice %arg7[%dma_start3A_640, %dma_start3A_641] : memref<2048x16xf32, #tpu.memory_space<vmem>> -> memref<128x16xf32, #tpu.memory_space<vmem>>
    %dma_start3A_643 = arith.constant 1152 : i32
    %dma_start3A_644 = tpu.memref_slice %arg6[%dma_start3A_643] : memref<6144xi32, #tpu.memory_space<vmem>> -> memref<128xi32, #tpu.memory_space<vmem>>
    %dma_start3A_645 = arith.constant 0 : i32
    %dma_start3A_646 = arith.constant 0 : i32
    %dma_start3A_647 = tpu.memref_slice %arg3[%dma_start3A_645, %dma_start3A_646] : memref<1000000x16xf32, #tpu.memory_space<hbm>> -> memref<1000000x16xf32, #tpu.memory_space<hbm>>
    tpu.enqueue_indirect_dma source(%dma_start3A_647 : memref<1000000x16xf32, #tpu.memory_space<hbm>>) target(%dma_start3A_642 : memref<128x16xf32, #tpu.memory_space<vmem>>) offsets(%dma_start3A_644 : memref<128xi32, #tpu.memory_space<vmem>>) semaphore(%arg9 : memref<!tpu.dma_semaphore, #tpu.memory_space<semaphore_mem>>)
    %dma_start3A_648 = arith.constant 1280 : i32
    %dma_start3A_649 = arith.constant 0 : i32
    %dma_start3A_650 = tpu.memref_slice %arg7[%dma_start3A_648, %dma_start3A_649] : memref<2048x16xf32, #tpu.memory_space<vmem>> -> memref<128x16xf32, #tpu.memory_space<vmem>>
    %dma_start3A_651 = arith.constant 1280 : i32
    %dma_start3A_652 = tpu.memref_slice %arg6[%dma_start3A_651] : memref<6144xi32, #tpu.memory_space<vmem>> -> memref<128xi32, #tpu.memory_space<vmem>>
    %dma_start3A_653 = arith.constant 0 : i32
    %dma_start3A_654 = arith.constant 0 : i32
    %dma_start3A_655 = tpu.memref_slice %arg3[%dma_start3A_653, %dma_start3A_654] : memref<1000000x16xf32, #tpu.memory_space<hbm>> -> memref<1000000x16xf32, #tpu.memory_space<hbm>>
    tpu.enqueue_indirect_dma source(%dma_start3A_655 : memref<1000000x16xf32, #tpu.memory_space<hbm>>) target(%dma_start3A_650 : memref<128x16xf32, #tpu.memory_space<vmem>>) offsets(%dma_start3A_652 : memref<128xi32, #tpu.memory_space<vmem>>) semaphore(%arg9 : memref<!tpu.dma_semaphore, #tpu.memory_space<semaphore_mem>>)
    %dma_start3A_656 = arith.constant 1408 : i32
    %dma_start3A_657 = arith.constant 0 : i32
    %dma_start3A_658 = tpu.memref_slice %arg7[%dma_start3A_656, %dma_start3A_657] : memref<2048x16xf32, #tpu.memory_space<vmem>> -> memref<128x16xf32, #tpu.memory_space<vmem>>
    %dma_start3A_659 = arith.constant 1408 : i32
    %dma_start3A_660 = tpu.memref_slice %arg6[%dma_start3A_659] : memref<6144xi32, #tpu.memory_space<vmem>> -> memref<128xi32, #tpu.memory_space<vmem>>
    %dma_start3A_661 = arith.constant 0 : i32
    %dma_start3A_662 = arith.constant 0 : i32
    %dma_start3A_663 = tpu.memref_slice %arg3[%dma_start3A_661, %dma_start3A_662] : memref<1000000x16xf32, #tpu.memory_space<hbm>> -> memref<1000000x16xf32, #tpu.memory_space<hbm>>
    tpu.enqueue_indirect_dma source(%dma_start3A_663 : memref<1000000x16xf32, #tpu.memory_space<hbm>>) target(%dma_start3A_658 : memref<128x16xf32, #tpu.memory_space<vmem>>) offsets(%dma_start3A_660 : memref<128xi32, #tpu.memory_space<vmem>>) semaphore(%arg9 : memref<!tpu.dma_semaphore, #tpu.memory_space<semaphore_mem>>)
    %dma_start3A_664 = arith.constant 1536 : i32
    %dma_start3A_665 = arith.constant 0 : i32
    %dma_start3A_666 = tpu.memref_slice %arg7[%dma_start3A_664, %dma_start3A_665] : memref<2048x16xf32, #tpu.memory_space<vmem>> -> memref<128x16xf32, #tpu.memory_space<vmem>>
    %dma_start3A_667 = arith.constant 1536 : i32
    %dma_start3A_668 = tpu.memref_slice %arg6[%dma_start3A_667] : memref<6144xi32, #tpu.memory_space<vmem>> -> memref<128xi32, #tpu.memory_space<vmem>>
    %dma_start3A_669 = arith.constant 0 : i32
    %dma_start3A_670 = arith.constant 0 : i32
    %dma_start3A_671 = tpu.memref_slice %arg3[%dma_start3A_669, %dma_start3A_670] : memref<1000000x16xf32, #tpu.memory_space<hbm>> -> memref<1000000x16xf32, #tpu.memory_space<hbm>>
    tpu.enqueue_indirect_dma source(%dma_start3A_671 : memref<1000000x16xf32, #tpu.memory_space<hbm>>) target(%dma_start3A_666 : memref<128x16xf32, #tpu.memory_space<vmem>>) offsets(%dma_start3A_668 : memref<128xi32, #tpu.memory_space<vmem>>) semaphore(%arg9 : memref<!tpu.dma_semaphore, #tpu.memory_space<semaphore_mem>>)
    %dma_start3A_672 = arith.constant 1664 : i32
    %dma_start3A_673 = arith.constant 0 : i32
    %dma_start3A_674 = tpu.memref_slice %arg7[%dma_start3A_672, %dma_start3A_673] : memref<2048x16xf32, #tpu.memory_space<vmem>> -> memref<128x16xf32, #tpu.memory_space<vmem>>
    %dma_start3A_675 = arith.constant 1664 : i32
    %dma_start3A_676 = tpu.memref_slice %arg6[%dma_start3A_675] : memref<6144xi32, #tpu.memory_space<vmem>> -> memref<128xi32, #tpu.memory_space<vmem>>
    %dma_start3A_677 = arith.constant 0 : i32
    %dma_start3A_678 = arith.constant 0 : i32
    %dma_start3A_679 = tpu.memref_slice %arg3[%dma_start3A_677, %dma_start3A_678] : memref<1000000x16xf32, #tpu.memory_space<hbm>> -> memref<1000000x16xf32, #tpu.memory_space<hbm>>
    tpu.enqueue_indirect_dma source(%dma_start3A_679 : memref<1000000x16xf32, #tpu.memory_space<hbm>>) target(%dma_start3A_674 : memref<128x16xf32, #tpu.memory_space<vmem>>) offsets(%dma_start3A_676 : memref<128xi32, #tpu.memory_space<vmem>>) semaphore(%arg9 : memref<!tpu.dma_semaphore, #tpu.memory_space<semaphore_mem>>)
    %dma_start3A_680 = arith.constant 1792 : i32
    %dma_start3A_681 = arith.constant 0 : i32
    %dma_start3A_682 = tpu.memref_slice %arg7[%dma_start3A_680, %dma_start3A_681] : memref<2048x16xf32, #tpu.memory_space<vmem>> -> memref<128x16xf32, #tpu.memory_space<vmem>>
    %dma_start3A_683 = arith.constant 1792 : i32
    %dma_start3A_684 = tpu.memref_slice %arg6[%dma_start3A_683] : memref<6144xi32, #tpu.memory_space<vmem>> -> memref<128xi32, #tpu.memory_space<vmem>>
    %dma_start3A_685 = arith.constant 0 : i32
    %dma_start3A_686 = arith.constant 0 : i32
    %dma_start3A_687 = tpu.memref_slice %arg3[%dma_start3A_685, %dma_start3A_686] : memref<1000000x16xf32, #tpu.memory_space<hbm>> -> memref<1000000x16xf32, #tpu.memory_space<hbm>>
    tpu.enqueue_indirect_dma source(%dma_start3A_687 : memref<1000000x16xf32, #tpu.memory_space<hbm>>) target(%dma_start3A_682 : memref<128x16xf32, #tpu.memory_space<vmem>>) offsets(%dma_start3A_684 : memref<128xi32, #tpu.memory_space<vmem>>) semaphore(%arg9 : memref<!tpu.dma_semaphore, #tpu.memory_space<semaphore_mem>>)
    %dma_start3A_688 = arith.constant 1920 : i32
    %dma_start3A_689 = arith.constant 0 : i32
    %dma_start3A_690 = tpu.memref_slice %arg7[%dma_start3A_688, %dma_start3A_689] : memref<2048x16xf32, #tpu.memory_space<vmem>> -> memref<128x16xf32, #tpu.memory_space<vmem>>
    %dma_start3A_691 = arith.constant 1920 : i32
    %dma_start3A_692 = tpu.memref_slice %arg6[%dma_start3A_691] : memref<6144xi32, #tpu.memory_space<vmem>> -> memref<128xi32, #tpu.memory_space<vmem>>
    %dma_start3A_693 = arith.constant 0 : i32
    %dma_start3A_694 = arith.constant 0 : i32
    %dma_start3A_695 = tpu.memref_slice %arg3[%dma_start3A_693, %dma_start3A_694] : memref<1000000x16xf32, #tpu.memory_space<hbm>> -> memref<1000000x16xf32, #tpu.memory_space<hbm>>
    tpu.enqueue_indirect_dma source(%dma_start3A_695 : memref<1000000x16xf32, #tpu.memory_space<hbm>>) target(%dma_start3A_690 : memref<128x16xf32, #tpu.memory_space<vmem>>) offsets(%dma_start3A_692 : memref<128xi32, #tpu.memory_space<vmem>>) semaphore(%arg9 : memref<!tpu.dma_semaphore, #tpu.memory_space<semaphore_mem>>)
    %dma_wait3A_696 = arith.constant 0 : i32
    %dma_wait3A_697 = arith.constant 0 : i32
    %dma_wait3A_698 = tpu.memref_slice %arg7[%dma_wait3A_696, %dma_wait3A_697] : memref<2048x16xf32, #tpu.memory_space<vmem>> -> memref<128x16xf32, #tpu.memory_space<vmem>>
    %dma_wait3A_699 = arith.constant 0 : i32
    %dma_wait3A_700 = tpu.memref_slice %arg6[%dma_wait3A_699] : memref<6144xi32, #tpu.memory_space<vmem>> -> memref<128xi32, #tpu.memory_space<vmem>>
    %dma_wait3A_701 = arith.constant 0 : i32
    %dma_wait3A_702 = arith.constant 0 : i32
    %dma_wait3A_703 = tpu.memref_slice %arg3[%dma_wait3A_701, %dma_wait3A_702] : memref<1000000x16xf32, #tpu.memory_space<hbm>> -> memref<1000000x16xf32, #tpu.memory_space<hbm>>
    tpu.wait_indirect_dma semaphore(%arg9 : memref<!tpu.dma_semaphore, #tpu.memory_space<semaphore_mem>>) src(%dma_wait3A_703 : memref<1000000x16xf32, #tpu.memory_space<hbm>>) dst(%dma_wait3A_698 : memref<128x16xf32, #tpu.memory_space<vmem>>)
    %dma_wait3A_704 = arith.constant 128 : i32
    %dma_wait3A_705 = arith.constant 0 : i32
    %dma_wait3A_706 = tpu.memref_slice %arg7[%dma_wait3A_704, %dma_wait3A_705] : memref<2048x16xf32, #tpu.memory_space<vmem>> -> memref<128x16xf32, #tpu.memory_space<vmem>>
    %dma_wait3A_707 = arith.constant 128 : i32
    %dma_wait3A_708 = tpu.memref_slice %arg6[%dma_wait3A_707] : memref<6144xi32, #tpu.memory_space<vmem>> -> memref<128xi32, #tpu.memory_space<vmem>>
    %dma_wait3A_709 = arith.constant 0 : i32
    %dma_wait3A_710 = arith.constant 0 : i32
    %dma_wait3A_711 = tpu.memref_slice %arg3[%dma_wait3A_709, %dma_wait3A_710] : memref<1000000x16xf32, #tpu.memory_space<hbm>> -> memref<1000000x16xf32, #tpu.memory_space<hbm>>
    tpu.wait_indirect_dma semaphore(%arg9 : memref<!tpu.dma_semaphore, #tpu.memory_space<semaphore_mem>>) src(%dma_wait3A_711 : memref<1000000x16xf32, #tpu.memory_space<hbm>>) dst(%dma_wait3A_706 : memref<128x16xf32, #tpu.memory_space<vmem>>)
    %dma_wait3A_712 = arith.constant 256 : i32
    %dma_wait3A_713 = arith.constant 0 : i32
    %dma_wait3A_714 = tpu.memref_slice %arg7[%dma_wait3A_712, %dma_wait3A_713] : memref<2048x16xf32, #tpu.memory_space<vmem>> -> memref<128x16xf32, #tpu.memory_space<vmem>>
    %dma_wait3A_715 = arith.constant 256 : i32
    %dma_wait3A_716 = tpu.memref_slice %arg6[%dma_wait3A_715] : memref<6144xi32, #tpu.memory_space<vmem>> -> memref<128xi32, #tpu.memory_space<vmem>>
    %dma_wait3A_717 = arith.constant 0 : i32
    %dma_wait3A_718 = arith.constant 0 : i32
    %dma_wait3A_719 = tpu.memref_slice %arg3[%dma_wait3A_717, %dma_wait3A_718] : memref<1000000x16xf32, #tpu.memory_space<hbm>> -> memref<1000000x16xf32, #tpu.memory_space<hbm>>
    tpu.wait_indirect_dma semaphore(%arg9 : memref<!tpu.dma_semaphore, #tpu.memory_space<semaphore_mem>>) src(%dma_wait3A_719 : memref<1000000x16xf32, #tpu.memory_space<hbm>>) dst(%dma_wait3A_714 : memref<128x16xf32, #tpu.memory_space<vmem>>)
    %dma_wait3A_720 = arith.constant 384 : i32
    %dma_wait3A_721 = arith.constant 0 : i32
    %dma_wait3A_722 = tpu.memref_slice %arg7[%dma_wait3A_720, %dma_wait3A_721] : memref<2048x16xf32, #tpu.memory_space<vmem>> -> memref<128x16xf32, #tpu.memory_space<vmem>>
    %dma_wait3A_723 = arith.constant 384 : i32
    %dma_wait3A_724 = tpu.memref_slice %arg6[%dma_wait3A_723] : memref<6144xi32, #tpu.memory_space<vmem>> -> memref<128xi32, #tpu.memory_space<vmem>>
    %dma_wait3A_725 = arith.constant 0 : i32
    %dma_wait3A_726 = arith.constant 0 : i32
    %dma_wait3A_727 = tpu.memref_slice %arg3[%dma_wait3A_725, %dma_wait3A_726] : memref<1000000x16xf32, #tpu.memory_space<hbm>> -> memref<1000000x16xf32, #tpu.memory_space<hbm>>
    tpu.wait_indirect_dma semaphore(%arg9 : memref<!tpu.dma_semaphore, #tpu.memory_space<semaphore_mem>>) src(%dma_wait3A_727 : memref<1000000x16xf32, #tpu.memory_space<hbm>>) dst(%dma_wait3A_722 : memref<128x16xf32, #tpu.memory_space<vmem>>)
    %dma_wait3A_728 = arith.constant 512 : i32
    %dma_wait3A_729 = arith.constant 0 : i32
    %dma_wait3A_730 = tpu.memref_slice %arg7[%dma_wait3A_728, %dma_wait3A_729] : memref<2048x16xf32, #tpu.memory_space<vmem>> -> memref<128x16xf32, #tpu.memory_space<vmem>>
    %dma_wait3A_731 = arith.constant 512 : i32
    %dma_wait3A_732 = tpu.memref_slice %arg6[%dma_wait3A_731] : memref<6144xi32, #tpu.memory_space<vmem>> -> memref<128xi32, #tpu.memory_space<vmem>>
    %dma_wait3A_733 = arith.constant 0 : i32
    %dma_wait3A_734 = arith.constant 0 : i32
    %dma_wait3A_735 = tpu.memref_slice %arg3[%dma_wait3A_733, %dma_wait3A_734] : memref<1000000x16xf32, #tpu.memory_space<hbm>> -> memref<1000000x16xf32, #tpu.memory_space<hbm>>
    tpu.wait_indirect_dma semaphore(%arg9 : memref<!tpu.dma_semaphore, #tpu.memory_space<semaphore_mem>>) src(%dma_wait3A_735 : memref<1000000x16xf32, #tpu.memory_space<hbm>>) dst(%dma_wait3A_730 : memref<128x16xf32, #tpu.memory_space<vmem>>)
    %dma_wait3A_736 = arith.constant 640 : i32
    %dma_wait3A_737 = arith.constant 0 : i32
    %dma_wait3A_738 = tpu.memref_slice %arg7[%dma_wait3A_736, %dma_wait3A_737] : memref<2048x16xf32, #tpu.memory_space<vmem>> -> memref<128x16xf32, #tpu.memory_space<vmem>>
    %dma_wait3A_739 = arith.constant 640 : i32
    %dma_wait3A_740 = tpu.memref_slice %arg6[%dma_wait3A_739] : memref<6144xi32, #tpu.memory_space<vmem>> -> memref<128xi32, #tpu.memory_space<vmem>>
    %dma_wait3A_741 = arith.constant 0 : i32
    %dma_wait3A_742 = arith.constant 0 : i32
    %dma_wait3A_743 = tpu.memref_slice %arg3[%dma_wait3A_741, %dma_wait3A_742] : memref<1000000x16xf32, #tpu.memory_space<hbm>> -> memref<1000000x16xf32, #tpu.memory_space<hbm>>
    tpu.wait_indirect_dma semaphore(%arg9 : memref<!tpu.dma_semaphore, #tpu.memory_space<semaphore_mem>>) src(%dma_wait3A_743 : memref<1000000x16xf32, #tpu.memory_space<hbm>>) dst(%dma_wait3A_738 : memref<128x16xf32, #tpu.memory_space<vmem>>)
    %dma_wait3A_744 = arith.constant 768 : i32
    %dma_wait3A_745 = arith.constant 0 : i32
    %dma_wait3A_746 = tpu.memref_slice %arg7[%dma_wait3A_744, %dma_wait3A_745] : memref<2048x16xf32, #tpu.memory_space<vmem>> -> memref<128x16xf32, #tpu.memory_space<vmem>>
    %dma_wait3A_747 = arith.constant 768 : i32
    %dma_wait3A_748 = tpu.memref_slice %arg6[%dma_wait3A_747] : memref<6144xi32, #tpu.memory_space<vmem>> -> memref<128xi32, #tpu.memory_space<vmem>>
    %dma_wait3A_749 = arith.constant 0 : i32
    %dma_wait3A_750 = arith.constant 0 : i32
    %dma_wait3A_751 = tpu.memref_slice %arg3[%dma_wait3A_749, %dma_wait3A_750] : memref<1000000x16xf32, #tpu.memory_space<hbm>> -> memref<1000000x16xf32, #tpu.memory_space<hbm>>
    tpu.wait_indirect_dma semaphore(%arg9 : memref<!tpu.dma_semaphore, #tpu.memory_space<semaphore_mem>>) src(%dma_wait3A_751 : memref<1000000x16xf32, #tpu.memory_space<hbm>>) dst(%dma_wait3A_746 : memref<128x16xf32, #tpu.memory_space<vmem>>)
    %dma_wait3A_752 = arith.constant 896 : i32
    %dma_wait3A_753 = arith.constant 0 : i32
    %dma_wait3A_754 = tpu.memref_slice %arg7[%dma_wait3A_752, %dma_wait3A_753] : memref<2048x16xf32, #tpu.memory_space<vmem>> -> memref<128x16xf32, #tpu.memory_space<vmem>>
    %dma_wait3A_755 = arith.constant 896 : i32
    %dma_wait3A_756 = tpu.memref_slice %arg6[%dma_wait3A_755] : memref<6144xi32, #tpu.memory_space<vmem>> -> memref<128xi32, #tpu.memory_space<vmem>>
    %dma_wait3A_757 = arith.constant 0 : i32
    %dma_wait3A_758 = arith.constant 0 : i32
    %dma_wait3A_759 = tpu.memref_slice %arg3[%dma_wait3A_757, %dma_wait3A_758] : memref<1000000x16xf32, #tpu.memory_space<hbm>> -> memref<1000000x16xf32, #tpu.memory_space<hbm>>
    tpu.wait_indirect_dma semaphore(%arg9 : memref<!tpu.dma_semaphore, #tpu.memory_space<semaphore_mem>>) src(%dma_wait3A_759 : memref<1000000x16xf32, #tpu.memory_space<hbm>>) dst(%dma_wait3A_754 : memref<128x16xf32, #tpu.memory_space<vmem>>)
    %dma_wait3A_760 = arith.constant 1024 : i32
    %dma_wait3A_761 = arith.constant 0 : i32
    %dma_wait3A_762 = tpu.memref_slice %arg7[%dma_wait3A_760, %dma_wait3A_761] : memref<2048x16xf32, #tpu.memory_space<vmem>> -> memref<128x16xf32, #tpu.memory_space<vmem>>
    %dma_wait3A_763 = arith.constant 1024 : i32
    %dma_wait3A_764 = tpu.memref_slice %arg6[%dma_wait3A_763] : memref<6144xi32, #tpu.memory_space<vmem>> -> memref<128xi32, #tpu.memory_space<vmem>>
    %dma_wait3A_765 = arith.constant 0 : i32
    %dma_wait3A_766 = arith.constant 0 : i32
    %dma_wait3A_767 = tpu.memref_slice %arg3[%dma_wait3A_765, %dma_wait3A_766] : memref<1000000x16xf32, #tpu.memory_space<hbm>> -> memref<1000000x16xf32, #tpu.memory_space<hbm>>
    tpu.wait_indirect_dma semaphore(%arg9 : memref<!tpu.dma_semaphore, #tpu.memory_space<semaphore_mem>>) src(%dma_wait3A_767 : memref<1000000x16xf32, #tpu.memory_space<hbm>>) dst(%dma_wait3A_762 : memref<128x16xf32, #tpu.memory_space<vmem>>)
    %dma_wait3A_768 = arith.constant 1152 : i32
    %dma_wait3A_769 = arith.constant 0 : i32
    %dma_wait3A_770 = tpu.memref_slice %arg7[%dma_wait3A_768, %dma_wait3A_769] : memref<2048x16xf32, #tpu.memory_space<vmem>> -> memref<128x16xf32, #tpu.memory_space<vmem>>
    %dma_wait3A_771 = arith.constant 1152 : i32
    %dma_wait3A_772 = tpu.memref_slice %arg6[%dma_wait3A_771] : memref<6144xi32, #tpu.memory_space<vmem>> -> memref<128xi32, #tpu.memory_space<vmem>>
    %dma_wait3A_773 = arith.constant 0 : i32
    %dma_wait3A_774 = arith.constant 0 : i32
    %dma_wait3A_775 = tpu.memref_slice %arg3[%dma_wait3A_773, %dma_wait3A_774] : memref<1000000x16xf32, #tpu.memory_space<hbm>> -> memref<1000000x16xf32, #tpu.memory_space<hbm>>
    tpu.wait_indirect_dma semaphore(%arg9 : memref<!tpu.dma_semaphore, #tpu.memory_space<semaphore_mem>>) src(%dma_wait3A_775 : memref<1000000x16xf32, #tpu.memory_space<hbm>>) dst(%dma_wait3A_770 : memref<128x16xf32, #tpu.memory_space<vmem>>)
    %dma_wait3A_776 = arith.constant 1280 : i32
    %dma_wait3A_777 = arith.constant 0 : i32
    %dma_wait3A_778 = tpu.memref_slice %arg7[%dma_wait3A_776, %dma_wait3A_777] : memref<2048x16xf32, #tpu.memory_space<vmem>> -> memref<128x16xf32, #tpu.memory_space<vmem>>
    %dma_wait3A_779 = arith.constant 1280 : i32
    %dma_wait3A_780 = tpu.memref_slice %arg6[%dma_wait3A_779] : memref<6144xi32, #tpu.memory_space<vmem>> -> memref<128xi32, #tpu.memory_space<vmem>>
    %dma_wait3A_781 = arith.constant 0 : i32
    %dma_wait3A_782 = arith.constant 0 : i32
    %dma_wait3A_783 = tpu.memref_slice %arg3[%dma_wait3A_781, %dma_wait3A_782] : memref<1000000x16xf32, #tpu.memory_space<hbm>> -> memref<1000000x16xf32, #tpu.memory_space<hbm>>
    tpu.wait_indirect_dma semaphore(%arg9 : memref<!tpu.dma_semaphore, #tpu.memory_space<semaphore_mem>>) src(%dma_wait3A_783 : memref<1000000x16xf32, #tpu.memory_space<hbm>>) dst(%dma_wait3A_778 : memref<128x16xf32, #tpu.memory_space<vmem>>)
    %dma_wait3A_784 = arith.constant 1408 : i32
    %dma_wait3A_785 = arith.constant 0 : i32
    %dma_wait3A_786 = tpu.memref_slice %arg7[%dma_wait3A_784, %dma_wait3A_785] : memref<2048x16xf32, #tpu.memory_space<vmem>> -> memref<128x16xf32, #tpu.memory_space<vmem>>
    %dma_wait3A_787 = arith.constant 1408 : i32
    %dma_wait3A_788 = tpu.memref_slice %arg6[%dma_wait3A_787] : memref<6144xi32, #tpu.memory_space<vmem>> -> memref<128xi32, #tpu.memory_space<vmem>>
    %dma_wait3A_789 = arith.constant 0 : i32
    %dma_wait3A_790 = arith.constant 0 : i32
    %dma_wait3A_791 = tpu.memref_slice %arg3[%dma_wait3A_789, %dma_wait3A_790] : memref<1000000x16xf32, #tpu.memory_space<hbm>> -> memref<1000000x16xf32, #tpu.memory_space<hbm>>
    tpu.wait_indirect_dma semaphore(%arg9 : memref<!tpu.dma_semaphore, #tpu.memory_space<semaphore_mem>>) src(%dma_wait3A_791 : memref<1000000x16xf32, #tpu.memory_space<hbm>>) dst(%dma_wait3A_786 : memref<128x16xf32, #tpu.memory_space<vmem>>)
    %dma_wait3A_792 = arith.constant 1536 : i32
    %dma_wait3A_793 = arith.constant 0 : i32
    %dma_wait3A_794 = tpu.memref_slice %arg7[%dma_wait3A_792, %dma_wait3A_793] : memref<2048x16xf32, #tpu.memory_space<vmem>> -> memref<128x16xf32, #tpu.memory_space<vmem>>
    %dma_wait3A_795 = arith.constant 1536 : i32
    %dma_wait3A_796 = tpu.memref_slice %arg6[%dma_wait3A_795] : memref<6144xi32, #tpu.memory_space<vmem>> -> memref<128xi32, #tpu.memory_space<vmem>>
    %dma_wait3A_797 = arith.constant 0 : i32
    %dma_wait3A_798 = arith.constant 0 : i32
    %dma_wait3A_799 = tpu.memref_slice %arg3[%dma_wait3A_797, %dma_wait3A_798] : memref<1000000x16xf32, #tpu.memory_space<hbm>> -> memref<1000000x16xf32, #tpu.memory_space<hbm>>
    tpu.wait_indirect_dma semaphore(%arg9 : memref<!tpu.dma_semaphore, #tpu.memory_space<semaphore_mem>>) src(%dma_wait3A_799 : memref<1000000x16xf32, #tpu.memory_space<hbm>>) dst(%dma_wait3A_794 : memref<128x16xf32, #tpu.memory_space<vmem>>)
    %dma_wait3A_800 = arith.constant 1664 : i32
    %dma_wait3A_801 = arith.constant 0 : i32
    %dma_wait3A_802 = tpu.memref_slice %arg7[%dma_wait3A_800, %dma_wait3A_801] : memref<2048x16xf32, #tpu.memory_space<vmem>> -> memref<128x16xf32, #tpu.memory_space<vmem>>
    %dma_wait3A_803 = arith.constant 1664 : i32
    %dma_wait3A_804 = tpu.memref_slice %arg6[%dma_wait3A_803] : memref<6144xi32, #tpu.memory_space<vmem>> -> memref<128xi32, #tpu.memory_space<vmem>>
    %dma_wait3A_805 = arith.constant 0 : i32
    %dma_wait3A_806 = arith.constant 0 : i32
    %dma_wait3A_807 = tpu.memref_slice %arg3[%dma_wait3A_805, %dma_wait3A_806] : memref<1000000x16xf32, #tpu.memory_space<hbm>> -> memref<1000000x16xf32, #tpu.memory_space<hbm>>
    tpu.wait_indirect_dma semaphore(%arg9 : memref<!tpu.dma_semaphore, #tpu.memory_space<semaphore_mem>>) src(%dma_wait3A_807 : memref<1000000x16xf32, #tpu.memory_space<hbm>>) dst(%dma_wait3A_802 : memref<128x16xf32, #tpu.memory_space<vmem>>)
    %dma_wait3A_808 = arith.constant 1792 : i32
    %dma_wait3A_809 = arith.constant 0 : i32
    %dma_wait3A_810 = tpu.memref_slice %arg7[%dma_wait3A_808, %dma_wait3A_809] : memref<2048x16xf32, #tpu.memory_space<vmem>> -> memref<128x16xf32, #tpu.memory_space<vmem>>
    %dma_wait3A_811 = arith.constant 1792 : i32
    %dma_wait3A_812 = tpu.memref_slice %arg6[%dma_wait3A_811] : memref<6144xi32, #tpu.memory_space<vmem>> -> memref<128xi32, #tpu.memory_space<vmem>>
    %dma_wait3A_813 = arith.constant 0 : i32
    %dma_wait3A_814 = arith.constant 0 : i32
    %dma_wait3A_815 = tpu.memref_slice %arg3[%dma_wait3A_813, %dma_wait3A_814] : memref<1000000x16xf32, #tpu.memory_space<hbm>> -> memref<1000000x16xf32, #tpu.memory_space<hbm>>
    tpu.wait_indirect_dma semaphore(%arg9 : memref<!tpu.dma_semaphore, #tpu.memory_space<semaphore_mem>>) src(%dma_wait3A_815 : memref<1000000x16xf32, #tpu.memory_space<hbm>>) dst(%dma_wait3A_810 : memref<128x16xf32, #tpu.memory_space<vmem>>)
    %dma_wait3A_816 = arith.constant 1920 : i32
    %dma_wait3A_817 = arith.constant 0 : i32
    %dma_wait3A_818 = tpu.memref_slice %arg7[%dma_wait3A_816, %dma_wait3A_817] : memref<2048x16xf32, #tpu.memory_space<vmem>> -> memref<128x16xf32, #tpu.memory_space<vmem>>
    %dma_wait3A_819 = arith.constant 1920 : i32
    %dma_wait3A_820 = tpu.memref_slice %arg6[%dma_wait3A_819] : memref<6144xi32, #tpu.memory_space<vmem>> -> memref<128xi32, #tpu.memory_space<vmem>>
    %dma_wait3A_821 = arith.constant 0 : i32
    %dma_wait3A_822 = arith.constant 0 : i32
    %dma_wait3A_823 = tpu.memref_slice %arg3[%dma_wait3A_821, %dma_wait3A_822] : memref<1000000x16xf32, #tpu.memory_space<hbm>> -> memref<1000000x16xf32, #tpu.memory_space<hbm>>
    tpu.wait_indirect_dma semaphore(%arg9 : memref<!tpu.dma_semaphore, #tpu.memory_space<semaphore_mem>>) src(%dma_wait3A_823 : memref<1000000x16xf32, #tpu.memory_space<hbm>>) dst(%dma_wait3A_818 : memref<128x16xf32, #tpu.memory_space<vmem>>)
    %mul3A_824 = arith.constant 2048 : i32
    %mul3A_825 = arith.muli %add3A, %mul3A_824 : i32
    %dma_start3A_826 = arith.constant 0 : i32
    %dma_start3A_827 = arith.constant 0 : i32
    %dma_start3A_828 = tpu.memref_slice %arg4[%dma_start3A_826, %mul3A_825, %dma_start3A_827] : memref<3x65536x16xf32, #tpu.memory_space<hbm>> -> memref<1x2048x16xf32, #tpu.memory_space<hbm>>
    %dma_start3A_829 = tpu.memref_squeeze %dma_start3A_828 : memref<1x2048x16xf32, #tpu.memory_space<hbm>> -> memref<2048x16xf32, #tpu.memory_space<hbm>>
    %dma_start3A_830 = arith.constant 0 : i32
    %dma_start3A_831 = tpu.memref_slice %arg4[%dma_start3A_826, %mul3A_825, %dma_start3A_830] : memref<3x65536x16xf32, #tpu.memory_space<hbm>> -> memref<1x2048x16xf32, #tpu.memory_space<hbm>>
    %dma_start3A_832 = tpu.memref_squeeze %dma_start3A_831 : memref<1x2048x16xf32, #tpu.memory_space<hbm>> -> memref<2048x16xf32, #tpu.memory_space<hbm>>
    tpu.enqueue_dma source(%arg7 : memref<2048x16xf32, #tpu.memory_space<vmem>>) target(%dma_start3A_832 : memref<2048x16xf32, #tpu.memory_space<hbm>>) target_semaphore(%arg10 : memref<!tpu.dma_semaphore, #tpu.memory_space<semaphore_mem>>)
    %dma_start3A_833 = arith.constant 0 : i32
    %dma_start3A_834 = arith.constant 0 : i32
    %dma_start3A_835 = tpu.memref_slice %arg8[%dma_start3A_833, %dma_start3A_834] : memref<2048x16xf32, #tpu.memory_space<vmem>> -> memref<128x16xf32, #tpu.memory_space<vmem>>
    %dma_start3A_836 = arith.constant 2048 : i32
    %dma_start3A_837 = tpu.memref_slice %arg6[%dma_start3A_836] : memref<6144xi32, #tpu.memory_space<vmem>> -> memref<128xi32, #tpu.memory_space<vmem>>
    %dma_start3A_838 = arith.constant 0 : i32
    %dma_start3A_839 = arith.constant 0 : i32
    %dma_start3A_840 = tpu.memref_slice %arg3[%dma_start3A_838, %dma_start3A_839] : memref<1000000x16xf32, #tpu.memory_space<hbm>> -> memref<1000000x16xf32, #tpu.memory_space<hbm>>
    tpu.enqueue_indirect_dma source(%dma_start3A_840 : memref<1000000x16xf32, #tpu.memory_space<hbm>>) target(%dma_start3A_835 : memref<128x16xf32, #tpu.memory_space<vmem>>) offsets(%dma_start3A_837 : memref<128xi32, #tpu.memory_space<vmem>>) semaphore(%arg9 : memref<!tpu.dma_semaphore, #tpu.memory_space<semaphore_mem>>)
    %dma_start3A_841 = arith.constant 128 : i32
    %dma_start3A_842 = arith.constant 0 : i32
    %dma_start3A_843 = tpu.memref_slice %arg8[%dma_start3A_841, %dma_start3A_842] : memref<2048x16xf32, #tpu.memory_space<vmem>> -> memref<128x16xf32, #tpu.memory_space<vmem>>
    %dma_start3A_844 = arith.constant 2176 : i32
    %dma_start3A_845 = tpu.memref_slice %arg6[%dma_start3A_844] : memref<6144xi32, #tpu.memory_space<vmem>> -> memref<128xi32, #tpu.memory_space<vmem>>
    %dma_start3A_846 = arith.constant 0 : i32
    %dma_start3A_847 = arith.constant 0 : i32
    %dma_start3A_848 = tpu.memref_slice %arg3[%dma_start3A_846, %dma_start3A_847] : memref<1000000x16xf32, #tpu.memory_space<hbm>> -> memref<1000000x16xf32, #tpu.memory_space<hbm>>
    tpu.enqueue_indirect_dma source(%dma_start3A_848 : memref<1000000x16xf32, #tpu.memory_space<hbm>>) target(%dma_start3A_843 : memref<128x16xf32, #tpu.memory_space<vmem>>) offsets(%dma_start3A_845 : memref<128xi32, #tpu.memory_space<vmem>>) semaphore(%arg9 : memref<!tpu.dma_semaphore, #tpu.memory_space<semaphore_mem>>)
    %dma_start3A_849 = arith.constant 256 : i32
    %dma_start3A_850 = arith.constant 0 : i32
    %dma_start3A_851 = tpu.memref_slice %arg8[%dma_start3A_849, %dma_start3A_850] : memref<2048x16xf32, #tpu.memory_space<vmem>> -> memref<128x16xf32, #tpu.memory_space<vmem>>
    %dma_start3A_852 = arith.constant 2304 : i32
    %dma_start3A_853 = tpu.memref_slice %arg6[%dma_start3A_852] : memref<6144xi32, #tpu.memory_space<vmem>> -> memref<128xi32, #tpu.memory_space<vmem>>
    %dma_start3A_854 = arith.constant 0 : i32
    %dma_start3A_855 = arith.constant 0 : i32
    %dma_start3A_856 = tpu.memref_slice %arg3[%dma_start3A_854, %dma_start3A_855] : memref<1000000x16xf32, #tpu.memory_space<hbm>> -> memref<1000000x16xf32, #tpu.memory_space<hbm>>
    tpu.enqueue_indirect_dma source(%dma_start3A_856 : memref<1000000x16xf32, #tpu.memory_space<hbm>>) target(%dma_start3A_851 : memref<128x16xf32, #tpu.memory_space<vmem>>) offsets(%dma_start3A_853 : memref<128xi32, #tpu.memory_space<vmem>>) semaphore(%arg9 : memref<!tpu.dma_semaphore, #tpu.memory_space<semaphore_mem>>)
    %dma_start3A_857 = arith.constant 384 : i32
    %dma_start3A_858 = arith.constant 0 : i32
    %dma_start3A_859 = tpu.memref_slice %arg8[%dma_start3A_857, %dma_start3A_858] : memref<2048x16xf32, #tpu.memory_space<vmem>> -> memref<128x16xf32, #tpu.memory_space<vmem>>
    %dma_start3A_860 = arith.constant 2432 : i32
    %dma_start3A_861 = tpu.memref_slice %arg6[%dma_start3A_860] : memref<6144xi32, #tpu.memory_space<vmem>> -> memref<128xi32, #tpu.memory_space<vmem>>
    %dma_start3A_862 = arith.constant 0 : i32
    %dma_start3A_863 = arith.constant 0 : i32
    %dma_start3A_864 = tpu.memref_slice %arg3[%dma_start3A_862, %dma_start3A_863] : memref<1000000x16xf32, #tpu.memory_space<hbm>> -> memref<1000000x16xf32, #tpu.memory_space<hbm>>
    tpu.enqueue_indirect_dma source(%dma_start3A_864 : memref<1000000x16xf32, #tpu.memory_space<hbm>>) target(%dma_start3A_859 : memref<128x16xf32, #tpu.memory_space<vmem>>) offsets(%dma_start3A_861 : memref<128xi32, #tpu.memory_space<vmem>>) semaphore(%arg9 : memref<!tpu.dma_semaphore, #tpu.memory_space<semaphore_mem>>)
    %dma_start3A_865 = arith.constant 512 : i32
    %dma_start3A_866 = arith.constant 0 : i32
    %dma_start3A_867 = tpu.memref_slice %arg8[%dma_start3A_865, %dma_start3A_866] : memref<2048x16xf32, #tpu.memory_space<vmem>> -> memref<128x16xf32, #tpu.memory_space<vmem>>
    %dma_start3A_868 = arith.constant 2560 : i32
    %dma_start3A_869 = tpu.memref_slice %arg6[%dma_start3A_868] : memref<6144xi32, #tpu.memory_space<vmem>> -> memref<128xi32, #tpu.memory_space<vmem>>
    %dma_start3A_870 = arith.constant 0 : i32
    %dma_start3A_871 = arith.constant 0 : i32
    %dma_start3A_872 = tpu.memref_slice %arg3[%dma_start3A_870, %dma_start3A_871] : memref<1000000x16xf32, #tpu.memory_space<hbm>> -> memref<1000000x16xf32, #tpu.memory_space<hbm>>
    tpu.enqueue_indirect_dma source(%dma_start3A_872 : memref<1000000x16xf32, #tpu.memory_space<hbm>>) target(%dma_start3A_867 : memref<128x16xf32, #tpu.memory_space<vmem>>) offsets(%dma_start3A_869 : memref<128xi32, #tpu.memory_space<vmem>>) semaphore(%arg9 : memref<!tpu.dma_semaphore, #tpu.memory_space<semaphore_mem>>)
    %dma_start3A_873 = arith.constant 640 : i32
    %dma_start3A_874 = arith.constant 0 : i32
    %dma_start3A_875 = tpu.memref_slice %arg8[%dma_start3A_873, %dma_start3A_874] : memref<2048x16xf32, #tpu.memory_space<vmem>> -> memref<128x16xf32, #tpu.memory_space<vmem>>
    %dma_start3A_876 = arith.constant 2688 : i32
    %dma_start3A_877 = tpu.memref_slice %arg6[%dma_start3A_876] : memref<6144xi32, #tpu.memory_space<vmem>> -> memref<128xi32, #tpu.memory_space<vmem>>
    %dma_start3A_878 = arith.constant 0 : i32
    %dma_start3A_879 = arith.constant 0 : i32
    %dma_start3A_880 = tpu.memref_slice %arg3[%dma_start3A_878, %dma_start3A_879] : memref<1000000x16xf32, #tpu.memory_space<hbm>> -> memref<1000000x16xf32, #tpu.memory_space<hbm>>
    tpu.enqueue_indirect_dma source(%dma_start3A_880 : memref<1000000x16xf32, #tpu.memory_space<hbm>>) target(%dma_start3A_875 : memref<128x16xf32, #tpu.memory_space<vmem>>) offsets(%dma_start3A_877 : memref<128xi32, #tpu.memory_space<vmem>>) semaphore(%arg9 : memref<!tpu.dma_semaphore, #tpu.memory_space<semaphore_mem>>)
    %dma_start3A_881 = arith.constant 768 : i32
    %dma_start3A_882 = arith.constant 0 : i32
    %dma_start3A_883 = tpu.memref_slice %arg8[%dma_start3A_881, %dma_start3A_882] : memref<2048x16xf32, #tpu.memory_space<vmem>> -> memref<128x16xf32, #tpu.memory_space<vmem>>
    %dma_start3A_884 = arith.constant 2816 : i32
    %dma_start3A_885 = tpu.memref_slice %arg6[%dma_start3A_884] : memref<6144xi32, #tpu.memory_space<vmem>> -> memref<128xi32, #tpu.memory_space<vmem>>
    %dma_start3A_886 = arith.constant 0 : i32
    %dma_start3A_887 = arith.constant 0 : i32
    %dma_start3A_888 = tpu.memref_slice %arg3[%dma_start3A_886, %dma_start3A_887] : memref<1000000x16xf32, #tpu.memory_space<hbm>> -> memref<1000000x16xf32, #tpu.memory_space<hbm>>
    tpu.enqueue_indirect_dma source(%dma_start3A_888 : memref<1000000x16xf32, #tpu.memory_space<hbm>>) target(%dma_start3A_883 : memref<128x16xf32, #tpu.memory_space<vmem>>) offsets(%dma_start3A_885 : memref<128xi32, #tpu.memory_space<vmem>>) semaphore(%arg9 : memref<!tpu.dma_semaphore, #tpu.memory_space<semaphore_mem>>)
    %dma_start3A_889 = arith.constant 896 : i32
    %dma_start3A_890 = arith.constant 0 : i32
    %dma_start3A_891 = tpu.memref_slice %arg8[%dma_start3A_889, %dma_start3A_890] : memref<2048x16xf32, #tpu.memory_space<vmem>> -> memref<128x16xf32, #tpu.memory_space<vmem>>
    %dma_start3A_892 = arith.constant 2944 : i32
    %dma_start3A_893 = tpu.memref_slice %arg6[%dma_start3A_892] : memref<6144xi32, #tpu.memory_space<vmem>> -> memref<128xi32, #tpu.memory_space<vmem>>
    %dma_start3A_894 = arith.constant 0 : i32
    %dma_start3A_895 = arith.constant 0 : i32
    %dma_start3A_896 = tpu.memref_slice %arg3[%dma_start3A_894, %dma_start3A_895] : memref<1000000x16xf32, #tpu.memory_space<hbm>> -> memref<1000000x16xf32, #tpu.memory_space<hbm>>
    tpu.enqueue_indirect_dma source(%dma_start3A_896 : memref<1000000x16xf32, #tpu.memory_space<hbm>>) target(%dma_start3A_891 : memref<128x16xf32, #tpu.memory_space<vmem>>) offsets(%dma_start3A_893 : memref<128xi32, #tpu.memory_space<vmem>>) semaphore(%arg9 : memref<!tpu.dma_semaphore, #tpu.memory_space<semaphore_mem>>)
    %dma_start3A_897 = arith.constant 1024 : i32
    %dma_start3A_898 = arith.constant 0 : i32
    %dma_start3A_899 = tpu.memref_slice %arg8[%dma_start3A_897, %dma_start3A_898] : memref<2048x16xf32, #tpu.memory_space<vmem>> -> memref<128x16xf32, #tpu.memory_space<vmem>>
    %dma_start3A_900 = arith.constant 3072 : i32
    %dma_start3A_901 = tpu.memref_slice %arg6[%dma_start3A_900] : memref<6144xi32, #tpu.memory_space<vmem>> -> memref<128xi32, #tpu.memory_space<vmem>>
    %dma_start3A_902 = arith.constant 0 : i32
    %dma_start3A_903 = arith.constant 0 : i32
    %dma_start3A_904 = tpu.memref_slice %arg3[%dma_start3A_902, %dma_start3A_903] : memref<1000000x16xf32, #tpu.memory_space<hbm>> -> memref<1000000x16xf32, #tpu.memory_space<hbm>>
    tpu.enqueue_indirect_dma source(%dma_start3A_904 : memref<1000000x16xf32, #tpu.memory_space<hbm>>) target(%dma_start3A_899 : memref<128x16xf32, #tpu.memory_space<vmem>>) offsets(%dma_start3A_901 : memref<128xi32, #tpu.memory_space<vmem>>) semaphore(%arg9 : memref<!tpu.dma_semaphore, #tpu.memory_space<semaphore_mem>>)
    %dma_start3A_905 = arith.constant 1152 : i32
    %dma_start3A_906 = arith.constant 0 : i32
    %dma_start3A_907 = tpu.memref_slice %arg8[%dma_start3A_905, %dma_start3A_906] : memref<2048x16xf32, #tpu.memory_space<vmem>> -> memref<128x16xf32, #tpu.memory_space<vmem>>
    %dma_start3A_908 = arith.constant 3200 : i32
    %dma_start3A_909 = tpu.memref_slice %arg6[%dma_start3A_908] : memref<6144xi32, #tpu.memory_space<vmem>> -> memref<128xi32, #tpu.memory_space<vmem>>
    %dma_start3A_910 = arith.constant 0 : i32
    %dma_start3A_911 = arith.constant 0 : i32
    %dma_start3A_912 = tpu.memref_slice %arg3[%dma_start3A_910, %dma_start3A_911] : memref<1000000x16xf32, #tpu.memory_space<hbm>> -> memref<1000000x16xf32, #tpu.memory_space<hbm>>
    tpu.enqueue_indirect_dma source(%dma_start3A_912 : memref<1000000x16xf32, #tpu.memory_space<hbm>>) target(%dma_start3A_907 : memref<128x16xf32, #tpu.memory_space<vmem>>) offsets(%dma_start3A_909 : memref<128xi32, #tpu.memory_space<vmem>>) semaphore(%arg9 : memref<!tpu.dma_semaphore, #tpu.memory_space<semaphore_mem>>)
    %dma_start3A_913 = arith.constant 1280 : i32
    %dma_start3A_914 = arith.constant 0 : i32
    %dma_start3A_915 = tpu.memref_slice %arg8[%dma_start3A_913, %dma_start3A_914] : memref<2048x16xf32, #tpu.memory_space<vmem>> -> memref<128x16xf32, #tpu.memory_space<vmem>>
    %dma_start3A_916 = arith.constant 3328 : i32
    %dma_start3A_917 = tpu.memref_slice %arg6[%dma_start3A_916] : memref<6144xi32, #tpu.memory_space<vmem>> -> memref<128xi32, #tpu.memory_space<vmem>>
    %dma_start3A_918 = arith.constant 0 : i32
    %dma_start3A_919 = arith.constant 0 : i32
    %dma_start3A_920 = tpu.memref_slice %arg3[%dma_start3A_918, %dma_start3A_919] : memref<1000000x16xf32, #tpu.memory_space<hbm>> -> memref<1000000x16xf32, #tpu.memory_space<hbm>>
    tpu.enqueue_indirect_dma source(%dma_start3A_920 : memref<1000000x16xf32, #tpu.memory_space<hbm>>) target(%dma_start3A_915 : memref<128x16xf32, #tpu.memory_space<vmem>>) offsets(%dma_start3A_917 : memref<128xi32, #tpu.memory_space<vmem>>) semaphore(%arg9 : memref<!tpu.dma_semaphore, #tpu.memory_space<semaphore_mem>>)
    %dma_start3A_921 = arith.constant 1408 : i32
    %dma_start3A_922 = arith.constant 0 : i32
    %dma_start3A_923 = tpu.memref_slice %arg8[%dma_start3A_921, %dma_start3A_922] : memref<2048x16xf32, #tpu.memory_space<vmem>> -> memref<128x16xf32, #tpu.memory_space<vmem>>
    %dma_start3A_924 = arith.constant 3456 : i32
    %dma_start3A_925 = tpu.memref_slice %arg6[%dma_start3A_924] : memref<6144xi32, #tpu.memory_space<vmem>> -> memref<128xi32, #tpu.memory_space<vmem>>
    %dma_start3A_926 = arith.constant 0 : i32
    %dma_start3A_927 = arith.constant 0 : i32
    %dma_start3A_928 = tpu.memref_slice %arg3[%dma_start3A_926, %dma_start3A_927] : memref<1000000x16xf32, #tpu.memory_space<hbm>> -> memref<1000000x16xf32, #tpu.memory_space<hbm>>
    tpu.enqueue_indirect_dma source(%dma_start3A_928 : memref<1000000x16xf32, #tpu.memory_space<hbm>>) target(%dma_start3A_923 : memref<128x16xf32, #tpu.memory_space<vmem>>) offsets(%dma_start3A_925 : memref<128xi32, #tpu.memory_space<vmem>>) semaphore(%arg9 : memref<!tpu.dma_semaphore, #tpu.memory_space<semaphore_mem>>)
    %dma_start3A_929 = arith.constant 1536 : i32
    %dma_start3A_930 = arith.constant 0 : i32
    %dma_start3A_931 = tpu.memref_slice %arg8[%dma_start3A_929, %dma_start3A_930] : memref<2048x16xf32, #tpu.memory_space<vmem>> -> memref<128x16xf32, #tpu.memory_space<vmem>>
    %dma_start3A_932 = arith.constant 3584 : i32
    %dma_start3A_933 = tpu.memref_slice %arg6[%dma_start3A_932] : memref<6144xi32, #tpu.memory_space<vmem>> -> memref<128xi32, #tpu.memory_space<vmem>>
    %dma_start3A_934 = arith.constant 0 : i32
    %dma_start3A_935 = arith.constant 0 : i32
    %dma_start3A_936 = tpu.memref_slice %arg3[%dma_start3A_934, %dma_start3A_935] : memref<1000000x16xf32, #tpu.memory_space<hbm>> -> memref<1000000x16xf32, #tpu.memory_space<hbm>>
    tpu.enqueue_indirect_dma source(%dma_start3A_936 : memref<1000000x16xf32, #tpu.memory_space<hbm>>) target(%dma_start3A_931 : memref<128x16xf32, #tpu.memory_space<vmem>>) offsets(%dma_start3A_933 : memref<128xi32, #tpu.memory_space<vmem>>) semaphore(%arg9 : memref<!tpu.dma_semaphore, #tpu.memory_space<semaphore_mem>>)
    %dma_start3A_937 = arith.constant 1664 : i32
    %dma_start3A_938 = arith.constant 0 : i32
    %dma_start3A_939 = tpu.memref_slice %arg8[%dma_start3A_937, %dma_start3A_938] : memref<2048x16xf32, #tpu.memory_space<vmem>> -> memref<128x16xf32, #tpu.memory_space<vmem>>
    %dma_start3A_940 = arith.constant 3712 : i32
    %dma_start3A_941 = tpu.memref_slice %arg6[%dma_start3A_940] : memref<6144xi32, #tpu.memory_space<vmem>> -> memref<128xi32, #tpu.memory_space<vmem>>
    %dma_start3A_942 = arith.constant 0 : i32
    %dma_start3A_943 = arith.constant 0 : i32
    %dma_start3A_944 = tpu.memref_slice %arg3[%dma_start3A_942, %dma_start3A_943] : memref<1000000x16xf32, #tpu.memory_space<hbm>> -> memref<1000000x16xf32, #tpu.memory_space<hbm>>
    tpu.enqueue_indirect_dma source(%dma_start3A_944 : memref<1000000x16xf32, #tpu.memory_space<hbm>>) target(%dma_start3A_939 : memref<128x16xf32, #tpu.memory_space<vmem>>) offsets(%dma_start3A_941 : memref<128xi32, #tpu.memory_space<vmem>>) semaphore(%arg9 : memref<!tpu.dma_semaphore, #tpu.memory_space<semaphore_mem>>)
    %dma_start3A_945 = arith.constant 1792 : i32
    %dma_start3A_946 = arith.constant 0 : i32
    %dma_start3A_947 = tpu.memref_slice %arg8[%dma_start3A_945, %dma_start3A_946] : memref<2048x16xf32, #tpu.memory_space<vmem>> -> memref<128x16xf32, #tpu.memory_space<vmem>>
    %dma_start3A_948 = arith.constant 3840 : i32
    %dma_start3A_949 = tpu.memref_slice %arg6[%dma_start3A_948] : memref<6144xi32, #tpu.memory_space<vmem>> -> memref<128xi32, #tpu.memory_space<vmem>>
    %dma_start3A_950 = arith.constant 0 : i32
    %dma_start3A_951 = arith.constant 0 : i32
    %dma_start3A_952 = tpu.memref_slice %arg3[%dma_start3A_950, %dma_start3A_951] : memref<1000000x16xf32, #tpu.memory_space<hbm>> -> memref<1000000x16xf32, #tpu.memory_space<hbm>>
    tpu.enqueue_indirect_dma source(%dma_start3A_952 : memref<1000000x16xf32, #tpu.memory_space<hbm>>) target(%dma_start3A_947 : memref<128x16xf32, #tpu.memory_space<vmem>>) offsets(%dma_start3A_949 : memref<128xi32, #tpu.memory_space<vmem>>) semaphore(%arg9 : memref<!tpu.dma_semaphore, #tpu.memory_space<semaphore_mem>>)
    %dma_start3A_953 = arith.constant 1920 : i32
    %dma_start3A_954 = arith.constant 0 : i32
    %dma_start3A_955 = tpu.memref_slice %arg8[%dma_start3A_953, %dma_start3A_954] : memref<2048x16xf32, #tpu.memory_space<vmem>> -> memref<128x16xf32, #tpu.memory_space<vmem>>
    %dma_start3A_956 = arith.constant 3968 : i32
    %dma_start3A_957 = tpu.memref_slice %arg6[%dma_start3A_956] : memref<6144xi32, #tpu.memory_space<vmem>> -> memref<128xi32, #tpu.memory_space<vmem>>
    %dma_start3A_958 = arith.constant 0 : i32
    %dma_start3A_959 = arith.constant 0 : i32
    %dma_start3A_960 = tpu.memref_slice %arg3[%dma_start3A_958, %dma_start3A_959] : memref<1000000x16xf32, #tpu.memory_space<hbm>> -> memref<1000000x16xf32, #tpu.memory_space<hbm>>
    tpu.enqueue_indirect_dma source(%dma_start3A_960 : memref<1000000x16xf32, #tpu.memory_space<hbm>>) target(%dma_start3A_955 : memref<128x16xf32, #tpu.memory_space<vmem>>) offsets(%dma_start3A_957 : memref<128xi32, #tpu.memory_space<vmem>>) semaphore(%arg9 : memref<!tpu.dma_semaphore, #tpu.memory_space<semaphore_mem>>)
    %dma_wait3A_961 = arith.constant 0 : i32
    %dma_wait3A_962 = arith.constant 0 : i32
    %dma_wait3A_963 = tpu.memref_slice %arg8[%dma_wait3A_961, %dma_wait3A_962] : memref<2048x16xf32, #tpu.memory_space<vmem>> -> memref<128x16xf32, #tpu.memory_space<vmem>>
    %dma_wait3A_964 = arith.constant 2048 : i32
    %dma_wait3A_965 = tpu.memref_slice %arg6[%dma_wait3A_964] : memref<6144xi32, #tpu.memory_space<vmem>> -> memref<128xi32, #tpu.memory_space<vmem>>
    %dma_wait3A_966 = arith.constant 0 : i32
    %dma_wait3A_967 = arith.constant 0 : i32
    %dma_wait3A_968 = tpu.memref_slice %arg3[%dma_wait3A_966, %dma_wait3A_967] : memref<1000000x16xf32, #tpu.memory_space<hbm>> -> memref<1000000x16xf32, #tpu.memory_space<hbm>>
    tpu.wait_indirect_dma semaphore(%arg9 : memref<!tpu.dma_semaphore, #tpu.memory_space<semaphore_mem>>) src(%dma_wait3A_968 : memref<1000000x16xf32, #tpu.memory_space<hbm>>) dst(%dma_wait3A_963 : memref<128x16xf32, #tpu.memory_space<vmem>>)
    %dma_wait3A_969 = arith.constant 128 : i32
    %dma_wait3A_970 = arith.constant 0 : i32
    %dma_wait3A_971 = tpu.memref_slice %arg8[%dma_wait3A_969, %dma_wait3A_970] : memref<2048x16xf32, #tpu.memory_space<vmem>> -> memref<128x16xf32, #tpu.memory_space<vmem>>
    %dma_wait3A_972 = arith.constant 2176 : i32
    %dma_wait3A_973 = tpu.memref_slice %arg6[%dma_wait3A_972] : memref<6144xi32, #tpu.memory_space<vmem>> -> memref<128xi32, #tpu.memory_space<vmem>>
    %dma_wait3A_974 = arith.constant 0 : i32
    %dma_wait3A_975 = arith.constant 0 : i32
    %dma_wait3A_976 = tpu.memref_slice %arg3[%dma_wait3A_974, %dma_wait3A_975] : memref<1000000x16xf32, #tpu.memory_space<hbm>> -> memref<1000000x16xf32, #tpu.memory_space<hbm>>
    tpu.wait_indirect_dma semaphore(%arg9 : memref<!tpu.dma_semaphore, #tpu.memory_space<semaphore_mem>>) src(%dma_wait3A_976 : memref<1000000x16xf32, #tpu.memory_space<hbm>>) dst(%dma_wait3A_971 : memref<128x16xf32, #tpu.memory_space<vmem>>)
    %dma_wait3A_977 = arith.constant 256 : i32
    %dma_wait3A_978 = arith.constant 0 : i32
    %dma_wait3A_979 = tpu.memref_slice %arg8[%dma_wait3A_977, %dma_wait3A_978] : memref<2048x16xf32, #tpu.memory_space<vmem>> -> memref<128x16xf32, #tpu.memory_space<vmem>>
    %dma_wait3A_980 = arith.constant 2304 : i32
    %dma_wait3A_981 = tpu.memref_slice %arg6[%dma_wait3A_980] : memref<6144xi32, #tpu.memory_space<vmem>> -> memref<128xi32, #tpu.memory_space<vmem>>
    %dma_wait3A_982 = arith.constant 0 : i32
    %dma_wait3A_983 = arith.constant 0 : i32
    %dma_wait3A_984 = tpu.memref_slice %arg3[%dma_wait3A_982, %dma_wait3A_983] : memref<1000000x16xf32, #tpu.memory_space<hbm>> -> memref<1000000x16xf32, #tpu.memory_space<hbm>>
    tpu.wait_indirect_dma semaphore(%arg9 : memref<!tpu.dma_semaphore, #tpu.memory_space<semaphore_mem>>) src(%dma_wait3A_984 : memref<1000000x16xf32, #tpu.memory_space<hbm>>) dst(%dma_wait3A_979 : memref<128x16xf32, #tpu.memory_space<vmem>>)
    %dma_wait3A_985 = arith.constant 384 : i32
    %dma_wait3A_986 = arith.constant 0 : i32
    %dma_wait3A_987 = tpu.memref_slice %arg8[%dma_wait3A_985, %dma_wait3A_986] : memref<2048x16xf32, #tpu.memory_space<vmem>> -> memref<128x16xf32, #tpu.memory_space<vmem>>
    %dma_wait3A_988 = arith.constant 2432 : i32
    %dma_wait3A_989 = tpu.memref_slice %arg6[%dma_wait3A_988] : memref<6144xi32, #tpu.memory_space<vmem>> -> memref<128xi32, #tpu.memory_space<vmem>>
    %dma_wait3A_990 = arith.constant 0 : i32
    %dma_wait3A_991 = arith.constant 0 : i32
    %dma_wait3A_992 = tpu.memref_slice %arg3[%dma_wait3A_990, %dma_wait3A_991] : memref<1000000x16xf32, #tpu.memory_space<hbm>> -> memref<1000000x16xf32, #tpu.memory_space<hbm>>
    tpu.wait_indirect_dma semaphore(%arg9 : memref<!tpu.dma_semaphore, #tpu.memory_space<semaphore_mem>>) src(%dma_wait3A_992 : memref<1000000x16xf32, #tpu.memory_space<hbm>>) dst(%dma_wait3A_987 : memref<128x16xf32, #tpu.memory_space<vmem>>)
    %dma_wait3A_993 = arith.constant 512 : i32
    %dma_wait3A_994 = arith.constant 0 : i32
    %dma_wait3A_995 = tpu.memref_slice %arg8[%dma_wait3A_993, %dma_wait3A_994] : memref<2048x16xf32, #tpu.memory_space<vmem>> -> memref<128x16xf32, #tpu.memory_space<vmem>>
    %dma_wait3A_996 = arith.constant 2560 : i32
    %dma_wait3A_997 = tpu.memref_slice %arg6[%dma_wait3A_996] : memref<6144xi32, #tpu.memory_space<vmem>> -> memref<128xi32, #tpu.memory_space<vmem>>
    %dma_wait3A_998 = arith.constant 0 : i32
    %dma_wait3A_999 = arith.constant 0 : i32
    %dma_wait3A_1000 = tpu.memref_slice %arg3[%dma_wait3A_998, %dma_wait3A_999] : memref<1000000x16xf32, #tpu.memory_space<hbm>> -> memref<1000000x16xf32, #tpu.memory_space<hbm>>
    tpu.wait_indirect_dma semaphore(%arg9 : memref<!tpu.dma_semaphore, #tpu.memory_space<semaphore_mem>>) src(%dma_wait3A_1000 : memref<1000000x16xf32, #tpu.memory_space<hbm>>) dst(%dma_wait3A_995 : memref<128x16xf32, #tpu.memory_space<vmem>>)
    %dma_wait3A_1001 = arith.constant 640 : i32
    %dma_wait3A_1002 = arith.constant 0 : i32
    %dma_wait3A_1003 = tpu.memref_slice %arg8[%dma_wait3A_1001, %dma_wait3A_1002] : memref<2048x16xf32, #tpu.memory_space<vmem>> -> memref<128x16xf32, #tpu.memory_space<vmem>>
    %dma_wait3A_1004 = arith.constant 2688 : i32
    %dma_wait3A_1005 = tpu.memref_slice %arg6[%dma_wait3A_1004] : memref<6144xi32, #tpu.memory_space<vmem>> -> memref<128xi32, #tpu.memory_space<vmem>>
    %dma_wait3A_1006 = arith.constant 0 : i32
    %dma_wait3A_1007 = arith.constant 0 : i32
    %dma_wait3A_1008 = tpu.memref_slice %arg3[%dma_wait3A_1006, %dma_wait3A_1007] : memref<1000000x16xf32, #tpu.memory_space<hbm>> -> memref<1000000x16xf32, #tpu.memory_space<hbm>>
    tpu.wait_indirect_dma semaphore(%arg9 : memref<!tpu.dma_semaphore, #tpu.memory_space<semaphore_mem>>) src(%dma_wait3A_1008 : memref<1000000x16xf32, #tpu.memory_space<hbm>>) dst(%dma_wait3A_1003 : memref<128x16xf32, #tpu.memory_space<vmem>>)
    %dma_wait3A_1009 = arith.constant 768 : i32
    %dma_wait3A_1010 = arith.constant 0 : i32
    %dma_wait3A_1011 = tpu.memref_slice %arg8[%dma_wait3A_1009, %dma_wait3A_1010] : memref<2048x16xf32, #tpu.memory_space<vmem>> -> memref<128x16xf32, #tpu.memory_space<vmem>>
    %dma_wait3A_1012 = arith.constant 2816 : i32
    %dma_wait3A_1013 = tpu.memref_slice %arg6[%dma_wait3A_1012] : memref<6144xi32, #tpu.memory_space<vmem>> -> memref<128xi32, #tpu.memory_space<vmem>>
    %dma_wait3A_1014 = arith.constant 0 : i32
    %dma_wait3A_1015 = arith.constant 0 : i32
    %dma_wait3A_1016 = tpu.memref_slice %arg3[%dma_wait3A_1014, %dma_wait3A_1015] : memref<1000000x16xf32, #tpu.memory_space<hbm>> -> memref<1000000x16xf32, #tpu.memory_space<hbm>>
    tpu.wait_indirect_dma semaphore(%arg9 : memref<!tpu.dma_semaphore, #tpu.memory_space<semaphore_mem>>) src(%dma_wait3A_1016 : memref<1000000x16xf32, #tpu.memory_space<hbm>>) dst(%dma_wait3A_1011 : memref<128x16xf32, #tpu.memory_space<vmem>>)
    %dma_wait3A_1017 = arith.constant 896 : i32
    %dma_wait3A_1018 = arith.constant 0 : i32
    %dma_wait3A_1019 = tpu.memref_slice %arg8[%dma_wait3A_1017, %dma_wait3A_1018] : memref<2048x16xf32, #tpu.memory_space<vmem>> -> memref<128x16xf32, #tpu.memory_space<vmem>>
    %dma_wait3A_1020 = arith.constant 2944 : i32
    %dma_wait3A_1021 = tpu.memref_slice %arg6[%dma_wait3A_1020] : memref<6144xi32, #tpu.memory_space<vmem>> -> memref<128xi32, #tpu.memory_space<vmem>>
    %dma_wait3A_1022 = arith.constant 0 : i32
    %dma_wait3A_1023 = arith.constant 0 : i32
    %dma_wait3A_1024 = tpu.memref_slice %arg3[%dma_wait3A_1022, %dma_wait3A_1023] : memref<1000000x16xf32, #tpu.memory_space<hbm>> -> memref<1000000x16xf32, #tpu.memory_space<hbm>>
    tpu.wait_indirect_dma semaphore(%arg9 : memref<!tpu.dma_semaphore, #tpu.memory_space<semaphore_mem>>) src(%dma_wait3A_1024 : memref<1000000x16xf32, #tpu.memory_space<hbm>>) dst(%dma_wait3A_1019 : memref<128x16xf32, #tpu.memory_space<vmem>>)
    %dma_wait3A_1025 = arith.constant 1024 : i32
    %dma_wait3A_1026 = arith.constant 0 : i32
    %dma_wait3A_1027 = tpu.memref_slice %arg8[%dma_wait3A_1025, %dma_wait3A_1026] : memref<2048x16xf32, #tpu.memory_space<vmem>> -> memref<128x16xf32, #tpu.memory_space<vmem>>
    %dma_wait3A_1028 = arith.constant 3072 : i32
    %dma_wait3A_1029 = tpu.memref_slice %arg6[%dma_wait3A_1028] : memref<6144xi32, #tpu.memory_space<vmem>> -> memref<128xi32, #tpu.memory_space<vmem>>
    %dma_wait3A_1030 = arith.constant 0 : i32
    %dma_wait3A_1031 = arith.constant 0 : i32
    %dma_wait3A_1032 = tpu.memref_slice %arg3[%dma_wait3A_1030, %dma_wait3A_1031] : memref<1000000x16xf32, #tpu.memory_space<hbm>> -> memref<1000000x16xf32, #tpu.memory_space<hbm>>
    tpu.wait_indirect_dma semaphore(%arg9 : memref<!tpu.dma_semaphore, #tpu.memory_space<semaphore_mem>>) src(%dma_wait3A_1032 : memref<1000000x16xf32, #tpu.memory_space<hbm>>) dst(%dma_wait3A_1027 : memref<128x16xf32, #tpu.memory_space<vmem>>)
    %dma_wait3A_1033 = arith.constant 1152 : i32
    %dma_wait3A_1034 = arith.constant 0 : i32
    %dma_wait3A_1035 = tpu.memref_slice %arg8[%dma_wait3A_1033, %dma_wait3A_1034] : memref<2048x16xf32, #tpu.memory_space<vmem>> -> memref<128x16xf32, #tpu.memory_space<vmem>>
    %dma_wait3A_1036 = arith.constant 3200 : i32
    %dma_wait3A_1037 = tpu.memref_slice %arg6[%dma_wait3A_1036] : memref<6144xi32, #tpu.memory_space<vmem>> -> memref<128xi32, #tpu.memory_space<vmem>>
    %dma_wait3A_1038 = arith.constant 0 : i32
    %dma_wait3A_1039 = arith.constant 0 : i32
    %dma_wait3A_1040 = tpu.memref_slice %arg3[%dma_wait3A_1038, %dma_wait3A_1039] : memref<1000000x16xf32, #tpu.memory_space<hbm>> -> memref<1000000x16xf32, #tpu.memory_space<hbm>>
    tpu.wait_indirect_dma semaphore(%arg9 : memref<!tpu.dma_semaphore, #tpu.memory_space<semaphore_mem>>) src(%dma_wait3A_1040 : memref<1000000x16xf32, #tpu.memory_space<hbm>>) dst(%dma_wait3A_1035 : memref<128x16xf32, #tpu.memory_space<vmem>>)
    %dma_wait3A_1041 = arith.constant 1280 : i32
    %dma_wait3A_1042 = arith.constant 0 : i32
    %dma_wait3A_1043 = tpu.memref_slice %arg8[%dma_wait3A_1041, %dma_wait3A_1042] : memref<2048x16xf32, #tpu.memory_space<vmem>> -> memref<128x16xf32, #tpu.memory_space<vmem>>
    %dma_wait3A_1044 = arith.constant 3328 : i32
    %dma_wait3A_1045 = tpu.memref_slice %arg6[%dma_wait3A_1044] : memref<6144xi32, #tpu.memory_space<vmem>> -> memref<128xi32, #tpu.memory_space<vmem>>
    %dma_wait3A_1046 = arith.constant 0 : i32
    %dma_wait3A_1047 = arith.constant 0 : i32
    %dma_wait3A_1048 = tpu.memref_slice %arg3[%dma_wait3A_1046, %dma_wait3A_1047] : memref<1000000x16xf32, #tpu.memory_space<hbm>> -> memref<1000000x16xf32, #tpu.memory_space<hbm>>
    tpu.wait_indirect_dma semaphore(%arg9 : memref<!tpu.dma_semaphore, #tpu.memory_space<semaphore_mem>>) src(%dma_wait3A_1048 : memref<1000000x16xf32, #tpu.memory_space<hbm>>) dst(%dma_wait3A_1043 : memref<128x16xf32, #tpu.memory_space<vmem>>)
    %dma_wait3A_1049 = arith.constant 1408 : i32
    %dma_wait3A_1050 = arith.constant 0 : i32
    %dma_wait3A_1051 = tpu.memref_slice %arg8[%dma_wait3A_1049, %dma_wait3A_1050] : memref<2048x16xf32, #tpu.memory_space<vmem>> -> memref<128x16xf32, #tpu.memory_space<vmem>>
    %dma_wait3A_1052 = arith.constant 3456 : i32
    %dma_wait3A_1053 = tpu.memref_slice %arg6[%dma_wait3A_1052] : memref<6144xi32, #tpu.memory_space<vmem>> -> memref<128xi32, #tpu.memory_space<vmem>>
    %dma_wait3A_1054 = arith.constant 0 : i32
    %dma_wait3A_1055 = arith.constant 0 : i32
    %dma_wait3A_1056 = tpu.memref_slice %arg3[%dma_wait3A_1054, %dma_wait3A_1055] : memref<1000000x16xf32, #tpu.memory_space<hbm>> -> memref<1000000x16xf32, #tpu.memory_space<hbm>>
    tpu.wait_indirect_dma semaphore(%arg9 : memref<!tpu.dma_semaphore, #tpu.memory_space<semaphore_mem>>) src(%dma_wait3A_1056 : memref<1000000x16xf32, #tpu.memory_space<hbm>>) dst(%dma_wait3A_1051 : memref<128x16xf32, #tpu.memory_space<vmem>>)
    %dma_wait3A_1057 = arith.constant 1536 : i32
    %dma_wait3A_1058 = arith.constant 0 : i32
    %dma_wait3A_1059 = tpu.memref_slice %arg8[%dma_wait3A_1057, %dma_wait3A_1058] : memref<2048x16xf32, #tpu.memory_space<vmem>> -> memref<128x16xf32, #tpu.memory_space<vmem>>
    %dma_wait3A_1060 = arith.constant 3584 : i32
    %dma_wait3A_1061 = tpu.memref_slice %arg6[%dma_wait3A_1060] : memref<6144xi32, #tpu.memory_space<vmem>> -> memref<128xi32, #tpu.memory_space<vmem>>
    %dma_wait3A_1062 = arith.constant 0 : i32
    %dma_wait3A_1063 = arith.constant 0 : i32
    %dma_wait3A_1064 = tpu.memref_slice %arg3[%dma_wait3A_1062, %dma_wait3A_1063] : memref<1000000x16xf32, #tpu.memory_space<hbm>> -> memref<1000000x16xf32, #tpu.memory_space<hbm>>
    tpu.wait_indirect_dma semaphore(%arg9 : memref<!tpu.dma_semaphore, #tpu.memory_space<semaphore_mem>>) src(%dma_wait3A_1064 : memref<1000000x16xf32, #tpu.memory_space<hbm>>) dst(%dma_wait3A_1059 : memref<128x16xf32, #tpu.memory_space<vmem>>)
    %dma_wait3A_1065 = arith.constant 1664 : i32
    %dma_wait3A_1066 = arith.constant 0 : i32
    %dma_wait3A_1067 = tpu.memref_slice %arg8[%dma_wait3A_1065, %dma_wait3A_1066] : memref<2048x16xf32, #tpu.memory_space<vmem>> -> memref<128x16xf32, #tpu.memory_space<vmem>>
    %dma_wait3A_1068 = arith.constant 3712 : i32
    %dma_wait3A_1069 = tpu.memref_slice %arg6[%dma_wait3A_1068] : memref<6144xi32, #tpu.memory_space<vmem>> -> memref<128xi32, #tpu.memory_space<vmem>>
    %dma_wait3A_1070 = arith.constant 0 : i32
    %dma_wait3A_1071 = arith.constant 0 : i32
    %dma_wait3A_1072 = tpu.memref_slice %arg3[%dma_wait3A_1070, %dma_wait3A_1071] : memref<1000000x16xf32, #tpu.memory_space<hbm>> -> memref<1000000x16xf32, #tpu.memory_space<hbm>>
    tpu.wait_indirect_dma semaphore(%arg9 : memref<!tpu.dma_semaphore, #tpu.memory_space<semaphore_mem>>) src(%dma_wait3A_1072 : memref<1000000x16xf32, #tpu.memory_space<hbm>>) dst(%dma_wait3A_1067 : memref<128x16xf32, #tpu.memory_space<vmem>>)
    %dma_wait3A_1073 = arith.constant 1792 : i32
    %dma_wait3A_1074 = arith.constant 0 : i32
    %dma_wait3A_1075 = tpu.memref_slice %arg8[%dma_wait3A_1073, %dma_wait3A_1074] : memref<2048x16xf32, #tpu.memory_space<vmem>> -> memref<128x16xf32, #tpu.memory_space<vmem>>
    %dma_wait3A_1076 = arith.constant 3840 : i32
    %dma_wait3A_1077 = tpu.memref_slice %arg6[%dma_wait3A_1076] : memref<6144xi32, #tpu.memory_space<vmem>> -> memref<128xi32, #tpu.memory_space<vmem>>
    %dma_wait3A_1078 = arith.constant 0 : i32
    %dma_wait3A_1079 = arith.constant 0 : i32
    %dma_wait3A_1080 = tpu.memref_slice %arg3[%dma_wait3A_1078, %dma_wait3A_1079] : memref<1000000x16xf32, #tpu.memory_space<hbm>> -> memref<1000000x16xf32, #tpu.memory_space<hbm>>
    tpu.wait_indirect_dma semaphore(%arg9 : memref<!tpu.dma_semaphore, #tpu.memory_space<semaphore_mem>>) src(%dma_wait3A_1080 : memref<1000000x16xf32, #tpu.memory_space<hbm>>) dst(%dma_wait3A_1075 : memref<128x16xf32, #tpu.memory_space<vmem>>)
    %dma_wait3A_1081 = arith.constant 1920 : i32
    %dma_wait3A_1082 = arith.constant 0 : i32
    %dma_wait3A_1083 = tpu.memref_slice %arg8[%dma_wait3A_1081, %dma_wait3A_1082] : memref<2048x16xf32, #tpu.memory_space<vmem>> -> memref<128x16xf32, #tpu.memory_space<vmem>>
    %dma_wait3A_1084 = arith.constant 3968 : i32
    %dma_wait3A_1085 = tpu.memref_slice %arg6[%dma_wait3A_1084] : memref<6144xi32, #tpu.memory_space<vmem>> -> memref<128xi32, #tpu.memory_space<vmem>>
    %dma_wait3A_1086 = arith.constant 0 : i32
    %dma_wait3A_1087 = arith.constant 0 : i32
    %dma_wait3A_1088 = tpu.memref_slice %arg3[%dma_wait3A_1086, %dma_wait3A_1087] : memref<1000000x16xf32, #tpu.memory_space<hbm>> -> memref<1000000x16xf32, #tpu.memory_space<hbm>>
    tpu.wait_indirect_dma semaphore(%arg9 : memref<!tpu.dma_semaphore, #tpu.memory_space<semaphore_mem>>) src(%dma_wait3A_1088 : memref<1000000x16xf32, #tpu.memory_space<hbm>>) dst(%dma_wait3A_1083 : memref<128x16xf32, #tpu.memory_space<vmem>>)
    %mul3A_1089 = arith.constant 2048 : i32
    %mul3A_1090 = arith.muli %add3A, %mul3A_1089 : i32
    %dma_start3A_1091 = arith.constant 1 : i32
    %dma_start3A_1092 = arith.constant 0 : i32
    %dma_start3A_1093 = tpu.memref_slice %arg4[%dma_start3A_1091, %mul3A_1090, %dma_start3A_1092] : memref<3x65536x16xf32, #tpu.memory_space<hbm>> -> memref<1x2048x16xf32, #tpu.memory_space<hbm>>
    %dma_start3A_1094 = tpu.memref_squeeze %dma_start3A_1093 : memref<1x2048x16xf32, #tpu.memory_space<hbm>> -> memref<2048x16xf32, #tpu.memory_space<hbm>>
    %dma_start3A_1095 = arith.constant 0 : i32
    %dma_start3A_1096 = tpu.memref_slice %arg4[%dma_start3A_1091, %mul3A_1090, %dma_start3A_1095] : memref<3x65536x16xf32, #tpu.memory_space<hbm>> -> memref<1x2048x16xf32, #tpu.memory_space<hbm>>
    %dma_start3A_1097 = tpu.memref_squeeze %dma_start3A_1096 : memref<1x2048x16xf32, #tpu.memory_space<hbm>> -> memref<2048x16xf32, #tpu.memory_space<hbm>>
    tpu.enqueue_dma source(%arg8 : memref<2048x16xf32, #tpu.memory_space<vmem>>) target(%dma_start3A_1097 : memref<2048x16xf32, #tpu.memory_space<hbm>>) target_semaphore(%arg10 : memref<!tpu.dma_semaphore, #tpu.memory_space<semaphore_mem>>)
    %dma_wait3A_1098 = arith.constant 0 : i32
    %dma_wait3A_1099 = arith.constant 0 : i32
    %dma_wait3A_1100 = tpu.memref_slice %arg4[%dma_wait3A_1098, %mul3A_825, %dma_wait3A_1099] : memref<3x65536x16xf32, #tpu.memory_space<hbm>> -> memref<1x2048x16xf32, #tpu.memory_space<hbm>>
    %dma_wait3A_1101 = tpu.memref_squeeze %dma_wait3A_1100 : memref<1x2048x16xf32, #tpu.memory_space<hbm>> -> memref<2048x16xf32, #tpu.memory_space<hbm>>
    %dma_wait3A_1102 = arith.constant 0 : i32
    %dma_wait3A_1103 = tpu.memref_slice %arg4[%dma_wait3A_1098, %mul3A_825, %dma_wait3A_1102] : memref<3x65536x16xf32, #tpu.memory_space<hbm>> -> memref<1x2048x16xf32, #tpu.memory_space<hbm>>
    %dma_wait3A_1104 = tpu.memref_squeeze %dma_wait3A_1103 : memref<1x2048x16xf32, #tpu.memory_space<hbm>> -> memref<2048x16xf32, #tpu.memory_space<hbm>>
    tpu.wait_dma2 semaphore(%arg10 : memref<!tpu.dma_semaphore, #tpu.memory_space<semaphore_mem>>) src(%arg7 : memref<2048x16xf32, #tpu.memory_space<vmem>>) dst(%dma_wait3A_1104 : memref<2048x16xf32, #tpu.memory_space<hbm>>)
    %dma_start3A_1105 = arith.constant 0 : i32
    %dma_start3A_1106 = arith.constant 0 : i32
    %dma_start3A_1107 = tpu.memref_slice %arg7[%dma_start3A_1105, %dma_start3A_1106] : memref<2048x16xf32, #tpu.memory_space<vmem>> -> memref<128x16xf32, #tpu.memory_space<vmem>>
    %dma_start3A_1108 = arith.constant 4096 : i32
    %dma_start3A_1109 = tpu.memref_slice %arg6[%dma_start3A_1108] : memref<6144xi32, #tpu.memory_space<vmem>> -> memref<128xi32, #tpu.memory_space<vmem>>
    %dma_start3A_1110 = arith.constant 0 : i32
    %dma_start3A_1111 = arith.constant 0 : i32
    %dma_start3A_1112 = tpu.memref_slice %arg3[%dma_start3A_1110, %dma_start3A_1111] : memref<1000000x16xf32, #tpu.memory_space<hbm>> -> memref<1000000x16xf32, #tpu.memory_space<hbm>>
    tpu.enqueue_indirect_dma source(%dma_start3A_1112 : memref<1000000x16xf32, #tpu.memory_space<hbm>>) target(%dma_start3A_1107 : memref<128x16xf32, #tpu.memory_space<vmem>>) offsets(%dma_start3A_1109 : memref<128xi32, #tpu.memory_space<vmem>>) semaphore(%arg9 : memref<!tpu.dma_semaphore, #tpu.memory_space<semaphore_mem>>)
    %dma_start3A_1113 = arith.constant 128 : i32
    %dma_start3A_1114 = arith.constant 0 : i32
    %dma_start3A_1115 = tpu.memref_slice %arg7[%dma_start3A_1113, %dma_start3A_1114] : memref<2048x16xf32, #tpu.memory_space<vmem>> -> memref<128x16xf32, #tpu.memory_space<vmem>>
    %dma_start3A_1116 = arith.constant 4224 : i32
    %dma_start3A_1117 = tpu.memref_slice %arg6[%dma_start3A_1116] : memref<6144xi32, #tpu.memory_space<vmem>> -> memref<128xi32, #tpu.memory_space<vmem>>
    %dma_start3A_1118 = arith.constant 0 : i32
    %dma_start3A_1119 = arith.constant 0 : i32
    %dma_start3A_1120 = tpu.memref_slice %arg3[%dma_start3A_1118, %dma_start3A_1119] : memref<1000000x16xf32, #tpu.memory_space<hbm>> -> memref<1000000x16xf32, #tpu.memory_space<hbm>>
    tpu.enqueue_indirect_dma source(%dma_start3A_1120 : memref<1000000x16xf32, #tpu.memory_space<hbm>>) target(%dma_start3A_1115 : memref<128x16xf32, #tpu.memory_space<vmem>>) offsets(%dma_start3A_1117 : memref<128xi32, #tpu.memory_space<vmem>>) semaphore(%arg9 : memref<!tpu.dma_semaphore, #tpu.memory_space<semaphore_mem>>)
    %dma_start3A_1121 = arith.constant 256 : i32
    %dma_start3A_1122 = arith.constant 0 : i32
    %dma_start3A_1123 = tpu.memref_slice %arg7[%dma_start3A_1121, %dma_start3A_1122] : memref<2048x16xf32, #tpu.memory_space<vmem>> -> memref<128x16xf32, #tpu.memory_space<vmem>>
    %dma_start3A_1124 = arith.constant 4352 : i32
    %dma_start3A_1125 = tpu.memref_slice %arg6[%dma_start3A_1124] : memref<6144xi32, #tpu.memory_space<vmem>> -> memref<128xi32, #tpu.memory_space<vmem>>
    %dma_start3A_1126 = arith.constant 0 : i32
    %dma_start3A_1127 = arith.constant 0 : i32
    %dma_start3A_1128 = tpu.memref_slice %arg3[%dma_start3A_1126, %dma_start3A_1127] : memref<1000000x16xf32, #tpu.memory_space<hbm>> -> memref<1000000x16xf32, #tpu.memory_space<hbm>>
    tpu.enqueue_indirect_dma source(%dma_start3A_1128 : memref<1000000x16xf32, #tpu.memory_space<hbm>>) target(%dma_start3A_1123 : memref<128x16xf32, #tpu.memory_space<vmem>>) offsets(%dma_start3A_1125 : memref<128xi32, #tpu.memory_space<vmem>>) semaphore(%arg9 : memref<!tpu.dma_semaphore, #tpu.memory_space<semaphore_mem>>)
    %dma_start3A_1129 = arith.constant 384 : i32
    %dma_start3A_1130 = arith.constant 0 : i32
    %dma_start3A_1131 = tpu.memref_slice %arg7[%dma_start3A_1129, %dma_start3A_1130] : memref<2048x16xf32, #tpu.memory_space<vmem>> -> memref<128x16xf32, #tpu.memory_space<vmem>>
    %dma_start3A_1132 = arith.constant 4480 : i32
    %dma_start3A_1133 = tpu.memref_slice %arg6[%dma_start3A_1132] : memref<6144xi32, #tpu.memory_space<vmem>> -> memref<128xi32, #tpu.memory_space<vmem>>
    %dma_start3A_1134 = arith.constant 0 : i32
    %dma_start3A_1135 = arith.constant 0 : i32
    %dma_start3A_1136 = tpu.memref_slice %arg3[%dma_start3A_1134, %dma_start3A_1135] : memref<1000000x16xf32, #tpu.memory_space<hbm>> -> memref<1000000x16xf32, #tpu.memory_space<hbm>>
    tpu.enqueue_indirect_dma source(%dma_start3A_1136 : memref<1000000x16xf32, #tpu.memory_space<hbm>>) target(%dma_start3A_1131 : memref<128x16xf32, #tpu.memory_space<vmem>>) offsets(%dma_start3A_1133 : memref<128xi32, #tpu.memory_space<vmem>>) semaphore(%arg9 : memref<!tpu.dma_semaphore, #tpu.memory_space<semaphore_mem>>)
    %dma_start3A_1137 = arith.constant 512 : i32
    %dma_start3A_1138 = arith.constant 0 : i32
    %dma_start3A_1139 = tpu.memref_slice %arg7[%dma_start3A_1137, %dma_start3A_1138] : memref<2048x16xf32, #tpu.memory_space<vmem>> -> memref<128x16xf32, #tpu.memory_space<vmem>>
    %dma_start3A_1140 = arith.constant 4608 : i32
    %dma_start3A_1141 = tpu.memref_slice %arg6[%dma_start3A_1140] : memref<6144xi32, #tpu.memory_space<vmem>> -> memref<128xi32, #tpu.memory_space<vmem>>
    %dma_start3A_1142 = arith.constant 0 : i32
    %dma_start3A_1143 = arith.constant 0 : i32
    %dma_start3A_1144 = tpu.memref_slice %arg3[%dma_start3A_1142, %dma_start3A_1143] : memref<1000000x16xf32, #tpu.memory_space<hbm>> -> memref<1000000x16xf32, #tpu.memory_space<hbm>>
    tpu.enqueue_indirect_dma source(%dma_start3A_1144 : memref<1000000x16xf32, #tpu.memory_space<hbm>>) target(%dma_start3A_1139 : memref<128x16xf32, #tpu.memory_space<vmem>>) offsets(%dma_start3A_1141 : memref<128xi32, #tpu.memory_space<vmem>>) semaphore(%arg9 : memref<!tpu.dma_semaphore, #tpu.memory_space<semaphore_mem>>)
    %dma_start3A_1145 = arith.constant 640 : i32
    %dma_start3A_1146 = arith.constant 0 : i32
    %dma_start3A_1147 = tpu.memref_slice %arg7[%dma_start3A_1145, %dma_start3A_1146] : memref<2048x16xf32, #tpu.memory_space<vmem>> -> memref<128x16xf32, #tpu.memory_space<vmem>>
    %dma_start3A_1148 = arith.constant 4736 : i32
    %dma_start3A_1149 = tpu.memref_slice %arg6[%dma_start3A_1148] : memref<6144xi32, #tpu.memory_space<vmem>> -> memref<128xi32, #tpu.memory_space<vmem>>
    %dma_start3A_1150 = arith.constant 0 : i32
    %dma_start3A_1151 = arith.constant 0 : i32
    %dma_start3A_1152 = tpu.memref_slice %arg3[%dma_start3A_1150, %dma_start3A_1151] : memref<1000000x16xf32, #tpu.memory_space<hbm>> -> memref<1000000x16xf32, #tpu.memory_space<hbm>>
    tpu.enqueue_indirect_dma source(%dma_start3A_1152 : memref<1000000x16xf32, #tpu.memory_space<hbm>>) target(%dma_start3A_1147 : memref<128x16xf32, #tpu.memory_space<vmem>>) offsets(%dma_start3A_1149 : memref<128xi32, #tpu.memory_space<vmem>>) semaphore(%arg9 : memref<!tpu.dma_semaphore, #tpu.memory_space<semaphore_mem>>)
    %dma_start3A_1153 = arith.constant 768 : i32
    %dma_start3A_1154 = arith.constant 0 : i32
    %dma_start3A_1155 = tpu.memref_slice %arg7[%dma_start3A_1153, %dma_start3A_1154] : memref<2048x16xf32, #tpu.memory_space<vmem>> -> memref<128x16xf32, #tpu.memory_space<vmem>>
    %dma_start3A_1156 = arith.constant 4864 : i32
    %dma_start3A_1157 = tpu.memref_slice %arg6[%dma_start3A_1156] : memref<6144xi32, #tpu.memory_space<vmem>> -> memref<128xi32, #tpu.memory_space<vmem>>
    %dma_start3A_1158 = arith.constant 0 : i32
    %dma_start3A_1159 = arith.constant 0 : i32
    %dma_start3A_1160 = tpu.memref_slice %arg3[%dma_start3A_1158, %dma_start3A_1159] : memref<1000000x16xf32, #tpu.memory_space<hbm>> -> memref<1000000x16xf32, #tpu.memory_space<hbm>>
    tpu.enqueue_indirect_dma source(%dma_start3A_1160 : memref<1000000x16xf32, #tpu.memory_space<hbm>>) target(%dma_start3A_1155 : memref<128x16xf32, #tpu.memory_space<vmem>>) offsets(%dma_start3A_1157 : memref<128xi32, #tpu.memory_space<vmem>>) semaphore(%arg9 : memref<!tpu.dma_semaphore, #tpu.memory_space<semaphore_mem>>)
    %dma_start3A_1161 = arith.constant 896 : i32
    %dma_start3A_1162 = arith.constant 0 : i32
    %dma_start3A_1163 = tpu.memref_slice %arg7[%dma_start3A_1161, %dma_start3A_1162] : memref<2048x16xf32, #tpu.memory_space<vmem>> -> memref<128x16xf32, #tpu.memory_space<vmem>>
    %dma_start3A_1164 = arith.constant 4992 : i32
    %dma_start3A_1165 = tpu.memref_slice %arg6[%dma_start3A_1164] : memref<6144xi32, #tpu.memory_space<vmem>> -> memref<128xi32, #tpu.memory_space<vmem>>
    %dma_start3A_1166 = arith.constant 0 : i32
    %dma_start3A_1167 = arith.constant 0 : i32
    %dma_start3A_1168 = tpu.memref_slice %arg3[%dma_start3A_1166, %dma_start3A_1167] : memref<1000000x16xf32, #tpu.memory_space<hbm>> -> memref<1000000x16xf32, #tpu.memory_space<hbm>>
    tpu.enqueue_indirect_dma source(%dma_start3A_1168 : memref<1000000x16xf32, #tpu.memory_space<hbm>>) target(%dma_start3A_1163 : memref<128x16xf32, #tpu.memory_space<vmem>>) offsets(%dma_start3A_1165 : memref<128xi32, #tpu.memory_space<vmem>>) semaphore(%arg9 : memref<!tpu.dma_semaphore, #tpu.memory_space<semaphore_mem>>)
    %dma_start3A_1169 = arith.constant 1024 : i32
    %dma_start3A_1170 = arith.constant 0 : i32
    %dma_start3A_1171 = tpu.memref_slice %arg7[%dma_start3A_1169, %dma_start3A_1170] : memref<2048x16xf32, #tpu.memory_space<vmem>> -> memref<128x16xf32, #tpu.memory_space<vmem>>
    %dma_start3A_1172 = arith.constant 5120 : i32
    %dma_start3A_1173 = tpu.memref_slice %arg6[%dma_start3A_1172] : memref<6144xi32, #tpu.memory_space<vmem>> -> memref<128xi32, #tpu.memory_space<vmem>>
    %dma_start3A_1174 = arith.constant 0 : i32
    %dma_start3A_1175 = arith.constant 0 : i32
    %dma_start3A_1176 = tpu.memref_slice %arg3[%dma_start3A_1174, %dma_start3A_1175] : memref<1000000x16xf32, #tpu.memory_space<hbm>> -> memref<1000000x16xf32, #tpu.memory_space<hbm>>
    tpu.enqueue_indirect_dma source(%dma_start3A_1176 : memref<1000000x16xf32, #tpu.memory_space<hbm>>) target(%dma_start3A_1171 : memref<128x16xf32, #tpu.memory_space<vmem>>) offsets(%dma_start3A_1173 : memref<128xi32, #tpu.memory_space<vmem>>) semaphore(%arg9 : memref<!tpu.dma_semaphore, #tpu.memory_space<semaphore_mem>>)
    %dma_start3A_1177 = arith.constant 1152 : i32
    %dma_start3A_1178 = arith.constant 0 : i32
    %dma_start3A_1179 = tpu.memref_slice %arg7[%dma_start3A_1177, %dma_start3A_1178] : memref<2048x16xf32, #tpu.memory_space<vmem>> -> memref<128x16xf32, #tpu.memory_space<vmem>>
    %dma_start3A_1180 = arith.constant 5248 : i32
    %dma_start3A_1181 = tpu.memref_slice %arg6[%dma_start3A_1180] : memref<6144xi32, #tpu.memory_space<vmem>> -> memref<128xi32, #tpu.memory_space<vmem>>
    %dma_start3A_1182 = arith.constant 0 : i32
    %dma_start3A_1183 = arith.constant 0 : i32
    %dma_start3A_1184 = tpu.memref_slice %arg3[%dma_start3A_1182, %dma_start3A_1183] : memref<1000000x16xf32, #tpu.memory_space<hbm>> -> memref<1000000x16xf32, #tpu.memory_space<hbm>>
    tpu.enqueue_indirect_dma source(%dma_start3A_1184 : memref<1000000x16xf32, #tpu.memory_space<hbm>>) target(%dma_start3A_1179 : memref<128x16xf32, #tpu.memory_space<vmem>>) offsets(%dma_start3A_1181 : memref<128xi32, #tpu.memory_space<vmem>>) semaphore(%arg9 : memref<!tpu.dma_semaphore, #tpu.memory_space<semaphore_mem>>)
    %dma_start3A_1185 = arith.constant 1280 : i32
    %dma_start3A_1186 = arith.constant 0 : i32
    %dma_start3A_1187 = tpu.memref_slice %arg7[%dma_start3A_1185, %dma_start3A_1186] : memref<2048x16xf32, #tpu.memory_space<vmem>> -> memref<128x16xf32, #tpu.memory_space<vmem>>
    %dma_start3A_1188 = arith.constant 5376 : i32
    %dma_start3A_1189 = tpu.memref_slice %arg6[%dma_start3A_1188] : memref<6144xi32, #tpu.memory_space<vmem>> -> memref<128xi32, #tpu.memory_space<vmem>>
    %dma_start3A_1190 = arith.constant 0 : i32
    %dma_start3A_1191 = arith.constant 0 : i32
    %dma_start3A_1192 = tpu.memref_slice %arg3[%dma_start3A_1190, %dma_start3A_1191] : memref<1000000x16xf32, #tpu.memory_space<hbm>> -> memref<1000000x16xf32, #tpu.memory_space<hbm>>
    tpu.enqueue_indirect_dma source(%dma_start3A_1192 : memref<1000000x16xf32, #tpu.memory_space<hbm>>) target(%dma_start3A_1187 : memref<128x16xf32, #tpu.memory_space<vmem>>) offsets(%dma_start3A_1189 : memref<128xi32, #tpu.memory_space<vmem>>) semaphore(%arg9 : memref<!tpu.dma_semaphore, #tpu.memory_space<semaphore_mem>>)
    %dma_start3A_1193 = arith.constant 1408 : i32
    %dma_start3A_1194 = arith.constant 0 : i32
    %dma_start3A_1195 = tpu.memref_slice %arg7[%dma_start3A_1193, %dma_start3A_1194] : memref<2048x16xf32, #tpu.memory_space<vmem>> -> memref<128x16xf32, #tpu.memory_space<vmem>>
    %dma_start3A_1196 = arith.constant 5504 : i32
    %dma_start3A_1197 = tpu.memref_slice %arg6[%dma_start3A_1196] : memref<6144xi32, #tpu.memory_space<vmem>> -> memref<128xi32, #tpu.memory_space<vmem>>
    %dma_start3A_1198 = arith.constant 0 : i32
    %dma_start3A_1199 = arith.constant 0 : i32
    %dma_start3A_1200 = tpu.memref_slice %arg3[%dma_start3A_1198, %dma_start3A_1199] : memref<1000000x16xf32, #tpu.memory_space<hbm>> -> memref<1000000x16xf32, #tpu.memory_space<hbm>>
    tpu.enqueue_indirect_dma source(%dma_start3A_1200 : memref<1000000x16xf32, #tpu.memory_space<hbm>>) target(%dma_start3A_1195 : memref<128x16xf32, #tpu.memory_space<vmem>>) offsets(%dma_start3A_1197 : memref<128xi32, #tpu.memory_space<vmem>>) semaphore(%arg9 : memref<!tpu.dma_semaphore, #tpu.memory_space<semaphore_mem>>)
    %dma_start3A_1201 = arith.constant 1536 : i32
    %dma_start3A_1202 = arith.constant 0 : i32
    %dma_start3A_1203 = tpu.memref_slice %arg7[%dma_start3A_1201, %dma_start3A_1202] : memref<2048x16xf32, #tpu.memory_space<vmem>> -> memref<128x16xf32, #tpu.memory_space<vmem>>
    %dma_start3A_1204 = arith.constant 5632 : i32
    %dma_start3A_1205 = tpu.memref_slice %arg6[%dma_start3A_1204] : memref<6144xi32, #tpu.memory_space<vmem>> -> memref<128xi32, #tpu.memory_space<vmem>>
    %dma_start3A_1206 = arith.constant 0 : i32
    %dma_start3A_1207 = arith.constant 0 : i32
    %dma_start3A_1208 = tpu.memref_slice %arg3[%dma_start3A_1206, %dma_start3A_1207] : memref<1000000x16xf32, #tpu.memory_space<hbm>> -> memref<1000000x16xf32, #tpu.memory_space<hbm>>
    tpu.enqueue_indirect_dma source(%dma_start3A_1208 : memref<1000000x16xf32, #tpu.memory_space<hbm>>) target(%dma_start3A_1203 : memref<128x16xf32, #tpu.memory_space<vmem>>) offsets(%dma_start3A_1205 : memref<128xi32, #tpu.memory_space<vmem>>) semaphore(%arg9 : memref<!tpu.dma_semaphore, #tpu.memory_space<semaphore_mem>>)
    %dma_start3A_1209 = arith.constant 1664 : i32
    %dma_start3A_1210 = arith.constant 0 : i32
    %dma_start3A_1211 = tpu.memref_slice %arg7[%dma_start3A_1209, %dma_start3A_1210] : memref<2048x16xf32, #tpu.memory_space<vmem>> -> memref<128x16xf32, #tpu.memory_space<vmem>>
    %dma_start3A_1212 = arith.constant 5760 : i32
    %dma_start3A_1213 = tpu.memref_slice %arg6[%dma_start3A_1212] : memref<6144xi32, #tpu.memory_space<vmem>> -> memref<128xi32, #tpu.memory_space<vmem>>
    %dma_start3A_1214 = arith.constant 0 : i32
    %dma_start3A_1215 = arith.constant 0 : i32
    %dma_start3A_1216 = tpu.memref_slice %arg3[%dma_start3A_1214, %dma_start3A_1215] : memref<1000000x16xf32, #tpu.memory_space<hbm>> -> memref<1000000x16xf32, #tpu.memory_space<hbm>>
    tpu.enqueue_indirect_dma source(%dma_start3A_1216 : memref<1000000x16xf32, #tpu.memory_space<hbm>>) target(%dma_start3A_1211 : memref<128x16xf32, #tpu.memory_space<vmem>>) offsets(%dma_start3A_1213 : memref<128xi32, #tpu.memory_space<vmem>>) semaphore(%arg9 : memref<!tpu.dma_semaphore, #tpu.memory_space<semaphore_mem>>)
    %dma_start3A_1217 = arith.constant 1792 : i32
    %dma_start3A_1218 = arith.constant 0 : i32
    %dma_start3A_1219 = tpu.memref_slice %arg7[%dma_start3A_1217, %dma_start3A_1218] : memref<2048x16xf32, #tpu.memory_space<vmem>> -> memref<128x16xf32, #tpu.memory_space<vmem>>
    %dma_start3A_1220 = arith.constant 5888 : i32
    %dma_start3A_1221 = tpu.memref_slice %arg6[%dma_start3A_1220] : memref<6144xi32, #tpu.memory_space<vmem>> -> memref<128xi32, #tpu.memory_space<vmem>>
    %dma_start3A_1222 = arith.constant 0 : i32
    %dma_start3A_1223 = arith.constant 0 : i32
    %dma_start3A_1224 = tpu.memref_slice %arg3[%dma_start3A_1222, %dma_start3A_1223] : memref<1000000x16xf32, #tpu.memory_space<hbm>> -> memref<1000000x16xf32, #tpu.memory_space<hbm>>
    tpu.enqueue_indirect_dma source(%dma_start3A_1224 : memref<1000000x16xf32, #tpu.memory_space<hbm>>) target(%dma_start3A_1219 : memref<128x16xf32, #tpu.memory_space<vmem>>) offsets(%dma_start3A_1221 : memref<128xi32, #tpu.memory_space<vmem>>) semaphore(%arg9 : memref<!tpu.dma_semaphore, #tpu.memory_space<semaphore_mem>>)
    %dma_start3A_1225 = arith.constant 1920 : i32
    %dma_start3A_1226 = arith.constant 0 : i32
    %dma_start3A_1227 = tpu.memref_slice %arg7[%dma_start3A_1225, %dma_start3A_1226] : memref<2048x16xf32, #tpu.memory_space<vmem>> -> memref<128x16xf32, #tpu.memory_space<vmem>>
    %dma_start3A_1228 = arith.constant 6016 : i32
    %dma_start3A_1229 = tpu.memref_slice %arg6[%dma_start3A_1228] : memref<6144xi32, #tpu.memory_space<vmem>> -> memref<128xi32, #tpu.memory_space<vmem>>
    %dma_start3A_1230 = arith.constant 0 : i32
    %dma_start3A_1231 = arith.constant 0 : i32
    %dma_start3A_1232 = tpu.memref_slice %arg3[%dma_start3A_1230, %dma_start3A_1231] : memref<1000000x16xf32, #tpu.memory_space<hbm>> -> memref<1000000x16xf32, #tpu.memory_space<hbm>>
    tpu.enqueue_indirect_dma source(%dma_start3A_1232 : memref<1000000x16xf32, #tpu.memory_space<hbm>>) target(%dma_start3A_1227 : memref<128x16xf32, #tpu.memory_space<vmem>>) offsets(%dma_start3A_1229 : memref<128xi32, #tpu.memory_space<vmem>>) semaphore(%arg9 : memref<!tpu.dma_semaphore, #tpu.memory_space<semaphore_mem>>)
    %dma_wait3A_1233 = arith.constant 0 : i32
    %dma_wait3A_1234 = arith.constant 0 : i32
    %dma_wait3A_1235 = tpu.memref_slice %arg7[%dma_wait3A_1233, %dma_wait3A_1234] : memref<2048x16xf32, #tpu.memory_space<vmem>> -> memref<128x16xf32, #tpu.memory_space<vmem>>
    %dma_wait3A_1236 = arith.constant 4096 : i32
    %dma_wait3A_1237 = tpu.memref_slice %arg6[%dma_wait3A_1236] : memref<6144xi32, #tpu.memory_space<vmem>> -> memref<128xi32, #tpu.memory_space<vmem>>
    %dma_wait3A_1238 = arith.constant 0 : i32
    %dma_wait3A_1239 = arith.constant 0 : i32
    %dma_wait3A_1240 = tpu.memref_slice %arg3[%dma_wait3A_1238, %dma_wait3A_1239] : memref<1000000x16xf32, #tpu.memory_space<hbm>> -> memref<1000000x16xf32, #tpu.memory_space<hbm>>
    tpu.wait_indirect_dma semaphore(%arg9 : memref<!tpu.dma_semaphore, #tpu.memory_space<semaphore_mem>>) src(%dma_wait3A_1240 : memref<1000000x16xf32, #tpu.memory_space<hbm>>) dst(%dma_wait3A_1235 : memref<128x16xf32, #tpu.memory_space<vmem>>)
    %dma_wait3A_1241 = arith.constant 128 : i32
    %dma_wait3A_1242 = arith.constant 0 : i32
    %dma_wait3A_1243 = tpu.memref_slice %arg7[%dma_wait3A_1241, %dma_wait3A_1242] : memref<2048x16xf32, #tpu.memory_space<vmem>> -> memref<128x16xf32, #tpu.memory_space<vmem>>
    %dma_wait3A_1244 = arith.constant 4224 : i32
    %dma_wait3A_1245 = tpu.memref_slice %arg6[%dma_wait3A_1244] : memref<6144xi32, #tpu.memory_space<vmem>> -> memref<128xi32, #tpu.memory_space<vmem>>
    %dma_wait3A_1246 = arith.constant 0 : i32
    %dma_wait3A_1247 = arith.constant 0 : i32
    %dma_wait3A_1248 = tpu.memref_slice %arg3[%dma_wait3A_1246, %dma_wait3A_1247] : memref<1000000x16xf32, #tpu.memory_space<hbm>> -> memref<1000000x16xf32, #tpu.memory_space<hbm>>
    tpu.wait_indirect_dma semaphore(%arg9 : memref<!tpu.dma_semaphore, #tpu.memory_space<semaphore_mem>>) src(%dma_wait3A_1248 : memref<1000000x16xf32, #tpu.memory_space<hbm>>) dst(%dma_wait3A_1243 : memref<128x16xf32, #tpu.memory_space<vmem>>)
    %dma_wait3A_1249 = arith.constant 256 : i32
    %dma_wait3A_1250 = arith.constant 0 : i32
    %dma_wait3A_1251 = tpu.memref_slice %arg7[%dma_wait3A_1249, %dma_wait3A_1250] : memref<2048x16xf32, #tpu.memory_space<vmem>> -> memref<128x16xf32, #tpu.memory_space<vmem>>
    %dma_wait3A_1252 = arith.constant 4352 : i32
    %dma_wait3A_1253 = tpu.memref_slice %arg6[%dma_wait3A_1252] : memref<6144xi32, #tpu.memory_space<vmem>> -> memref<128xi32, #tpu.memory_space<vmem>>
    %dma_wait3A_1254 = arith.constant 0 : i32
    %dma_wait3A_1255 = arith.constant 0 : i32
    %dma_wait3A_1256 = tpu.memref_slice %arg3[%dma_wait3A_1254, %dma_wait3A_1255] : memref<1000000x16xf32, #tpu.memory_space<hbm>> -> memref<1000000x16xf32, #tpu.memory_space<hbm>>
    tpu.wait_indirect_dma semaphore(%arg9 : memref<!tpu.dma_semaphore, #tpu.memory_space<semaphore_mem>>) src(%dma_wait3A_1256 : memref<1000000x16xf32, #tpu.memory_space<hbm>>) dst(%dma_wait3A_1251 : memref<128x16xf32, #tpu.memory_space<vmem>>)
    %dma_wait3A_1257 = arith.constant 384 : i32
    %dma_wait3A_1258 = arith.constant 0 : i32
    %dma_wait3A_1259 = tpu.memref_slice %arg7[%dma_wait3A_1257, %dma_wait3A_1258] : memref<2048x16xf32, #tpu.memory_space<vmem>> -> memref<128x16xf32, #tpu.memory_space<vmem>>
    %dma_wait3A_1260 = arith.constant 4480 : i32
    %dma_wait3A_1261 = tpu.memref_slice %arg6[%dma_wait3A_1260] : memref<6144xi32, #tpu.memory_space<vmem>> -> memref<128xi32, #tpu.memory_space<vmem>>
    %dma_wait3A_1262 = arith.constant 0 : i32
    %dma_wait3A_1263 = arith.constant 0 : i32
    %dma_wait3A_1264 = tpu.memref_slice %arg3[%dma_wait3A_1262, %dma_wait3A_1263] : memref<1000000x16xf32, #tpu.memory_space<hbm>> -> memref<1000000x16xf32, #tpu.memory_space<hbm>>
    tpu.wait_indirect_dma semaphore(%arg9 : memref<!tpu.dma_semaphore, #tpu.memory_space<semaphore_mem>>) src(%dma_wait3A_1264 : memref<1000000x16xf32, #tpu.memory_space<hbm>>) dst(%dma_wait3A_1259 : memref<128x16xf32, #tpu.memory_space<vmem>>)
    %dma_wait3A_1265 = arith.constant 512 : i32
    %dma_wait3A_1266 = arith.constant 0 : i32
    %dma_wait3A_1267 = tpu.memref_slice %arg7[%dma_wait3A_1265, %dma_wait3A_1266] : memref<2048x16xf32, #tpu.memory_space<vmem>> -> memref<128x16xf32, #tpu.memory_space<vmem>>
    %dma_wait3A_1268 = arith.constant 4608 : i32
    %dma_wait3A_1269 = tpu.memref_slice %arg6[%dma_wait3A_1268] : memref<6144xi32, #tpu.memory_space<vmem>> -> memref<128xi32, #tpu.memory_space<vmem>>
    %dma_wait3A_1270 = arith.constant 0 : i32
    %dma_wait3A_1271 = arith.constant 0 : i32
    %dma_wait3A_1272 = tpu.memref_slice %arg3[%dma_wait3A_1270, %dma_wait3A_1271] : memref<1000000x16xf32, #tpu.memory_space<hbm>> -> memref<1000000x16xf32, #tpu.memory_space<hbm>>
    tpu.wait_indirect_dma semaphore(%arg9 : memref<!tpu.dma_semaphore, #tpu.memory_space<semaphore_mem>>) src(%dma_wait3A_1272 : memref<1000000x16xf32, #tpu.memory_space<hbm>>) dst(%dma_wait3A_1267 : memref<128x16xf32, #tpu.memory_space<vmem>>)
    %dma_wait3A_1273 = arith.constant 640 : i32
    %dma_wait3A_1274 = arith.constant 0 : i32
    %dma_wait3A_1275 = tpu.memref_slice %arg7[%dma_wait3A_1273, %dma_wait3A_1274] : memref<2048x16xf32, #tpu.memory_space<vmem>> -> memref<128x16xf32, #tpu.memory_space<vmem>>
    %dma_wait3A_1276 = arith.constant 4736 : i32
    %dma_wait3A_1277 = tpu.memref_slice %arg6[%dma_wait3A_1276] : memref<6144xi32, #tpu.memory_space<vmem>> -> memref<128xi32, #tpu.memory_space<vmem>>
    %dma_wait3A_1278 = arith.constant 0 : i32
    %dma_wait3A_1279 = arith.constant 0 : i32
    %dma_wait3A_1280 = tpu.memref_slice %arg3[%dma_wait3A_1278, %dma_wait3A_1279] : memref<1000000x16xf32, #tpu.memory_space<hbm>> -> memref<1000000x16xf32, #tpu.memory_space<hbm>>
    tpu.wait_indirect_dma semaphore(%arg9 : memref<!tpu.dma_semaphore, #tpu.memory_space<semaphore_mem>>) src(%dma_wait3A_1280 : memref<1000000x16xf32, #tpu.memory_space<hbm>>) dst(%dma_wait3A_1275 : memref<128x16xf32, #tpu.memory_space<vmem>>)
    %dma_wait3A_1281 = arith.constant 768 : i32
    %dma_wait3A_1282 = arith.constant 0 : i32
    %dma_wait3A_1283 = tpu.memref_slice %arg7[%dma_wait3A_1281, %dma_wait3A_1282] : memref<2048x16xf32, #tpu.memory_space<vmem>> -> memref<128x16xf32, #tpu.memory_space<vmem>>
    %dma_wait3A_1284 = arith.constant 4864 : i32
    %dma_wait3A_1285 = tpu.memref_slice %arg6[%dma_wait3A_1284] : memref<6144xi32, #tpu.memory_space<vmem>> -> memref<128xi32, #tpu.memory_space<vmem>>
    %dma_wait3A_1286 = arith.constant 0 : i32
    %dma_wait3A_1287 = arith.constant 0 : i32
    %dma_wait3A_1288 = tpu.memref_slice %arg3[%dma_wait3A_1286, %dma_wait3A_1287] : memref<1000000x16xf32, #tpu.memory_space<hbm>> -> memref<1000000x16xf32, #tpu.memory_space<hbm>>
    tpu.wait_indirect_dma semaphore(%arg9 : memref<!tpu.dma_semaphore, #tpu.memory_space<semaphore_mem>>) src(%dma_wait3A_1288 : memref<1000000x16xf32, #tpu.memory_space<hbm>>) dst(%dma_wait3A_1283 : memref<128x16xf32, #tpu.memory_space<vmem>>)
    %dma_wait3A_1289 = arith.constant 896 : i32
    %dma_wait3A_1290 = arith.constant 0 : i32
    %dma_wait3A_1291 = tpu.memref_slice %arg7[%dma_wait3A_1289, %dma_wait3A_1290] : memref<2048x16xf32, #tpu.memory_space<vmem>> -> memref<128x16xf32, #tpu.memory_space<vmem>>
    %dma_wait3A_1292 = arith.constant 4992 : i32
    %dma_wait3A_1293 = tpu.memref_slice %arg6[%dma_wait3A_1292] : memref<6144xi32, #tpu.memory_space<vmem>> -> memref<128xi32, #tpu.memory_space<vmem>>
    %dma_wait3A_1294 = arith.constant 0 : i32
    %dma_wait3A_1295 = arith.constant 0 : i32
    %dma_wait3A_1296 = tpu.memref_slice %arg3[%dma_wait3A_1294, %dma_wait3A_1295] : memref<1000000x16xf32, #tpu.memory_space<hbm>> -> memref<1000000x16xf32, #tpu.memory_space<hbm>>
    tpu.wait_indirect_dma semaphore(%arg9 : memref<!tpu.dma_semaphore, #tpu.memory_space<semaphore_mem>>) src(%dma_wait3A_1296 : memref<1000000x16xf32, #tpu.memory_space<hbm>>) dst(%dma_wait3A_1291 : memref<128x16xf32, #tpu.memory_space<vmem>>)
    %dma_wait3A_1297 = arith.constant 1024 : i32
    %dma_wait3A_1298 = arith.constant 0 : i32
    %dma_wait3A_1299 = tpu.memref_slice %arg7[%dma_wait3A_1297, %dma_wait3A_1298] : memref<2048x16xf32, #tpu.memory_space<vmem>> -> memref<128x16xf32, #tpu.memory_space<vmem>>
    %dma_wait3A_1300 = arith.constant 5120 : i32
    %dma_wait3A_1301 = tpu.memref_slice %arg6[%dma_wait3A_1300] : memref<6144xi32, #tpu.memory_space<vmem>> -> memref<128xi32, #tpu.memory_space<vmem>>
    %dma_wait3A_1302 = arith.constant 0 : i32
    %dma_wait3A_1303 = arith.constant 0 : i32
    %dma_wait3A_1304 = tpu.memref_slice %arg3[%dma_wait3A_1302, %dma_wait3A_1303] : memref<1000000x16xf32, #tpu.memory_space<hbm>> -> memref<1000000x16xf32, #tpu.memory_space<hbm>>
    tpu.wait_indirect_dma semaphore(%arg9 : memref<!tpu.dma_semaphore, #tpu.memory_space<semaphore_mem>>) src(%dma_wait3A_1304 : memref<1000000x16xf32, #tpu.memory_space<hbm>>) dst(%dma_wait3A_1299 : memref<128x16xf32, #tpu.memory_space<vmem>>)
    %dma_wait3A_1305 = arith.constant 1152 : i32
    %dma_wait3A_1306 = arith.constant 0 : i32
    %dma_wait3A_1307 = tpu.memref_slice %arg7[%dma_wait3A_1305, %dma_wait3A_1306] : memref<2048x16xf32, #tpu.memory_space<vmem>> -> memref<128x16xf32, #tpu.memory_space<vmem>>
    %dma_wait3A_1308 = arith.constant 5248 : i32
    %dma_wait3A_1309 = tpu.memref_slice %arg6[%dma_wait3A_1308] : memref<6144xi32, #tpu.memory_space<vmem>> -> memref<128xi32, #tpu.memory_space<vmem>>
    %dma_wait3A_1310 = arith.constant 0 : i32
    %dma_wait3A_1311 = arith.constant 0 : i32
    %dma_wait3A_1312 = tpu.memref_slice %arg3[%dma_wait3A_1310, %dma_wait3A_1311] : memref<1000000x16xf32, #tpu.memory_space<hbm>> -> memref<1000000x16xf32, #tpu.memory_space<hbm>>
    tpu.wait_indirect_dma semaphore(%arg9 : memref<!tpu.dma_semaphore, #tpu.memory_space<semaphore_mem>>) src(%dma_wait3A_1312 : memref<1000000x16xf32, #tpu.memory_space<hbm>>) dst(%dma_wait3A_1307 : memref<128x16xf32, #tpu.memory_space<vmem>>)
    %dma_wait3A_1313 = arith.constant 1280 : i32
    %dma_wait3A_1314 = arith.constant 0 : i32
    %dma_wait3A_1315 = tpu.memref_slice %arg7[%dma_wait3A_1313, %dma_wait3A_1314] : memref<2048x16xf32, #tpu.memory_space<vmem>> -> memref<128x16xf32, #tpu.memory_space<vmem>>
    %dma_wait3A_1316 = arith.constant 5376 : i32
    %dma_wait3A_1317 = tpu.memref_slice %arg6[%dma_wait3A_1316] : memref<6144xi32, #tpu.memory_space<vmem>> -> memref<128xi32, #tpu.memory_space<vmem>>
    %dma_wait3A_1318 = arith.constant 0 : i32
    %dma_wait3A_1319 = arith.constant 0 : i32
    %dma_wait3A_1320 = tpu.memref_slice %arg3[%dma_wait3A_1318, %dma_wait3A_1319] : memref<1000000x16xf32, #tpu.memory_space<hbm>> -> memref<1000000x16xf32, #tpu.memory_space<hbm>>
    tpu.wait_indirect_dma semaphore(%arg9 : memref<!tpu.dma_semaphore, #tpu.memory_space<semaphore_mem>>) src(%dma_wait3A_1320 : memref<1000000x16xf32, #tpu.memory_space<hbm>>) dst(%dma_wait3A_1315 : memref<128x16xf32, #tpu.memory_space<vmem>>)
    %dma_wait3A_1321 = arith.constant 1408 : i32
    %dma_wait3A_1322 = arith.constant 0 : i32
    %dma_wait3A_1323 = tpu.memref_slice %arg7[%dma_wait3A_1321, %dma_wait3A_1322] : memref<2048x16xf32, #tpu.memory_space<vmem>> -> memref<128x16xf32, #tpu.memory_space<vmem>>
    %dma_wait3A_1324 = arith.constant 5504 : i32
    %dma_wait3A_1325 = tpu.memref_slice %arg6[%dma_wait3A_1324] : memref<6144xi32, #tpu.memory_space<vmem>> -> memref<128xi32, #tpu.memory_space<vmem>>
    %dma_wait3A_1326 = arith.constant 0 : i32
    %dma_wait3A_1327 = arith.constant 0 : i32
    %dma_wait3A_1328 = tpu.memref_slice %arg3[%dma_wait3A_1326, %dma_wait3A_1327] : memref<1000000x16xf32, #tpu.memory_space<hbm>> -> memref<1000000x16xf32, #tpu.memory_space<hbm>>
    tpu.wait_indirect_dma semaphore(%arg9 : memref<!tpu.dma_semaphore, #tpu.memory_space<semaphore_mem>>) src(%dma_wait3A_1328 : memref<1000000x16xf32, #tpu.memory_space<hbm>>) dst(%dma_wait3A_1323 : memref<128x16xf32, #tpu.memory_space<vmem>>)
    %dma_wait3A_1329 = arith.constant 1536 : i32
    %dma_wait3A_1330 = arith.constant 0 : i32
    %dma_wait3A_1331 = tpu.memref_slice %arg7[%dma_wait3A_1329, %dma_wait3A_1330] : memref<2048x16xf32, #tpu.memory_space<vmem>> -> memref<128x16xf32, #tpu.memory_space<vmem>>
    %dma_wait3A_1332 = arith.constant 5632 : i32
    %dma_wait3A_1333 = tpu.memref_slice %arg6[%dma_wait3A_1332] : memref<6144xi32, #tpu.memory_space<vmem>> -> memref<128xi32, #tpu.memory_space<vmem>>
    %dma_wait3A_1334 = arith.constant 0 : i32
    %dma_wait3A_1335 = arith.constant 0 : i32
    %dma_wait3A_1336 = tpu.memref_slice %arg3[%dma_wait3A_1334, %dma_wait3A_1335] : memref<1000000x16xf32, #tpu.memory_space<hbm>> -> memref<1000000x16xf32, #tpu.memory_space<hbm>>
    tpu.wait_indirect_dma semaphore(%arg9 : memref<!tpu.dma_semaphore, #tpu.memory_space<semaphore_mem>>) src(%dma_wait3A_1336 : memref<1000000x16xf32, #tpu.memory_space<hbm>>) dst(%dma_wait3A_1331 : memref<128x16xf32, #tpu.memory_space<vmem>>)
    %dma_wait3A_1337 = arith.constant 1664 : i32
    %dma_wait3A_1338 = arith.constant 0 : i32
    %dma_wait3A_1339 = tpu.memref_slice %arg7[%dma_wait3A_1337, %dma_wait3A_1338] : memref<2048x16xf32, #tpu.memory_space<vmem>> -> memref<128x16xf32, #tpu.memory_space<vmem>>
    %dma_wait3A_1340 = arith.constant 5760 : i32
    %dma_wait3A_1341 = tpu.memref_slice %arg6[%dma_wait3A_1340] : memref<6144xi32, #tpu.memory_space<vmem>> -> memref<128xi32, #tpu.memory_space<vmem>>
    %dma_wait3A_1342 = arith.constant 0 : i32
    %dma_wait3A_1343 = arith.constant 0 : i32
    %dma_wait3A_1344 = tpu.memref_slice %arg3[%dma_wait3A_1342, %dma_wait3A_1343] : memref<1000000x16xf32, #tpu.memory_space<hbm>> -> memref<1000000x16xf32, #tpu.memory_space<hbm>>
    tpu.wait_indirect_dma semaphore(%arg9 : memref<!tpu.dma_semaphore, #tpu.memory_space<semaphore_mem>>) src(%dma_wait3A_1344 : memref<1000000x16xf32, #tpu.memory_space<hbm>>) dst(%dma_wait3A_1339 : memref<128x16xf32, #tpu.memory_space<vmem>>)
    %dma_wait3A_1345 = arith.constant 1792 : i32
    %dma_wait3A_1346 = arith.constant 0 : i32
    %dma_wait3A_1347 = tpu.memref_slice %arg7[%dma_wait3A_1345, %dma_wait3A_1346] : memref<2048x16xf32, #tpu.memory_space<vmem>> -> memref<128x16xf32, #tpu.memory_space<vmem>>
    %dma_wait3A_1348 = arith.constant 5888 : i32
    %dma_wait3A_1349 = tpu.memref_slice %arg6[%dma_wait3A_1348] : memref<6144xi32, #tpu.memory_space<vmem>> -> memref<128xi32, #tpu.memory_space<vmem>>
    %dma_wait3A_1350 = arith.constant 0 : i32
    %dma_wait3A_1351 = arith.constant 0 : i32
    %dma_wait3A_1352 = tpu.memref_slice %arg3[%dma_wait3A_1350, %dma_wait3A_1351] : memref<1000000x16xf32, #tpu.memory_space<hbm>> -> memref<1000000x16xf32, #tpu.memory_space<hbm>>
    tpu.wait_indirect_dma semaphore(%arg9 : memref<!tpu.dma_semaphore, #tpu.memory_space<semaphore_mem>>) src(%dma_wait3A_1352 : memref<1000000x16xf32, #tpu.memory_space<hbm>>) dst(%dma_wait3A_1347 : memref<128x16xf32, #tpu.memory_space<vmem>>)
    %dma_wait3A_1353 = arith.constant 1920 : i32
    %dma_wait3A_1354 = arith.constant 0 : i32
    %dma_wait3A_1355 = tpu.memref_slice %arg7[%dma_wait3A_1353, %dma_wait3A_1354] : memref<2048x16xf32, #tpu.memory_space<vmem>> -> memref<128x16xf32, #tpu.memory_space<vmem>>
    %dma_wait3A_1356 = arith.constant 6016 : i32
    %dma_wait3A_1357 = tpu.memref_slice %arg6[%dma_wait3A_1356] : memref<6144xi32, #tpu.memory_space<vmem>> -> memref<128xi32, #tpu.memory_space<vmem>>
    %dma_wait3A_1358 = arith.constant 0 : i32
    %dma_wait3A_1359 = arith.constant 0 : i32
    %dma_wait3A_1360 = tpu.memref_slice %arg3[%dma_wait3A_1358, %dma_wait3A_1359] : memref<1000000x16xf32, #tpu.memory_space<hbm>> -> memref<1000000x16xf32, #tpu.memory_space<hbm>>
    tpu.wait_indirect_dma semaphore(%arg9 : memref<!tpu.dma_semaphore, #tpu.memory_space<semaphore_mem>>) src(%dma_wait3A_1360 : memref<1000000x16xf32, #tpu.memory_space<hbm>>) dst(%dma_wait3A_1355 : memref<128x16xf32, #tpu.memory_space<vmem>>)
    %mul3A_1361 = arith.constant 2048 : i32
    %mul3A_1362 = arith.muli %add3A, %mul3A_1361 : i32
    %dma_start3A_1363 = arith.constant 2 : i32
    %dma_start3A_1364 = arith.constant 0 : i32
    %dma_start3A_1365 = tpu.memref_slice %arg4[%dma_start3A_1363, %mul3A_1362, %dma_start3A_1364] : memref<3x65536x16xf32, #tpu.memory_space<hbm>> -> memref<1x2048x16xf32, #tpu.memory_space<hbm>>
    %dma_start3A_1366 = tpu.memref_squeeze %dma_start3A_1365 : memref<1x2048x16xf32, #tpu.memory_space<hbm>> -> memref<2048x16xf32, #tpu.memory_space<hbm>>
    %dma_start3A_1367 = arith.constant 0 : i32
    %dma_start3A_1368 = tpu.memref_slice %arg4[%dma_start3A_1363, %mul3A_1362, %dma_start3A_1367] : memref<3x65536x16xf32, #tpu.memory_space<hbm>> -> memref<1x2048x16xf32, #tpu.memory_space<hbm>>
    %dma_start3A_1369 = tpu.memref_squeeze %dma_start3A_1368 : memref<1x2048x16xf32, #tpu.memory_space<hbm>> -> memref<2048x16xf32, #tpu.memory_space<hbm>>
    tpu.enqueue_dma source(%arg7 : memref<2048x16xf32, #tpu.memory_space<vmem>>) target(%dma_start3A_1369 : memref<2048x16xf32, #tpu.memory_space<hbm>>) target_semaphore(%arg10 : memref<!tpu.dma_semaphore, #tpu.memory_space<semaphore_mem>>)
    %dma_wait3A_1370 = arith.constant 2 : i32
    %dma_wait3A_1371 = arith.constant 0 : i32
    %dma_wait3A_1372 = tpu.memref_slice %arg4[%dma_wait3A_1370, %mul3A_1362, %dma_wait3A_1371] : memref<3x65536x16xf32, #tpu.memory_space<hbm>> -> memref<1x2048x16xf32, #tpu.memory_space<hbm>>
    %dma_wait3A_1373 = tpu.memref_squeeze %dma_wait3A_1372 : memref<1x2048x16xf32, #tpu.memory_space<hbm>> -> memref<2048x16xf32, #tpu.memory_space<hbm>>
    %dma_wait3A_1374 = arith.constant 0 : i32
    %dma_wait3A_1375 = tpu.memref_slice %arg4[%dma_wait3A_1370, %mul3A_1362, %dma_wait3A_1374] : memref<3x65536x16xf32, #tpu.memory_space<hbm>> -> memref<1x2048x16xf32, #tpu.memory_space<hbm>>
    %dma_wait3A_1376 = tpu.memref_squeeze %dma_wait3A_1375 : memref<1x2048x16xf32, #tpu.memory_space<hbm>> -> memref<2048x16xf32, #tpu.memory_space<hbm>>
    tpu.wait_dma2 semaphore(%arg10 : memref<!tpu.dma_semaphore, #tpu.memory_space<semaphore_mem>>) src(%arg7 : memref<2048x16xf32, #tpu.memory_space<vmem>>) dst(%dma_wait3A_1376 : memref<2048x16xf32, #tpu.memory_space<hbm>>)
    %dma_wait3A_1377 = arith.constant 1 : i32
    %dma_wait3A_1378 = arith.constant 0 : i32
    %dma_wait3A_1379 = tpu.memref_slice %arg4[%dma_wait3A_1377, %mul3A_1090, %dma_wait3A_1378] : memref<3x65536x16xf32, #tpu.memory_space<hbm>> -> memref<1x2048x16xf32, #tpu.memory_space<hbm>>
    %dma_wait3A_1380 = tpu.memref_squeeze %dma_wait3A_1379 : memref<1x2048x16xf32, #tpu.memory_space<hbm>> -> memref<2048x16xf32, #tpu.memory_space<hbm>>
    %dma_wait3A_1381 = arith.constant 0 : i32
    %dma_wait3A_1382 = tpu.memref_slice %arg4[%dma_wait3A_1377, %mul3A_1090, %dma_wait3A_1381] : memref<3x65536x16xf32, #tpu.memory_space<hbm>> -> memref<1x2048x16xf32, #tpu.memory_space<hbm>>
    %dma_wait3A_1383 = tpu.memref_squeeze %dma_wait3A_1382 : memref<1x2048x16xf32, #tpu.memory_space<hbm>> -> memref<2048x16xf32, #tpu.memory_space<hbm>>
    tpu.wait_dma2 semaphore(%arg10 : memref<!tpu.dma_semaphore, #tpu.memory_space<semaphore_mem>>) src(%arg8 : memref<2048x16xf32, #tpu.memory_space<vmem>>) dst(%dma_wait3A_1383 : memref<2048x16xf32, #tpu.memory_space<hbm>>)
    return
  }
}

#map = affine_map<(d0, d1) -> (0, 0)>
#map1 = affine_map<(d0, d1) -> (0, 0, 0)>
module attributes {stable_mosaic.version = 14 : i64} {
  func.func @k(%arg0: i32, %arg1: i32, %arg2: memref<20x16384xi32, #tpu.memory_space<hbm>>, %arg3: memref<1000000x16xf32, #tpu.memory_space<hbm>>, %arg4: memref<3x65536x16xf32, #tpu.memory_space<hbm>>, %arg5: memref<20x256xi32, #tpu.memory_space<vmem>>, %arg6: memref<6144xi32, #tpu.memory_space<vmem>>, %arg7: memref<2048x16xf32, #tpu.memory_space<vmem>>, %arg8: memref<2048x16xf32, #tpu.memory_space<vmem>>, %arg9: memref<!tpu.dma_semaphore, #tpu.memory_space<semaphore_mem>>, %arg10: memref<!tpu.dma_semaphore, #tpu.memory_space<semaphore_mem>>) attributes {dimension_semantics = [#tpu.dimension_semantics<core_parallel>, #tpu.dimension_semantics<subcore_parallel>], iteration_bounds = array<i64: 2, 16>, scalar_prefetch = 0 : i64, scratch_operands = 6 : i64, tpu.core_type = #tpu.core_type<sc_vector_subcore>, window_params = [{transform_indices = #map}, {transform_indices = #map}, {transform_indices = #map1}]} {
    %mul3A = arith.constant 2 : i32
    %mul3A_0 = arith.muli %arg1, %mul3A : i32
    %add3A = arith.addi %mul3A_0, %arg0 : i32
    %mul3A_1 = arith.constant 256 : i32
    %mul3A_2 = arith.muli %add3A, %mul3A_1 : i32
    %add3A_3 = arith.constant 0 : i32
    %add3A_4 = arith.addi %add3A_3, %mul3A_2 : i32
    %dma_start3A = arith.constant 0 : i32
    %dma_start3A_5 = arith.constant 0 : i32
    %dma_start3A_6 = arith.constant 0 : i32
    %dma_start3A_7 = tpu.memref_slice %arg5[%dma_start3A_5, %dma_start3A_6] : memref<20x256xi32, #tpu.memory_space<vmem>> -> memref<1x256xi32, #tpu.memory_space<vmem>>
    %dma_start3A_8 = tpu.memref_squeeze %dma_start3A_7 : memref<1x256xi32, #tpu.memory_space<vmem>> -> memref<256xi32, #tpu.memory_space<vmem>>
    %dma_start3A_9 = tpu.memref_slice %arg2[%dma_start3A, %add3A_4] : memref<20x16384xi32, #tpu.memory_space<hbm>> -> memref<1x256xi32, #tpu.memory_space<hbm>>
    %dma_start3A_10 = tpu.memref_squeeze %dma_start3A_9 : memref<1x256xi32, #tpu.memory_space<hbm>> -> memref<256xi32, #tpu.memory_space<hbm>>
    %dma_start3A_11 = arith.constant 0 : i32
    %dma_start3A_12 = tpu.memref_slice %arg5[%dma_start3A_5, %dma_start3A_11] : memref<20x256xi32, #tpu.memory_space<vmem>> -> memref<1x256xi32, #tpu.memory_space<vmem>>
    %dma_start3A_13 = tpu.memref_squeeze %dma_start3A_12 : memref<1x256xi32, #tpu.memory_space<vmem>> -> memref<256xi32, #tpu.memory_space<vmem>>
    %dma_start3A_14 = tpu.memref_slice %arg2[%dma_start3A, %add3A_4] : memref<20x16384xi32, #tpu.memory_space<hbm>> -> memref<1x256xi32, #tpu.memory_space<hbm>>
    %dma_start3A_15 = tpu.memref_squeeze %dma_start3A_14 : memref<1x256xi32, #tpu.memory_space<hbm>> -> memref<256xi32, #tpu.memory_space<hbm>>
    tpu.enqueue_dma source(%dma_start3A_15 : memref<256xi32, #tpu.memory_space<hbm>>) target(%dma_start3A_13 : memref<256xi32, #tpu.memory_space<vmem>>) target_semaphore(%arg9 : memref<!tpu.dma_semaphore, #tpu.memory_space<semaphore_mem>>)
    %mul3A_16 = arith.constant 256 : i32
    %mul3A_17 = arith.muli %add3A, %mul3A_16 : i32
    %add3A_18 = arith.constant 0 : i32
    %add3A_19 = arith.addi %add3A_18, %mul3A_17 : i32
    %dma_start3A_20 = arith.constant 1 : i32
    %dma_start3A_21 = arith.constant 1 : i32
    %dma_start3A_22 = arith.constant 0 : i32
    %dma_start3A_23 = tpu.memref_slice %arg5[%dma_start3A_21, %dma_start3A_22] : memref<20x256xi32, #tpu.memory_space<vmem>> -> memref<1x256xi32, #tpu.memory_space<vmem>>
    %dma_start3A_24 = tpu.memref_squeeze %dma_start3A_23 : memref<1x256xi32, #tpu.memory_space<vmem>> -> memref<256xi32, #tpu.memory_space<vmem>>
    %dma_start3A_25 = tpu.memref_slice %arg2[%dma_start3A_20, %add3A_19] : memref<20x16384xi32, #tpu.memory_space<hbm>> -> memref<1x256xi32, #tpu.memory_space<hbm>>
    %dma_start3A_26 = tpu.memref_squeeze %dma_start3A_25 : memref<1x256xi32, #tpu.memory_space<hbm>> -> memref<256xi32, #tpu.memory_space<hbm>>
    %dma_start3A_27 = arith.constant 0 : i32
    %dma_start3A_28 = tpu.memref_slice %arg5[%dma_start3A_21, %dma_start3A_27] : memref<20x256xi32, #tpu.memory_space<vmem>> -> memref<1x256xi32, #tpu.memory_space<vmem>>
    %dma_start3A_29 = tpu.memref_squeeze %dma_start3A_28 : memref<1x256xi32, #tpu.memory_space<vmem>> -> memref<256xi32, #tpu.memory_space<vmem>>
    %dma_start3A_30 = tpu.memref_slice %arg2[%dma_start3A_20, %add3A_19] : memref<20x16384xi32, #tpu.memory_space<hbm>> -> memref<1x256xi32, #tpu.memory_space<hbm>>
    %dma_start3A_31 = tpu.memref_squeeze %dma_start3A_30 : memref<1x256xi32, #tpu.memory_space<hbm>> -> memref<256xi32, #tpu.memory_space<hbm>>
    tpu.enqueue_dma source(%dma_start3A_31 : memref<256xi32, #tpu.memory_space<hbm>>) target(%dma_start3A_29 : memref<256xi32, #tpu.memory_space<vmem>>) target_semaphore(%arg9 : memref<!tpu.dma_semaphore, #tpu.memory_space<semaphore_mem>>)
    %mul3A_32 = arith.constant 256 : i32
    %mul3A_33 = arith.muli %add3A, %mul3A_32 : i32
    %add3A_34 = arith.constant 0 : i32
    %add3A_35 = arith.addi %add3A_34, %mul3A_33 : i32
    %dma_start3A_36 = arith.constant 2 : i32
    %dma_start3A_37 = arith.constant 2 : i32
    %dma_start3A_38 = arith.constant 0 : i32
    %dma_start3A_39 = tpu.memref_slice %arg5[%dma_start3A_37, %dma_start3A_38] : memref<20x256xi32, #tpu.memory_space<vmem>> -> memref<1x256xi32, #tpu.memory_space<vmem>>
    %dma_start3A_40 = tpu.memref_squeeze %dma_start3A_39 : memref<1x256xi32, #tpu.memory_space<vmem>> -> memref<256xi32, #tpu.memory_space<vmem>>
    %dma_start3A_41 = tpu.memref_slice %arg2[%dma_start3A_36, %add3A_35] : memref<20x16384xi32, #tpu.memory_space<hbm>> -> memref<1x256xi32, #tpu.memory_space<hbm>>
    %dma_start3A_42 = tpu.memref_squeeze %dma_start3A_41 : memref<1x256xi32, #tpu.memory_space<hbm>> -> memref<256xi32, #tpu.memory_space<hbm>>
    %dma_start3A_43 = arith.constant 0 : i32
    %dma_start3A_44 = tpu.memref_slice %arg5[%dma_start3A_37, %dma_start3A_43] : memref<20x256xi32, #tpu.memory_space<vmem>> -> memref<1x256xi32, #tpu.memory_space<vmem>>
    %dma_start3A_45 = tpu.memref_squeeze %dma_start3A_44 : memref<1x256xi32, #tpu.memory_space<vmem>> -> memref<256xi32, #tpu.memory_space<vmem>>
    %dma_start3A_46 = tpu.memref_slice %arg2[%dma_start3A_36, %add3A_35] : memref<20x16384xi32, #tpu.memory_space<hbm>> -> memref<1x256xi32, #tpu.memory_space<hbm>>
    %dma_start3A_47 = tpu.memref_squeeze %dma_start3A_46 : memref<1x256xi32, #tpu.memory_space<hbm>> -> memref<256xi32, #tpu.memory_space<hbm>>
    tpu.enqueue_dma source(%dma_start3A_47 : memref<256xi32, #tpu.memory_space<hbm>>) target(%dma_start3A_45 : memref<256xi32, #tpu.memory_space<vmem>>) target_semaphore(%arg9 : memref<!tpu.dma_semaphore, #tpu.memory_space<semaphore_mem>>)
    %mul3A_48 = arith.constant 256 : i32
    %mul3A_49 = arith.muli %add3A, %mul3A_48 : i32
    %add3A_50 = arith.constant 0 : i32
    %add3A_51 = arith.addi %add3A_50, %mul3A_49 : i32
    %dma_start3A_52 = arith.constant 3 : i32
    %dma_start3A_53 = arith.constant 3 : i32
    %dma_start3A_54 = arith.constant 0 : i32
    %dma_start3A_55 = tpu.memref_slice %arg5[%dma_start3A_53, %dma_start3A_54] : memref<20x256xi32, #tpu.memory_space<vmem>> -> memref<1x256xi32, #tpu.memory_space<vmem>>
    %dma_start3A_56 = tpu.memref_squeeze %dma_start3A_55 : memref<1x256xi32, #tpu.memory_space<vmem>> -> memref<256xi32, #tpu.memory_space<vmem>>
    %dma_start3A_57 = tpu.memref_slice %arg2[%dma_start3A_52, %add3A_51] : memref<20x16384xi32, #tpu.memory_space<hbm>> -> memref<1x256xi32, #tpu.memory_space<hbm>>
    %dma_start3A_58 = tpu.memref_squeeze %dma_start3A_57 : memref<1x256xi32, #tpu.memory_space<hbm>> -> memref<256xi32, #tpu.memory_space<hbm>>
    %dma_start3A_59 = arith.constant 0 : i32
    %dma_start3A_60 = tpu.memref_slice %arg5[%dma_start3A_53, %dma_start3A_59] : memref<20x256xi32, #tpu.memory_space<vmem>> -> memref<1x256xi32, #tpu.memory_space<vmem>>
    %dma_start3A_61 = tpu.memref_squeeze %dma_start3A_60 : memref<1x256xi32, #tpu.memory_space<vmem>> -> memref<256xi32, #tpu.memory_space<vmem>>
    %dma_start3A_62 = tpu.memref_slice %arg2[%dma_start3A_52, %add3A_51] : memref<20x16384xi32, #tpu.memory_space<hbm>> -> memref<1x256xi32, #tpu.memory_space<hbm>>
    %dma_start3A_63 = tpu.memref_squeeze %dma_start3A_62 : memref<1x256xi32, #tpu.memory_space<hbm>> -> memref<256xi32, #tpu.memory_space<hbm>>
    tpu.enqueue_dma source(%dma_start3A_63 : memref<256xi32, #tpu.memory_space<hbm>>) target(%dma_start3A_61 : memref<256xi32, #tpu.memory_space<vmem>>) target_semaphore(%arg9 : memref<!tpu.dma_semaphore, #tpu.memory_space<semaphore_mem>>)
    %mul3A_64 = arith.constant 256 : i32
    %mul3A_65 = arith.muli %add3A, %mul3A_64 : i32
    %add3A_66 = arith.constant 0 : i32
    %add3A_67 = arith.addi %add3A_66, %mul3A_65 : i32
    %dma_start3A_68 = arith.constant 4 : i32
    %dma_start3A_69 = arith.constant 4 : i32
    %dma_start3A_70 = arith.constant 0 : i32
    %dma_start3A_71 = tpu.memref_slice %arg5[%dma_start3A_69, %dma_start3A_70] : memref<20x256xi32, #tpu.memory_space<vmem>> -> memref<1x256xi32, #tpu.memory_space<vmem>>
    %dma_start3A_72 = tpu.memref_squeeze %dma_start3A_71 : memref<1x256xi32, #tpu.memory_space<vmem>> -> memref<256xi32, #tpu.memory_space<vmem>>
    %dma_start3A_73 = tpu.memref_slice %arg2[%dma_start3A_68, %add3A_67] : memref<20x16384xi32, #tpu.memory_space<hbm>> -> memref<1x256xi32, #tpu.memory_space<hbm>>
    %dma_start3A_74 = tpu.memref_squeeze %dma_start3A_73 : memref<1x256xi32, #tpu.memory_space<hbm>> -> memref<256xi32, #tpu.memory_space<hbm>>
    %dma_start3A_75 = arith.constant 0 : i32
    %dma_start3A_76 = tpu.memref_slice %arg5[%dma_start3A_69, %dma_start3A_75] : memref<20x256xi32, #tpu.memory_space<vmem>> -> memref<1x256xi32, #tpu.memory_space<vmem>>
    %dma_start3A_77 = tpu.memref_squeeze %dma_start3A_76 : memref<1x256xi32, #tpu.memory_space<vmem>> -> memref<256xi32, #tpu.memory_space<vmem>>
    %dma_start3A_78 = tpu.memref_slice %arg2[%dma_start3A_68, %add3A_67] : memref<20x16384xi32, #tpu.memory_space<hbm>> -> memref<1x256xi32, #tpu.memory_space<hbm>>
    %dma_start3A_79 = tpu.memref_squeeze %dma_start3A_78 : memref<1x256xi32, #tpu.memory_space<hbm>> -> memref<256xi32, #tpu.memory_space<hbm>>
    tpu.enqueue_dma source(%dma_start3A_79 : memref<256xi32, #tpu.memory_space<hbm>>) target(%dma_start3A_77 : memref<256xi32, #tpu.memory_space<vmem>>) target_semaphore(%arg9 : memref<!tpu.dma_semaphore, #tpu.memory_space<semaphore_mem>>)
    %mul3A_80 = arith.constant 256 : i32
    %mul3A_81 = arith.muli %add3A, %mul3A_80 : i32
    %add3A_82 = arith.constant 0 : i32
    %add3A_83 = arith.addi %add3A_82, %mul3A_81 : i32
    %dma_start3A_84 = arith.constant 5 : i32
    %dma_start3A_85 = arith.constant 5 : i32
    %dma_start3A_86 = arith.constant 0 : i32
    %dma_start3A_87 = tpu.memref_slice %arg5[%dma_start3A_85, %dma_start3A_86] : memref<20x256xi32, #tpu.memory_space<vmem>> -> memref<1x256xi32, #tpu.memory_space<vmem>>
    %dma_start3A_88 = tpu.memref_squeeze %dma_start3A_87 : memref<1x256xi32, #tpu.memory_space<vmem>> -> memref<256xi32, #tpu.memory_space<vmem>>
    %dma_start3A_89 = tpu.memref_slice %arg2[%dma_start3A_84, %add3A_83] : memref<20x16384xi32, #tpu.memory_space<hbm>> -> memref<1x256xi32, #tpu.memory_space<hbm>>
    %dma_start3A_90 = tpu.memref_squeeze %dma_start3A_89 : memref<1x256xi32, #tpu.memory_space<hbm>> -> memref<256xi32, #tpu.memory_space<hbm>>
    %dma_start3A_91 = arith.constant 0 : i32
    %dma_start3A_92 = tpu.memref_slice %arg5[%dma_start3A_85, %dma_start3A_91] : memref<20x256xi32, #tpu.memory_space<vmem>> -> memref<1x256xi32, #tpu.memory_space<vmem>>
    %dma_start3A_93 = tpu.memref_squeeze %dma_start3A_92 : memref<1x256xi32, #tpu.memory_space<vmem>> -> memref<256xi32, #tpu.memory_space<vmem>>
    %dma_start3A_94 = tpu.memref_slice %arg2[%dma_start3A_84, %add3A_83] : memref<20x16384xi32, #tpu.memory_space<hbm>> -> memref<1x256xi32, #tpu.memory_space<hbm>>
    %dma_start3A_95 = tpu.memref_squeeze %dma_start3A_94 : memref<1x256xi32, #tpu.memory_space<hbm>> -> memref<256xi32, #tpu.memory_space<hbm>>
    tpu.enqueue_dma source(%dma_start3A_95 : memref<256xi32, #tpu.memory_space<hbm>>) target(%dma_start3A_93 : memref<256xi32, #tpu.memory_space<vmem>>) target_semaphore(%arg9 : memref<!tpu.dma_semaphore, #tpu.memory_space<semaphore_mem>>)
    %mul3A_96 = arith.constant 256 : i32
    %mul3A_97 = arith.muli %add3A, %mul3A_96 : i32
    %add3A_98 = arith.constant 0 : i32
    %add3A_99 = arith.addi %add3A_98, %mul3A_97 : i32
    %dma_start3A_100 = arith.constant 6 : i32
    %dma_start3A_101 = arith.constant 6 : i32
    %dma_start3A_102 = arith.constant 0 : i32
    %dma_start3A_103 = tpu.memref_slice %arg5[%dma_start3A_101, %dma_start3A_102] : memref<20x256xi32, #tpu.memory_space<vmem>> -> memref<1x256xi32, #tpu.memory_space<vmem>>
    %dma_start3A_104 = tpu.memref_squeeze %dma_start3A_103 : memref<1x256xi32, #tpu.memory_space<vmem>> -> memref<256xi32, #tpu.memory_space<vmem>>
    %dma_start3A_105 = tpu.memref_slice %arg2[%dma_start3A_100, %add3A_99] : memref<20x16384xi32, #tpu.memory_space<hbm>> -> memref<1x256xi32, #tpu.memory_space<hbm>>
    %dma_start3A_106 = tpu.memref_squeeze %dma_start3A_105 : memref<1x256xi32, #tpu.memory_space<hbm>> -> memref<256xi32, #tpu.memory_space<hbm>>
    %dma_start3A_107 = arith.constant 0 : i32
    %dma_start3A_108 = tpu.memref_slice %arg5[%dma_start3A_101, %dma_start3A_107] : memref<20x256xi32, #tpu.memory_space<vmem>> -> memref<1x256xi32, #tpu.memory_space<vmem>>
    %dma_start3A_109 = tpu.memref_squeeze %dma_start3A_108 : memref<1x256xi32, #tpu.memory_space<vmem>> -> memref<256xi32, #tpu.memory_space<vmem>>
    %dma_start3A_110 = tpu.memref_slice %arg2[%dma_start3A_100, %add3A_99] : memref<20x16384xi32, #tpu.memory_space<hbm>> -> memref<1x256xi32, #tpu.memory_space<hbm>>
    %dma_start3A_111 = tpu.memref_squeeze %dma_start3A_110 : memref<1x256xi32, #tpu.memory_space<hbm>> -> memref<256xi32, #tpu.memory_space<hbm>>
    tpu.enqueue_dma source(%dma_start3A_111 : memref<256xi32, #tpu.memory_space<hbm>>) target(%dma_start3A_109 : memref<256xi32, #tpu.memory_space<vmem>>) target_semaphore(%arg9 : memref<!tpu.dma_semaphore, #tpu.memory_space<semaphore_mem>>)
    %mul3A_112 = arith.constant 256 : i32
    %mul3A_113 = arith.muli %add3A, %mul3A_112 : i32
    %add3A_114 = arith.constant 0 : i32
    %add3A_115 = arith.addi %add3A_114, %mul3A_113 : i32
    %dma_start3A_116 = arith.constant 7 : i32
    %dma_start3A_117 = arith.constant 7 : i32
    %dma_start3A_118 = arith.constant 0 : i32
    %dma_start3A_119 = tpu.memref_slice %arg5[%dma_start3A_117, %dma_start3A_118] : memref<20x256xi32, #tpu.memory_space<vmem>> -> memref<1x256xi32, #tpu.memory_space<vmem>>
    %dma_start3A_120 = tpu.memref_squeeze %dma_start3A_119 : memref<1x256xi32, #tpu.memory_space<vmem>> -> memref<256xi32, #tpu.memory_space<vmem>>
    %dma_start3A_121 = tpu.memref_slice %arg2[%dma_start3A_116, %add3A_115] : memref<20x16384xi32, #tpu.memory_space<hbm>> -> memref<1x256xi32, #tpu.memory_space<hbm>>
    %dma_start3A_122 = tpu.memref_squeeze %dma_start3A_121 : memref<1x256xi32, #tpu.memory_space<hbm>> -> memref<256xi32, #tpu.memory_space<hbm>>
    %dma_start3A_123 = arith.constant 0 : i32
    %dma_start3A_124 = tpu.memref_slice %arg5[%dma_start3A_117, %dma_start3A_123] : memref<20x256xi32, #tpu.memory_space<vmem>> -> memref<1x256xi32, #tpu.memory_space<vmem>>
    %dma_start3A_125 = tpu.memref_squeeze %dma_start3A_124 : memref<1x256xi32, #tpu.memory_space<vmem>> -> memref<256xi32, #tpu.memory_space<vmem>>
    %dma_start3A_126 = tpu.memref_slice %arg2[%dma_start3A_116, %add3A_115] : memref<20x16384xi32, #tpu.memory_space<hbm>> -> memref<1x256xi32, #tpu.memory_space<hbm>>
    %dma_start3A_127 = tpu.memref_squeeze %dma_start3A_126 : memref<1x256xi32, #tpu.memory_space<hbm>> -> memref<256xi32, #tpu.memory_space<hbm>>
    tpu.enqueue_dma source(%dma_start3A_127 : memref<256xi32, #tpu.memory_space<hbm>>) target(%dma_start3A_125 : memref<256xi32, #tpu.memory_space<vmem>>) target_semaphore(%arg9 : memref<!tpu.dma_semaphore, #tpu.memory_space<semaphore_mem>>)
    %mul3A_128 = arith.constant 256 : i32
    %mul3A_129 = arith.muli %add3A, %mul3A_128 : i32
    %add3A_130 = arith.constant 0 : i32
    %add3A_131 = arith.addi %add3A_130, %mul3A_129 : i32
    %dma_start3A_132 = arith.constant 8 : i32
    %dma_start3A_133 = arith.constant 8 : i32
    %dma_start3A_134 = arith.constant 0 : i32
    %dma_start3A_135 = tpu.memref_slice %arg5[%dma_start3A_133, %dma_start3A_134] : memref<20x256xi32, #tpu.memory_space<vmem>> -> memref<1x256xi32, #tpu.memory_space<vmem>>
    %dma_start3A_136 = tpu.memref_squeeze %dma_start3A_135 : memref<1x256xi32, #tpu.memory_space<vmem>> -> memref<256xi32, #tpu.memory_space<vmem>>
    %dma_start3A_137 = tpu.memref_slice %arg2[%dma_start3A_132, %add3A_131] : memref<20x16384xi32, #tpu.memory_space<hbm>> -> memref<1x256xi32, #tpu.memory_space<hbm>>
    %dma_start3A_138 = tpu.memref_squeeze %dma_start3A_137 : memref<1x256xi32, #tpu.memory_space<hbm>> -> memref<256xi32, #tpu.memory_space<hbm>>
    %dma_start3A_139 = arith.constant 0 : i32
    %dma_start3A_140 = tpu.memref_slice %arg5[%dma_start3A_133, %dma_start3A_139] : memref<20x256xi32, #tpu.memory_space<vmem>> -> memref<1x256xi32, #tpu.memory_space<vmem>>
    %dma_start3A_141 = tpu.memref_squeeze %dma_start3A_140 : memref<1x256xi32, #tpu.memory_space<vmem>> -> memref<256xi32, #tpu.memory_space<vmem>>
    %dma_start3A_142 = tpu.memref_slice %arg2[%dma_start3A_132, %add3A_131] : memref<20x16384xi32, #tpu.memory_space<hbm>> -> memref<1x256xi32, #tpu.memory_space<hbm>>
    %dma_start3A_143 = tpu.memref_squeeze %dma_start3A_142 : memref<1x256xi32, #tpu.memory_space<hbm>> -> memref<256xi32, #tpu.memory_space<hbm>>
    tpu.enqueue_dma source(%dma_start3A_143 : memref<256xi32, #tpu.memory_space<hbm>>) target(%dma_start3A_141 : memref<256xi32, #tpu.memory_space<vmem>>) target_semaphore(%arg9 : memref<!tpu.dma_semaphore, #tpu.memory_space<semaphore_mem>>)
    %mul3A_144 = arith.constant 256 : i32
    %mul3A_145 = arith.muli %add3A, %mul3A_144 : i32
    %add3A_146 = arith.constant 0 : i32
    %add3A_147 = arith.addi %add3A_146, %mul3A_145 : i32
    %dma_start3A_148 = arith.constant 9 : i32
    %dma_start3A_149 = arith.constant 9 : i32
    %dma_start3A_150 = arith.constant 0 : i32
    %dma_start3A_151 = tpu.memref_slice %arg5[%dma_start3A_149, %dma_start3A_150] : memref<20x256xi32, #tpu.memory_space<vmem>> -> memref<1x256xi32, #tpu.memory_space<vmem>>
    %dma_start3A_152 = tpu.memref_squeeze %dma_start3A_151 : memref<1x256xi32, #tpu.memory_space<vmem>> -> memref<256xi32, #tpu.memory_space<vmem>>
    %dma_start3A_153 = tpu.memref_slice %arg2[%dma_start3A_148, %add3A_147] : memref<20x16384xi32, #tpu.memory_space<hbm>> -> memref<1x256xi32, #tpu.memory_space<hbm>>
    %dma_start3A_154 = tpu.memref_squeeze %dma_start3A_153 : memref<1x256xi32, #tpu.memory_space<hbm>> -> memref<256xi32, #tpu.memory_space<hbm>>
    %dma_start3A_155 = arith.constant 0 : i32
    %dma_start3A_156 = tpu.memref_slice %arg5[%dma_start3A_149, %dma_start3A_155] : memref<20x256xi32, #tpu.memory_space<vmem>> -> memref<1x256xi32, #tpu.memory_space<vmem>>
    %dma_start3A_157 = tpu.memref_squeeze %dma_start3A_156 : memref<1x256xi32, #tpu.memory_space<vmem>> -> memref<256xi32, #tpu.memory_space<vmem>>
    %dma_start3A_158 = tpu.memref_slice %arg2[%dma_start3A_148, %add3A_147] : memref<20x16384xi32, #tpu.memory_space<hbm>> -> memref<1x256xi32, #tpu.memory_space<hbm>>
    %dma_start3A_159 = tpu.memref_squeeze %dma_start3A_158 : memref<1x256xi32, #tpu.memory_space<hbm>> -> memref<256xi32, #tpu.memory_space<hbm>>
    tpu.enqueue_dma source(%dma_start3A_159 : memref<256xi32, #tpu.memory_space<hbm>>) target(%dma_start3A_157 : memref<256xi32, #tpu.memory_space<vmem>>) target_semaphore(%arg9 : memref<!tpu.dma_semaphore, #tpu.memory_space<semaphore_mem>>)
    %mul3A_160 = arith.constant 256 : i32
    %mul3A_161 = arith.muli %add3A, %mul3A_160 : i32
    %add3A_162 = arith.constant 0 : i32
    %add3A_163 = arith.addi %add3A_162, %mul3A_161 : i32
    %dma_start3A_164 = arith.constant 10 : i32
    %dma_start3A_165 = arith.constant 10 : i32
    %dma_start3A_166 = arith.constant 0 : i32
    %dma_start3A_167 = tpu.memref_slice %arg5[%dma_start3A_165, %dma_start3A_166] : memref<20x256xi32, #tpu.memory_space<vmem>> -> memref<1x256xi32, #tpu.memory_space<vmem>>
    %dma_start3A_168 = tpu.memref_squeeze %dma_start3A_167 : memref<1x256xi32, #tpu.memory_space<vmem>> -> memref<256xi32, #tpu.memory_space<vmem>>
    %dma_start3A_169 = tpu.memref_slice %arg2[%dma_start3A_164, %add3A_163] : memref<20x16384xi32, #tpu.memory_space<hbm>> -> memref<1x256xi32, #tpu.memory_space<hbm>>
    %dma_start3A_170 = tpu.memref_squeeze %dma_start3A_169 : memref<1x256xi32, #tpu.memory_space<hbm>> -> memref<256xi32, #tpu.memory_space<hbm>>
    %dma_start3A_171 = arith.constant 0 : i32
    %dma_start3A_172 = tpu.memref_slice %arg5[%dma_start3A_165, %dma_start3A_171] : memref<20x256xi32, #tpu.memory_space<vmem>> -> memref<1x256xi32, #tpu.memory_space<vmem>>
    %dma_start3A_173 = tpu.memref_squeeze %dma_start3A_172 : memref<1x256xi32, #tpu.memory_space<vmem>> -> memref<256xi32, #tpu.memory_space<vmem>>
    %dma_start3A_174 = tpu.memref_slice %arg2[%dma_start3A_164, %add3A_163] : memref<20x16384xi32, #tpu.memory_space<hbm>> -> memref<1x256xi32, #tpu.memory_space<hbm>>
    %dma_start3A_175 = tpu.memref_squeeze %dma_start3A_174 : memref<1x256xi32, #tpu.memory_space<hbm>> -> memref<256xi32, #tpu.memory_space<hbm>>
    tpu.enqueue_dma source(%dma_start3A_175 : memref<256xi32, #tpu.memory_space<hbm>>) target(%dma_start3A_173 : memref<256xi32, #tpu.memory_space<vmem>>) target_semaphore(%arg9 : memref<!tpu.dma_semaphore, #tpu.memory_space<semaphore_mem>>)
    %mul3A_176 = arith.constant 256 : i32
    %mul3A_177 = arith.muli %add3A, %mul3A_176 : i32
    %add3A_178 = arith.constant 0 : i32
    %add3A_179 = arith.addi %add3A_178, %mul3A_177 : i32
    %dma_start3A_180 = arith.constant 11 : i32
    %dma_start3A_181 = arith.constant 11 : i32
    %dma_start3A_182 = arith.constant 0 : i32
    %dma_start3A_183 = tpu.memref_slice %arg5[%dma_start3A_181, %dma_start3A_182] : memref<20x256xi32, #tpu.memory_space<vmem>> -> memref<1x256xi32, #tpu.memory_space<vmem>>
    %dma_start3A_184 = tpu.memref_squeeze %dma_start3A_183 : memref<1x256xi32, #tpu.memory_space<vmem>> -> memref<256xi32, #tpu.memory_space<vmem>>
    %dma_start3A_185 = tpu.memref_slice %arg2[%dma_start3A_180, %add3A_179] : memref<20x16384xi32, #tpu.memory_space<hbm>> -> memref<1x256xi32, #tpu.memory_space<hbm>>
    %dma_start3A_186 = tpu.memref_squeeze %dma_start3A_185 : memref<1x256xi32, #tpu.memory_space<hbm>> -> memref<256xi32, #tpu.memory_space<hbm>>
    %dma_start3A_187 = arith.constant 0 : i32
    %dma_start3A_188 = tpu.memref_slice %arg5[%dma_start3A_181, %dma_start3A_187] : memref<20x256xi32, #tpu.memory_space<vmem>> -> memref<1x256xi32, #tpu.memory_space<vmem>>
    %dma_start3A_189 = tpu.memref_squeeze %dma_start3A_188 : memref<1x256xi32, #tpu.memory_space<vmem>> -> memref<256xi32, #tpu.memory_space<vmem>>
    %dma_start3A_190 = tpu.memref_slice %arg2[%dma_start3A_180, %add3A_179] : memref<20x16384xi32, #tpu.memory_space<hbm>> -> memref<1x256xi32, #tpu.memory_space<hbm>>
    %dma_start3A_191 = tpu.memref_squeeze %dma_start3A_190 : memref<1x256xi32, #tpu.memory_space<hbm>> -> memref<256xi32, #tpu.memory_space<hbm>>
    tpu.enqueue_dma source(%dma_start3A_191 : memref<256xi32, #tpu.memory_space<hbm>>) target(%dma_start3A_189 : memref<256xi32, #tpu.memory_space<vmem>>) target_semaphore(%arg9 : memref<!tpu.dma_semaphore, #tpu.memory_space<semaphore_mem>>)
    %mul3A_192 = arith.constant 256 : i32
    %mul3A_193 = arith.muli %add3A, %mul3A_192 : i32
    %add3A_194 = arith.constant 0 : i32
    %add3A_195 = arith.addi %add3A_194, %mul3A_193 : i32
    %dma_start3A_196 = arith.constant 12 : i32
    %dma_start3A_197 = arith.constant 12 : i32
    %dma_start3A_198 = arith.constant 0 : i32
    %dma_start3A_199 = tpu.memref_slice %arg5[%dma_start3A_197, %dma_start3A_198] : memref<20x256xi32, #tpu.memory_space<vmem>> -> memref<1x256xi32, #tpu.memory_space<vmem>>
    %dma_start3A_200 = tpu.memref_squeeze %dma_start3A_199 : memref<1x256xi32, #tpu.memory_space<vmem>> -> memref<256xi32, #tpu.memory_space<vmem>>
    %dma_start3A_201 = tpu.memref_slice %arg2[%dma_start3A_196, %add3A_195] : memref<20x16384xi32, #tpu.memory_space<hbm>> -> memref<1x256xi32, #tpu.memory_space<hbm>>
    %dma_start3A_202 = tpu.memref_squeeze %dma_start3A_201 : memref<1x256xi32, #tpu.memory_space<hbm>> -> memref<256xi32, #tpu.memory_space<hbm>>
    %dma_start3A_203 = arith.constant 0 : i32
    %dma_start3A_204 = tpu.memref_slice %arg5[%dma_start3A_197, %dma_start3A_203] : memref<20x256xi32, #tpu.memory_space<vmem>> -> memref<1x256xi32, #tpu.memory_space<vmem>>
    %dma_start3A_205 = tpu.memref_squeeze %dma_start3A_204 : memref<1x256xi32, #tpu.memory_space<vmem>> -> memref<256xi32, #tpu.memory_space<vmem>>
    %dma_start3A_206 = tpu.memref_slice %arg2[%dma_start3A_196, %add3A_195] : memref<20x16384xi32, #tpu.memory_space<hbm>> -> memref<1x256xi32, #tpu.memory_space<hbm>>
    %dma_start3A_207 = tpu.memref_squeeze %dma_start3A_206 : memref<1x256xi32, #tpu.memory_space<hbm>> -> memref<256xi32, #tpu.memory_space<hbm>>
    tpu.enqueue_dma source(%dma_start3A_207 : memref<256xi32, #tpu.memory_space<hbm>>) target(%dma_start3A_205 : memref<256xi32, #tpu.memory_space<vmem>>) target_semaphore(%arg9 : memref<!tpu.dma_semaphore, #tpu.memory_space<semaphore_mem>>)
    %mul3A_208 = arith.constant 256 : i32
    %mul3A_209 = arith.muli %add3A, %mul3A_208 : i32
    %add3A_210 = arith.constant 0 : i32
    %add3A_211 = arith.addi %add3A_210, %mul3A_209 : i32
    %dma_start3A_212 = arith.constant 13 : i32
    %dma_start3A_213 = arith.constant 13 : i32
    %dma_start3A_214 = arith.constant 0 : i32
    %dma_start3A_215 = tpu.memref_slice %arg5[%dma_start3A_213, %dma_start3A_214] : memref<20x256xi32, #tpu.memory_space<vmem>> -> memref<1x256xi32, #tpu.memory_space<vmem>>
    %dma_start3A_216 = tpu.memref_squeeze %dma_start3A_215 : memref<1x256xi32, #tpu.memory_space<vmem>> -> memref<256xi32, #tpu.memory_space<vmem>>
    %dma_start3A_217 = tpu.memref_slice %arg2[%dma_start3A_212, %add3A_211] : memref<20x16384xi32, #tpu.memory_space<hbm>> -> memref<1x256xi32, #tpu.memory_space<hbm>>
    %dma_start3A_218 = tpu.memref_squeeze %dma_start3A_217 : memref<1x256xi32, #tpu.memory_space<hbm>> -> memref<256xi32, #tpu.memory_space<hbm>>
    %dma_start3A_219 = arith.constant 0 : i32
    %dma_start3A_220 = tpu.memref_slice %arg5[%dma_start3A_213, %dma_start3A_219] : memref<20x256xi32, #tpu.memory_space<vmem>> -> memref<1x256xi32, #tpu.memory_space<vmem>>
    %dma_start3A_221 = tpu.memref_squeeze %dma_start3A_220 : memref<1x256xi32, #tpu.memory_space<vmem>> -> memref<256xi32, #tpu.memory_space<vmem>>
    %dma_start3A_222 = tpu.memref_slice %arg2[%dma_start3A_212, %add3A_211] : memref<20x16384xi32, #tpu.memory_space<hbm>> -> memref<1x256xi32, #tpu.memory_space<hbm>>
    %dma_start3A_223 = tpu.memref_squeeze %dma_start3A_222 : memref<1x256xi32, #tpu.memory_space<hbm>> -> memref<256xi32, #tpu.memory_space<hbm>>
    tpu.enqueue_dma source(%dma_start3A_223 : memref<256xi32, #tpu.memory_space<hbm>>) target(%dma_start3A_221 : memref<256xi32, #tpu.memory_space<vmem>>) target_semaphore(%arg9 : memref<!tpu.dma_semaphore, #tpu.memory_space<semaphore_mem>>)
    %mul3A_224 = arith.constant 256 : i32
    %mul3A_225 = arith.muli %add3A, %mul3A_224 : i32
    %add3A_226 = arith.constant 0 : i32
    %add3A_227 = arith.addi %add3A_226, %mul3A_225 : i32
    %dma_start3A_228 = arith.constant 14 : i32
    %dma_start3A_229 = arith.constant 14 : i32
    %dma_start3A_230 = arith.constant 0 : i32
    %dma_start3A_231 = tpu.memref_slice %arg5[%dma_start3A_229, %dma_start3A_230] : memref<20x256xi32, #tpu.memory_space<vmem>> -> memref<1x256xi32, #tpu.memory_space<vmem>>
    %dma_start3A_232 = tpu.memref_squeeze %dma_start3A_231 : memref<1x256xi32, #tpu.memory_space<vmem>> -> memref<256xi32, #tpu.memory_space<vmem>>
    %dma_start3A_233 = tpu.memref_slice %arg2[%dma_start3A_228, %add3A_227] : memref<20x16384xi32, #tpu.memory_space<hbm>> -> memref<1x256xi32, #tpu.memory_space<hbm>>
    %dma_start3A_234 = tpu.memref_squeeze %dma_start3A_233 : memref<1x256xi32, #tpu.memory_space<hbm>> -> memref<256xi32, #tpu.memory_space<hbm>>
    %dma_start3A_235 = arith.constant 0 : i32
    %dma_start3A_236 = tpu.memref_slice %arg5[%dma_start3A_229, %dma_start3A_235] : memref<20x256xi32, #tpu.memory_space<vmem>> -> memref<1x256xi32, #tpu.memory_space<vmem>>
    %dma_start3A_237 = tpu.memref_squeeze %dma_start3A_236 : memref<1x256xi32, #tpu.memory_space<vmem>> -> memref<256xi32, #tpu.memory_space<vmem>>
    %dma_start3A_238 = tpu.memref_slice %arg2[%dma_start3A_228, %add3A_227] : memref<20x16384xi32, #tpu.memory_space<hbm>> -> memref<1x256xi32, #tpu.memory_space<hbm>>
    %dma_start3A_239 = tpu.memref_squeeze %dma_start3A_238 : memref<1x256xi32, #tpu.memory_space<hbm>> -> memref<256xi32, #tpu.memory_space<hbm>>
    tpu.enqueue_dma source(%dma_start3A_239 : memref<256xi32, #tpu.memory_space<hbm>>) target(%dma_start3A_237 : memref<256xi32, #tpu.memory_space<vmem>>) target_semaphore(%arg9 : memref<!tpu.dma_semaphore, #tpu.memory_space<semaphore_mem>>)
    %mul3A_240 = arith.constant 256 : i32
    %mul3A_241 = arith.muli %add3A, %mul3A_240 : i32
    %add3A_242 = arith.constant 0 : i32
    %add3A_243 = arith.addi %add3A_242, %mul3A_241 : i32
    %dma_start3A_244 = arith.constant 15 : i32
    %dma_start3A_245 = arith.constant 15 : i32
    %dma_start3A_246 = arith.constant 0 : i32
    %dma_start3A_247 = tpu.memref_slice %arg5[%dma_start3A_245, %dma_start3A_246] : memref<20x256xi32, #tpu.memory_space<vmem>> -> memref<1x256xi32, #tpu.memory_space<vmem>>
    %dma_start3A_248 = tpu.memref_squeeze %dma_start3A_247 : memref<1x256xi32, #tpu.memory_space<vmem>> -> memref<256xi32, #tpu.memory_space<vmem>>
    %dma_start3A_249 = tpu.memref_slice %arg2[%dma_start3A_244, %add3A_243] : memref<20x16384xi32, #tpu.memory_space<hbm>> -> memref<1x256xi32, #tpu.memory_space<hbm>>
    %dma_start3A_250 = tpu.memref_squeeze %dma_start3A_249 : memref<1x256xi32, #tpu.memory_space<hbm>> -> memref<256xi32, #tpu.memory_space<hbm>>
    %dma_start3A_251 = arith.constant 0 : i32
    %dma_start3A_252 = tpu.memref_slice %arg5[%dma_start3A_245, %dma_start3A_251] : memref<20x256xi32, #tpu.memory_space<vmem>> -> memref<1x256xi32, #tpu.memory_space<vmem>>
    %dma_start3A_253 = tpu.memref_squeeze %dma_start3A_252 : memref<1x256xi32, #tpu.memory_space<vmem>> -> memref<256xi32, #tpu.memory_space<vmem>>
    %dma_start3A_254 = tpu.memref_slice %arg2[%dma_start3A_244, %add3A_243] : memref<20x16384xi32, #tpu.memory_space<hbm>> -> memref<1x256xi32, #tpu.memory_space<hbm>>
    %dma_start3A_255 = tpu.memref_squeeze %dma_start3A_254 : memref<1x256xi32, #tpu.memory_space<hbm>> -> memref<256xi32, #tpu.memory_space<hbm>>
    tpu.enqueue_dma source(%dma_start3A_255 : memref<256xi32, #tpu.memory_space<hbm>>) target(%dma_start3A_253 : memref<256xi32, #tpu.memory_space<vmem>>) target_semaphore(%arg9 : memref<!tpu.dma_semaphore, #tpu.memory_space<semaphore_mem>>)
    %mul3A_256 = arith.constant 256 : i32
    %mul3A_257 = arith.muli %add3A, %mul3A_256 : i32
    %add3A_258 = arith.constant 0 : i32
    %add3A_259 = arith.addi %add3A_258, %mul3A_257 : i32
    %dma_start3A_260 = arith.constant 16 : i32
    %dma_start3A_261 = arith.constant 16 : i32
    %dma_start3A_262 = arith.constant 0 : i32
    %dma_start3A_263 = tpu.memref_slice %arg5[%dma_start3A_261, %dma_start3A_262] : memref<20x256xi32, #tpu.memory_space<vmem>> -> memref<1x256xi32, #tpu.memory_space<vmem>>
    %dma_start3A_264 = tpu.memref_squeeze %dma_start3A_263 : memref<1x256xi32, #tpu.memory_space<vmem>> -> memref<256xi32, #tpu.memory_space<vmem>>
    %dma_start3A_265 = tpu.memref_slice %arg2[%dma_start3A_260, %add3A_259] : memref<20x16384xi32, #tpu.memory_space<hbm>> -> memref<1x256xi32, #tpu.memory_space<hbm>>
    %dma_start3A_266 = tpu.memref_squeeze %dma_start3A_265 : memref<1x256xi32, #tpu.memory_space<hbm>> -> memref<256xi32, #tpu.memory_space<hbm>>
    %dma_start3A_267 = arith.constant 0 : i32
    %dma_start3A_268 = tpu.memref_slice %arg5[%dma_start3A_261, %dma_start3A_267] : memref<20x256xi32, #tpu.memory_space<vmem>> -> memref<1x256xi32, #tpu.memory_space<vmem>>
    %dma_start3A_269 = tpu.memref_squeeze %dma_start3A_268 : memref<1x256xi32, #tpu.memory_space<vmem>> -> memref<256xi32, #tpu.memory_space<vmem>>
    %dma_start3A_270 = tpu.memref_slice %arg2[%dma_start3A_260, %add3A_259] : memref<20x16384xi32, #tpu.memory_space<hbm>> -> memref<1x256xi32, #tpu.memory_space<hbm>>
    %dma_start3A_271 = tpu.memref_squeeze %dma_start3A_270 : memref<1x256xi32, #tpu.memory_space<hbm>> -> memref<256xi32, #tpu.memory_space<hbm>>
    tpu.enqueue_dma source(%dma_start3A_271 : memref<256xi32, #tpu.memory_space<hbm>>) target(%dma_start3A_269 : memref<256xi32, #tpu.memory_space<vmem>>) target_semaphore(%arg9 : memref<!tpu.dma_semaphore, #tpu.memory_space<semaphore_mem>>)
    %mul3A_272 = arith.constant 256 : i32
    %mul3A_273 = arith.muli %add3A, %mul3A_272 : i32
    %add3A_274 = arith.constant 0 : i32
    %add3A_275 = arith.addi %add3A_274, %mul3A_273 : i32
    %dma_start3A_276 = arith.constant 17 : i32
    %dma_start3A_277 = arith.constant 17 : i32
    %dma_start3A_278 = arith.constant 0 : i32
    %dma_start3A_279 = tpu.memref_slice %arg5[%dma_start3A_277, %dma_start3A_278] : memref<20x256xi32, #tpu.memory_space<vmem>> -> memref<1x256xi32, #tpu.memory_space<vmem>>
    %dma_start3A_280 = tpu.memref_squeeze %dma_start3A_279 : memref<1x256xi32, #tpu.memory_space<vmem>> -> memref<256xi32, #tpu.memory_space<vmem>>
    %dma_start3A_281 = tpu.memref_slice %arg2[%dma_start3A_276, %add3A_275] : memref<20x16384xi32, #tpu.memory_space<hbm>> -> memref<1x256xi32, #tpu.memory_space<hbm>>
    %dma_start3A_282 = tpu.memref_squeeze %dma_start3A_281 : memref<1x256xi32, #tpu.memory_space<hbm>> -> memref<256xi32, #tpu.memory_space<hbm>>
    %dma_start3A_283 = arith.constant 0 : i32
    %dma_start3A_284 = tpu.memref_slice %arg5[%dma_start3A_277, %dma_start3A_283] : memref<20x256xi32, #tpu.memory_space<vmem>> -> memref<1x256xi32, #tpu.memory_space<vmem>>
    %dma_start3A_285 = tpu.memref_squeeze %dma_start3A_284 : memref<1x256xi32, #tpu.memory_space<vmem>> -> memref<256xi32, #tpu.memory_space<vmem>>
    %dma_start3A_286 = tpu.memref_slice %arg2[%dma_start3A_276, %add3A_275] : memref<20x16384xi32, #tpu.memory_space<hbm>> -> memref<1x256xi32, #tpu.memory_space<hbm>>
    %dma_start3A_287 = tpu.memref_squeeze %dma_start3A_286 : memref<1x256xi32, #tpu.memory_space<hbm>> -> memref<256xi32, #tpu.memory_space<hbm>>
    tpu.enqueue_dma source(%dma_start3A_287 : memref<256xi32, #tpu.memory_space<hbm>>) target(%dma_start3A_285 : memref<256xi32, #tpu.memory_space<vmem>>) target_semaphore(%arg9 : memref<!tpu.dma_semaphore, #tpu.memory_space<semaphore_mem>>)
    %mul3A_288 = arith.constant 256 : i32
    %mul3A_289 = arith.muli %add3A, %mul3A_288 : i32
    %add3A_290 = arith.constant 0 : i32
    %add3A_291 = arith.addi %add3A_290, %mul3A_289 : i32
    %dma_start3A_292 = arith.constant 18 : i32
    %dma_start3A_293 = arith.constant 18 : i32
    %dma_start3A_294 = arith.constant 0 : i32
    %dma_start3A_295 = tpu.memref_slice %arg5[%dma_start3A_293, %dma_start3A_294] : memref<20x256xi32, #tpu.memory_space<vmem>> -> memref<1x256xi32, #tpu.memory_space<vmem>>
    %dma_start3A_296 = tpu.memref_squeeze %dma_start3A_295 : memref<1x256xi32, #tpu.memory_space<vmem>> -> memref<256xi32, #tpu.memory_space<vmem>>
    %dma_start3A_297 = tpu.memref_slice %arg2[%dma_start3A_292, %add3A_291] : memref<20x16384xi32, #tpu.memory_space<hbm>> -> memref<1x256xi32, #tpu.memory_space<hbm>>
    %dma_start3A_298 = tpu.memref_squeeze %dma_start3A_297 : memref<1x256xi32, #tpu.memory_space<hbm>> -> memref<256xi32, #tpu.memory_space<hbm>>
    %dma_start3A_299 = arith.constant 0 : i32
    %dma_start3A_300 = tpu.memref_slice %arg5[%dma_start3A_293, %dma_start3A_299] : memref<20x256xi32, #tpu.memory_space<vmem>> -> memref<1x256xi32, #tpu.memory_space<vmem>>
    %dma_start3A_301 = tpu.memref_squeeze %dma_start3A_300 : memref<1x256xi32, #tpu.memory_space<vmem>> -> memref<256xi32, #tpu.memory_space<vmem>>
    %dma_start3A_302 = tpu.memref_slice %arg2[%dma_start3A_292, %add3A_291] : memref<20x16384xi32, #tpu.memory_space<hbm>> -> memref<1x256xi32, #tpu.memory_space<hbm>>
    %dma_start3A_303 = tpu.memref_squeeze %dma_start3A_302 : memref<1x256xi32, #tpu.memory_space<hbm>> -> memref<256xi32, #tpu.memory_space<hbm>>
    tpu.enqueue_dma source(%dma_start3A_303 : memref<256xi32, #tpu.memory_space<hbm>>) target(%dma_start3A_301 : memref<256xi32, #tpu.memory_space<vmem>>) target_semaphore(%arg9 : memref<!tpu.dma_semaphore, #tpu.memory_space<semaphore_mem>>)
    %mul3A_304 = arith.constant 256 : i32
    %mul3A_305 = arith.muli %add3A, %mul3A_304 : i32
    %add3A_306 = arith.constant 0 : i32
    %add3A_307 = arith.addi %add3A_306, %mul3A_305 : i32
    %dma_start3A_308 = arith.constant 19 : i32
    %dma_start3A_309 = arith.constant 19 : i32
    %dma_start3A_310 = arith.constant 0 : i32
    %dma_start3A_311 = tpu.memref_slice %arg5[%dma_start3A_309, %dma_start3A_310] : memref<20x256xi32, #tpu.memory_space<vmem>> -> memref<1x256xi32, #tpu.memory_space<vmem>>
    %dma_start3A_312 = tpu.memref_squeeze %dma_start3A_311 : memref<1x256xi32, #tpu.memory_space<vmem>> -> memref<256xi32, #tpu.memory_space<vmem>>
    %dma_start3A_313 = tpu.memref_slice %arg2[%dma_start3A_308, %add3A_307] : memref<20x16384xi32, #tpu.memory_space<hbm>> -> memref<1x256xi32, #tpu.memory_space<hbm>>
    %dma_start3A_314 = tpu.memref_squeeze %dma_start3A_313 : memref<1x256xi32, #tpu.memory_space<hbm>> -> memref<256xi32, #tpu.memory_space<hbm>>
    %dma_start3A_315 = arith.constant 0 : i32
    %dma_start3A_316 = tpu.memref_slice %arg5[%dma_start3A_309, %dma_start3A_315] : memref<20x256xi32, #tpu.memory_space<vmem>> -> memref<1x256xi32, #tpu.memory_space<vmem>>
    %dma_start3A_317 = tpu.memref_squeeze %dma_start3A_316 : memref<1x256xi32, #tpu.memory_space<vmem>> -> memref<256xi32, #tpu.memory_space<vmem>>
    %dma_start3A_318 = tpu.memref_slice %arg2[%dma_start3A_308, %add3A_307] : memref<20x16384xi32, #tpu.memory_space<hbm>> -> memref<1x256xi32, #tpu.memory_space<hbm>>
    %dma_start3A_319 = tpu.memref_squeeze %dma_start3A_318 : memref<1x256xi32, #tpu.memory_space<hbm>> -> memref<256xi32, #tpu.memory_space<hbm>>
    tpu.enqueue_dma source(%dma_start3A_319 : memref<256xi32, #tpu.memory_space<hbm>>) target(%dma_start3A_317 : memref<256xi32, #tpu.memory_space<vmem>>) target_semaphore(%arg9 : memref<!tpu.dma_semaphore, #tpu.memory_space<semaphore_mem>>)
    %dma_wait3A = arith.constant 0 : i32
    %dma_wait3A_320 = arith.constant 0 : i32
    %dma_wait3A_321 = arith.constant 0 : i32
    %dma_wait3A_322 = tpu.memref_slice %arg5[%dma_wait3A_320, %dma_wait3A_321] : memref<20x256xi32, #tpu.memory_space<vmem>> -> memref<1x256xi32, #tpu.memory_space<vmem>>
    %dma_wait3A_323 = tpu.memref_squeeze %dma_wait3A_322 : memref<1x256xi32, #tpu.memory_space<vmem>> -> memref<256xi32, #tpu.memory_space<vmem>>
    %dma_wait3A_324 = tpu.memref_slice %arg2[%dma_wait3A, %add3A_4] : memref<20x16384xi32, #tpu.memory_space<hbm>> -> memref<1x256xi32, #tpu.memory_space<hbm>>
    %dma_wait3A_325 = tpu.memref_squeeze %dma_wait3A_324 : memref<1x256xi32, #tpu.memory_space<hbm>> -> memref<256xi32, #tpu.memory_space<hbm>>
    %dma_wait3A_326 = arith.constant 0 : i32
    %dma_wait3A_327 = tpu.memref_slice %arg5[%dma_wait3A_320, %dma_wait3A_326] : memref<20x256xi32, #tpu.memory_space<vmem>> -> memref<1x256xi32, #tpu.memory_space<vmem>>
    %dma_wait3A_328 = tpu.memref_squeeze %dma_wait3A_327 : memref<1x256xi32, #tpu.memory_space<vmem>> -> memref<256xi32, #tpu.memory_space<vmem>>
    %dma_wait3A_329 = tpu.memref_slice %arg2[%dma_wait3A, %add3A_4] : memref<20x16384xi32, #tpu.memory_space<hbm>> -> memref<1x256xi32, #tpu.memory_space<hbm>>
    %dma_wait3A_330 = tpu.memref_squeeze %dma_wait3A_329 : memref<1x256xi32, #tpu.memory_space<hbm>> -> memref<256xi32, #tpu.memory_space<hbm>>
    tpu.wait_dma2 semaphore(%arg9 : memref<!tpu.dma_semaphore, #tpu.memory_space<semaphore_mem>>) src(%dma_wait3A_330 : memref<256xi32, #tpu.memory_space<hbm>>) dst(%dma_wait3A_328 : memref<256xi32, #tpu.memory_space<vmem>>)
    %dma_wait3A_331 = arith.constant 1 : i32
    %dma_wait3A_332 = arith.constant 1 : i32
    %dma_wait3A_333 = arith.constant 0 : i32
    %dma_wait3A_334 = tpu.memref_slice %arg5[%dma_wait3A_332, %dma_wait3A_333] : memref<20x256xi32, #tpu.memory_space<vmem>> -> memref<1x256xi32, #tpu.memory_space<vmem>>
    %dma_wait3A_335 = tpu.memref_squeeze %dma_wait3A_334 : memref<1x256xi32, #tpu.memory_space<vmem>> -> memref<256xi32, #tpu.memory_space<vmem>>
    %dma_wait3A_336 = tpu.memref_slice %arg2[%dma_wait3A_331, %add3A_19] : memref<20x16384xi32, #tpu.memory_space<hbm>> -> memref<1x256xi32, #tpu.memory_space<hbm>>
    %dma_wait3A_337 = tpu.memref_squeeze %dma_wait3A_336 : memref<1x256xi32, #tpu.memory_space<hbm>> -> memref<256xi32, #tpu.memory_space<hbm>>
    %dma_wait3A_338 = arith.constant 0 : i32
    %dma_wait3A_339 = tpu.memref_slice %arg5[%dma_wait3A_332, %dma_wait3A_338] : memref<20x256xi32, #tpu.memory_space<vmem>> -> memref<1x256xi32, #tpu.memory_space<vmem>>
    %dma_wait3A_340 = tpu.memref_squeeze %dma_wait3A_339 : memref<1x256xi32, #tpu.memory_space<vmem>> -> memref<256xi32, #tpu.memory_space<vmem>>
    %dma_wait3A_341 = tpu.memref_slice %arg2[%dma_wait3A_331, %add3A_19] : memref<20x16384xi32, #tpu.memory_space<hbm>> -> memref<1x256xi32, #tpu.memory_space<hbm>>
    %dma_wait3A_342 = tpu.memref_squeeze %dma_wait3A_341 : memref<1x256xi32, #tpu.memory_space<hbm>> -> memref<256xi32, #tpu.memory_space<hbm>>
    tpu.wait_dma2 semaphore(%arg9 : memref<!tpu.dma_semaphore, #tpu.memory_space<semaphore_mem>>) src(%dma_wait3A_342 : memref<256xi32, #tpu.memory_space<hbm>>) dst(%dma_wait3A_340 : memref<256xi32, #tpu.memory_space<vmem>>)
    %dma_wait3A_343 = arith.constant 2 : i32
    %dma_wait3A_344 = arith.constant 2 : i32
    %dma_wait3A_345 = arith.constant 0 : i32
    %dma_wait3A_346 = tpu.memref_slice %arg5[%dma_wait3A_344, %dma_wait3A_345] : memref<20x256xi32, #tpu.memory_space<vmem>> -> memref<1x256xi32, #tpu.memory_space<vmem>>
    %dma_wait3A_347 = tpu.memref_squeeze %dma_wait3A_346 : memref<1x256xi32, #tpu.memory_space<vmem>> -> memref<256xi32, #tpu.memory_space<vmem>>
    %dma_wait3A_348 = tpu.memref_slice %arg2[%dma_wait3A_343, %add3A_35] : memref<20x16384xi32, #tpu.memory_space<hbm>> -> memref<1x256xi32, #tpu.memory_space<hbm>>
    %dma_wait3A_349 = tpu.memref_squeeze %dma_wait3A_348 : memref<1x256xi32, #tpu.memory_space<hbm>> -> memref<256xi32, #tpu.memory_space<hbm>>
    %dma_wait3A_350 = arith.constant 0 : i32
    %dma_wait3A_351 = tpu.memref_slice %arg5[%dma_wait3A_344, %dma_wait3A_350] : memref<20x256xi32, #tpu.memory_space<vmem>> -> memref<1x256xi32, #tpu.memory_space<vmem>>
    %dma_wait3A_352 = tpu.memref_squeeze %dma_wait3A_351 : memref<1x256xi32, #tpu.memory_space<vmem>> -> memref<256xi32, #tpu.memory_space<vmem>>
    %dma_wait3A_353 = tpu.memref_slice %arg2[%dma_wait3A_343, %add3A_35] : memref<20x16384xi32, #tpu.memory_space<hbm>> -> memref<1x256xi32, #tpu.memory_space<hbm>>
    %dma_wait3A_354 = tpu.memref_squeeze %dma_wait3A_353 : memref<1x256xi32, #tpu.memory_space<hbm>> -> memref<256xi32, #tpu.memory_space<hbm>>
    tpu.wait_dma2 semaphore(%arg9 : memref<!tpu.dma_semaphore, #tpu.memory_space<semaphore_mem>>) src(%dma_wait3A_354 : memref<256xi32, #tpu.memory_space<hbm>>) dst(%dma_wait3A_352 : memref<256xi32, #tpu.memory_space<vmem>>)
    %dma_wait3A_355 = arith.constant 3 : i32
    %dma_wait3A_356 = arith.constant 3 : i32
    %dma_wait3A_357 = arith.constant 0 : i32
    %dma_wait3A_358 = tpu.memref_slice %arg5[%dma_wait3A_356, %dma_wait3A_357] : memref<20x256xi32, #tpu.memory_space<vmem>> -> memref<1x256xi32, #tpu.memory_space<vmem>>
    %dma_wait3A_359 = tpu.memref_squeeze %dma_wait3A_358 : memref<1x256xi32, #tpu.memory_space<vmem>> -> memref<256xi32, #tpu.memory_space<vmem>>
    %dma_wait3A_360 = tpu.memref_slice %arg2[%dma_wait3A_355, %add3A_51] : memref<20x16384xi32, #tpu.memory_space<hbm>> -> memref<1x256xi32, #tpu.memory_space<hbm>>
    %dma_wait3A_361 = tpu.memref_squeeze %dma_wait3A_360 : memref<1x256xi32, #tpu.memory_space<hbm>> -> memref<256xi32, #tpu.memory_space<hbm>>
    %dma_wait3A_362 = arith.constant 0 : i32
    %dma_wait3A_363 = tpu.memref_slice %arg5[%dma_wait3A_356, %dma_wait3A_362] : memref<20x256xi32, #tpu.memory_space<vmem>> -> memref<1x256xi32, #tpu.memory_space<vmem>>
    %dma_wait3A_364 = tpu.memref_squeeze %dma_wait3A_363 : memref<1x256xi32, #tpu.memory_space<vmem>> -> memref<256xi32, #tpu.memory_space<vmem>>
    %dma_wait3A_365 = tpu.memref_slice %arg2[%dma_wait3A_355, %add3A_51] : memref<20x16384xi32, #tpu.memory_space<hbm>> -> memref<1x256xi32, #tpu.memory_space<hbm>>
    %dma_wait3A_366 = tpu.memref_squeeze %dma_wait3A_365 : memref<1x256xi32, #tpu.memory_space<hbm>> -> memref<256xi32, #tpu.memory_space<hbm>>
    tpu.wait_dma2 semaphore(%arg9 : memref<!tpu.dma_semaphore, #tpu.memory_space<semaphore_mem>>) src(%dma_wait3A_366 : memref<256xi32, #tpu.memory_space<hbm>>) dst(%dma_wait3A_364 : memref<256xi32, #tpu.memory_space<vmem>>)
    %dma_wait3A_367 = arith.constant 4 : i32
    %dma_wait3A_368 = arith.constant 4 : i32
    %dma_wait3A_369 = arith.constant 0 : i32
    %dma_wait3A_370 = tpu.memref_slice %arg5[%dma_wait3A_368, %dma_wait3A_369] : memref<20x256xi32, #tpu.memory_space<vmem>> -> memref<1x256xi32, #tpu.memory_space<vmem>>
    %dma_wait3A_371 = tpu.memref_squeeze %dma_wait3A_370 : memref<1x256xi32, #tpu.memory_space<vmem>> -> memref<256xi32, #tpu.memory_space<vmem>>
    %dma_wait3A_372 = tpu.memref_slice %arg2[%dma_wait3A_367, %add3A_67] : memref<20x16384xi32, #tpu.memory_space<hbm>> -> memref<1x256xi32, #tpu.memory_space<hbm>>
    %dma_wait3A_373 = tpu.memref_squeeze %dma_wait3A_372 : memref<1x256xi32, #tpu.memory_space<hbm>> -> memref<256xi32, #tpu.memory_space<hbm>>
    %dma_wait3A_374 = arith.constant 0 : i32
    %dma_wait3A_375 = tpu.memref_slice %arg5[%dma_wait3A_368, %dma_wait3A_374] : memref<20x256xi32, #tpu.memory_space<vmem>> -> memref<1x256xi32, #tpu.memory_space<vmem>>
    %dma_wait3A_376 = tpu.memref_squeeze %dma_wait3A_375 : memref<1x256xi32, #tpu.memory_space<vmem>> -> memref<256xi32, #tpu.memory_space<vmem>>
    %dma_wait3A_377 = tpu.memref_slice %arg2[%dma_wait3A_367, %add3A_67] : memref<20x16384xi32, #tpu.memory_space<hbm>> -> memref<1x256xi32, #tpu.memory_space<hbm>>
    %dma_wait3A_378 = tpu.memref_squeeze %dma_wait3A_377 : memref<1x256xi32, #tpu.memory_space<hbm>> -> memref<256xi32, #tpu.memory_space<hbm>>
    tpu.wait_dma2 semaphore(%arg9 : memref<!tpu.dma_semaphore, #tpu.memory_space<semaphore_mem>>) src(%dma_wait3A_378 : memref<256xi32, #tpu.memory_space<hbm>>) dst(%dma_wait3A_376 : memref<256xi32, #tpu.memory_space<vmem>>)
    %dma_wait3A_379 = arith.constant 5 : i32
    %dma_wait3A_380 = arith.constant 5 : i32
    %dma_wait3A_381 = arith.constant 0 : i32
    %dma_wait3A_382 = tpu.memref_slice %arg5[%dma_wait3A_380, %dma_wait3A_381] : memref<20x256xi32, #tpu.memory_space<vmem>> -> memref<1x256xi32, #tpu.memory_space<vmem>>
    %dma_wait3A_383 = tpu.memref_squeeze %dma_wait3A_382 : memref<1x256xi32, #tpu.memory_space<vmem>> -> memref<256xi32, #tpu.memory_space<vmem>>
    %dma_wait3A_384 = tpu.memref_slice %arg2[%dma_wait3A_379, %add3A_83] : memref<20x16384xi32, #tpu.memory_space<hbm>> -> memref<1x256xi32, #tpu.memory_space<hbm>>
    %dma_wait3A_385 = tpu.memref_squeeze %dma_wait3A_384 : memref<1x256xi32, #tpu.memory_space<hbm>> -> memref<256xi32, #tpu.memory_space<hbm>>
    %dma_wait3A_386 = arith.constant 0 : i32
    %dma_wait3A_387 = tpu.memref_slice %arg5[%dma_wait3A_380, %dma_wait3A_386] : memref<20x256xi32, #tpu.memory_space<vmem>> -> memref<1x256xi32, #tpu.memory_space<vmem>>
    %dma_wait3A_388 = tpu.memref_squeeze %dma_wait3A_387 : memref<1x256xi32, #tpu.memory_space<vmem>> -> memref<256xi32, #tpu.memory_space<vmem>>
    %dma_wait3A_389 = tpu.memref_slice %arg2[%dma_wait3A_379, %add3A_83] : memref<20x16384xi32, #tpu.memory_space<hbm>> -> memref<1x256xi32, #tpu.memory_space<hbm>>
    %dma_wait3A_390 = tpu.memref_squeeze %dma_wait3A_389 : memref<1x256xi32, #tpu.memory_space<hbm>> -> memref<256xi32, #tpu.memory_space<hbm>>
    tpu.wait_dma2 semaphore(%arg9 : memref<!tpu.dma_semaphore, #tpu.memory_space<semaphore_mem>>) src(%dma_wait3A_390 : memref<256xi32, #tpu.memory_space<hbm>>) dst(%dma_wait3A_388 : memref<256xi32, #tpu.memory_space<vmem>>)
    %dma_wait3A_391 = arith.constant 6 : i32
    %dma_wait3A_392 = arith.constant 6 : i32
    %dma_wait3A_393 = arith.constant 0 : i32
    %dma_wait3A_394 = tpu.memref_slice %arg5[%dma_wait3A_392, %dma_wait3A_393] : memref<20x256xi32, #tpu.memory_space<vmem>> -> memref<1x256xi32, #tpu.memory_space<vmem>>
    %dma_wait3A_395 = tpu.memref_squeeze %dma_wait3A_394 : memref<1x256xi32, #tpu.memory_space<vmem>> -> memref<256xi32, #tpu.memory_space<vmem>>
    %dma_wait3A_396 = tpu.memref_slice %arg2[%dma_wait3A_391, %add3A_99] : memref<20x16384xi32, #tpu.memory_space<hbm>> -> memref<1x256xi32, #tpu.memory_space<hbm>>
    %dma_wait3A_397 = tpu.memref_squeeze %dma_wait3A_396 : memref<1x256xi32, #tpu.memory_space<hbm>> -> memref<256xi32, #tpu.memory_space<hbm>>
    %dma_wait3A_398 = arith.constant 0 : i32
    %dma_wait3A_399 = tpu.memref_slice %arg5[%dma_wait3A_392, %dma_wait3A_398] : memref<20x256xi32, #tpu.memory_space<vmem>> -> memref<1x256xi32, #tpu.memory_space<vmem>>
    %dma_wait3A_400 = tpu.memref_squeeze %dma_wait3A_399 : memref<1x256xi32, #tpu.memory_space<vmem>> -> memref<256xi32, #tpu.memory_space<vmem>>
    %dma_wait3A_401 = tpu.memref_slice %arg2[%dma_wait3A_391, %add3A_99] : memref<20x16384xi32, #tpu.memory_space<hbm>> -> memref<1x256xi32, #tpu.memory_space<hbm>>
    %dma_wait3A_402 = tpu.memref_squeeze %dma_wait3A_401 : memref<1x256xi32, #tpu.memory_space<hbm>> -> memref<256xi32, #tpu.memory_space<hbm>>
    tpu.wait_dma2 semaphore(%arg9 : memref<!tpu.dma_semaphore, #tpu.memory_space<semaphore_mem>>) src(%dma_wait3A_402 : memref<256xi32, #tpu.memory_space<hbm>>) dst(%dma_wait3A_400 : memref<256xi32, #tpu.memory_space<vmem>>)
    %dma_wait3A_403 = arith.constant 7 : i32
    %dma_wait3A_404 = arith.constant 7 : i32
    %dma_wait3A_405 = arith.constant 0 : i32
    %dma_wait3A_406 = tpu.memref_slice %arg5[%dma_wait3A_404, %dma_wait3A_405] : memref<20x256xi32, #tpu.memory_space<vmem>> -> memref<1x256xi32, #tpu.memory_space<vmem>>
    %dma_wait3A_407 = tpu.memref_squeeze %dma_wait3A_406 : memref<1x256xi32, #tpu.memory_space<vmem>> -> memref<256xi32, #tpu.memory_space<vmem>>
    %dma_wait3A_408 = tpu.memref_slice %arg2[%dma_wait3A_403, %add3A_115] : memref<20x16384xi32, #tpu.memory_space<hbm>> -> memref<1x256xi32, #tpu.memory_space<hbm>>
    %dma_wait3A_409 = tpu.memref_squeeze %dma_wait3A_408 : memref<1x256xi32, #tpu.memory_space<hbm>> -> memref<256xi32, #tpu.memory_space<hbm>>
    %dma_wait3A_410 = arith.constant 0 : i32
    %dma_wait3A_411 = tpu.memref_slice %arg5[%dma_wait3A_404, %dma_wait3A_410] : memref<20x256xi32, #tpu.memory_space<vmem>> -> memref<1x256xi32, #tpu.memory_space<vmem>>
    %dma_wait3A_412 = tpu.memref_squeeze %dma_wait3A_411 : memref<1x256xi32, #tpu.memory_space<vmem>> -> memref<256xi32, #tpu.memory_space<vmem>>
    %dma_wait3A_413 = tpu.memref_slice %arg2[%dma_wait3A_403, %add3A_115] : memref<20x16384xi32, #tpu.memory_space<hbm>> -> memref<1x256xi32, #tpu.memory_space<hbm>>
    %dma_wait3A_414 = tpu.memref_squeeze %dma_wait3A_413 : memref<1x256xi32, #tpu.memory_space<hbm>> -> memref<256xi32, #tpu.memory_space<hbm>>
    tpu.wait_dma2 semaphore(%arg9 : memref<!tpu.dma_semaphore, #tpu.memory_space<semaphore_mem>>) src(%dma_wait3A_414 : memref<256xi32, #tpu.memory_space<hbm>>) dst(%dma_wait3A_412 : memref<256xi32, #tpu.memory_space<vmem>>)
    %dma_wait3A_415 = arith.constant 8 : i32
    %dma_wait3A_416 = arith.constant 8 : i32
    %dma_wait3A_417 = arith.constant 0 : i32
    %dma_wait3A_418 = tpu.memref_slice %arg5[%dma_wait3A_416, %dma_wait3A_417] : memref<20x256xi32, #tpu.memory_space<vmem>> -> memref<1x256xi32, #tpu.memory_space<vmem>>
    %dma_wait3A_419 = tpu.memref_squeeze %dma_wait3A_418 : memref<1x256xi32, #tpu.memory_space<vmem>> -> memref<256xi32, #tpu.memory_space<vmem>>
    %dma_wait3A_420 = tpu.memref_slice %arg2[%dma_wait3A_415, %add3A_131] : memref<20x16384xi32, #tpu.memory_space<hbm>> -> memref<1x256xi32, #tpu.memory_space<hbm>>
    %dma_wait3A_421 = tpu.memref_squeeze %dma_wait3A_420 : memref<1x256xi32, #tpu.memory_space<hbm>> -> memref<256xi32, #tpu.memory_space<hbm>>
    %dma_wait3A_422 = arith.constant 0 : i32
    %dma_wait3A_423 = tpu.memref_slice %arg5[%dma_wait3A_416, %dma_wait3A_422] : memref<20x256xi32, #tpu.memory_space<vmem>> -> memref<1x256xi32, #tpu.memory_space<vmem>>
    %dma_wait3A_424 = tpu.memref_squeeze %dma_wait3A_423 : memref<1x256xi32, #tpu.memory_space<vmem>> -> memref<256xi32, #tpu.memory_space<vmem>>
    %dma_wait3A_425 = tpu.memref_slice %arg2[%dma_wait3A_415, %add3A_131] : memref<20x16384xi32, #tpu.memory_space<hbm>> -> memref<1x256xi32, #tpu.memory_space<hbm>>
    %dma_wait3A_426 = tpu.memref_squeeze %dma_wait3A_425 : memref<1x256xi32, #tpu.memory_space<hbm>> -> memref<256xi32, #tpu.memory_space<hbm>>
    tpu.wait_dma2 semaphore(%arg9 : memref<!tpu.dma_semaphore, #tpu.memory_space<semaphore_mem>>) src(%dma_wait3A_426 : memref<256xi32, #tpu.memory_space<hbm>>) dst(%dma_wait3A_424 : memref<256xi32, #tpu.memory_space<vmem>>)
    %dma_wait3A_427 = arith.constant 9 : i32
    %dma_wait3A_428 = arith.constant 9 : i32
    %dma_wait3A_429 = arith.constant 0 : i32
    %dma_wait3A_430 = tpu.memref_slice %arg5[%dma_wait3A_428, %dma_wait3A_429] : memref<20x256xi32, #tpu.memory_space<vmem>> -> memref<1x256xi32, #tpu.memory_space<vmem>>
    %dma_wait3A_431 = tpu.memref_squeeze %dma_wait3A_430 : memref<1x256xi32, #tpu.memory_space<vmem>> -> memref<256xi32, #tpu.memory_space<vmem>>
    %dma_wait3A_432 = tpu.memref_slice %arg2[%dma_wait3A_427, %add3A_147] : memref<20x16384xi32, #tpu.memory_space<hbm>> -> memref<1x256xi32, #tpu.memory_space<hbm>>
    %dma_wait3A_433 = tpu.memref_squeeze %dma_wait3A_432 : memref<1x256xi32, #tpu.memory_space<hbm>> -> memref<256xi32, #tpu.memory_space<hbm>>
    %dma_wait3A_434 = arith.constant 0 : i32
    %dma_wait3A_435 = tpu.memref_slice %arg5[%dma_wait3A_428, %dma_wait3A_434] : memref<20x256xi32, #tpu.memory_space<vmem>> -> memref<1x256xi32, #tpu.memory_space<vmem>>
    %dma_wait3A_436 = tpu.memref_squeeze %dma_wait3A_435 : memref<1x256xi32, #tpu.memory_space<vmem>> -> memref<256xi32, #tpu.memory_space<vmem>>
    %dma_wait3A_437 = tpu.memref_slice %arg2[%dma_wait3A_427, %add3A_147] : memref<20x16384xi32, #tpu.memory_space<hbm>> -> memref<1x256xi32, #tpu.memory_space<hbm>>
    %dma_wait3A_438 = tpu.memref_squeeze %dma_wait3A_437 : memref<1x256xi32, #tpu.memory_space<hbm>> -> memref<256xi32, #tpu.memory_space<hbm>>
    tpu.wait_dma2 semaphore(%arg9 : memref<!tpu.dma_semaphore, #tpu.memory_space<semaphore_mem>>) src(%dma_wait3A_438 : memref<256xi32, #tpu.memory_space<hbm>>) dst(%dma_wait3A_436 : memref<256xi32, #tpu.memory_space<vmem>>)
    %dma_wait3A_439 = arith.constant 10 : i32
    %dma_wait3A_440 = arith.constant 10 : i32
    %dma_wait3A_441 = arith.constant 0 : i32
    %dma_wait3A_442 = tpu.memref_slice %arg5[%dma_wait3A_440, %dma_wait3A_441] : memref<20x256xi32, #tpu.memory_space<vmem>> -> memref<1x256xi32, #tpu.memory_space<vmem>>
    %dma_wait3A_443 = tpu.memref_squeeze %dma_wait3A_442 : memref<1x256xi32, #tpu.memory_space<vmem>> -> memref<256xi32, #tpu.memory_space<vmem>>
    %dma_wait3A_444 = tpu.memref_slice %arg2[%dma_wait3A_439, %add3A_163] : memref<20x16384xi32, #tpu.memory_space<hbm>> -> memref<1x256xi32, #tpu.memory_space<hbm>>
    %dma_wait3A_445 = tpu.memref_squeeze %dma_wait3A_444 : memref<1x256xi32, #tpu.memory_space<hbm>> -> memref<256xi32, #tpu.memory_space<hbm>>
    %dma_wait3A_446 = arith.constant 0 : i32
    %dma_wait3A_447 = tpu.memref_slice %arg5[%dma_wait3A_440, %dma_wait3A_446] : memref<20x256xi32, #tpu.memory_space<vmem>> -> memref<1x256xi32, #tpu.memory_space<vmem>>
    %dma_wait3A_448 = tpu.memref_squeeze %dma_wait3A_447 : memref<1x256xi32, #tpu.memory_space<vmem>> -> memref<256xi32, #tpu.memory_space<vmem>>
    %dma_wait3A_449 = tpu.memref_slice %arg2[%dma_wait3A_439, %add3A_163] : memref<20x16384xi32, #tpu.memory_space<hbm>> -> memref<1x256xi32, #tpu.memory_space<hbm>>
    %dma_wait3A_450 = tpu.memref_squeeze %dma_wait3A_449 : memref<1x256xi32, #tpu.memory_space<hbm>> -> memref<256xi32, #tpu.memory_space<hbm>>
    tpu.wait_dma2 semaphore(%arg9 : memref<!tpu.dma_semaphore, #tpu.memory_space<semaphore_mem>>) src(%dma_wait3A_450 : memref<256xi32, #tpu.memory_space<hbm>>) dst(%dma_wait3A_448 : memref<256xi32, #tpu.memory_space<vmem>>)
    %dma_wait3A_451 = arith.constant 11 : i32
    %dma_wait3A_452 = arith.constant 11 : i32
    %dma_wait3A_453 = arith.constant 0 : i32
    %dma_wait3A_454 = tpu.memref_slice %arg5[%dma_wait3A_452, %dma_wait3A_453] : memref<20x256xi32, #tpu.memory_space<vmem>> -> memref<1x256xi32, #tpu.memory_space<vmem>>
    %dma_wait3A_455 = tpu.memref_squeeze %dma_wait3A_454 : memref<1x256xi32, #tpu.memory_space<vmem>> -> memref<256xi32, #tpu.memory_space<vmem>>
    %dma_wait3A_456 = tpu.memref_slice %arg2[%dma_wait3A_451, %add3A_179] : memref<20x16384xi32, #tpu.memory_space<hbm>> -> memref<1x256xi32, #tpu.memory_space<hbm>>
    %dma_wait3A_457 = tpu.memref_squeeze %dma_wait3A_456 : memref<1x256xi32, #tpu.memory_space<hbm>> -> memref<256xi32, #tpu.memory_space<hbm>>
    %dma_wait3A_458 = arith.constant 0 : i32
    %dma_wait3A_459 = tpu.memref_slice %arg5[%dma_wait3A_452, %dma_wait3A_458] : memref<20x256xi32, #tpu.memory_space<vmem>> -> memref<1x256xi32, #tpu.memory_space<vmem>>
    %dma_wait3A_460 = tpu.memref_squeeze %dma_wait3A_459 : memref<1x256xi32, #tpu.memory_space<vmem>> -> memref<256xi32, #tpu.memory_space<vmem>>
    %dma_wait3A_461 = tpu.memref_slice %arg2[%dma_wait3A_451, %add3A_179] : memref<20x16384xi32, #tpu.memory_space<hbm>> -> memref<1x256xi32, #tpu.memory_space<hbm>>
    %dma_wait3A_462 = tpu.memref_squeeze %dma_wait3A_461 : memref<1x256xi32, #tpu.memory_space<hbm>> -> memref<256xi32, #tpu.memory_space<hbm>>
    tpu.wait_dma2 semaphore(%arg9 : memref<!tpu.dma_semaphore, #tpu.memory_space<semaphore_mem>>) src(%dma_wait3A_462 : memref<256xi32, #tpu.memory_space<hbm>>) dst(%dma_wait3A_460 : memref<256xi32, #tpu.memory_space<vmem>>)
    %dma_wait3A_463 = arith.constant 12 : i32
    %dma_wait3A_464 = arith.constant 12 : i32
    %dma_wait3A_465 = arith.constant 0 : i32
    %dma_wait3A_466 = tpu.memref_slice %arg5[%dma_wait3A_464, %dma_wait3A_465] : memref<20x256xi32, #tpu.memory_space<vmem>> -> memref<1x256xi32, #tpu.memory_space<vmem>>
    %dma_wait3A_467 = tpu.memref_squeeze %dma_wait3A_466 : memref<1x256xi32, #tpu.memory_space<vmem>> -> memref<256xi32, #tpu.memory_space<vmem>>
    %dma_wait3A_468 = tpu.memref_slice %arg2[%dma_wait3A_463, %add3A_195] : memref<20x16384xi32, #tpu.memory_space<hbm>> -> memref<1x256xi32, #tpu.memory_space<hbm>>
    %dma_wait3A_469 = tpu.memref_squeeze %dma_wait3A_468 : memref<1x256xi32, #tpu.memory_space<hbm>> -> memref<256xi32, #tpu.memory_space<hbm>>
    %dma_wait3A_470 = arith.constant 0 : i32
    %dma_wait3A_471 = tpu.memref_slice %arg5[%dma_wait3A_464, %dma_wait3A_470] : memref<20x256xi32, #tpu.memory_space<vmem>> -> memref<1x256xi32, #tpu.memory_space<vmem>>
    %dma_wait3A_472 = tpu.memref_squeeze %dma_wait3A_471 : memref<1x256xi32, #tpu.memory_space<vmem>> -> memref<256xi32, #tpu.memory_space<vmem>>
    %dma_wait3A_473 = tpu.memref_slice %arg2[%dma_wait3A_463, %add3A_195] : memref<20x16384xi32, #tpu.memory_space<hbm>> -> memref<1x256xi32, #tpu.memory_space<hbm>>
    %dma_wait3A_474 = tpu.memref_squeeze %dma_wait3A_473 : memref<1x256xi32, #tpu.memory_space<hbm>> -> memref<256xi32, #tpu.memory_space<hbm>>
    tpu.wait_dma2 semaphore(%arg9 : memref<!tpu.dma_semaphore, #tpu.memory_space<semaphore_mem>>) src(%dma_wait3A_474 : memref<256xi32, #tpu.memory_space<hbm>>) dst(%dma_wait3A_472 : memref<256xi32, #tpu.memory_space<vmem>>)
    %dma_wait3A_475 = arith.constant 13 : i32
    %dma_wait3A_476 = arith.constant 13 : i32
    %dma_wait3A_477 = arith.constant 0 : i32
    %dma_wait3A_478 = tpu.memref_slice %arg5[%dma_wait3A_476, %dma_wait3A_477] : memref<20x256xi32, #tpu.memory_space<vmem>> -> memref<1x256xi32, #tpu.memory_space<vmem>>
    %dma_wait3A_479 = tpu.memref_squeeze %dma_wait3A_478 : memref<1x256xi32, #tpu.memory_space<vmem>> -> memref<256xi32, #tpu.memory_space<vmem>>
    %dma_wait3A_480 = tpu.memref_slice %arg2[%dma_wait3A_475, %add3A_211] : memref<20x16384xi32, #tpu.memory_space<hbm>> -> memref<1x256xi32, #tpu.memory_space<hbm>>
    %dma_wait3A_481 = tpu.memref_squeeze %dma_wait3A_480 : memref<1x256xi32, #tpu.memory_space<hbm>> -> memref<256xi32, #tpu.memory_space<hbm>>
    %dma_wait3A_482 = arith.constant 0 : i32
    %dma_wait3A_483 = tpu.memref_slice %arg5[%dma_wait3A_476, %dma_wait3A_482] : memref<20x256xi32, #tpu.memory_space<vmem>> -> memref<1x256xi32, #tpu.memory_space<vmem>>
    %dma_wait3A_484 = tpu.memref_squeeze %dma_wait3A_483 : memref<1x256xi32, #tpu.memory_space<vmem>> -> memref<256xi32, #tpu.memory_space<vmem>>
    %dma_wait3A_485 = tpu.memref_slice %arg2[%dma_wait3A_475, %add3A_211] : memref<20x16384xi32, #tpu.memory_space<hbm>> -> memref<1x256xi32, #tpu.memory_space<hbm>>
    %dma_wait3A_486 = tpu.memref_squeeze %dma_wait3A_485 : memref<1x256xi32, #tpu.memory_space<hbm>> -> memref<256xi32, #tpu.memory_space<hbm>>
    tpu.wait_dma2 semaphore(%arg9 : memref<!tpu.dma_semaphore, #tpu.memory_space<semaphore_mem>>) src(%dma_wait3A_486 : memref<256xi32, #tpu.memory_space<hbm>>) dst(%dma_wait3A_484 : memref<256xi32, #tpu.memory_space<vmem>>)
    %dma_wait3A_487 = arith.constant 14 : i32
    %dma_wait3A_488 = arith.constant 14 : i32
    %dma_wait3A_489 = arith.constant 0 : i32
    %dma_wait3A_490 = tpu.memref_slice %arg5[%dma_wait3A_488, %dma_wait3A_489] : memref<20x256xi32, #tpu.memory_space<vmem>> -> memref<1x256xi32, #tpu.memory_space<vmem>>
    %dma_wait3A_491 = tpu.memref_squeeze %dma_wait3A_490 : memref<1x256xi32, #tpu.memory_space<vmem>> -> memref<256xi32, #tpu.memory_space<vmem>>
    %dma_wait3A_492 = tpu.memref_slice %arg2[%dma_wait3A_487, %add3A_227] : memref<20x16384xi32, #tpu.memory_space<hbm>> -> memref<1x256xi32, #tpu.memory_space<hbm>>
    %dma_wait3A_493 = tpu.memref_squeeze %dma_wait3A_492 : memref<1x256xi32, #tpu.memory_space<hbm>> -> memref<256xi32, #tpu.memory_space<hbm>>
    %dma_wait3A_494 = arith.constant 0 : i32
    %dma_wait3A_495 = tpu.memref_slice %arg5[%dma_wait3A_488, %dma_wait3A_494] : memref<20x256xi32, #tpu.memory_space<vmem>> -> memref<1x256xi32, #tpu.memory_space<vmem>>
    %dma_wait3A_496 = tpu.memref_squeeze %dma_wait3A_495 : memref<1x256xi32, #tpu.memory_space<vmem>> -> memref<256xi32, #tpu.memory_space<vmem>>
    %dma_wait3A_497 = tpu.memref_slice %arg2[%dma_wait3A_487, %add3A_227] : memref<20x16384xi32, #tpu.memory_space<hbm>> -> memref<1x256xi32, #tpu.memory_space<hbm>>
    %dma_wait3A_498 = tpu.memref_squeeze %dma_wait3A_497 : memref<1x256xi32, #tpu.memory_space<hbm>> -> memref<256xi32, #tpu.memory_space<hbm>>
    tpu.wait_dma2 semaphore(%arg9 : memref<!tpu.dma_semaphore, #tpu.memory_space<semaphore_mem>>) src(%dma_wait3A_498 : memref<256xi32, #tpu.memory_space<hbm>>) dst(%dma_wait3A_496 : memref<256xi32, #tpu.memory_space<vmem>>)
    %dma_wait3A_499 = arith.constant 15 : i32
    %dma_wait3A_500 = arith.constant 15 : i32
    %dma_wait3A_501 = arith.constant 0 : i32
    %dma_wait3A_502 = tpu.memref_slice %arg5[%dma_wait3A_500, %dma_wait3A_501] : memref<20x256xi32, #tpu.memory_space<vmem>> -> memref<1x256xi32, #tpu.memory_space<vmem>>
    %dma_wait3A_503 = tpu.memref_squeeze %dma_wait3A_502 : memref<1x256xi32, #tpu.memory_space<vmem>> -> memref<256xi32, #tpu.memory_space<vmem>>
    %dma_wait3A_504 = tpu.memref_slice %arg2[%dma_wait3A_499, %add3A_243] : memref<20x16384xi32, #tpu.memory_space<hbm>> -> memref<1x256xi32, #tpu.memory_space<hbm>>
    %dma_wait3A_505 = tpu.memref_squeeze %dma_wait3A_504 : memref<1x256xi32, #tpu.memory_space<hbm>> -> memref<256xi32, #tpu.memory_space<hbm>>
    %dma_wait3A_506 = arith.constant 0 : i32
    %dma_wait3A_507 = tpu.memref_slice %arg5[%dma_wait3A_500, %dma_wait3A_506] : memref<20x256xi32, #tpu.memory_space<vmem>> -> memref<1x256xi32, #tpu.memory_space<vmem>>
    %dma_wait3A_508 = tpu.memref_squeeze %dma_wait3A_507 : memref<1x256xi32, #tpu.memory_space<vmem>> -> memref<256xi32, #tpu.memory_space<vmem>>
    %dma_wait3A_509 = tpu.memref_slice %arg2[%dma_wait3A_499, %add3A_243] : memref<20x16384xi32, #tpu.memory_space<hbm>> -> memref<1x256xi32, #tpu.memory_space<hbm>>
    %dma_wait3A_510 = tpu.memref_squeeze %dma_wait3A_509 : memref<1x256xi32, #tpu.memory_space<hbm>> -> memref<256xi32, #tpu.memory_space<hbm>>
    tpu.wait_dma2 semaphore(%arg9 : memref<!tpu.dma_semaphore, #tpu.memory_space<semaphore_mem>>) src(%dma_wait3A_510 : memref<256xi32, #tpu.memory_space<hbm>>) dst(%dma_wait3A_508 : memref<256xi32, #tpu.memory_space<vmem>>)
    %dma_wait3A_511 = arith.constant 16 : i32
    %dma_wait3A_512 = arith.constant 16 : i32
    %dma_wait3A_513 = arith.constant 0 : i32
    %dma_wait3A_514 = tpu.memref_slice %arg5[%dma_wait3A_512, %dma_wait3A_513] : memref<20x256xi32, #tpu.memory_space<vmem>> -> memref<1x256xi32, #tpu.memory_space<vmem>>
    %dma_wait3A_515 = tpu.memref_squeeze %dma_wait3A_514 : memref<1x256xi32, #tpu.memory_space<vmem>> -> memref<256xi32, #tpu.memory_space<vmem>>
    %dma_wait3A_516 = tpu.memref_slice %arg2[%dma_wait3A_511, %add3A_259] : memref<20x16384xi32, #tpu.memory_space<hbm>> -> memref<1x256xi32, #tpu.memory_space<hbm>>
    %dma_wait3A_517 = tpu.memref_squeeze %dma_wait3A_516 : memref<1x256xi32, #tpu.memory_space<hbm>> -> memref<256xi32, #tpu.memory_space<hbm>>
    %dma_wait3A_518 = arith.constant 0 : i32
    %dma_wait3A_519 = tpu.memref_slice %arg5[%dma_wait3A_512, %dma_wait3A_518] : memref<20x256xi32, #tpu.memory_space<vmem>> -> memref<1x256xi32, #tpu.memory_space<vmem>>
    %dma_wait3A_520 = tpu.memref_squeeze %dma_wait3A_519 : memref<1x256xi32, #tpu.memory_space<vmem>> -> memref<256xi32, #tpu.memory_space<vmem>>
    %dma_wait3A_521 = tpu.memref_slice %arg2[%dma_wait3A_511, %add3A_259] : memref<20x16384xi32, #tpu.memory_space<hbm>> -> memref<1x256xi32, #tpu.memory_space<hbm>>
    %dma_wait3A_522 = tpu.memref_squeeze %dma_wait3A_521 : memref<1x256xi32, #tpu.memory_space<hbm>> -> memref<256xi32, #tpu.memory_space<hbm>>
    tpu.wait_dma2 semaphore(%arg9 : memref<!tpu.dma_semaphore, #tpu.memory_space<semaphore_mem>>) src(%dma_wait3A_522 : memref<256xi32, #tpu.memory_space<hbm>>) dst(%dma_wait3A_520 : memref<256xi32, #tpu.memory_space<vmem>>)
    %dma_wait3A_523 = arith.constant 17 : i32
    %dma_wait3A_524 = arith.constant 17 : i32
    %dma_wait3A_525 = arith.constant 0 : i32
    %dma_wait3A_526 = tpu.memref_slice %arg5[%dma_wait3A_524, %dma_wait3A_525] : memref<20x256xi32, #tpu.memory_space<vmem>> -> memref<1x256xi32, #tpu.memory_space<vmem>>
    %dma_wait3A_527 = tpu.memref_squeeze %dma_wait3A_526 : memref<1x256xi32, #tpu.memory_space<vmem>> -> memref<256xi32, #tpu.memory_space<vmem>>
    %dma_wait3A_528 = tpu.memref_slice %arg2[%dma_wait3A_523, %add3A_275] : memref<20x16384xi32, #tpu.memory_space<hbm>> -> memref<1x256xi32, #tpu.memory_space<hbm>>
    %dma_wait3A_529 = tpu.memref_squeeze %dma_wait3A_528 : memref<1x256xi32, #tpu.memory_space<hbm>> -> memref<256xi32, #tpu.memory_space<hbm>>
    %dma_wait3A_530 = arith.constant 0 : i32
    %dma_wait3A_531 = tpu.memref_slice %arg5[%dma_wait3A_524, %dma_wait3A_530] : memref<20x256xi32, #tpu.memory_space<vmem>> -> memref<1x256xi32, #tpu.memory_space<vmem>>
    %dma_wait3A_532 = tpu.memref_squeeze %dma_wait3A_531 : memref<1x256xi32, #tpu.memory_space<vmem>> -> memref<256xi32, #tpu.memory_space<vmem>>
    %dma_wait3A_533 = tpu.memref_slice %arg2[%dma_wait3A_523, %add3A_275] : memref<20x16384xi32, #tpu.memory_space<hbm>> -> memref<1x256xi32, #tpu.memory_space<hbm>>
    %dma_wait3A_534 = tpu.memref_squeeze %dma_wait3A_533 : memref<1x256xi32, #tpu.memory_space<hbm>> -> memref<256xi32, #tpu.memory_space<hbm>>
    tpu.wait_dma2 semaphore(%arg9 : memref<!tpu.dma_semaphore, #tpu.memory_space<semaphore_mem>>) src(%dma_wait3A_534 : memref<256xi32, #tpu.memory_space<hbm>>) dst(%dma_wait3A_532 : memref<256xi32, #tpu.memory_space<vmem>>)
    %dma_wait3A_535 = arith.constant 18 : i32
    %dma_wait3A_536 = arith.constant 18 : i32
    %dma_wait3A_537 = arith.constant 0 : i32
    %dma_wait3A_538 = tpu.memref_slice %arg5[%dma_wait3A_536, %dma_wait3A_537] : memref<20x256xi32, #tpu.memory_space<vmem>> -> memref<1x256xi32, #tpu.memory_space<vmem>>
    %dma_wait3A_539 = tpu.memref_squeeze %dma_wait3A_538 : memref<1x256xi32, #tpu.memory_space<vmem>> -> memref<256xi32, #tpu.memory_space<vmem>>
    %dma_wait3A_540 = tpu.memref_slice %arg2[%dma_wait3A_535, %add3A_291] : memref<20x16384xi32, #tpu.memory_space<hbm>> -> memref<1x256xi32, #tpu.memory_space<hbm>>
    %dma_wait3A_541 = tpu.memref_squeeze %dma_wait3A_540 : memref<1x256xi32, #tpu.memory_space<hbm>> -> memref<256xi32, #tpu.memory_space<hbm>>
    %dma_wait3A_542 = arith.constant 0 : i32
    %dma_wait3A_543 = tpu.memref_slice %arg5[%dma_wait3A_536, %dma_wait3A_542] : memref<20x256xi32, #tpu.memory_space<vmem>> -> memref<1x256xi32, #tpu.memory_space<vmem>>
    %dma_wait3A_544 = tpu.memref_squeeze %dma_wait3A_543 : memref<1x256xi32, #tpu.memory_space<vmem>> -> memref<256xi32, #tpu.memory_space<vmem>>
    %dma_wait3A_545 = tpu.memref_slice %arg2[%dma_wait3A_535, %add3A_291] : memref<20x16384xi32, #tpu.memory_space<hbm>> -> memref<1x256xi32, #tpu.memory_space<hbm>>
    %dma_wait3A_546 = tpu.memref_squeeze %dma_wait3A_545 : memref<1x256xi32, #tpu.memory_space<hbm>> -> memref<256xi32, #tpu.memory_space<hbm>>
    tpu.wait_dma2 semaphore(%arg9 : memref<!tpu.dma_semaphore, #tpu.memory_space<semaphore_mem>>) src(%dma_wait3A_546 : memref<256xi32, #tpu.memory_space<hbm>>) dst(%dma_wait3A_544 : memref<256xi32, #tpu.memory_space<vmem>>)
    %dma_wait3A_547 = arith.constant 19 : i32
    %dma_wait3A_548 = arith.constant 19 : i32
    %dma_wait3A_549 = arith.constant 0 : i32
    %dma_wait3A_550 = tpu.memref_slice %arg5[%dma_wait3A_548, %dma_wait3A_549] : memref<20x256xi32, #tpu.memory_space<vmem>> -> memref<1x256xi32, #tpu.memory_space<vmem>>
    %dma_wait3A_551 = tpu.memref_squeeze %dma_wait3A_550 : memref<1x256xi32, #tpu.memory_space<vmem>> -> memref<256xi32, #tpu.memory_space<vmem>>
    %dma_wait3A_552 = tpu.memref_slice %arg2[%dma_wait3A_547, %add3A_307] : memref<20x16384xi32, #tpu.memory_space<hbm>> -> memref<1x256xi32, #tpu.memory_space<hbm>>
    %dma_wait3A_553 = tpu.memref_squeeze %dma_wait3A_552 : memref<1x256xi32, #tpu.memory_space<hbm>> -> memref<256xi32, #tpu.memory_space<hbm>>
    %dma_wait3A_554 = arith.constant 0 : i32
    %dma_wait3A_555 = tpu.memref_slice %arg5[%dma_wait3A_548, %dma_wait3A_554] : memref<20x256xi32, #tpu.memory_space<vmem>> -> memref<1x256xi32, #tpu.memory_space<vmem>>
    %dma_wait3A_556 = tpu.memref_squeeze %dma_wait3A_555 : memref<1x256xi32, #tpu.memory_space<vmem>> -> memref<256xi32, #tpu.memory_space<vmem>>
    %dma_wait3A_557 = tpu.memref_slice %arg2[%dma_wait3A_547, %add3A_307] : memref<20x16384xi32, #tpu.memory_space<hbm>> -> memref<1x256xi32, #tpu.memory_space<hbm>>
    %dma_wait3A_558 = tpu.memref_squeeze %dma_wait3A_557 : memref<1x256xi32, #tpu.memory_space<hbm>> -> memref<256xi32, #tpu.memory_space<hbm>>
    tpu.wait_dma2 semaphore(%arg9 : memref<!tpu.dma_semaphore, #tpu.memory_space<semaphore_mem>>) src(%dma_wait3A_558 : memref<256xi32, #tpu.memory_space<hbm>>) dst(%dma_wait3A_556 : memref<256xi32, #tpu.memory_space<vmem>>)
    %iota3A = tpu.iota {dimensions = array<i32: 0>} : vector<16xi32>
    %and3A = arith.constant 7 : i32
    %and3A_559 = vector.broadcast %and3A : i32 to vector<16xi32>
    %and3A_560 = arith.andi %iota3A, %and3A_559 : vector<16xi32>
    %shift_right_arithmetic3A = arith.constant 3 : i32
    %shift_right_arithmetic3A_561 = vector.broadcast %shift_right_arithmetic3A : i32 to vector<16xi32>
    %shift_right_arithmetic3A_562 = arith.shrsi %iota3A, %shift_right_arithmetic3A_561 : vector<16xi32>
    %scan3A = arith.constant 0 : i32
    %scan3A_563 = arith.constant 0 : i32
    %scan3A_564 = arith.constant 128 : i32
    %scan3A_565 = arith.addi %scan3A_563, %scan3A_564 : i32
    %scan3A_566 = arith.constant 1 : i32
    scf.for %scan3A_1384 = %scan3A_563 to %scan3A_565 step %scan3A_566  : i32 {
      %add3A_1385 = arith.constant 0 : i32
      %add3A_1386 = vector.broadcast %add3A_1385 : i32 to vector<16xi32>
      %add3A_1387 = arith.addi %add3A_1386, %and3A_560 : vector<16xi32>
      %ge3A = arith.constant 20 : i32
      %ge3A_1388 = vector.broadcast %ge3A : i32 to vector<16xi32>
      %ge3A_1389 = arith.cmpi sge, %add3A_1387, %ge3A_1388 : vector<16xi32>
      %sub3A = arith.constant 20 : i32
      %sub3A_1390 = vector.broadcast %sub3A : i32 to vector<16xi32>
      %sub3A_1391 = arith.subi %add3A_1387, %sub3A_1390 : vector<16xi32>
      %select_n3A = arith.select %ge3A_1389, %sub3A_1391, %add3A_1387 : vector<16xi1>, vector<16xi32>
      %mul3A_1392 = arith.constant 2 : i32
      %mul3A_1393 = arith.muli %mul3A_1392, %scan3A_1384 : i32
      %add3A_1394 = vector.broadcast %mul3A_1393 : i32 to vector<16xi32>
      %add3A_1395 = arith.addi %add3A_1394, %shift_right_arithmetic3A_562 : vector<16xi32>
      %gather3A = tpu.vector_load_idx %arg5[%select_n3A, %add3A_1395] : memref<20x256xi32, #tpu.memory_space<vmem>>[vector<16xi32>, vector<16xi32>], vector<16xi32>,
      %mul3A_1396 = arith.constant 16 : i32
      %mul3A_1397 = arith.muli %scan3A_1384, %mul3A_1396 : i32
      %add3A_1398 = arith.constant 0 : i32
      %add3A_1399 = arith.addi %add3A_1398, %mul3A_1397 : i32
      %swap3A = arith.index_cast %add3A_1399 : i32 to index
      %swap3A_1400 = tpu.vector_load %arg6[%swap3A] {strides = array<i32>} : memref<6144xi32, #tpu.memory_space<vmem>>, vector<16xi32>,
      tpu.vector_store %arg6[%swap3A], %gather3A {strides = array<i32>} : memref<6144xi32, #tpu.memory_space<vmem>>, vector<16xi32>,
      %add3A_1401 = arith.constant 8 : i32
      %add3A_1402 = vector.broadcast %add3A_1401 : i32 to vector<16xi32>
      %add3A_1403 = arith.addi %add3A_1402, %and3A_560 : vector<16xi32>
      %ge3A_1404 = arith.constant 20 : i32
      %ge3A_1405 = vector.broadcast %ge3A_1404 : i32 to vector<16xi32>
      %ge3A_1406 = arith.cmpi sge, %add3A_1403, %ge3A_1405 : vector<16xi32>
      %sub3A_1407 = arith.constant 20 : i32
      %sub3A_1408 = vector.broadcast %sub3A_1407 : i32 to vector<16xi32>
      %sub3A_1409 = arith.subi %add3A_1403, %sub3A_1408 : vector<16xi32>
      %select_n3A_1410 = arith.select %ge3A_1406, %sub3A_1409, %add3A_1403 : vector<16xi1>, vector<16xi32>
      %mul3A_1411 = arith.constant 2 : i32
      %mul3A_1412 = arith.muli %mul3A_1411, %scan3A_1384 : i32
      %add3A_1413 = vector.broadcast %mul3A_1412 : i32 to vector<16xi32>
      %add3A_1414 = arith.addi %add3A_1413, %shift_right_arithmetic3A_562 : vector<16xi32>
      %gather3A_1415 = tpu.vector_load_idx %arg5[%select_n3A_1410, %add3A_1414] : memref<20x256xi32, #tpu.memory_space<vmem>>[vector<16xi32>, vector<16xi32>], vector<16xi32>,
      %mul3A_1416 = arith.constant 16 : i32
      %mul3A_1417 = arith.muli %scan3A_1384, %mul3A_1416 : i32
      %add3A_1418 = arith.constant 2048 : i32
      %add3A_1419 = arith.addi %add3A_1418, %mul3A_1417 : i32
      %swap3A_1420 = arith.index_cast %add3A_1419 : i32 to index
      %swap3A_1421 = tpu.vector_load %arg6[%swap3A_1420] {strides = array<i32>} : memref<6144xi32, #tpu.memory_space<vmem>>, vector<16xi32>,
      tpu.vector_store %arg6[%swap3A_1420], %gather3A_1415 {strides = array<i32>} : memref<6144xi32, #tpu.memory_space<vmem>>, vector<16xi32>,
      %add3A_1422 = arith.constant 16 : i32
      %add3A_1423 = vector.broadcast %add3A_1422 : i32 to vector<16xi32>
      %add3A_1424 = arith.addi %add3A_1423, %and3A_560 : vector<16xi32>
      %ge3A_1425 = arith.constant 20 : i32
      %ge3A_1426 = vector.broadcast %ge3A_1425 : i32 to vector<16xi32>
      %ge3A_1427 = arith.cmpi sge, %add3A_1424, %ge3A_1426 : vector<16xi32>
      %sub3A_1428 = arith.constant 20 : i32
      %sub3A_1429 = vector.broadcast %sub3A_1428 : i32 to vector<16xi32>
      %sub3A_1430 = arith.subi %add3A_1424, %sub3A_1429 : vector<16xi32>
      %select_n3A_1431 = arith.select %ge3A_1427, %sub3A_1430, %add3A_1424 : vector<16xi1>, vector<16xi32>
      %mul3A_1432 = arith.constant 2 : i32
      %mul3A_1433 = arith.muli %mul3A_1432, %scan3A_1384 : i32
      %add3A_1434 = vector.broadcast %mul3A_1433 : i32 to vector<16xi32>
      %add3A_1435 = arith.addi %add3A_1434, %shift_right_arithmetic3A_562 : vector<16xi32>
      %gather3A_1436 = tpu.vector_load_idx %arg5[%select_n3A_1431, %add3A_1435] : memref<20x256xi32, #tpu.memory_space<vmem>>[vector<16xi32>, vector<16xi32>], vector<16xi32>,
      %mul3A_1437 = arith.constant 16 : i32
      %mul3A_1438 = arith.muli %scan3A_1384, %mul3A_1437 : i32
      %add3A_1439 = arith.constant 4096 : i32
      %add3A_1440 = arith.addi %add3A_1439, %mul3A_1438 : i32
      %swap3A_1441 = arith.index_cast %add3A_1440 : i32 to index
      %swap3A_1442 = tpu.vector_load %arg6[%swap3A_1441] {strides = array<i32>} : memref<6144xi32, #tpu.memory_space<vmem>>, vector<16xi32>,
      tpu.vector_store %arg6[%swap3A_1441], %gather3A_1436 {strides = array<i32>} : memref<6144xi32, #tpu.memory_space<vmem>>, vector<16xi32>,
    }
    %scan3A_567 = arith.constant 128 : i32
    %dma_start3A_568 = arith.constant 0 : i32
    %dma_start3A_569 = arith.constant 0 : i32
    %dma_start3A_570 = tpu.memref_slice %arg7[%dma_start3A_568, %dma_start3A_569] : memref<2048x16xf32, #tpu.memory_space<vmem>> -> memref<128x16xf32, #tpu.memory_space<vmem>>
    %dma_start3A_571 = arith.constant 0 : i32
    %dma_start3A_572 = tpu.memref_slice %arg6[%dma_start3A_571] : memref<6144xi32, #tpu.memory_space<vmem>> -> memref<128xi32, #tpu.memory_space<vmem>>
    %dma_start3A_573 = arith.constant 0 : i32
    %dma_start3A_574 = arith.constant 0 : i32
    %dma_start3A_575 = tpu.memref_slice %arg3[%dma_start3A_573, %dma_start3A_574] : memref<1000000x16xf32, #tpu.memory_space<hbm>> -> memref<1000000x16xf32, #tpu.memory_space<hbm>>
    tpu.enqueue_indirect_dma source(%dma_start3A_575 : memref<1000000x16xf32, #tpu.memory_space<hbm>>) target(%dma_start3A_570 : memref<128x16xf32, #tpu.memory_space<vmem>>) offsets(%dma_start3A_572 : memref<128xi32, #tpu.memory_space<vmem>>) semaphore(%arg9 : memref<!tpu.dma_semaphore, #tpu.memory_space<semaphore_mem>>)
    %dma_start3A_576 = arith.constant 128 : i32
    %dma_start3A_577 = arith.constant 0 : i32
    %dma_start3A_578 = tpu.memref_slice %arg7[%dma_start3A_576, %dma_start3A_577] : memref<2048x16xf32, #tpu.memory_space<vmem>> -> memref<128x16xf32, #tpu.memory_space<vmem>>
    %dma_start3A_579 = arith.constant 128 : i32
    %dma_start3A_580 = tpu.memref_slice %arg6[%dma_start3A_579] : memref<6144xi32, #tpu.memory_space<vmem>> -> memref<128xi32, #tpu.memory_space<vmem>>
    %dma_start3A_581 = arith.constant 0 : i32
    %dma_start3A_582 = arith.constant 0 : i32
    %dma_start3A_583 = tpu.memref_slice %arg3[%dma_start3A_581, %dma_start3A_582] : memref<1000000x16xf32, #tpu.memory_space<hbm>> -> memref<1000000x16xf32, #tpu.memory_space<hbm>>
    tpu.enqueue_indirect_dma source(%dma_start3A_583 : memref<1000000x16xf32, #tpu.memory_space<hbm>>) target(%dma_start3A_578 : memref<128x16xf32, #tpu.memory_space<vmem>>) offsets(%dma_start3A_580 : memref<128xi32, #tpu.memory_space<vmem>>) semaphore(%arg9 : memref<!tpu.dma_semaphore, #tpu.memory_space<semaphore_mem>>)
    %dma_start3A_584 = arith.constant 256 : i32
    %dma_start3A_585 = arith.constant 0 : i32
    %dma_start3A_586 = tpu.memref_slice %arg7[%dma_start3A_584, %dma_start3A_585] : memref<2048x16xf32, #tpu.memory_space<vmem>> -> memref<128x16xf32, #tpu.memory_space<vmem>>
    %dma_start3A_587 = arith.constant 256 : i32
    %dma_start3A_588 = tpu.memref_slice %arg6[%dma_start3A_587] : memref<6144xi32, #tpu.memory_space<vmem>> -> memref<128xi32, #tpu.memory_space<vmem>>
    %dma_start3A_589 = arith.constant 0 : i32
    %dma_start3A_590 = arith.constant 0 : i32
    %dma_start3A_591 = tpu.memref_slice %arg3[%dma_start3A_589, %dma_start3A_590] : memref<1000000x16xf32, #tpu.memory_space<hbm>> -> memref<1000000x16xf32, #tpu.memory_space<hbm>>
    tpu.enqueue_indirect_dma source(%dma_start3A_591 : memref<1000000x16xf32, #tpu.memory_space<hbm>>) target(%dma_start3A_586 : memref<128x16xf32, #tpu.memory_space<vmem>>) offsets(%dma_start3A_588 : memref<128xi32, #tpu.memory_space<vmem>>) semaphore(%arg9 : memref<!tpu.dma_semaphore, #tpu.memory_space<semaphore_mem>>)
    %dma_start3A_592 = arith.constant 384 : i32
    %dma_start3A_593 = arith.constant 0 : i32
    %dma_start3A_594 = tpu.memref_slice %arg7[%dma_start3A_592, %dma_start3A_593] : memref<2048x16xf32, #tpu.memory_space<vmem>> -> memref<128x16xf32, #tpu.memory_space<vmem>>
    %dma_start3A_595 = arith.constant 384 : i32
    %dma_start3A_596 = tpu.memref_slice %arg6[%dma_start3A_595] : memref<6144xi32, #tpu.memory_space<vmem>> -> memref<128xi32, #tpu.memory_space<vmem>>
    %dma_start3A_597 = arith.constant 0 : i32
    %dma_start3A_598 = arith.constant 0 : i32
    %dma_start3A_599 = tpu.memref_slice %arg3[%dma_start3A_597, %dma_start3A_598] : memref<1000000x16xf32, #tpu.memory_space<hbm>> -> memref<1000000x16xf32, #tpu.memory_space<hbm>>
    tpu.enqueue_indirect_dma source(%dma_start3A_599 : memref<1000000x16xf32, #tpu.memory_space<hbm>>) target(%dma_start3A_594 : memref<128x16xf32, #tpu.memory_space<vmem>>) offsets(%dma_start3A_596 : memref<128xi32, #tpu.memory_space<vmem>>) semaphore(%arg9 : memref<!tpu.dma_semaphore, #tpu.memory_space<semaphore_mem>>)
    %dma_start3A_600 = arith.constant 512 : i32
    %dma_start3A_601 = arith.constant 0 : i32
    %dma_start3A_602 = tpu.memref_slice %arg7[%dma_start3A_600, %dma_start3A_601] : memref<2048x16xf32, #tpu.memory_space<vmem>> -> memref<128x16xf32, #tpu.memory_space<vmem>>
    %dma_start3A_603 = arith.constant 512 : i32
    %dma_start3A_604 = tpu.memref_slice %arg6[%dma_start3A_603] : memref<6144xi32, #tpu.memory_space<vmem>> -> memref<128xi32, #tpu.memory_space<vmem>>
    %dma_start3A_605 = arith.constant 0 : i32
    %dma_start3A_606 = arith.constant 0 : i32
    %dma_start3A_607 = tpu.memref_slice %arg3[%dma_start3A_605, %dma_start3A_606] : memref<1000000x16xf32, #tpu.memory_space<hbm>> -> memref<1000000x16xf32, #tpu.memory_space<hbm>>
    tpu.enqueue_indirect_dma source(%dma_start3A_607 : memref<1000000x16xf32, #tpu.memory_space<hbm>>) target(%dma_start3A_602 : memref<128x16xf32, #tpu.memory_space<vmem>>) offsets(%dma_start3A_604 : memref<128xi32, #tpu.memory_space<vmem>>) semaphore(%arg9 : memref<!tpu.dma_semaphore, #tpu.memory_space<semaphore_mem>>)
    %dma_start3A_608 = arith.constant 640 : i32
    %dma_start3A_609 = arith.constant 0 : i32
    %dma_start3A_610 = tpu.memref_slice %arg7[%dma_start3A_608, %dma_start3A_609] : memref<2048x16xf32, #tpu.memory_space<vmem>> -> memref<128x16xf32, #tpu.memory_space<vmem>>
    %dma_start3A_611 = arith.constant 640 : i32
    %dma_start3A_612 = tpu.memref_slice %arg6[%dma_start3A_611] : memref<6144xi32, #tpu.memory_space<vmem>> -> memref<128xi32, #tpu.memory_space<vmem>>
    %dma_start3A_613 = arith.constant 0 : i32
    %dma_start3A_614 = arith.constant 0 : i32
    %dma_start3A_615 = tpu.memref_slice %arg3[%dma_start3A_613, %dma_start3A_614] : memref<1000000x16xf32, #tpu.memory_space<hbm>> -> memref<1000000x16xf32, #tpu.memory_space<hbm>>
    tpu.enqueue_indirect_dma source(%dma_start3A_615 : memref<1000000x16xf32, #tpu.memory_space<hbm>>) target(%dma_start3A_610 : memref<128x16xf32, #tpu.memory_space<vmem>>) offsets(%dma_start3A_612 : memref<128xi32, #tpu.memory_space<vmem>>) semaphore(%arg9 : memref<!tpu.dma_semaphore, #tpu.memory_space<semaphore_mem>>)
    %dma_start3A_616 = arith.constant 768 : i32
    %dma_start3A_617 = arith.constant 0 : i32
    %dma_start3A_618 = tpu.memref_slice %arg7[%dma_start3A_616, %dma_start3A_617] : memref<2048x16xf32, #tpu.memory_space<vmem>> -> memref<128x16xf32, #tpu.memory_space<vmem>>
    %dma_start3A_619 = arith.constant 768 : i32
    %dma_start3A_620 = tpu.memref_slice %arg6[%dma_start3A_619] : memref<6144xi32, #tpu.memory_space<vmem>> -> memref<128xi32, #tpu.memory_space<vmem>>
    %dma_start3A_621 = arith.constant 0 : i32
    %dma_start3A_622 = arith.constant 0 : i32
    %dma_start3A_623 = tpu.memref_slice %arg3[%dma_start3A_621, %dma_start3A_622] : memref<1000000x16xf32, #tpu.memory_space<hbm>> -> memref<1000000x16xf32, #tpu.memory_space<hbm>>
    tpu.enqueue_indirect_dma source(%dma_start3A_623 : memref<1000000x16xf32, #tpu.memory_space<hbm>>) target(%dma_start3A_618 : memref<128x16xf32, #tpu.memory_space<vmem>>) offsets(%dma_start3A_620 : memref<128xi32, #tpu.memory_space<vmem>>) semaphore(%arg9 : memref<!tpu.dma_semaphore, #tpu.memory_space<semaphore_mem>>)
    %dma_start3A_624 = arith.constant 896 : i32
    %dma_start3A_625 = arith.constant 0 : i32
    %dma_start3A_626 = tpu.memref_slice %arg7[%dma_start3A_624, %dma_start3A_625] : memref<2048x16xf32, #tpu.memory_space<vmem>> -> memref<128x16xf32, #tpu.memory_space<vmem>>
    %dma_start3A_627 = arith.constant 896 : i32
    %dma_start3A_628 = tpu.memref_slice %arg6[%dma_start3A_627] : memref<6144xi32, #tpu.memory_space<vmem>> -> memref<128xi32, #tpu.memory_space<vmem>>
    %dma_start3A_629 = arith.constant 0 : i32
    %dma_start3A_630 = arith.constant 0 : i32
    %dma_start3A_631 = tpu.memref_slice %arg3[%dma_start3A_629, %dma_start3A_630] : memref<1000000x16xf32, #tpu.memory_space<hbm>> -> memref<1000000x16xf32, #tpu.memory_space<hbm>>
    tpu.enqueue_indirect_dma source(%dma_start3A_631 : memref<1000000x16xf32, #tpu.memory_space<hbm>>) target(%dma_start3A_626 : memref<128x16xf32, #tpu.memory_space<vmem>>) offsets(%dma_start3A_628 : memref<128xi32, #tpu.memory_space<vmem>>) semaphore(%arg9 : memref<!tpu.dma_semaphore, #tpu.memory_space<semaphore_mem>>)
    %dma_start3A_632 = arith.constant 1024 : i32
    %dma_start3A_633 = arith.constant 0 : i32
    %dma_start3A_634 = tpu.memref_slice %arg7[%dma_start3A_632, %dma_start3A_633] : memref<2048x16xf32, #tpu.memory_space<vmem>> -> memref<128x16xf32, #tpu.memory_space<vmem>>
    %dma_start3A_635 = arith.constant 1024 : i32
    %dma_start3A_636 = tpu.memref_slice %arg6[%dma_start3A_635] : memref<6144xi32, #tpu.memory_space<vmem>> -> memref<128xi32, #tpu.memory_space<vmem>>
    %dma_start3A_637 = arith.constant 0 : i32
    %dma_start3A_638 = arith.constant 0 : i32
    %dma_start3A_639 = tpu.memref_slice %arg3[%dma_start3A_637, %dma_start3A_638] : memref<1000000x16xf32, #tpu.memory_space<hbm>> -> memref<1000000x16xf32, #tpu.memory_space<hbm>>
    tpu.enqueue_indirect_dma source(%dma_start3A_639 : memref<1000000x16xf32, #tpu.memory_space<hbm>>) target(%dma_start3A_634 : memref<128x16xf32, #tpu.memory_space<vmem>>) offsets(%dma_start3A_636 : memref<128xi32, #tpu.memory_space<vmem>>) semaphore(%arg9 : memref<!tpu.dma_semaphore, #tpu.memory_space<semaphore_mem>>)
    %dma_start3A_640 = arith.constant 1152 : i32
    %dma_start3A_641 = arith.constant 0 : i32
    %dma_start3A_642 = tpu.memref_slice %arg7[%dma_start3A_640, %dma_start3A_641] : memref<2048x16xf32, #tpu.memory_space<vmem>> -> memref<128x16xf32, #tpu.memory_space<vmem>>
    %dma_start3A_643 = arith.constant 1152 : i32
    %dma_start3A_644 = tpu.memref_slice %arg6[%dma_start3A_643] : memref<6144xi32, #tpu.memory_space<vmem>> -> memref<128xi32, #tpu.memory_space<vmem>>
    %dma_start3A_645 = arith.constant 0 : i32
    %dma_start3A_646 = arith.constant 0 : i32
    %dma_start3A_647 = tpu.memref_slice %arg3[%dma_start3A_645, %dma_start3A_646] : memref<1000000x16xf32, #tpu.memory_space<hbm>> -> memref<1000000x16xf32, #tpu.memory_space<hbm>>
    tpu.enqueue_indirect_dma source(%dma_start3A_647 : memref<1000000x16xf32, #tpu.memory_space<hbm>>) target(%dma_start3A_642 : memref<128x16xf32, #tpu.memory_space<vmem>>) offsets(%dma_start3A_644 : memref<128xi32, #tpu.memory_space<vmem>>) semaphore(%arg9 : memref<!tpu.dma_semaphore, #tpu.memory_space<semaphore_mem>>)
    %dma_start3A_648 = arith.constant 1280 : i32
    %dma_start3A_649 = arith.constant 0 : i32
    %dma_start3A_650 = tpu.memref_slice %arg7[%dma_start3A_648, %dma_start3A_649] : memref<2048x16xf32, #tpu.memory_space<vmem>> -> memref<128x16xf32, #tpu.memory_space<vmem>>
    %dma_start3A_651 = arith.constant 1280 : i32
    %dma_start3A_652 = tpu.memref_slice %arg6[%dma_start3A_651] : memref<6144xi32, #tpu.memory_space<vmem>> -> memref<128xi32, #tpu.memory_space<vmem>>
    %dma_start3A_653 = arith.constant 0 : i32
    %dma_start3A_654 = arith.constant 0 : i32
    %dma_start3A_655 = tpu.memref_slice %arg3[%dma_start3A_653, %dma_start3A_654] : memref<1000000x16xf32, #tpu.memory_space<hbm>> -> memref<1000000x16xf32, #tpu.memory_space<hbm>>
    tpu.enqueue_indirect_dma source(%dma_start3A_655 : memref<1000000x16xf32, #tpu.memory_space<hbm>>) target(%dma_start3A_650 : memref<128x16xf32, #tpu.memory_space<vmem>>) offsets(%dma_start3A_652 : memref<128xi32, #tpu.memory_space<vmem>>) semaphore(%arg9 : memref<!tpu.dma_semaphore, #tpu.memory_space<semaphore_mem>>)
    %dma_start3A_656 = arith.constant 1408 : i32
    %dma_start3A_657 = arith.constant 0 : i32
    %dma_start3A_658 = tpu.memref_slice %arg7[%dma_start3A_656, %dma_start3A_657] : memref<2048x16xf32, #tpu.memory_space<vmem>> -> memref<128x16xf32, #tpu.memory_space<vmem>>
    %dma_start3A_659 = arith.constant 1408 : i32
    %dma_start3A_660 = tpu.memref_slice %arg6[%dma_start3A_659] : memref<6144xi32, #tpu.memory_space<vmem>> -> memref<128xi32, #tpu.memory_space<vmem>>
    %dma_start3A_661 = arith.constant 0 : i32
    %dma_start3A_662 = arith.constant 0 : i32
    %dma_start3A_663 = tpu.memref_slice %arg3[%dma_start3A_661, %dma_start3A_662] : memref<1000000x16xf32, #tpu.memory_space<hbm>> -> memref<1000000x16xf32, #tpu.memory_space<hbm>>
    tpu.enqueue_indirect_dma source(%dma_start3A_663 : memref<1000000x16xf32, #tpu.memory_space<hbm>>) target(%dma_start3A_658 : memref<128x16xf32, #tpu.memory_space<vmem>>) offsets(%dma_start3A_660 : memref<128xi32, #tpu.memory_space<vmem>>) semaphore(%arg9 : memref<!tpu.dma_semaphore, #tpu.memory_space<semaphore_mem>>)
    %dma_start3A_664 = arith.constant 1536 : i32
    %dma_start3A_665 = arith.constant 0 : i32
    %dma_start3A_666 = tpu.memref_slice %arg7[%dma_start3A_664, %dma_start3A_665] : memref<2048x16xf32, #tpu.memory_space<vmem>> -> memref<128x16xf32, #tpu.memory_space<vmem>>
    %dma_start3A_667 = arith.constant 1536 : i32
    %dma_start3A_668 = tpu.memref_slice %arg6[%dma_start3A_667] : memref<6144xi32, #tpu.memory_space<vmem>> -> memref<128xi32, #tpu.memory_space<vmem>>
    %dma_start3A_669 = arith.constant 0 : i32
    %dma_start3A_670 = arith.constant 0 : i32
    %dma_start3A_671 = tpu.memref_slice %arg3[%dma_start3A_669, %dma_start3A_670] : memref<1000000x16xf32, #tpu.memory_space<hbm>> -> memref<1000000x16xf32, #tpu.memory_space<hbm>>
    tpu.enqueue_indirect_dma source(%dma_start3A_671 : memref<1000000x16xf32, #tpu.memory_space<hbm>>) target(%dma_start3A_666 : memref<128x16xf32, #tpu.memory_space<vmem>>) offsets(%dma_start3A_668 : memref<128xi32, #tpu.memory_space<vmem>>) semaphore(%arg9 : memref<!tpu.dma_semaphore, #tpu.memory_space<semaphore_mem>>)
    %dma_start3A_672 = arith.constant 1664 : i32
    %dma_start3A_673 = arith.constant 0 : i32
    %dma_start3A_674 = tpu.memref_slice %arg7[%dma_start3A_672, %dma_start3A_673] : memref<2048x16xf32, #tpu.memory_space<vmem>> -> memref<128x16xf32, #tpu.memory_space<vmem>>
    %dma_start3A_675 = arith.constant 1664 : i32
    %dma_start3A_676 = tpu.memref_slice %arg6[%dma_start3A_675] : memref<6144xi32, #tpu.memory_space<vmem>> -> memref<128xi32, #tpu.memory_space<vmem>>
    %dma_start3A_677 = arith.constant 0 : i32
    %dma_start3A_678 = arith.constant 0 : i32
    %dma_start3A_679 = tpu.memref_slice %arg3[%dma_start3A_677, %dma_start3A_678] : memref<1000000x16xf32, #tpu.memory_space<hbm>> -> memref<1000000x16xf32, #tpu.memory_space<hbm>>
    tpu.enqueue_indirect_dma source(%dma_start3A_679 : memref<1000000x16xf32, #tpu.memory_space<hbm>>) target(%dma_start3A_674 : memref<128x16xf32, #tpu.memory_space<vmem>>) offsets(%dma_start3A_676 : memref<128xi32, #tpu.memory_space<vmem>>) semaphore(%arg9 : memref<!tpu.dma_semaphore, #tpu.memory_space<semaphore_mem>>)
    %dma_start3A_680 = arith.constant 1792 : i32
    %dma_start3A_681 = arith.constant 0 : i32
    %dma_start3A_682 = tpu.memref_slice %arg7[%dma_start3A_680, %dma_start3A_681] : memref<2048x16xf32, #tpu.memory_space<vmem>> -> memref<128x16xf32, #tpu.memory_space<vmem>>
    %dma_start3A_683 = arith.constant 1792 : i32
    %dma_start3A_684 = tpu.memref_slice %arg6[%dma_start3A_683] : memref<6144xi32, #tpu.memory_space<vmem>> -> memref<128xi32, #tpu.memory_space<vmem>>
    %dma_start3A_685 = arith.constant 0 : i32
    %dma_start3A_686 = arith.constant 0 : i32
    %dma_start3A_687 = tpu.memref_slice %arg3[%dma_start3A_685, %dma_start3A_686] : memref<1000000x16xf32, #tpu.memory_space<hbm>> -> memref<1000000x16xf32, #tpu.memory_space<hbm>>
    tpu.enqueue_indirect_dma source(%dma_start3A_687 : memref<1000000x16xf32, #tpu.memory_space<hbm>>) target(%dma_start3A_682 : memref<128x16xf32, #tpu.memory_space<vmem>>) offsets(%dma_start3A_684 : memref<128xi32, #tpu.memory_space<vmem>>) semaphore(%arg9 : memref<!tpu.dma_semaphore, #tpu.memory_space<semaphore_mem>>)
    %dma_start3A_688 = arith.constant 1920 : i32
    %dma_start3A_689 = arith.constant 0 : i32
    %dma_start3A_690 = tpu.memref_slice %arg7[%dma_start3A_688, %dma_start3A_689] : memref<2048x16xf32, #tpu.memory_space<vmem>> -> memref<128x16xf32, #tpu.memory_space<vmem>>
    %dma_start3A_691 = arith.constant 1920 : i32
    %dma_start3A_692 = tpu.memref_slice %arg6[%dma_start3A_691] : memref<6144xi32, #tpu.memory_space<vmem>> -> memref<128xi32, #tpu.memory_space<vmem>>
    %dma_start3A_693 = arith.constant 0 : i32
    %dma_start3A_694 = arith.constant 0 : i32
    %dma_start3A_695 = tpu.memref_slice %arg3[%dma_start3A_693, %dma_start3A_694] : memref<1000000x16xf32, #tpu.memory_space<hbm>> -> memref<1000000x16xf32, #tpu.memory_space<hbm>>
    tpu.enqueue_indirect_dma source(%dma_start3A_695 : memref<1000000x16xf32, #tpu.memory_space<hbm>>) target(%dma_start3A_690 : memref<128x16xf32, #tpu.memory_space<vmem>>) offsets(%dma_start3A_692 : memref<128xi32, #tpu.memory_space<vmem>>) semaphore(%arg9 : memref<!tpu.dma_semaphore, #tpu.memory_space<semaphore_mem>>)
    %dma_wait3A_696 = arith.constant 0 : i32
    %dma_wait3A_697 = arith.constant 0 : i32
    %dma_wait3A_698 = tpu.memref_slice %arg7[%dma_wait3A_696, %dma_wait3A_697] : memref<2048x16xf32, #tpu.memory_space<vmem>> -> memref<128x16xf32, #tpu.memory_space<vmem>>
    %dma_wait3A_699 = arith.constant 0 : i32
    %dma_wait3A_700 = tpu.memref_slice %arg6[%dma_wait3A_699] : memref<6144xi32, #tpu.memory_space<vmem>> -> memref<128xi32, #tpu.memory_space<vmem>>
    %dma_wait3A_701 = arith.constant 0 : i32
    %dma_wait3A_702 = arith.constant 0 : i32
    %dma_wait3A_703 = tpu.memref_slice %arg3[%dma_wait3A_701, %dma_wait3A_702] : memref<1000000x16xf32, #tpu.memory_space<hbm>> -> memref<1000000x16xf32, #tpu.memory_space<hbm>>
    tpu.wait_indirect_dma semaphore(%arg9 : memref<!tpu.dma_semaphore, #tpu.memory_space<semaphore_mem>>) src(%dma_wait3A_703 : memref<1000000x16xf32, #tpu.memory_space<hbm>>) dst(%dma_wait3A_698 : memref<128x16xf32, #tpu.memory_space<vmem>>)
    %dma_wait3A_704 = arith.constant 128 : i32
    %dma_wait3A_705 = arith.constant 0 : i32
    %dma_wait3A_706 = tpu.memref_slice %arg7[%dma_wait3A_704, %dma_wait3A_705] : memref<2048x16xf32, #tpu.memory_space<vmem>> -> memref<128x16xf32, #tpu.memory_space<vmem>>
    %dma_wait3A_707 = arith.constant 128 : i32
    %dma_wait3A_708 = tpu.memref_slice %arg6[%dma_wait3A_707] : memref<6144xi32, #tpu.memory_space<vmem>> -> memref<128xi32, #tpu.memory_space<vmem>>
    %dma_wait3A_709 = arith.constant 0 : i32
    %dma_wait3A_710 = arith.constant 0 : i32
    %dma_wait3A_711 = tpu.memref_slice %arg3[%dma_wait3A_709, %dma_wait3A_710] : memref<1000000x16xf32, #tpu.memory_space<hbm>> -> memref<1000000x16xf32, #tpu.memory_space<hbm>>
    tpu.wait_indirect_dma semaphore(%arg9 : memref<!tpu.dma_semaphore, #tpu.memory_space<semaphore_mem>>) src(%dma_wait3A_711 : memref<1000000x16xf32, #tpu.memory_space<hbm>>) dst(%dma_wait3A_706 : memref<128x16xf32, #tpu.memory_space<vmem>>)
    %dma_wait3A_712 = arith.constant 256 : i32
    %dma_wait3A_713 = arith.constant 0 : i32
    %dma_wait3A_714 = tpu.memref_slice %arg7[%dma_wait3A_712, %dma_wait3A_713] : memref<2048x16xf32, #tpu.memory_space<vmem>> -> memref<128x16xf32, #tpu.memory_space<vmem>>
    %dma_wait3A_715 = arith.constant 256 : i32
    %dma_wait3A_716 = tpu.memref_slice %arg6[%dma_wait3A_715] : memref<6144xi32, #tpu.memory_space<vmem>> -> memref<128xi32, #tpu.memory_space<vmem>>
    %dma_wait3A_717 = arith.constant 0 : i32
    %dma_wait3A_718 = arith.constant 0 : i32
    %dma_wait3A_719 = tpu.memref_slice %arg3[%dma_wait3A_717, %dma_wait3A_718] : memref<1000000x16xf32, #tpu.memory_space<hbm>> -> memref<1000000x16xf32, #tpu.memory_space<hbm>>
    tpu.wait_indirect_dma semaphore(%arg9 : memref<!tpu.dma_semaphore, #tpu.memory_space<semaphore_mem>>) src(%dma_wait3A_719 : memref<1000000x16xf32, #tpu.memory_space<hbm>>) dst(%dma_wait3A_714 : memref<128x16xf32, #tpu.memory_space<vmem>>)
    %dma_wait3A_720 = arith.constant 384 : i32
    %dma_wait3A_721 = arith.constant 0 : i32
    %dma_wait3A_722 = tpu.memref_slice %arg7[%dma_wait3A_720, %dma_wait3A_721] : memref<2048x16xf32, #tpu.memory_space<vmem>> -> memref<128x16xf32, #tpu.memory_space<vmem>>
    %dma_wait3A_723 = arith.constant 384 : i32
    %dma_wait3A_724 = tpu.memref_slice %arg6[%dma_wait3A_723] : memref<6144xi32, #tpu.memory_space<vmem>> -> memref<128xi32, #tpu.memory_space<vmem>>
    %dma_wait3A_725 = arith.constant 0 : i32
    %dma_wait3A_726 = arith.constant 0 : i32
    %dma_wait3A_727 = tpu.memref_slice %arg3[%dma_wait3A_725, %dma_wait3A_726] : memref<1000000x16xf32, #tpu.memory_space<hbm>> -> memref<1000000x16xf32, #tpu.memory_space<hbm>>
    tpu.wait_indirect_dma semaphore(%arg9 : memref<!tpu.dma_semaphore, #tpu.memory_space<semaphore_mem>>) src(%dma_wait3A_727 : memref<1000000x16xf32, #tpu.memory_space<hbm>>) dst(%dma_wait3A_722 : memref<128x16xf32, #tpu.memory_space<vmem>>)
    %dma_wait3A_728 = arith.constant 512 : i32
    %dma_wait3A_729 = arith.constant 0 : i32
    %dma_wait3A_730 = tpu.memref_slice %arg7[%dma_wait3A_728, %dma_wait3A_729] : memref<2048x16xf32, #tpu.memory_space<vmem>> -> memref<128x16xf32, #tpu.memory_space<vmem>>
    %dma_wait3A_731 = arith.constant 512 : i32
    %dma_wait3A_732 = tpu.memref_slice %arg6[%dma_wait3A_731] : memref<6144xi32, #tpu.memory_space<vmem>> -> memref<128xi32, #tpu.memory_space<vmem>>
    %dma_wait3A_733 = arith.constant 0 : i32
    %dma_wait3A_734 = arith.constant 0 : i32
    %dma_wait3A_735 = tpu.memref_slice %arg3[%dma_wait3A_733, %dma_wait3A_734] : memref<1000000x16xf32, #tpu.memory_space<hbm>> -> memref<1000000x16xf32, #tpu.memory_space<hbm>>
    tpu.wait_indirect_dma semaphore(%arg9 : memref<!tpu.dma_semaphore, #tpu.memory_space<semaphore_mem>>) src(%dma_wait3A_735 : memref<1000000x16xf32, #tpu.memory_space<hbm>>) dst(%dma_wait3A_730 : memref<128x16xf32, #tpu.memory_space<vmem>>)
    %dma_wait3A_736 = arith.constant 640 : i32
    %dma_wait3A_737 = arith.constant 0 : i32
    %dma_wait3A_738 = tpu.memref_slice %arg7[%dma_wait3A_736, %dma_wait3A_737] : memref<2048x16xf32, #tpu.memory_space<vmem>> -> memref<128x16xf32, #tpu.memory_space<vmem>>
    %dma_wait3A_739 = arith.constant 640 : i32
    %dma_wait3A_740 = tpu.memref_slice %arg6[%dma_wait3A_739] : memref<6144xi32, #tpu.memory_space<vmem>> -> memref<128xi32, #tpu.memory_space<vmem>>
    %dma_wait3A_741 = arith.constant 0 : i32
    %dma_wait3A_742 = arith.constant 0 : i32
    %dma_wait3A_743 = tpu.memref_slice %arg3[%dma_wait3A_741, %dma_wait3A_742] : memref<1000000x16xf32, #tpu.memory_space<hbm>> -> memref<1000000x16xf32, #tpu.memory_space<hbm>>
    tpu.wait_indirect_dma semaphore(%arg9 : memref<!tpu.dma_semaphore, #tpu.memory_space<semaphore_mem>>) src(%dma_wait3A_743 : memref<1000000x16xf32, #tpu.memory_space<hbm>>) dst(%dma_wait3A_738 : memref<128x16xf32, #tpu.memory_space<vmem>>)
    %dma_wait3A_744 = arith.constant 768 : i32
    %dma_wait3A_745 = arith.constant 0 : i32
    %dma_wait3A_746 = tpu.memref_slice %arg7[%dma_wait3A_744, %dma_wait3A_745] : memref<2048x16xf32, #tpu.memory_space<vmem>> -> memref<128x16xf32, #tpu.memory_space<vmem>>
    %dma_wait3A_747 = arith.constant 768 : i32
    %dma_wait3A_748 = tpu.memref_slice %arg6[%dma_wait3A_747] : memref<6144xi32, #tpu.memory_space<vmem>> -> memref<128xi32, #tpu.memory_space<vmem>>
    %dma_wait3A_749 = arith.constant 0 : i32
    %dma_wait3A_750 = arith.constant 0 : i32
    %dma_wait3A_751 = tpu.memref_slice %arg3[%dma_wait3A_749, %dma_wait3A_750] : memref<1000000x16xf32, #tpu.memory_space<hbm>> -> memref<1000000x16xf32, #tpu.memory_space<hbm>>
    tpu.wait_indirect_dma semaphore(%arg9 : memref<!tpu.dma_semaphore, #tpu.memory_space<semaphore_mem>>) src(%dma_wait3A_751 : memref<1000000x16xf32, #tpu.memory_space<hbm>>) dst(%dma_wait3A_746 : memref<128x16xf32, #tpu.memory_space<vmem>>)
    %dma_wait3A_752 = arith.constant 896 : i32
    %dma_wait3A_753 = arith.constant 0 : i32
    %dma_wait3A_754 = tpu.memref_slice %arg7[%dma_wait3A_752, %dma_wait3A_753] : memref<2048x16xf32, #tpu.memory_space<vmem>> -> memref<128x16xf32, #tpu.memory_space<vmem>>
    %dma_wait3A_755 = arith.constant 896 : i32
    %dma_wait3A_756 = tpu.memref_slice %arg6[%dma_wait3A_755] : memref<6144xi32, #tpu.memory_space<vmem>> -> memref<128xi32, #tpu.memory_space<vmem>>
    %dma_wait3A_757 = arith.constant 0 : i32
    %dma_wait3A_758 = arith.constant 0 : i32
    %dma_wait3A_759 = tpu.memref_slice %arg3[%dma_wait3A_757, %dma_wait3A_758] : memref<1000000x16xf32, #tpu.memory_space<hbm>> -> memref<1000000x16xf32, #tpu.memory_space<hbm>>
    tpu.wait_indirect_dma semaphore(%arg9 : memref<!tpu.dma_semaphore, #tpu.memory_space<semaphore_mem>>) src(%dma_wait3A_759 : memref<1000000x16xf32, #tpu.memory_space<hbm>>) dst(%dma_wait3A_754 : memref<128x16xf32, #tpu.memory_space<vmem>>)
    %dma_wait3A_760 = arith.constant 1024 : i32
    %dma_wait3A_761 = arith.constant 0 : i32
    %dma_wait3A_762 = tpu.memref_slice %arg7[%dma_wait3A_760, %dma_wait3A_761] : memref<2048x16xf32, #tpu.memory_space<vmem>> -> memref<128x16xf32, #tpu.memory_space<vmem>>
    %dma_wait3A_763 = arith.constant 1024 : i32
    %dma_wait3A_764 = tpu.memref_slice %arg6[%dma_wait3A_763] : memref<6144xi32, #tpu.memory_space<vmem>> -> memref<128xi32, #tpu.memory_space<vmem>>
    %dma_wait3A_765 = arith.constant 0 : i32
    %dma_wait3A_766 = arith.constant 0 : i32
    %dma_wait3A_767 = tpu.memref_slice %arg3[%dma_wait3A_765, %dma_wait3A_766] : memref<1000000x16xf32, #tpu.memory_space<hbm>> -> memref<1000000x16xf32, #tpu.memory_space<hbm>>
    tpu.wait_indirect_dma semaphore(%arg9 : memref<!tpu.dma_semaphore, #tpu.memory_space<semaphore_mem>>) src(%dma_wait3A_767 : memref<1000000x16xf32, #tpu.memory_space<hbm>>) dst(%dma_wait3A_762 : memref<128x16xf32, #tpu.memory_space<vmem>>)
    %dma_wait3A_768 = arith.constant 1152 : i32
    %dma_wait3A_769 = arith.constant 0 : i32
    %dma_wait3A_770 = tpu.memref_slice %arg7[%dma_wait3A_768, %dma_wait3A_769] : memref<2048x16xf32, #tpu.memory_space<vmem>> -> memref<128x16xf32, #tpu.memory_space<vmem>>
    %dma_wait3A_771 = arith.constant 1152 : i32
    %dma_wait3A_772 = tpu.memref_slice %arg6[%dma_wait3A_771] : memref<6144xi32, #tpu.memory_space<vmem>> -> memref<128xi32, #tpu.memory_space<vmem>>
    %dma_wait3A_773 = arith.constant 0 : i32
    %dma_wait3A_774 = arith.constant 0 : i32
    %dma_wait3A_775 = tpu.memref_slice %arg3[%dma_wait3A_773, %dma_wait3A_774] : memref<1000000x16xf32, #tpu.memory_space<hbm>> -> memref<1000000x16xf32, #tpu.memory_space<hbm>>
    tpu.wait_indirect_dma semaphore(%arg9 : memref<!tpu.dma_semaphore, #tpu.memory_space<semaphore_mem>>) src(%dma_wait3A_775 : memref<1000000x16xf32, #tpu.memory_space<hbm>>) dst(%dma_wait3A_770 : memref<128x16xf32, #tpu.memory_space<vmem>>)
    %dma_wait3A_776 = arith.constant 1280 : i32
    %dma_wait3A_777 = arith.constant 0 : i32
    %dma_wait3A_778 = tpu.memref_slice %arg7[%dma_wait3A_776, %dma_wait3A_777] : memref<2048x16xf32, #tpu.memory_space<vmem>> -> memref<128x16xf32, #tpu.memory_space<vmem>>
    %dma_wait3A_779 = arith.constant 1280 : i32
    %dma_wait3A_780 = tpu.memref_slice %arg6[%dma_wait3A_779] : memref<6144xi32, #tpu.memory_space<vmem>> -> memref<128xi32, #tpu.memory_space<vmem>>
    %dma_wait3A_781 = arith.constant 0 : i32
    %dma_wait3A_782 = arith.constant 0 : i32
    %dma_wait3A_783 = tpu.memref_slice %arg3[%dma_wait3A_781, %dma_wait3A_782] : memref<1000000x16xf32, #tpu.memory_space<hbm>> -> memref<1000000x16xf32, #tpu.memory_space<hbm>>
    tpu.wait_indirect_dma semaphore(%arg9 : memref<!tpu.dma_semaphore, #tpu.memory_space<semaphore_mem>>) src(%dma_wait3A_783 : memref<1000000x16xf32, #tpu.memory_space<hbm>>) dst(%dma_wait3A_778 : memref<128x16xf32, #tpu.memory_space<vmem>>)
    %dma_wait3A_784 = arith.constant 1408 : i32
    %dma_wait3A_785 = arith.constant 0 : i32
    %dma_wait3A_786 = tpu.memref_slice %arg7[%dma_wait3A_784, %dma_wait3A_785] : memref<2048x16xf32, #tpu.memory_space<vmem>> -> memref<128x16xf32, #tpu.memory_space<vmem>>
    %dma_wait3A_787 = arith.constant 1408 : i32
    %dma_wait3A_788 = tpu.memref_slice %arg6[%dma_wait3A_787] : memref<6144xi32, #tpu.memory_space<vmem>> -> memref<128xi32, #tpu.memory_space<vmem>>
    %dma_wait3A_789 = arith.constant 0 : i32
    %dma_wait3A_790 = arith.constant 0 : i32
    %dma_wait3A_791 = tpu.memref_slice %arg3[%dma_wait3A_789, %dma_wait3A_790] : memref<1000000x16xf32, #tpu.memory_space<hbm>> -> memref<1000000x16xf32, #tpu.memory_space<hbm>>
    tpu.wait_indirect_dma semaphore(%arg9 : memref<!tpu.dma_semaphore, #tpu.memory_space<semaphore_mem>>) src(%dma_wait3A_791 : memref<1000000x16xf32, #tpu.memory_space<hbm>>) dst(%dma_wait3A_786 : memref<128x16xf32, #tpu.memory_space<vmem>>)
    %dma_wait3A_792 = arith.constant 1536 : i32
    %dma_wait3A_793 = arith.constant 0 : i32
    %dma_wait3A_794 = tpu.memref_slice %arg7[%dma_wait3A_792, %dma_wait3A_793] : memref<2048x16xf32, #tpu.memory_space<vmem>> -> memref<128x16xf32, #tpu.memory_space<vmem>>
    %dma_wait3A_795 = arith.constant 1536 : i32
    %dma_wait3A_796 = tpu.memref_slice %arg6[%dma_wait3A_795] : memref<6144xi32, #tpu.memory_space<vmem>> -> memref<128xi32, #tpu.memory_space<vmem>>
    %dma_wait3A_797 = arith.constant 0 : i32
    %dma_wait3A_798 = arith.constant 0 : i32
    %dma_wait3A_799 = tpu.memref_slice %arg3[%dma_wait3A_797, %dma_wait3A_798] : memref<1000000x16xf32, #tpu.memory_space<hbm>> -> memref<1000000x16xf32, #tpu.memory_space<hbm>>
    tpu.wait_indirect_dma semaphore(%arg9 : memref<!tpu.dma_semaphore, #tpu.memory_space<semaphore_mem>>) src(%dma_wait3A_799 : memref<1000000x16xf32, #tpu.memory_space<hbm>>) dst(%dma_wait3A_794 : memref<128x16xf32, #tpu.memory_space<vmem>>)
    %dma_wait3A_800 = arith.constant 1664 : i32
    %dma_wait3A_801 = arith.constant 0 : i32
    %dma_wait3A_802 = tpu.memref_slice %arg7[%dma_wait3A_800, %dma_wait3A_801] : memref<2048x16xf32, #tpu.memory_space<vmem>> -> memref<128x16xf32, #tpu.memory_space<vmem>>
    %dma_wait3A_803 = arith.constant 1664 : i32
    %dma_wait3A_804 = tpu.memref_slice %arg6[%dma_wait3A_803] : memref<6144xi32, #tpu.memory_space<vmem>> -> memref<128xi32, #tpu.memory_space<vmem>>
    %dma_wait3A_805 = arith.constant 0 : i32
    %dma_wait3A_806 = arith.constant 0 : i32
    %dma_wait3A_807 = tpu.memref_slice %arg3[%dma_wait3A_805, %dma_wait3A_806] : memref<1000000x16xf32, #tpu.memory_space<hbm>> -> memref<1000000x16xf32, #tpu.memory_space<hbm>>
    tpu.wait_indirect_dma semaphore(%arg9 : memref<!tpu.dma_semaphore, #tpu.memory_space<semaphore_mem>>) src(%dma_wait3A_807 : memref<1000000x16xf32, #tpu.memory_space<hbm>>) dst(%dma_wait3A_802 : memref<128x16xf32, #tpu.memory_space<vmem>>)
    %dma_wait3A_808 = arith.constant 1792 : i32
    %dma_wait3A_809 = arith.constant 0 : i32
    %dma_wait3A_810 = tpu.memref_slice %arg7[%dma_wait3A_808, %dma_wait3A_809] : memref<2048x16xf32, #tpu.memory_space<vmem>> -> memref<128x16xf32, #tpu.memory_space<vmem>>
    %dma_wait3A_811 = arith.constant 1792 : i32
    %dma_wait3A_812 = tpu.memref_slice %arg6[%dma_wait3A_811] : memref<6144xi32, #tpu.memory_space<vmem>> -> memref<128xi32, #tpu.memory_space<vmem>>
    %dma_wait3A_813 = arith.constant 0 : i32
    %dma_wait3A_814 = arith.constant 0 : i32
    %dma_wait3A_815 = tpu.memref_slice %arg3[%dma_wait3A_813, %dma_wait3A_814] : memref<1000000x16xf32, #tpu.memory_space<hbm>> -> memref<1000000x16xf32, #tpu.memory_space<hbm>>
    tpu.wait_indirect_dma semaphore(%arg9 : memref<!tpu.dma_semaphore, #tpu.memory_space<semaphore_mem>>) src(%dma_wait3A_815 : memref<1000000x16xf32, #tpu.memory_space<hbm>>) dst(%dma_wait3A_810 : memref<128x16xf32, #tpu.memory_space<vmem>>)
    %dma_wait3A_816 = arith.constant 1920 : i32
    %dma_wait3A_817 = arith.constant 0 : i32
    %dma_wait3A_818 = tpu.memref_slice %arg7[%dma_wait3A_816, %dma_wait3A_817] : memref<2048x16xf32, #tpu.memory_space<vmem>> -> memref<128x16xf32, #tpu.memory_space<vmem>>
    %dma_wait3A_819 = arith.constant 1920 : i32
    %dma_wait3A_820 = tpu.memref_slice %arg6[%dma_wait3A_819] : memref<6144xi32, #tpu.memory_space<vmem>> -> memref<128xi32, #tpu.memory_space<vmem>>
    %dma_wait3A_821 = arith.constant 0 : i32
    %dma_wait3A_822 = arith.constant 0 : i32
    %dma_wait3A_823 = tpu.memref_slice %arg3[%dma_wait3A_821, %dma_wait3A_822] : memref<1000000x16xf32, #tpu.memory_space<hbm>> -> memref<1000000x16xf32, #tpu.memory_space<hbm>>
    tpu.wait_indirect_dma semaphore(%arg9 : memref<!tpu.dma_semaphore, #tpu.memory_space<semaphore_mem>>) src(%dma_wait3A_823 : memref<1000000x16xf32, #tpu.memory_space<hbm>>) dst(%dma_wait3A_818 : memref<128x16xf32, #tpu.memory_space<vmem>>)
    %mul3A_824 = arith.constant 2048 : i32
    %mul3A_825 = arith.muli %add3A, %mul3A_824 : i32
    %dma_start3A_826 = arith.constant 0 : i32
    %dma_start3A_827 = arith.constant 0 : i32
    %dma_start3A_828 = tpu.memref_slice %arg4[%dma_start3A_826, %mul3A_825, %dma_start3A_827] : memref<3x65536x16xf32, #tpu.memory_space<hbm>> -> memref<1x2048x16xf32, #tpu.memory_space<hbm>>
    %dma_start3A_829 = tpu.memref_squeeze %dma_start3A_828 : memref<1x2048x16xf32, #tpu.memory_space<hbm>> -> memref<2048x16xf32, #tpu.memory_space<hbm>>
    %dma_start3A_830 = arith.constant 0 : i32
    %dma_start3A_831 = tpu.memref_slice %arg4[%dma_start3A_826, %mul3A_825, %dma_start3A_830] : memref<3x65536x16xf32, #tpu.memory_space<hbm>> -> memref<1x2048x16xf32, #tpu.memory_space<hbm>>
    %dma_start3A_832 = tpu.memref_squeeze %dma_start3A_831 : memref<1x2048x16xf32, #tpu.memory_space<hbm>> -> memref<2048x16xf32, #tpu.memory_space<hbm>>
    tpu.enqueue_dma source(%arg7 : memref<2048x16xf32, #tpu.memory_space<vmem>>) target(%dma_start3A_832 : memref<2048x16xf32, #tpu.memory_space<hbm>>) target_semaphore(%arg10 : memref<!tpu.dma_semaphore, #tpu.memory_space<semaphore_mem>>)
    %dma_start3A_833 = arith.constant 0 : i32
    %dma_start3A_834 = arith.constant 0 : i32
    %dma_start3A_835 = tpu.memref_slice %arg8[%dma_start3A_833, %dma_start3A_834] : memref<2048x16xf32, #tpu.memory_space<vmem>> -> memref<128x16xf32, #tpu.memory_space<vmem>>
    %dma_start3A_836 = arith.constant 2048 : i32
    %dma_start3A_837 = tpu.memref_slice %arg6[%dma_start3A_836] : memref<6144xi32, #tpu.memory_space<vmem>> -> memref<128xi32, #tpu.memory_space<vmem>>
    %dma_start3A_838 = arith.constant 0 : i32
    %dma_start3A_839 = arith.constant 0 : i32
    %dma_start3A_840 = tpu.memref_slice %arg3[%dma_start3A_838, %dma_start3A_839] : memref<1000000x16xf32, #tpu.memory_space<hbm>> -> memref<1000000x16xf32, #tpu.memory_space<hbm>>
    tpu.enqueue_indirect_dma source(%dma_start3A_840 : memref<1000000x16xf32, #tpu.memory_space<hbm>>) target(%dma_start3A_835 : memref<128x16xf32, #tpu.memory_space<vmem>>) offsets(%dma_start3A_837 : memref<128xi32, #tpu.memory_space<vmem>>) semaphore(%arg9 : memref<!tpu.dma_semaphore, #tpu.memory_space<semaphore_mem>>)
    %dma_start3A_841 = arith.constant 128 : i32
    %dma_start3A_842 = arith.constant 0 : i32
    %dma_start3A_843 = tpu.memref_slice %arg8[%dma_start3A_841, %dma_start3A_842] : memref<2048x16xf32, #tpu.memory_space<vmem>> -> memref<128x16xf32, #tpu.memory_space<vmem>>
    %dma_start3A_844 = arith.constant 2176 : i32
    %dma_start3A_845 = tpu.memref_slice %arg6[%dma_start3A_844] : memref<6144xi32, #tpu.memory_space<vmem>> -> memref<128xi32, #tpu.memory_space<vmem>>
    %dma_start3A_846 = arith.constant 0 : i32
    %dma_start3A_847 = arith.constant 0 : i32
    %dma_start3A_848 = tpu.memref_slice %arg3[%dma_start3A_846, %dma_start3A_847] : memref<1000000x16xf32, #tpu.memory_space<hbm>> -> memref<1000000x16xf32, #tpu.memory_space<hbm>>
    tpu.enqueue_indirect_dma source(%dma_start3A_848 : memref<1000000x16xf32, #tpu.memory_space<hbm>>) target(%dma_start3A_843 : memref<128x16xf32, #tpu.memory_space<vmem>>) offsets(%dma_start3A_845 : memref<128xi32, #tpu.memory_space<vmem>>) semaphore(%arg9 : memref<!tpu.dma_semaphore, #tpu.memory_space<semaphore_mem>>)
    %dma_start3A_849 = arith.constant 256 : i32
    %dma_start3A_850 = arith.constant 0 : i32
    %dma_start3A_851 = tpu.memref_slice %arg8[%dma_start3A_849, %dma_start3A_850] : memref<2048x16xf32, #tpu.memory_space<vmem>> -> memref<128x16xf32, #tpu.memory_space<vmem>>
    %dma_start3A_852 = arith.constant 2304 : i32
    %dma_start3A_853 = tpu.memref_slice %arg6[%dma_start3A_852] : memref<6144xi32, #tpu.memory_space<vmem>> -> memref<128xi32, #tpu.memory_space<vmem>>
    %dma_start3A_854 = arith.constant 0 : i32
    %dma_start3A_855 = arith.constant 0 : i32
    %dma_start3A_856 = tpu.memref_slice %arg3[%dma_start3A_854, %dma_start3A_855] : memref<1000000x16xf32, #tpu.memory_space<hbm>> -> memref<1000000x16xf32, #tpu.memory_space<hbm>>
    tpu.enqueue_indirect_dma source(%dma_start3A_856 : memref<1000000x16xf32, #tpu.memory_space<hbm>>) target(%dma_start3A_851 : memref<128x16xf32, #tpu.memory_space<vmem>>) offsets(%dma_start3A_853 : memref<128xi32, #tpu.memory_space<vmem>>) semaphore(%arg9 : memref<!tpu.dma_semaphore, #tpu.memory_space<semaphore_mem>>)
    %dma_start3A_857 = arith.constant 384 : i32
    %dma_start3A_858 = arith.constant 0 : i32
    %dma_start3A_859 = tpu.memref_slice %arg8[%dma_start3A_857, %dma_start3A_858] : memref<2048x16xf32, #tpu.memory_space<vmem>> -> memref<128x16xf32, #tpu.memory_space<vmem>>
    %dma_start3A_860 = arith.constant 2432 : i32
    %dma_start3A_861 = tpu.memref_slice %arg6[%dma_start3A_860] : memref<6144xi32, #tpu.memory_space<vmem>> -> memref<128xi32, #tpu.memory_space<vmem>>
    %dma_start3A_862 = arith.constant 0 : i32
    %dma_start3A_863 = arith.constant 0 : i32
    %dma_start3A_864 = tpu.memref_slice %arg3[%dma_start3A_862, %dma_start3A_863] : memref<1000000x16xf32, #tpu.memory_space<hbm>> -> memref<1000000x16xf32, #tpu.memory_space<hbm>>
    tpu.enqueue_indirect_dma source(%dma_start3A_864 : memref<1000000x16xf32, #tpu.memory_space<hbm>>) target(%dma_start3A_859 : memref<128x16xf32, #tpu.memory_space<vmem>>) offsets(%dma_start3A_861 : memref<128xi32, #tpu.memory_space<vmem>>) semaphore(%arg9 : memref<!tpu.dma_semaphore, #tpu.memory_space<semaphore_mem>>)
    %dma_start3A_865 = arith.constant 512 : i32
    %dma_start3A_866 = arith.constant 0 : i32
    %dma_start3A_867 = tpu.memref_slice %arg8[%dma_start3A_865, %dma_start3A_866] : memref<2048x16xf32, #tpu.memory_space<vmem>> -> memref<128x16xf32, #tpu.memory_space<vmem>>
    %dma_start3A_868 = arith.constant 2560 : i32
    %dma_start3A_869 = tpu.memref_slice %arg6[%dma_start3A_868] : memref<6144xi32, #tpu.memory_space<vmem>> -> memref<128xi32, #tpu.memory_space<vmem>>
    %dma_start3A_870 = arith.constant 0 : i32
    %dma_start3A_871 = arith.constant 0 : i32
    %dma_start3A_872 = tpu.memref_slice %arg3[%dma_start3A_870, %dma_start3A_871] : memref<1000000x16xf32, #tpu.memory_space<hbm>> -> memref<1000000x16xf32, #tpu.memory_space<hbm>>
    tpu.enqueue_indirect_dma source(%dma_start3A_872 : memref<1000000x16xf32, #tpu.memory_space<hbm>>) target(%dma_start3A_867 : memref<128x16xf32, #tpu.memory_space<vmem>>) offsets(%dma_start3A_869 : memref<128xi32, #tpu.memory_space<vmem>>) semaphore(%arg9 : memref<!tpu.dma_semaphore, #tpu.memory_space<semaphore_mem>>)
    %dma_start3A_873 = arith.constant 640 : i32
    %dma_start3A_874 = arith.constant 0 : i32
    %dma_start3A_875 = tpu.memref_slice %arg8[%dma_start3A_873, %dma_start3A_874] : memref<2048x16xf32, #tpu.memory_space<vmem>> -> memref<128x16xf32, #tpu.memory_space<vmem>>
    %dma_start3A_876 = arith.constant 2688 : i32
    %dma_start3A_877 = tpu.memref_slice %arg6[%dma_start3A_876] : memref<6144xi32, #tpu.memory_space<vmem>> -> memref<128xi32, #tpu.memory_space<vmem>>
    %dma_start3A_878 = arith.constant 0 : i32
    %dma_start3A_879 = arith.constant 0 : i32
    %dma_start3A_880 = tpu.memref_slice %arg3[%dma_start3A_878, %dma_start3A_879] : memref<1000000x16xf32, #tpu.memory_space<hbm>> -> memref<1000000x16xf32, #tpu.memory_space<hbm>>
    tpu.enqueue_indirect_dma source(%dma_start3A_880 : memref<1000000x16xf32, #tpu.memory_space<hbm>>) target(%dma_start3A_875 : memref<128x16xf32, #tpu.memory_space<vmem>>) offsets(%dma_start3A_877 : memref<128xi32, #tpu.memory_space<vmem>>) semaphore(%arg9 : memref<!tpu.dma_semaphore, #tpu.memory_space<semaphore_mem>>)
    %dma_start3A_881 = arith.constant 768 : i32
    %dma_start3A_882 = arith.constant 0 : i32
    %dma_start3A_883 = tpu.memref_slice %arg8[%dma_start3A_881, %dma_start3A_882] : memref<2048x16xf32, #tpu.memory_space<vmem>> -> memref<128x16xf32, #tpu.memory_space<vmem>>
    %dma_start3A_884 = arith.constant 2816 : i32
    %dma_start3A_885 = tpu.memref_slice %arg6[%dma_start3A_884] : memref<6144xi32, #tpu.memory_space<vmem>> -> memref<128xi32, #tpu.memory_space<vmem>>
    %dma_start3A_886 = arith.constant 0 : i32
    %dma_start3A_887 = arith.constant 0 : i32
    %dma_start3A_888 = tpu.memref_slice %arg3[%dma_start3A_886, %dma_start3A_887] : memref<1000000x16xf32, #tpu.memory_space<hbm>> -> memref<1000000x16xf32, #tpu.memory_space<hbm>>
    tpu.enqueue_indirect_dma source(%dma_start3A_888 : memref<1000000x16xf32, #tpu.memory_space<hbm>>) target(%dma_start3A_883 : memref<128x16xf32, #tpu.memory_space<vmem>>) offsets(%dma_start3A_885 : memref<128xi32, #tpu.memory_space<vmem>>) semaphore(%arg9 : memref<!tpu.dma_semaphore, #tpu.memory_space<semaphore_mem>>)
    %dma_start3A_889 = arith.constant 896 : i32
    %dma_start3A_890 = arith.constant 0 : i32
    %dma_start3A_891 = tpu.memref_slice %arg8[%dma_start3A_889, %dma_start3A_890] : memref<2048x16xf32, #tpu.memory_space<vmem>> -> memref<128x16xf32, #tpu.memory_space<vmem>>
    %dma_start3A_892 = arith.constant 2944 : i32
    %dma_start3A_893 = tpu.memref_slice %arg6[%dma_start3A_892] : memref<6144xi32, #tpu.memory_space<vmem>> -> memref<128xi32, #tpu.memory_space<vmem>>
    %dma_start3A_894 = arith.constant 0 : i32
    %dma_start3A_895 = arith.constant 0 : i32
    %dma_start3A_896 = tpu.memref_slice %arg3[%dma_start3A_894, %dma_start3A_895] : memref<1000000x16xf32, #tpu.memory_space<hbm>> -> memref<1000000x16xf32, #tpu.memory_space<hbm>>
    tpu.enqueue_indirect_dma source(%dma_start3A_896 : memref<1000000x16xf32, #tpu.memory_space<hbm>>) target(%dma_start3A_891 : memref<128x16xf32, #tpu.memory_space<vmem>>) offsets(%dma_start3A_893 : memref<128xi32, #tpu.memory_space<vmem>>) semaphore(%arg9 : memref<!tpu.dma_semaphore, #tpu.memory_space<semaphore_mem>>)
    %dma_start3A_897 = arith.constant 1024 : i32
    %dma_start3A_898 = arith.constant 0 : i32
    %dma_start3A_899 = tpu.memref_slice %arg8[%dma_start3A_897, %dma_start3A_898] : memref<2048x16xf32, #tpu.memory_space<vmem>> -> memref<128x16xf32, #tpu.memory_space<vmem>>
    %dma_start3A_900 = arith.constant 3072 : i32
    %dma_start3A_901 = tpu.memref_slice %arg6[%dma_start3A_900] : memref<6144xi32, #tpu.memory_space<vmem>> -> memref<128xi32, #tpu.memory_space<vmem>>
    %dma_start3A_902 = arith.constant 0 : i32
    %dma_start3A_903 = arith.constant 0 : i32
    %dma_start3A_904 = tpu.memref_slice %arg3[%dma_start3A_902, %dma_start3A_903] : memref<1000000x16xf32, #tpu.memory_space<hbm>> -> memref<1000000x16xf32, #tpu.memory_space<hbm>>
    tpu.enqueue_indirect_dma source(%dma_start3A_904 : memref<1000000x16xf32, #tpu.memory_space<hbm>>) target(%dma_start3A_899 : memref<128x16xf32, #tpu.memory_space<vmem>>) offsets(%dma_start3A_901 : memref<128xi32, #tpu.memory_space<vmem>>) semaphore(%arg9 : memref<!tpu.dma_semaphore, #tpu.memory_space<semaphore_mem>>)
    %dma_start3A_905 = arith.constant 1152 : i32
    %dma_start3A_906 = arith.constant 0 : i32
    %dma_start3A_907 = tpu.memref_slice %arg8[%dma_start3A_905, %dma_start3A_906] : memref<2048x16xf32, #tpu.memory_space<vmem>> -> memref<128x16xf32, #tpu.memory_space<vmem>>
    %dma_start3A_908 = arith.constant 3200 : i32
    %dma_start3A_909 = tpu.memref_slice %arg6[%dma_start3A_908] : memref<6144xi32, #tpu.memory_space<vmem>> -> memref<128xi32, #tpu.memory_space<vmem>>
    %dma_start3A_910 = arith.constant 0 : i32
    %dma_start3A_911 = arith.constant 0 : i32
    %dma_start3A_912 = tpu.memref_slice %arg3[%dma_start3A_910, %dma_start3A_911] : memref<1000000x16xf32, #tpu.memory_space<hbm>> -> memref<1000000x16xf32, #tpu.memory_space<hbm>>
    tpu.enqueue_indirect_dma source(%dma_start3A_912 : memref<1000000x16xf32, #tpu.memory_space<hbm>>) target(%dma_start3A_907 : memref<128x16xf32, #tpu.memory_space<vmem>>) offsets(%dma_start3A_909 : memref<128xi32, #tpu.memory_space<vmem>>) semaphore(%arg9 : memref<!tpu.dma_semaphore, #tpu.memory_space<semaphore_mem>>)
    %dma_start3A_913 = arith.constant 1280 : i32
    %dma_start3A_914 = arith.constant 0 : i32
    %dma_start3A_915 = tpu.memref_slice %arg8[%dma_start3A_913, %dma_start3A_914] : memref<2048x16xf32, #tpu.memory_space<vmem>> -> memref<128x16xf32, #tpu.memory_space<vmem>>
    %dma_start3A_916 = arith.constant 3328 : i32
    %dma_start3A_917 = tpu.memref_slice %arg6[%dma_start3A_916] : memref<6144xi32, #tpu.memory_space<vmem>> -> memref<128xi32, #tpu.memory_space<vmem>>
    %dma_start3A_918 = arith.constant 0 : i32
    %dma_start3A_919 = arith.constant 0 : i32
    %dma_start3A_920 = tpu.memref_slice %arg3[%dma_start3A_918, %dma_start3A_919] : memref<1000000x16xf32, #tpu.memory_space<hbm>> -> memref<1000000x16xf32, #tpu.memory_space<hbm>>
    tpu.enqueue_indirect_dma source(%dma_start3A_920 : memref<1000000x16xf32, #tpu.memory_space<hbm>>) target(%dma_start3A_915 : memref<128x16xf32, #tpu.memory_space<vmem>>) offsets(%dma_start3A_917 : memref<128xi32, #tpu.memory_space<vmem>>) semaphore(%arg9 : memref<!tpu.dma_semaphore, #tpu.memory_space<semaphore_mem>>)
    %dma_start3A_921 = arith.constant 1408 : i32
    %dma_start3A_922 = arith.constant 0 : i32
    %dma_start3A_923 = tpu.memref_slice %arg8[%dma_start3A_921, %dma_start3A_922] : memref<2048x16xf32, #tpu.memory_space<vmem>> -> memref<128x16xf32, #tpu.memory_space<vmem>>
    %dma_start3A_924 = arith.constant 3456 : i32
    %dma_start3A_925 = tpu.memref_slice %arg6[%dma_start3A_924] : memref<6144xi32, #tpu.memory_space<vmem>> -> memref<128xi32, #tpu.memory_space<vmem>>
    %dma_start3A_926 = arith.constant 0 : i32
    %dma_start3A_927 = arith.constant 0 : i32
    %dma_start3A_928 = tpu.memref_slice %arg3[%dma_start3A_926, %dma_start3A_927] : memref<1000000x16xf32, #tpu.memory_space<hbm>> -> memref<1000000x16xf32, #tpu.memory_space<hbm>>
    tpu.enqueue_indirect_dma source(%dma_start3A_928 : memref<1000000x16xf32, #tpu.memory_space<hbm>>) target(%dma_start3A_923 : memref<128x16xf32, #tpu.memory_space<vmem>>) offsets(%dma_start3A_925 : memref<128xi32, #tpu.memory_space<vmem>>) semaphore(%arg9 : memref<!tpu.dma_semaphore, #tpu.memory_space<semaphore_mem>>)
    %dma_start3A_929 = arith.constant 1536 : i32
    %dma_start3A_930 = arith.constant 0 : i32
    %dma_start3A_931 = tpu.memref_slice %arg8[%dma_start3A_929, %dma_start3A_930] : memref<2048x16xf32, #tpu.memory_space<vmem>> -> memref<128x16xf32, #tpu.memory_space<vmem>>
    %dma_start3A_932 = arith.constant 3584 : i32
    %dma_start3A_933 = tpu.memref_slice %arg6[%dma_start3A_932] : memref<6144xi32, #tpu.memory_space<vmem>> -> memref<128xi32, #tpu.memory_space<vmem>>
    %dma_start3A_934 = arith.constant 0 : i32
    %dma_start3A_935 = arith.constant 0 : i32
    %dma_start3A_936 = tpu.memref_slice %arg3[%dma_start3A_934, %dma_start3A_935] : memref<1000000x16xf32, #tpu.memory_space<hbm>> -> memref<1000000x16xf32, #tpu.memory_space<hbm>>
    tpu.enqueue_indirect_dma source(%dma_start3A_936 : memref<1000000x16xf32, #tpu.memory_space<hbm>>) target(%dma_start3A_931 : memref<128x16xf32, #tpu.memory_space<vmem>>) offsets(%dma_start3A_933 : memref<128xi32, #tpu.memory_space<vmem>>) semaphore(%arg9 : memref<!tpu.dma_semaphore, #tpu.memory_space<semaphore_mem>>)
    %dma_start3A_937 = arith.constant 1664 : i32
    %dma_start3A_938 = arith.constant 0 : i32
    %dma_start3A_939 = tpu.memref_slice %arg8[%dma_start3A_937, %dma_start3A_938] : memref<2048x16xf32, #tpu.memory_space<vmem>> -> memref<128x16xf32, #tpu.memory_space<vmem>>
    %dma_start3A_940 = arith.constant 3712 : i32
    %dma_start3A_941 = tpu.memref_slice %arg6[%dma_start3A_940] : memref<6144xi32, #tpu.memory_space<vmem>> -> memref<128xi32, #tpu.memory_space<vmem>>
    %dma_start3A_942 = arith.constant 0 : i32
    %dma_start3A_943 = arith.constant 0 : i32
    %dma_start3A_944 = tpu.memref_slice %arg3[%dma_start3A_942, %dma_start3A_943] : memref<1000000x16xf32, #tpu.memory_space<hbm>> -> memref<1000000x16xf32, #tpu.memory_space<hbm>>
    tpu.enqueue_indirect_dma source(%dma_start3A_944 : memref<1000000x16xf32, #tpu.memory_space<hbm>>) target(%dma_start3A_939 : memref<128x16xf32, #tpu.memory_space<vmem>>) offsets(%dma_start3A_941 : memref<128xi32, #tpu.memory_space<vmem>>) semaphore(%arg9 : memref<!tpu.dma_semaphore, #tpu.memory_space<semaphore_mem>>)
    %dma_start3A_945 = arith.constant 1792 : i32
    %dma_start3A_946 = arith.constant 0 : i32
    %dma_start3A_947 = tpu.memref_slice %arg8[%dma_start3A_945, %dma_start3A_946] : memref<2048x16xf32, #tpu.memory_space<vmem>> -> memref<128x16xf32, #tpu.memory_space<vmem>>
    %dma_start3A_948 = arith.constant 3840 : i32
    %dma_start3A_949 = tpu.memref_slice %arg6[%dma_start3A_948] : memref<6144xi32, #tpu.memory_space<vmem>> -> memref<128xi32, #tpu.memory_space<vmem>>
    %dma_start3A_950 = arith.constant 0 : i32
    %dma_start3A_951 = arith.constant 0 : i32
    %dma_start3A_952 = tpu.memref_slice %arg3[%dma_start3A_950, %dma_start3A_951] : memref<1000000x16xf32, #tpu.memory_space<hbm>> -> memref<1000000x16xf32, #tpu.memory_space<hbm>>
    tpu.enqueue_indirect_dma source(%dma_start3A_952 : memref<1000000x16xf32, #tpu.memory_space<hbm>>) target(%dma_start3A_947 : memref<128x16xf32, #tpu.memory_space<vmem>>) offsets(%dma_start3A_949 : memref<128xi32, #tpu.memory_space<vmem>>) semaphore(%arg9 : memref<!tpu.dma_semaphore, #tpu.memory_space<semaphore_mem>>)
    %dma_start3A_953 = arith.constant 1920 : i32
    %dma_start3A_954 = arith.constant 0 : i32
    %dma_start3A_955 = tpu.memref_slice %arg8[%dma_start3A_953, %dma_start3A_954] : memref<2048x16xf32, #tpu.memory_space<vmem>> -> memref<128x16xf32, #tpu.memory_space<vmem>>
    %dma_start3A_956 = arith.constant 3968 : i32
    %dma_start3A_957 = tpu.memref_slice %arg6[%dma_start3A_956] : memref<6144xi32, #tpu.memory_space<vmem>> -> memref<128xi32, #tpu.memory_space<vmem>>
    %dma_start3A_958 = arith.constant 0 : i32
    %dma_start3A_959 = arith.constant 0 : i32
    %dma_start3A_960 = tpu.memref_slice %arg3[%dma_start3A_958, %dma_start3A_959] : memref<1000000x16xf32, #tpu.memory_space<hbm>> -> memref<1000000x16xf32, #tpu.memory_space<hbm>>
    tpu.enqueue_indirect_dma source(%dma_start3A_960 : memref<1000000x16xf32, #tpu.memory_space<hbm>>) target(%dma_start3A_955 : memref<128x16xf32, #tpu.memory_space<vmem>>) offsets(%dma_start3A_957 : memref<128xi32, #tpu.memory_space<vmem>>) semaphore(%arg9 : memref<!tpu.dma_semaphore, #tpu.memory_space<semaphore_mem>>)
    %dma_wait3A_961 = arith.constant 0 : i32
    %dma_wait3A_962 = arith.constant 0 : i32
    %dma_wait3A_963 = tpu.memref_slice %arg8[%dma_wait3A_961, %dma_wait3A_962] : memref<2048x16xf32, #tpu.memory_space<vmem>> -> memref<128x16xf32, #tpu.memory_space<vmem>>
    %dma_wait3A_964 = arith.constant 2048 : i32
    %dma_wait3A_965 = tpu.memref_slice %arg6[%dma_wait3A_964] : memref<6144xi32, #tpu.memory_space<vmem>> -> memref<128xi32, #tpu.memory_space<vmem>>
    %dma_wait3A_966 = arith.constant 0 : i32
    %dma_wait3A_967 = arith.constant 0 : i32
    %dma_wait3A_968 = tpu.memref_slice %arg3[%dma_wait3A_966, %dma_wait3A_967] : memref<1000000x16xf32, #tpu.memory_space<hbm>> -> memref<1000000x16xf32, #tpu.memory_space<hbm>>
    tpu.wait_indirect_dma semaphore(%arg9 : memref<!tpu.dma_semaphore, #tpu.memory_space<semaphore_mem>>) src(%dma_wait3A_968 : memref<1000000x16xf32, #tpu.memory_space<hbm>>) dst(%dma_wait3A_963 : memref<128x16xf32, #tpu.memory_space<vmem>>)
    %dma_wait3A_969 = arith.constant 128 : i32
    %dma_wait3A_970 = arith.constant 0 : i32
    %dma_wait3A_971 = tpu.memref_slice %arg8[%dma_wait3A_969, %dma_wait3A_970] : memref<2048x16xf32, #tpu.memory_space<vmem>> -> memref<128x16xf32, #tpu.memory_space<vmem>>
    %dma_wait3A_972 = arith.constant 2176 : i32
    %dma_wait3A_973 = tpu.memref_slice %arg6[%dma_wait3A_972] : memref<6144xi32, #tpu.memory_space<vmem>> -> memref<128xi32, #tpu.memory_space<vmem>>
    %dma_wait3A_974 = arith.constant 0 : i32
    %dma_wait3A_975 = arith.constant 0 : i32
    %dma_wait3A_976 = tpu.memref_slice %arg3[%dma_wait3A_974, %dma_wait3A_975] : memref<1000000x16xf32, #tpu.memory_space<hbm>> -> memref<1000000x16xf32, #tpu.memory_space<hbm>>
    tpu.wait_indirect_dma semaphore(%arg9 : memref<!tpu.dma_semaphore, #tpu.memory_space<semaphore_mem>>) src(%dma_wait3A_976 : memref<1000000x16xf32, #tpu.memory_space<hbm>>) dst(%dma_wait3A_971 : memref<128x16xf32, #tpu.memory_space<vmem>>)
    %dma_wait3A_977 = arith.constant 256 : i32
    %dma_wait3A_978 = arith.constant 0 : i32
    %dma_wait3A_979 = tpu.memref_slice %arg8[%dma_wait3A_977, %dma_wait3A_978] : memref<2048x16xf32, #tpu.memory_space<vmem>> -> memref<128x16xf32, #tpu.memory_space<vmem>>
    %dma_wait3A_980 = arith.constant 2304 : i32
    %dma_wait3A_981 = tpu.memref_slice %arg6[%dma_wait3A_980] : memref<6144xi32, #tpu.memory_space<vmem>> -> memref<128xi32, #tpu.memory_space<vmem>>
    %dma_wait3A_982 = arith.constant 0 : i32
    %dma_wait3A_983 = arith.constant 0 : i32
    %dma_wait3A_984 = tpu.memref_slice %arg3[%dma_wait3A_982, %dma_wait3A_983] : memref<1000000x16xf32, #tpu.memory_space<hbm>> -> memref<1000000x16xf32, #tpu.memory_space<hbm>>
    tpu.wait_indirect_dma semaphore(%arg9 : memref<!tpu.dma_semaphore, #tpu.memory_space<semaphore_mem>>) src(%dma_wait3A_984 : memref<1000000x16xf32, #tpu.memory_space<hbm>>) dst(%dma_wait3A_979 : memref<128x16xf32, #tpu.memory_space<vmem>>)
    %dma_wait3A_985 = arith.constant 384 : i32
    %dma_wait3A_986 = arith.constant 0 : i32
    %dma_wait3A_987 = tpu.memref_slice %arg8[%dma_wait3A_985, %dma_wait3A_986] : memref<2048x16xf32, #tpu.memory_space<vmem>> -> memref<128x16xf32, #tpu.memory_space<vmem>>
    %dma_wait3A_988 = arith.constant 2432 : i32
    %dma_wait3A_989 = tpu.memref_slice %arg6[%dma_wait3A_988] : memref<6144xi32, #tpu.memory_space<vmem>> -> memref<128xi32, #tpu.memory_space<vmem>>
    %dma_wait3A_990 = arith.constant 0 : i32
    %dma_wait3A_991 = arith.constant 0 : i32
    %dma_wait3A_992 = tpu.memref_slice %arg3[%dma_wait3A_990, %dma_wait3A_991] : memref<1000000x16xf32, #tpu.memory_space<hbm>> -> memref<1000000x16xf32, #tpu.memory_space<hbm>>
    tpu.wait_indirect_dma semaphore(%arg9 : memref<!tpu.dma_semaphore, #tpu.memory_space<semaphore_mem>>) src(%dma_wait3A_992 : memref<1000000x16xf32, #tpu.memory_space<hbm>>) dst(%dma_wait3A_987 : memref<128x16xf32, #tpu.memory_space<vmem>>)
    %dma_wait3A_993 = arith.constant 512 : i32
    %dma_wait3A_994 = arith.constant 0 : i32
    %dma_wait3A_995 = tpu.memref_slice %arg8[%dma_wait3A_993, %dma_wait3A_994] : memref<2048x16xf32, #tpu.memory_space<vmem>> -> memref<128x16xf32, #tpu.memory_space<vmem>>
    %dma_wait3A_996 = arith.constant 2560 : i32
    %dma_wait3A_997 = tpu.memref_slice %arg6[%dma_wait3A_996] : memref<6144xi32, #tpu.memory_space<vmem>> -> memref<128xi32, #tpu.memory_space<vmem>>
    %dma_wait3A_998 = arith.constant 0 : i32
    %dma_wait3A_999 = arith.constant 0 : i32
    %dma_wait3A_1000 = tpu.memref_slice %arg3[%dma_wait3A_998, %dma_wait3A_999] : memref<1000000x16xf32, #tpu.memory_space<hbm>> -> memref<1000000x16xf32, #tpu.memory_space<hbm>>
    tpu.wait_indirect_dma semaphore(%arg9 : memref<!tpu.dma_semaphore, #tpu.memory_space<semaphore_mem>>) src(%dma_wait3A_1000 : memref<1000000x16xf32, #tpu.memory_space<hbm>>) dst(%dma_wait3A_995 : memref<128x16xf32, #tpu.memory_space<vmem>>)
    %dma_wait3A_1001 = arith.constant 640 : i32
    %dma_wait3A_1002 = arith.constant 0 : i32
    %dma_wait3A_1003 = tpu.memref_slice %arg8[%dma_wait3A_1001, %dma_wait3A_1002] : memref<2048x16xf32, #tpu.memory_space<vmem>> -> memref<128x16xf32, #tpu.memory_space<vmem>>
    %dma_wait3A_1004 = arith.constant 2688 : i32
    %dma_wait3A_1005 = tpu.memref_slice %arg6[%dma_wait3A_1004] : memref<6144xi32, #tpu.memory_space<vmem>> -> memref<128xi32, #tpu.memory_space<vmem>>
    %dma_wait3A_1006 = arith.constant 0 : i32
    %dma_wait3A_1007 = arith.constant 0 : i32
    %dma_wait3A_1008 = tpu.memref_slice %arg3[%dma_wait3A_1006, %dma_wait3A_1007] : memref<1000000x16xf32, #tpu.memory_space<hbm>> -> memref<1000000x16xf32, #tpu.memory_space<hbm>>
    tpu.wait_indirect_dma semaphore(%arg9 : memref<!tpu.dma_semaphore, #tpu.memory_space<semaphore_mem>>) src(%dma_wait3A_1008 : memref<1000000x16xf32, #tpu.memory_space<hbm>>) dst(%dma_wait3A_1003 : memref<128x16xf32, #tpu.memory_space<vmem>>)
    %dma_wait3A_1009 = arith.constant 768 : i32
    %dma_wait3A_1010 = arith.constant 0 : i32
    %dma_wait3A_1011 = tpu.memref_slice %arg8[%dma_wait3A_1009, %dma_wait3A_1010] : memref<2048x16xf32, #tpu.memory_space<vmem>> -> memref<128x16xf32, #tpu.memory_space<vmem>>
    %dma_wait3A_1012 = arith.constant 2816 : i32
    %dma_wait3A_1013 = tpu.memref_slice %arg6[%dma_wait3A_1012] : memref<6144xi32, #tpu.memory_space<vmem>> -> memref<128xi32, #tpu.memory_space<vmem>>
    %dma_wait3A_1014 = arith.constant 0 : i32
    %dma_wait3A_1015 = arith.constant 0 : i32
    %dma_wait3A_1016 = tpu.memref_slice %arg3[%dma_wait3A_1014, %dma_wait3A_1015] : memref<1000000x16xf32, #tpu.memory_space<hbm>> -> memref<1000000x16xf32, #tpu.memory_space<hbm>>
    tpu.wait_indirect_dma semaphore(%arg9 : memref<!tpu.dma_semaphore, #tpu.memory_space<semaphore_mem>>) src(%dma_wait3A_1016 : memref<1000000x16xf32, #tpu.memory_space<hbm>>) dst(%dma_wait3A_1011 : memref<128x16xf32, #tpu.memory_space<vmem>>)
    %dma_wait3A_1017 = arith.constant 896 : i32
    %dma_wait3A_1018 = arith.constant 0 : i32
    %dma_wait3A_1019 = tpu.memref_slice %arg8[%dma_wait3A_1017, %dma_wait3A_1018] : memref<2048x16xf32, #tpu.memory_space<vmem>> -> memref<128x16xf32, #tpu.memory_space<vmem>>
    %dma_wait3A_1020 = arith.constant 2944 : i32
    %dma_wait3A_1021 = tpu.memref_slice %arg6[%dma_wait3A_1020] : memref<6144xi32, #tpu.memory_space<vmem>> -> memref<128xi32, #tpu.memory_space<vmem>>
    %dma_wait3A_1022 = arith.constant 0 : i32
    %dma_wait3A_1023 = arith.constant 0 : i32
    %dma_wait3A_1024 = tpu.memref_slice %arg3[%dma_wait3A_1022, %dma_wait3A_1023] : memref<1000000x16xf32, #tpu.memory_space<hbm>> -> memref<1000000x16xf32, #tpu.memory_space<hbm>>
    tpu.wait_indirect_dma semaphore(%arg9 : memref<!tpu.dma_semaphore, #tpu.memory_space<semaphore_mem>>) src(%dma_wait3A_1024 : memref<1000000x16xf32, #tpu.memory_space<hbm>>) dst(%dma_wait3A_1019 : memref<128x16xf32, #tpu.memory_space<vmem>>)
    %dma_wait3A_1025 = arith.constant 1024 : i32
    %dma_wait3A_1026 = arith.constant 0 : i32
    %dma_wait3A_1027 = tpu.memref_slice %arg8[%dma_wait3A_1025, %dma_wait3A_1026] : memref<2048x16xf32, #tpu.memory_space<vmem>> -> memref<128x16xf32, #tpu.memory_space<vmem>>
    %dma_wait3A_1028 = arith.constant 3072 : i32
    %dma_wait3A_1029 = tpu.memref_slice %arg6[%dma_wait3A_1028] : memref<6144xi32, #tpu.memory_space<vmem>> -> memref<128xi32, #tpu.memory_space<vmem>>
    %dma_wait3A_1030 = arith.constant 0 : i32
    %dma_wait3A_1031 = arith.constant 0 : i32
    %dma_wait3A_1032 = tpu.memref_slice %arg3[%dma_wait3A_1030, %dma_wait3A_1031] : memref<1000000x16xf32, #tpu.memory_space<hbm>> -> memref<1000000x16xf32, #tpu.memory_space<hbm>>
    tpu.wait_indirect_dma semaphore(%arg9 : memref<!tpu.dma_semaphore, #tpu.memory_space<semaphore_mem>>) src(%dma_wait3A_1032 : memref<1000000x16xf32, #tpu.memory_space<hbm>>) dst(%dma_wait3A_1027 : memref<128x16xf32, #tpu.memory_space<vmem>>)
    %dma_wait3A_1033 = arith.constant 1152 : i32
    %dma_wait3A_1034 = arith.constant 0 : i32
    %dma_wait3A_1035 = tpu.memref_slice %arg8[%dma_wait3A_1033, %dma_wait3A_1034] : memref<2048x16xf32, #tpu.memory_space<vmem>> -> memref<128x16xf32, #tpu.memory_space<vmem>>
    %dma_wait3A_1036 = arith.constant 3200 : i32
    %dma_wait3A_1037 = tpu.memref_slice %arg6[%dma_wait3A_1036] : memref<6144xi32, #tpu.memory_space<vmem>> -> memref<128xi32, #tpu.memory_space<vmem>>
    %dma_wait3A_1038 = arith.constant 0 : i32
    %dma_wait3A_1039 = arith.constant 0 : i32
    %dma_wait3A_1040 = tpu.memref_slice %arg3[%dma_wait3A_1038, %dma_wait3A_1039] : memref<1000000x16xf32, #tpu.memory_space<hbm>> -> memref<1000000x16xf32, #tpu.memory_space<hbm>>
    tpu.wait_indirect_dma semaphore(%arg9 : memref<!tpu.dma_semaphore, #tpu.memory_space<semaphore_mem>>) src(%dma_wait3A_1040 : memref<1000000x16xf32, #tpu.memory_space<hbm>>) dst(%dma_wait3A_1035 : memref<128x16xf32, #tpu.memory_space<vmem>>)
    %dma_wait3A_1041 = arith.constant 1280 : i32
    %dma_wait3A_1042 = arith.constant 0 : i32
    %dma_wait3A_1043 = tpu.memref_slice %arg8[%dma_wait3A_1041, %dma_wait3A_1042] : memref<2048x16xf32, #tpu.memory_space<vmem>> -> memref<128x16xf32, #tpu.memory_space<vmem>>
    %dma_wait3A_1044 = arith.constant 3328 : i32
    %dma_wait3A_1045 = tpu.memref_slice %arg6[%dma_wait3A_1044] : memref<6144xi32, #tpu.memory_space<vmem>> -> memref<128xi32, #tpu.memory_space<vmem>>
    %dma_wait3A_1046 = arith.constant 0 : i32
    %dma_wait3A_1047 = arith.constant 0 : i32
    %dma_wait3A_1048 = tpu.memref_slice %arg3[%dma_wait3A_1046, %dma_wait3A_1047] : memref<1000000x16xf32, #tpu.memory_space<hbm>> -> memref<1000000x16xf32, #tpu.memory_space<hbm>>
    tpu.wait_indirect_dma semaphore(%arg9 : memref<!tpu.dma_semaphore, #tpu.memory_space<semaphore_mem>>) src(%dma_wait3A_1048 : memref<1000000x16xf32, #tpu.memory_space<hbm>>) dst(%dma_wait3A_1043 : memref<128x16xf32, #tpu.memory_space<vmem>>)
    %dma_wait3A_1049 = arith.constant 1408 : i32
    %dma_wait3A_1050 = arith.constant 0 : i32
    %dma_wait3A_1051 = tpu.memref_slice %arg8[%dma_wait3A_1049, %dma_wait3A_1050] : memref<2048x16xf32, #tpu.memory_space<vmem>> -> memref<128x16xf32, #tpu.memory_space<vmem>>
    %dma_wait3A_1052 = arith.constant 3456 : i32
    %dma_wait3A_1053 = tpu.memref_slice %arg6[%dma_wait3A_1052] : memref<6144xi32, #tpu.memory_space<vmem>> -> memref<128xi32, #tpu.memory_space<vmem>>
    %dma_wait3A_1054 = arith.constant 0 : i32
    %dma_wait3A_1055 = arith.constant 0 : i32
    %dma_wait3A_1056 = tpu.memref_slice %arg3[%dma_wait3A_1054, %dma_wait3A_1055] : memref<1000000x16xf32, #tpu.memory_space<hbm>> -> memref<1000000x16xf32, #tpu.memory_space<hbm>>
    tpu.wait_indirect_dma semaphore(%arg9 : memref<!tpu.dma_semaphore, #tpu.memory_space<semaphore_mem>>) src(%dma_wait3A_1056 : memref<1000000x16xf32, #tpu.memory_space<hbm>>) dst(%dma_wait3A_1051 : memref<128x16xf32, #tpu.memory_space<vmem>>)
    %dma_wait3A_1057 = arith.constant 1536 : i32
    %dma_wait3A_1058 = arith.constant 0 : i32
    %dma_wait3A_1059 = tpu.memref_slice %arg8[%dma_wait3A_1057, %dma_wait3A_1058] : memref<2048x16xf32, #tpu.memory_space<vmem>> -> memref<128x16xf32, #tpu.memory_space<vmem>>
    %dma_wait3A_1060 = arith.constant 3584 : i32
    %dma_wait3A_1061 = tpu.memref_slice %arg6[%dma_wait3A_1060] : memref<6144xi32, #tpu.memory_space<vmem>> -> memref<128xi32, #tpu.memory_space<vmem>>
    %dma_wait3A_1062 = arith.constant 0 : i32
    %dma_wait3A_1063 = arith.constant 0 : i32
    %dma_wait3A_1064 = tpu.memref_slice %arg3[%dma_wait3A_1062, %dma_wait3A_1063] : memref<1000000x16xf32, #tpu.memory_space<hbm>> -> memref<1000000x16xf32, #tpu.memory_space<hbm>>
    tpu.wait_indirect_dma semaphore(%arg9 : memref<!tpu.dma_semaphore, #tpu.memory_space<semaphore_mem>>) src(%dma_wait3A_1064 : memref<1000000x16xf32, #tpu.memory_space<hbm>>) dst(%dma_wait3A_1059 : memref<128x16xf32, #tpu.memory_space<vmem>>)
    %dma_wait3A_1065 = arith.constant 1664 : i32
    %dma_wait3A_1066 = arith.constant 0 : i32
    %dma_wait3A_1067 = tpu.memref_slice %arg8[%dma_wait3A_1065, %dma_wait3A_1066] : memref<2048x16xf32, #tpu.memory_space<vmem>> -> memref<128x16xf32, #tpu.memory_space<vmem>>
    %dma_wait3A_1068 = arith.constant 3712 : i32
    %dma_wait3A_1069 = tpu.memref_slice %arg6[%dma_wait3A_1068] : memref<6144xi32, #tpu.memory_space<vmem>> -> memref<128xi32, #tpu.memory_space<vmem>>
    %dma_wait3A_1070 = arith.constant 0 : i32
    %dma_wait3A_1071 = arith.constant 0 : i32
    %dma_wait3A_1072 = tpu.memref_slice %arg3[%dma_wait3A_1070, %dma_wait3A_1071] : memref<1000000x16xf32, #tpu.memory_space<hbm>> -> memref<1000000x16xf32, #tpu.memory_space<hbm>>
    tpu.wait_indirect_dma semaphore(%arg9 : memref<!tpu.dma_semaphore, #tpu.memory_space<semaphore_mem>>) src(%dma_wait3A_1072 : memref<1000000x16xf32, #tpu.memory_space<hbm>>) dst(%dma_wait3A_1067 : memref<128x16xf32, #tpu.memory_space<vmem>>)
    %dma_wait3A_1073 = arith.constant 1792 : i32
    %dma_wait3A_1074 = arith.constant 0 : i32
    %dma_wait3A_1075 = tpu.memref_slice %arg8[%dma_wait3A_1073, %dma_wait3A_1074] : memref<2048x16xf32, #tpu.memory_space<vmem>> -> memref<128x16xf32, #tpu.memory_space<vmem>>
    %dma_wait3A_1076 = arith.constant 3840 : i32
    %dma_wait3A_1077 = tpu.memref_slice %arg6[%dma_wait3A_1076] : memref<6144xi32, #tpu.memory_space<vmem>> -> memref<128xi32, #tpu.memory_space<vmem>>
    %dma_wait3A_1078 = arith.constant 0 : i32
    %dma_wait3A_1079 = arith.constant 0 : i32
    %dma_wait3A_1080 = tpu.memref_slice %arg3[%dma_wait3A_1078, %dma_wait3A_1079] : memref<1000000x16xf32, #tpu.memory_space<hbm>> -> memref<1000000x16xf32, #tpu.memory_space<hbm>>
    tpu.wait_indirect_dma semaphore(%arg9 : memref<!tpu.dma_semaphore, #tpu.memory_space<semaphore_mem>>) src(%dma_wait3A_1080 : memref<1000000x16xf32, #tpu.memory_space<hbm>>) dst(%dma_wait3A_1075 : memref<128x16xf32, #tpu.memory_space<vmem>>)
    %dma_wait3A_1081 = arith.constant 1920 : i32
    %dma_wait3A_1082 = arith.constant 0 : i32
    %dma_wait3A_1083 = tpu.memref_slice %arg8[%dma_wait3A_1081, %dma_wait3A_1082] : memref<2048x16xf32, #tpu.memory_space<vmem>> -> memref<128x16xf32, #tpu.memory_space<vmem>>
    %dma_wait3A_1084 = arith.constant 3968 : i32
    %dma_wait3A_1085 = tpu.memref_slice %arg6[%dma_wait3A_1084] : memref<6144xi32, #tpu.memory_space<vmem>> -> memref<128xi32, #tpu.memory_space<vmem>>
    %dma_wait3A_1086 = arith.constant 0 : i32
    %dma_wait3A_1087 = arith.constant 0 : i32
    %dma_wait3A_1088 = tpu.memref_slice %arg3[%dma_wait3A_1086, %dma_wait3A_1087] : memref<1000000x16xf32, #tpu.memory_space<hbm>> -> memref<1000000x16xf32, #tpu.memory_space<hbm>>
    tpu.wait_indirect_dma semaphore(%arg9 : memref<!tpu.dma_semaphore, #tpu.memory_space<semaphore_mem>>) src(%dma_wait3A_1088 : memref<1000000x16xf32, #tpu.memory_space<hbm>>) dst(%dma_wait3A_1083 : memref<128x16xf32, #tpu.memory_space<vmem>>)
    %mul3A_1089 = arith.constant 2048 : i32
    %mul3A_1090 = arith.muli %add3A, %mul3A_1089 : i32
    %dma_start3A_1091 = arith.constant 1 : i32
    %dma_start3A_1092 = arith.constant 0 : i32
    %dma_start3A_1093 = tpu.memref_slice %arg4[%dma_start3A_1091, %mul3A_1090, %dma_start3A_1092] : memref<3x65536x16xf32, #tpu.memory_space<hbm>> -> memref<1x2048x16xf32, #tpu.memory_space<hbm>>
    %dma_start3A_1094 = tpu.memref_squeeze %dma_start3A_1093 : memref<1x2048x16xf32, #tpu.memory_space<hbm>> -> memref<2048x16xf32, #tpu.memory_space<hbm>>
    %dma_start3A_1095 = arith.constant 0 : i32
    %dma_start3A_1096 = tpu.memref_slice %arg4[%dma_start3A_1091, %mul3A_1090, %dma_start3A_1095] : memref<3x65536x16xf32, #tpu.memory_space<hbm>> -> memref<1x2048x16xf32, #tpu.memory_space<hbm>>
    %dma_start3A_1097 = tpu.memref_squeeze %dma_start3A_1096 : memref<1x2048x16xf32, #tpu.memory_space<hbm>> -> memref<2048x16xf32, #tpu.memory_space<hbm>>
    tpu.enqueue_dma source(%arg8 : memref<2048x16xf32, #tpu.memory_space<vmem>>) target(%dma_start3A_1097 : memref<2048x16xf32, #tpu.memory_space<hbm>>) target_semaphore(%arg10 : memref<!tpu.dma_semaphore, #tpu.memory_space<semaphore_mem>>)
    %dma_wait3A_1098 = arith.constant 0 : i32
    %dma_wait3A_1099 = arith.constant 0 : i32
    %dma_wait3A_1100 = tpu.memref_slice %arg4[%dma_wait3A_1098, %mul3A_825, %dma_wait3A_1099] : memref<3x65536x16xf32, #tpu.memory_space<hbm>> -> memref<1x2048x16xf32, #tpu.memory_space<hbm>>
    %dma_wait3A_1101 = tpu.memref_squeeze %dma_wait3A_1100 : memref<1x2048x16xf32, #tpu.memory_space<hbm>> -> memref<2048x16xf32, #tpu.memory_space<hbm>>
    %dma_wait3A_1102 = arith.constant 0 : i32
    %dma_wait3A_1103 = tpu.memref_slice %arg4[%dma_wait3A_1098, %mul3A_825, %dma_wait3A_1102] : memref<3x65536x16xf32, #tpu.memory_space<hbm>> -> memref<1x2048x16xf32, #tpu.memory_space<hbm>>
    %dma_wait3A_1104 = tpu.memref_squeeze %dma_wait3A_1103 : memref<1x2048x16xf32, #tpu.memory_space<hbm>> -> memref<2048x16xf32, #tpu.memory_space<hbm>>
    tpu.wait_dma2 semaphore(%arg10 : memref<!tpu.dma_semaphore, #tpu.memory_space<semaphore_mem>>) src(%arg7 : memref<2048x16xf32, #tpu.memory_space<vmem>>) dst(%dma_wait3A_1104 : memref<2048x16xf32, #tpu.memory_space<hbm>>)
    %dma_start3A_1105 = arith.constant 0 : i32
    %dma_start3A_1106 = arith.constant 0 : i32
    %dma_start3A_1107 = tpu.memref_slice %arg7[%dma_start3A_1105, %dma_start3A_1106] : memref<2048x16xf32, #tpu.memory_space<vmem>> -> memref<128x16xf32, #tpu.memory_space<vmem>>
    %dma_start3A_1108 = arith.constant 4096 : i32
    %dma_start3A_1109 = tpu.memref_slice %arg6[%dma_start3A_1108] : memref<6144xi32, #tpu.memory_space<vmem>> -> memref<128xi32, #tpu.memory_space<vmem>>
    %dma_start3A_1110 = arith.constant 0 : i32
    %dma_start3A_1111 = arith.constant 0 : i32
    %dma_start3A_1112 = tpu.memref_slice %arg3[%dma_start3A_1110, %dma_start3A_1111] : memref<1000000x16xf32, #tpu.memory_space<hbm>> -> memref<1000000x16xf32, #tpu.memory_space<hbm>>
    tpu.enqueue_indirect_dma source(%dma_start3A_1112 : memref<1000000x16xf32, #tpu.memory_space<hbm>>) target(%dma_start3A_1107 : memref<128x16xf32, #tpu.memory_space<vmem>>) offsets(%dma_start3A_1109 : memref<128xi32, #tpu.memory_space<vmem>>) semaphore(%arg9 : memref<!tpu.dma_semaphore, #tpu.memory_space<semaphore_mem>>)
    %dma_start3A_1113 = arith.constant 128 : i32
    %dma_start3A_1114 = arith.constant 0 : i32
    %dma_start3A_1115 = tpu.memref_slice %arg7[%dma_start3A_1113, %dma_start3A_1114] : memref<2048x16xf32, #tpu.memory_space<vmem>> -> memref<128x16xf32, #tpu.memory_space<vmem>>
    %dma_start3A_1116 = arith.constant 4224 : i32
    %dma_start3A_1117 = tpu.memref_slice %arg6[%dma_start3A_1116] : memref<6144xi32, #tpu.memory_space<vmem>> -> memref<128xi32, #tpu.memory_space<vmem>>
    %dma_start3A_1118 = arith.constant 0 : i32
    %dma_start3A_1119 = arith.constant 0 : i32
    %dma_start3A_1120 = tpu.memref_slice %arg3[%dma_start3A_1118, %dma_start3A_1119] : memref<1000000x16xf32, #tpu.memory_space<hbm>> -> memref<1000000x16xf32, #tpu.memory_space<hbm>>
    tpu.enqueue_indirect_dma source(%dma_start3A_1120 : memref<1000000x16xf32, #tpu.memory_space<hbm>>) target(%dma_start3A_1115 : memref<128x16xf32, #tpu.memory_space<vmem>>) offsets(%dma_start3A_1117 : memref<128xi32, #tpu.memory_space<vmem>>) semaphore(%arg9 : memref<!tpu.dma_semaphore, #tpu.memory_space<semaphore_mem>>)
    %dma_start3A_1121 = arith.constant 256 : i32
    %dma_start3A_1122 = arith.constant 0 : i32
    %dma_start3A_1123 = tpu.memref_slice %arg7[%dma_start3A_1121, %dma_start3A_1122] : memref<2048x16xf32, #tpu.memory_space<vmem>> -> memref<128x16xf32, #tpu.memory_space<vmem>>
    %dma_start3A_1124 = arith.constant 4352 : i32
    %dma_start3A_1125 = tpu.memref_slice %arg6[%dma_start3A_1124] : memref<6144xi32, #tpu.memory_space<vmem>> -> memref<128xi32, #tpu.memory_space<vmem>>
    %dma_start3A_1126 = arith.constant 0 : i32
    %dma_start3A_1127 = arith.constant 0 : i32
    %dma_start3A_1128 = tpu.memref_slice %arg3[%dma_start3A_1126, %dma_start3A_1127] : memref<1000000x16xf32, #tpu.memory_space<hbm>> -> memref<1000000x16xf32, #tpu.memory_space<hbm>>
    tpu.enqueue_indirect_dma source(%dma_start3A_1128 : memref<1000000x16xf32, #tpu.memory_space<hbm>>) target(%dma_start3A_1123 : memref<128x16xf32, #tpu.memory_space<vmem>>) offsets(%dma_start3A_1125 : memref<128xi32, #tpu.memory_space<vmem>>) semaphore(%arg9 : memref<!tpu.dma_semaphore, #tpu.memory_space<semaphore_mem>>)
    %dma_start3A_1129 = arith.constant 384 : i32
    %dma_start3A_1130 = arith.constant 0 : i32
    %dma_start3A_1131 = tpu.memref_slice %arg7[%dma_start3A_1129, %dma_start3A_1130] : memref<2048x16xf32, #tpu.memory_space<vmem>> -> memref<128x16xf32, #tpu.memory_space<vmem>>
    %dma_start3A_1132 = arith.constant 4480 : i32
    %dma_start3A_1133 = tpu.memref_slice %arg6[%dma_start3A_1132] : memref<6144xi32, #tpu.memory_space<vmem>> -> memref<128xi32, #tpu.memory_space<vmem>>
    %dma_start3A_1134 = arith.constant 0 : i32
    %dma_start3A_1135 = arith.constant 0 : i32
    %dma_start3A_1136 = tpu.memref_slice %arg3[%dma_start3A_1134, %dma_start3A_1135] : memref<1000000x16xf32, #tpu.memory_space<hbm>> -> memref<1000000x16xf32, #tpu.memory_space<hbm>>
    tpu.enqueue_indirect_dma source(%dma_start3A_1136 : memref<1000000x16xf32, #tpu.memory_space<hbm>>) target(%dma_start3A_1131 : memref<128x16xf32, #tpu.memory_space<vmem>>) offsets(%dma_start3A_1133 : memref<128xi32, #tpu.memory_space<vmem>>) semaphore(%arg9 : memref<!tpu.dma_semaphore, #tpu.memory_space<semaphore_mem>>)
    %dma_start3A_1137 = arith.constant 512 : i32
    %dma_start3A_1138 = arith.constant 0 : i32
    %dma_start3A_1139 = tpu.memref_slice %arg7[%dma_start3A_1137, %dma_start3A_1138] : memref<2048x16xf32, #tpu.memory_space<vmem>> -> memref<128x16xf32, #tpu.memory_space<vmem>>
    %dma_start3A_1140 = arith.constant 4608 : i32
    %dma_start3A_1141 = tpu.memref_slice %arg6[%dma_start3A_1140] : memref<6144xi32, #tpu.memory_space<vmem>> -> memref<128xi32, #tpu.memory_space<vmem>>
    %dma_start3A_1142 = arith.constant 0 : i32
    %dma_start3A_1143 = arith.constant 0 : i32
    %dma_start3A_1144 = tpu.memref_slice %arg3[%dma_start3A_1142, %dma_start3A_1143] : memref<1000000x16xf32, #tpu.memory_space<hbm>> -> memref<1000000x16xf32, #tpu.memory_space<hbm>>
    tpu.enqueue_indirect_dma source(%dma_start3A_1144 : memref<1000000x16xf32, #tpu.memory_space<hbm>>) target(%dma_start3A_1139 : memref<128x16xf32, #tpu.memory_space<vmem>>) offsets(%dma_start3A_1141 : memref<128xi32, #tpu.memory_space<vmem>>) semaphore(%arg9 : memref<!tpu.dma_semaphore, #tpu.memory_space<semaphore_mem>>)
    %dma_start3A_1145 = arith.constant 640 : i32
    %dma_start3A_1146 = arith.constant 0 : i32
    %dma_start3A_1147 = tpu.memref_slice %arg7[%dma_start3A_1145, %dma_start3A_1146] : memref<2048x16xf32, #tpu.memory_space<vmem>> -> memref<128x16xf32, #tpu.memory_space<vmem>>
    %dma_start3A_1148 = arith.constant 4736 : i32
    %dma_start3A_1149 = tpu.memref_slice %arg6[%dma_start3A_1148] : memref<6144xi32, #tpu.memory_space<vmem>> -> memref<128xi32, #tpu.memory_space<vmem>>
    %dma_start3A_1150 = arith.constant 0 : i32
    %dma_start3A_1151 = arith.constant 0 : i32
    %dma_start3A_1152 = tpu.memref_slice %arg3[%dma_start3A_1150, %dma_start3A_1151] : memref<1000000x16xf32, #tpu.memory_space<hbm>> -> memref<1000000x16xf32, #tpu.memory_space<hbm>>
    tpu.enqueue_indirect_dma source(%dma_start3A_1152 : memref<1000000x16xf32, #tpu.memory_space<hbm>>) target(%dma_start3A_1147 : memref<128x16xf32, #tpu.memory_space<vmem>>) offsets(%dma_start3A_1149 : memref<128xi32, #tpu.memory_space<vmem>>) semaphore(%arg9 : memref<!tpu.dma_semaphore, #tpu.memory_space<semaphore_mem>>)
    %dma_start3A_1153 = arith.constant 768 : i32
    %dma_start3A_1154 = arith.constant 0 : i32
    %dma_start3A_1155 = tpu.memref_slice %arg7[%dma_start3A_1153, %dma_start3A_1154] : memref<2048x16xf32, #tpu.memory_space<vmem>> -> memref<128x16xf32, #tpu.memory_space<vmem>>
    %dma_start3A_1156 = arith.constant 4864 : i32
    %dma_start3A_1157 = tpu.memref_slice %arg6[%dma_start3A_1156] : memref<6144xi32, #tpu.memory_space<vmem>> -> memref<128xi32, #tpu.memory_space<vmem>>
    %dma_start3A_1158 = arith.constant 0 : i32
    %dma_start3A_1159 = arith.constant 0 : i32
    %dma_start3A_1160 = tpu.memref_slice %arg3[%dma_start3A_1158, %dma_start3A_1159] : memref<1000000x16xf32, #tpu.memory_space<hbm>> -> memref<1000000x16xf32, #tpu.memory_space<hbm>>
    tpu.enqueue_indirect_dma source(%dma_start3A_1160 : memref<1000000x16xf32, #tpu.memory_space<hbm>>) target(%dma_start3A_1155 : memref<128x16xf32, #tpu.memory_space<vmem>>) offsets(%dma_start3A_1157 : memref<128xi32, #tpu.memory_space<vmem>>) semaphore(%arg9 : memref<!tpu.dma_semaphore, #tpu.memory_space<semaphore_mem>>)
    %dma_start3A_1161 = arith.constant 896 : i32
    %dma_start3A_1162 = arith.constant 0 : i32
    %dma_start3A_1163 = tpu.memref_slice %arg7[%dma_start3A_1161, %dma_start3A_1162] : memref<2048x16xf32, #tpu.memory_space<vmem>> -> memref<128x16xf32, #tpu.memory_space<vmem>>
    %dma_start3A_1164 = arith.constant 4992 : i32
    %dma_start3A_1165 = tpu.memref_slice %arg6[%dma_start3A_1164] : memref<6144xi32, #tpu.memory_space<vmem>> -> memref<128xi32, #tpu.memory_space<vmem>>
    %dma_start3A_1166 = arith.constant 0 : i32
    %dma_start3A_1167 = arith.constant 0 : i32
    %dma_start3A_1168 = tpu.memref_slice %arg3[%dma_start3A_1166, %dma_start3A_1167] : memref<1000000x16xf32, #tpu.memory_space<hbm>> -> memref<1000000x16xf32, #tpu.memory_space<hbm>>
    tpu.enqueue_indirect_dma source(%dma_start3A_1168 : memref<1000000x16xf32, #tpu.memory_space<hbm>>) target(%dma_start3A_1163 : memref<128x16xf32, #tpu.memory_space<vmem>>) offsets(%dma_start3A_1165 : memref<128xi32, #tpu.memory_space<vmem>>) semaphore(%arg9 : memref<!tpu.dma_semaphore, #tpu.memory_space<semaphore_mem>>)
    %dma_start3A_1169 = arith.constant 1024 : i32
    %dma_start3A_1170 = arith.constant 0 : i32
    %dma_start3A_1171 = tpu.memref_slice %arg7[%dma_start3A_1169, %dma_start3A_1170] : memref<2048x16xf32, #tpu.memory_space<vmem>> -> memref<128x16xf32, #tpu.memory_space<vmem>>
    %dma_start3A_1172 = arith.constant 5120 : i32
    %dma_start3A_1173 = tpu.memref_slice %arg6[%dma_start3A_1172] : memref<6144xi32, #tpu.memory_space<vmem>> -> memref<128xi32, #tpu.memory_space<vmem>>
    %dma_start3A_1174 = arith.constant 0 : i32
    %dma_start3A_1175 = arith.constant 0 : i32
    %dma_start3A_1176 = tpu.memref_slice %arg3[%dma_start3A_1174, %dma_start3A_1175] : memref<1000000x16xf32, #tpu.memory_space<hbm>> -> memref<1000000x16xf32, #tpu.memory_space<hbm>>
    tpu.enqueue_indirect_dma source(%dma_start3A_1176 : memref<1000000x16xf32, #tpu.memory_space<hbm>>) target(%dma_start3A_1171 : memref<128x16xf32, #tpu.memory_space<vmem>>) offsets(%dma_start3A_1173 : memref<128xi32, #tpu.memory_space<vmem>>) semaphore(%arg9 : memref<!tpu.dma_semaphore, #tpu.memory_space<semaphore_mem>>)
    %dma_start3A_1177 = arith.constant 1152 : i32
    %dma_start3A_1178 = arith.constant 0 : i32
    %dma_start3A_1179 = tpu.memref_slice %arg7[%dma_start3A_1177, %dma_start3A_1178] : memref<2048x16xf32, #tpu.memory_space<vmem>> -> memref<128x16xf32, #tpu.memory_space<vmem>>
    %dma_start3A_1180 = arith.constant 5248 : i32
    %dma_start3A_1181 = tpu.memref_slice %arg6[%dma_start3A_1180] : memref<6144xi32, #tpu.memory_space<vmem>> -> memref<128xi32, #tpu.memory_space<vmem>>
    %dma_start3A_1182 = arith.constant 0 : i32
    %dma_start3A_1183 = arith.constant 0 : i32
    %dma_start3A_1184 = tpu.memref_slice %arg3[%dma_start3A_1182, %dma_start3A_1183] : memref<1000000x16xf32, #tpu.memory_space<hbm>> -> memref<1000000x16xf32, #tpu.memory_space<hbm>>
    tpu.enqueue_indirect_dma source(%dma_start3A_1184 : memref<1000000x16xf32, #tpu.memory_space<hbm>>) target(%dma_start3A_1179 : memref<128x16xf32, #tpu.memory_space<vmem>>) offsets(%dma_start3A_1181 : memref<128xi32, #tpu.memory_space<vmem>>) semaphore(%arg9 : memref<!tpu.dma_semaphore, #tpu.memory_space<semaphore_mem>>)
    %dma_start3A_1185 = arith.constant 1280 : i32
    %dma_start3A_1186 = arith.constant 0 : i32
    %dma_start3A_1187 = tpu.memref_slice %arg7[%dma_start3A_1185, %dma_start3A_1186] : memref<2048x16xf32, #tpu.memory_space<vmem>> -> memref<128x16xf32, #tpu.memory_space<vmem>>
    %dma_start3A_1188 = arith.constant 5376 : i32
    %dma_start3A_1189 = tpu.memref_slice %arg6[%dma_start3A_1188] : memref<6144xi32, #tpu.memory_space<vmem>> -> memref<128xi32, #tpu.memory_space<vmem>>
    %dma_start3A_1190 = arith.constant 0 : i32
    %dma_start3A_1191 = arith.constant 0 : i32
    %dma_start3A_1192 = tpu.memref_slice %arg3[%dma_start3A_1190, %dma_start3A_1191] : memref<1000000x16xf32, #tpu.memory_space<hbm>> -> memref<1000000x16xf32, #tpu.memory_space<hbm>>
    tpu.enqueue_indirect_dma source(%dma_start3A_1192 : memref<1000000x16xf32, #tpu.memory_space<hbm>>) target(%dma_start3A_1187 : memref<128x16xf32, #tpu.memory_space<vmem>>) offsets(%dma_start3A_1189 : memref<128xi32, #tpu.memory_space<vmem>>) semaphore(%arg9 : memref<!tpu.dma_semaphore, #tpu.memory_space<semaphore_mem>>)
    %dma_start3A_1193 = arith.constant 1408 : i32
    %dma_start3A_1194 = arith.constant 0 : i32
    %dma_start3A_1195 = tpu.memref_slice %arg7[%dma_start3A_1193, %dma_start3A_1194] : memref<2048x16xf32, #tpu.memory_space<vmem>> -> memref<128x16xf32, #tpu.memory_space<vmem>>
    %dma_start3A_1196 = arith.constant 5504 : i32
    %dma_start3A_1197 = tpu.memref_slice %arg6[%dma_start3A_1196] : memref<6144xi32, #tpu.memory_space<vmem>> -> memref<128xi32, #tpu.memory_space<vmem>>
    %dma_start3A_1198 = arith.constant 0 : i32
    %dma_start3A_1199 = arith.constant 0 : i32
    %dma_start3A_1200 = tpu.memref_slice %arg3[%dma_start3A_1198, %dma_start3A_1199] : memref<1000000x16xf32, #tpu.memory_space<hbm>> -> memref<1000000x16xf32, #tpu.memory_space<hbm>>
    tpu.enqueue_indirect_dma source(%dma_start3A_1200 : memref<1000000x16xf32, #tpu.memory_space<hbm>>) target(%dma_start3A_1195 : memref<128x16xf32, #tpu.memory_space<vmem>>) offsets(%dma_start3A_1197 : memref<128xi32, #tpu.memory_space<vmem>>) semaphore(%arg9 : memref<!tpu.dma_semaphore, #tpu.memory_space<semaphore_mem>>)
    %dma_start3A_1201 = arith.constant 1536 : i32
    %dma_start3A_1202 = arith.constant 0 : i32
    %dma_start3A_1203 = tpu.memref_slice %arg7[%dma_start3A_1201, %dma_start3A_1202] : memref<2048x16xf32, #tpu.memory_space<vmem>> -> memref<128x16xf32, #tpu.memory_space<vmem>>
    %dma_start3A_1204 = arith.constant 5632 : i32
    %dma_start3A_1205 = tpu.memref_slice %arg6[%dma_start3A_1204] : memref<6144xi32, #tpu.memory_space<vmem>> -> memref<128xi32, #tpu.memory_space<vmem>>
    %dma_start3A_1206 = arith.constant 0 : i32
    %dma_start3A_1207 = arith.constant 0 : i32
    %dma_start3A_1208 = tpu.memref_slice %arg3[%dma_start3A_1206, %dma_start3A_1207] : memref<1000000x16xf32, #tpu.memory_space<hbm>> -> memref<1000000x16xf32, #tpu.memory_space<hbm>>
    tpu.enqueue_indirect_dma source(%dma_start3A_1208 : memref<1000000x16xf32, #tpu.memory_space<hbm>>) target(%dma_start3A_1203 : memref<128x16xf32, #tpu.memory_space<vmem>>) offsets(%dma_start3A_1205 : memref<128xi32, #tpu.memory_space<vmem>>) semaphore(%arg9 : memref<!tpu.dma_semaphore, #tpu.memory_space<semaphore_mem>>)
    %dma_start3A_1209 = arith.constant 1664 : i32
    %dma_start3A_1210 = arith.constant 0 : i32
    %dma_start3A_1211 = tpu.memref_slice %arg7[%dma_start3A_1209, %dma_start3A_1210] : memref<2048x16xf32, #tpu.memory_space<vmem>> -> memref<128x16xf32, #tpu.memory_space<vmem>>
    %dma_start3A_1212 = arith.constant 5760 : i32
    %dma_start3A_1213 = tpu.memref_slice %arg6[%dma_start3A_1212] : memref<6144xi32, #tpu.memory_space<vmem>> -> memref<128xi32, #tpu.memory_space<vmem>>
    %dma_start3A_1214 = arith.constant 0 : i32
    %dma_start3A_1215 = arith.constant 0 : i32
    %dma_start3A_1216 = tpu.memref_slice %arg3[%dma_start3A_1214, %dma_start3A_1215] : memref<1000000x16xf32, #tpu.memory_space<hbm>> -> memref<1000000x16xf32, #tpu.memory_space<hbm>>
    tpu.enqueue_indirect_dma source(%dma_start3A_1216 : memref<1000000x16xf32, #tpu.memory_space<hbm>>) target(%dma_start3A_1211 : memref<128x16xf32, #tpu.memory_space<vmem>>) offsets(%dma_start3A_1213 : memref<128xi32, #tpu.memory_space<vmem>>) semaphore(%arg9 : memref<!tpu.dma_semaphore, #tpu.memory_space<semaphore_mem>>)
    %dma_start3A_1217 = arith.constant 1792 : i32
    %dma_start3A_1218 = arith.constant 0 : i32
    %dma_start3A_1219 = tpu.memref_slice %arg7[%dma_start3A_1217, %dma_start3A_1218] : memref<2048x16xf32, #tpu.memory_space<vmem>> -> memref<128x16xf32, #tpu.memory_space<vmem>>
    %dma_start3A_1220 = arith.constant 5888 : i32
    %dma_start3A_1221 = tpu.memref_slice %arg6[%dma_start3A_1220] : memref<6144xi32, #tpu.memory_space<vmem>> -> memref<128xi32, #tpu.memory_space<vmem>>
    %dma_start3A_1222 = arith.constant 0 : i32
    %dma_start3A_1223 = arith.constant 0 : i32
    %dma_start3A_1224 = tpu.memref_slice %arg3[%dma_start3A_1222, %dma_start3A_1223] : memref<1000000x16xf32, #tpu.memory_space<hbm>> -> memref<1000000x16xf32, #tpu.memory_space<hbm>>
    tpu.enqueue_indirect_dma source(%dma_start3A_1224 : memref<1000000x16xf32, #tpu.memory_space<hbm>>) target(%dma_start3A_1219 : memref<128x16xf32, #tpu.memory_space<vmem>>) offsets(%dma_start3A_1221 : memref<128xi32, #tpu.memory_space<vmem>>) semaphore(%arg9 : memref<!tpu.dma_semaphore, #tpu.memory_space<semaphore_mem>>)
    %dma_start3A_1225 = arith.constant 1920 : i32
    %dma_start3A_1226 = arith.constant 0 : i32
    %dma_start3A_1227 = tpu.memref_slice %arg7[%dma_start3A_1225, %dma_start3A_1226] : memref<2048x16xf32, #tpu.memory_space<vmem>> -> memref<128x16xf32, #tpu.memory_space<vmem>>
    %dma_start3A_1228 = arith.constant 6016 : i32
    %dma_start3A_1229 = tpu.memref_slice %arg6[%dma_start3A_1228] : memref<6144xi32, #tpu.memory_space<vmem>> -> memref<128xi32, #tpu.memory_space<vmem>>
    %dma_start3A_1230 = arith.constant 0 : i32
    %dma_start3A_1231 = arith.constant 0 : i32
    %dma_start3A_1232 = tpu.memref_slice %arg3[%dma_start3A_1230, %dma_start3A_1231] : memref<1000000x16xf32, #tpu.memory_space<hbm>> -> memref<1000000x16xf32, #tpu.memory_space<hbm>>
    tpu.enqueue_indirect_dma source(%dma_start3A_1232 : memref<1000000x16xf32, #tpu.memory_space<hbm>>) target(%dma_start3A_1227 : memref<128x16xf32, #tpu.memory_space<vmem>>) offsets(%dma_start3A_1229 : memref<128xi32, #tpu.memory_space<vmem>>) semaphore(%arg9 : memref<!tpu.dma_semaphore, #tpu.memory_space<semaphore_mem>>)
    %dma_wait3A_1233 = arith.constant 0 : i32
    %dma_wait3A_1234 = arith.constant 0 : i32
    %dma_wait3A_1235 = tpu.memref_slice %arg7[%dma_wait3A_1233, %dma_wait3A_1234] : memref<2048x16xf32, #tpu.memory_space<vmem>> -> memref<128x16xf32, #tpu.memory_space<vmem>>
    %dma_wait3A_1236 = arith.constant 4096 : i32
    %dma_wait3A_1237 = tpu.memref_slice %arg6[%dma_wait3A_1236] : memref<6144xi32, #tpu.memory_space<vmem>> -> memref<128xi32, #tpu.memory_space<vmem>>
    %dma_wait3A_1238 = arith.constant 0 : i32
    %dma_wait3A_1239 = arith.constant 0 : i32
    %dma_wait3A_1240 = tpu.memref_slice %arg3[%dma_wait3A_1238, %dma_wait3A_1239] : memref<1000000x16xf32, #tpu.memory_space<hbm>> -> memref<1000000x16xf32, #tpu.memory_space<hbm>>
    tpu.wait_indirect_dma semaphore(%arg9 : memref<!tpu.dma_semaphore, #tpu.memory_space<semaphore_mem>>) src(%dma_wait3A_1240 : memref<1000000x16xf32, #tpu.memory_space<hbm>>) dst(%dma_wait3A_1235 : memref<128x16xf32, #tpu.memory_space<vmem>>)
    %dma_wait3A_1241 = arith.constant 128 : i32
    %dma_wait3A_1242 = arith.constant 0 : i32
    %dma_wait3A_1243 = tpu.memref_slice %arg7[%dma_wait3A_1241, %dma_wait3A_1242] : memref<2048x16xf32, #tpu.memory_space<vmem>> -> memref<128x16xf32, #tpu.memory_space<vmem>>
    %dma_wait3A_1244 = arith.constant 4224 : i32
    %dma_wait3A_1245 = tpu.memref_slice %arg6[%dma_wait3A_1244] : memref<6144xi32, #tpu.memory_space<vmem>> -> memref<128xi32, #tpu.memory_space<vmem>>
    %dma_wait3A_1246 = arith.constant 0 : i32
    %dma_wait3A_1247 = arith.constant 0 : i32
    %dma_wait3A_1248 = tpu.memref_slice %arg3[%dma_wait3A_1246, %dma_wait3A_1247] : memref<1000000x16xf32, #tpu.memory_space<hbm>> -> memref<1000000x16xf32, #tpu.memory_space<hbm>>
    tpu.wait_indirect_dma semaphore(%arg9 : memref<!tpu.dma_semaphore, #tpu.memory_space<semaphore_mem>>) src(%dma_wait3A_1248 : memref<1000000x16xf32, #tpu.memory_space<hbm>>) dst(%dma_wait3A_1243 : memref<128x16xf32, #tpu.memory_space<vmem>>)
    %dma_wait3A_1249 = arith.constant 256 : i32
    %dma_wait3A_1250 = arith.constant 0 : i32
    %dma_wait3A_1251 = tpu.memref_slice %arg7[%dma_wait3A_1249, %dma_wait3A_1250] : memref<2048x16xf32, #tpu.memory_space<vmem>> -> memref<128x16xf32, #tpu.memory_space<vmem>>
    %dma_wait3A_1252 = arith.constant 4352 : i32
    %dma_wait3A_1253 = tpu.memref_slice %arg6[%dma_wait3A_1252] : memref<6144xi32, #tpu.memory_space<vmem>> -> memref<128xi32, #tpu.memory_space<vmem>>
    %dma_wait3A_1254 = arith.constant 0 : i32
    %dma_wait3A_1255 = arith.constant 0 : i32
    %dma_wait3A_1256 = tpu.memref_slice %arg3[%dma_wait3A_1254, %dma_wait3A_1255] : memref<1000000x16xf32, #tpu.memory_space<hbm>> -> memref<1000000x16xf32, #tpu.memory_space<hbm>>
    tpu.wait_indirect_dma semaphore(%arg9 : memref<!tpu.dma_semaphore, #tpu.memory_space<semaphore_mem>>) src(%dma_wait3A_1256 : memref<1000000x16xf32, #tpu.memory_space<hbm>>) dst(%dma_wait3A_1251 : memref<128x16xf32, #tpu.memory_space<vmem>>)
    %dma_wait3A_1257 = arith.constant 384 : i32
    %dma_wait3A_1258 = arith.constant 0 : i32
    %dma_wait3A_1259 = tpu.memref_slice %arg7[%dma_wait3A_1257, %dma_wait3A_1258] : memref<2048x16xf32, #tpu.memory_space<vmem>> -> memref<128x16xf32, #tpu.memory_space<vmem>>
    %dma_wait3A_1260 = arith.constant 4480 : i32
    %dma_wait3A_1261 = tpu.memref_slice %arg6[%dma_wait3A_1260] : memref<6144xi32, #tpu.memory_space<vmem>> -> memref<128xi32, #tpu.memory_space<vmem>>
    %dma_wait3A_1262 = arith.constant 0 : i32
    %dma_wait3A_1263 = arith.constant 0 : i32
    %dma_wait3A_1264 = tpu.memref_slice %arg3[%dma_wait3A_1262, %dma_wait3A_1263] : memref<1000000x16xf32, #tpu.memory_space<hbm>> -> memref<1000000x16xf32, #tpu.memory_space<hbm>>
    tpu.wait_indirect_dma semaphore(%arg9 : memref<!tpu.dma_semaphore, #tpu.memory_space<semaphore_mem>>) src(%dma_wait3A_1264 : memref<1000000x16xf32, #tpu.memory_space<hbm>>) dst(%dma_wait3A_1259 : memref<128x16xf32, #tpu.memory_space<vmem>>)
    %dma_wait3A_1265 = arith.constant 512 : i32
    %dma_wait3A_1266 = arith.constant 0 : i32
    %dma_wait3A_1267 = tpu.memref_slice %arg7[%dma_wait3A_1265, %dma_wait3A_1266] : memref<2048x16xf32, #tpu.memory_space<vmem>> -> memref<128x16xf32, #tpu.memory_space<vmem>>
    %dma_wait3A_1268 = arith.constant 4608 : i32
    %dma_wait3A_1269 = tpu.memref_slice %arg6[%dma_wait3A_1268] : memref<6144xi32, #tpu.memory_space<vmem>> -> memref<128xi32, #tpu.memory_space<vmem>>
    %dma_wait3A_1270 = arith.constant 0 : i32
    %dma_wait3A_1271 = arith.constant 0 : i32
    %dma_wait3A_1272 = tpu.memref_slice %arg3[%dma_wait3A_1270, %dma_wait3A_1271] : memref<1000000x16xf32, #tpu.memory_space<hbm>> -> memref<1000000x16xf32, #tpu.memory_space<hbm>>
    tpu.wait_indirect_dma semaphore(%arg9 : memref<!tpu.dma_semaphore, #tpu.memory_space<semaphore_mem>>) src(%dma_wait3A_1272 : memref<1000000x16xf32, #tpu.memory_space<hbm>>) dst(%dma_wait3A_1267 : memref<128x16xf32, #tpu.memory_space<vmem>>)
    %dma_wait3A_1273 = arith.constant 640 : i32
    %dma_wait3A_1274 = arith.constant 0 : i32
    %dma_wait3A_1275 = tpu.memref_slice %arg7[%dma_wait3A_1273, %dma_wait3A_1274] : memref<2048x16xf32, #tpu.memory_space<vmem>> -> memref<128x16xf32, #tpu.memory_space<vmem>>
    %dma_wait3A_1276 = arith.constant 4736 : i32
    %dma_wait3A_1277 = tpu.memref_slice %arg6[%dma_wait3A_1276] : memref<6144xi32, #tpu.memory_space<vmem>> -> memref<128xi32, #tpu.memory_space<vmem>>
    %dma_wait3A_1278 = arith.constant 0 : i32
    %dma_wait3A_1279 = arith.constant 0 : i32
    %dma_wait3A_1280 = tpu.memref_slice %arg3[%dma_wait3A_1278, %dma_wait3A_1279] : memref<1000000x16xf32, #tpu.memory_space<hbm>> -> memref<1000000x16xf32, #tpu.memory_space<hbm>>
    tpu.wait_indirect_dma semaphore(%arg9 : memref<!tpu.dma_semaphore, #tpu.memory_space<semaphore_mem>>) src(%dma_wait3A_1280 : memref<1000000x16xf32, #tpu.memory_space<hbm>>) dst(%dma_wait3A_1275 : memref<128x16xf32, #tpu.memory_space<vmem>>)
    %dma_wait3A_1281 = arith.constant 768 : i32
    %dma_wait3A_1282 = arith.constant 0 : i32
    %dma_wait3A_1283 = tpu.memref_slice %arg7[%dma_wait3A_1281, %dma_wait3A_1282] : memref<2048x16xf32, #tpu.memory_space<vmem>> -> memref<128x16xf32, #tpu.memory_space<vmem>>
    %dma_wait3A_1284 = arith.constant 4864 : i32
    %dma_wait3A_1285 = tpu.memref_slice %arg6[%dma_wait3A_1284] : memref<6144xi32, #tpu.memory_space<vmem>> -> memref<128xi32, #tpu.memory_space<vmem>>
    %dma_wait3A_1286 = arith.constant 0 : i32
    %dma_wait3A_1287 = arith.constant 0 : i32
    %dma_wait3A_1288 = tpu.memref_slice %arg3[%dma_wait3A_1286, %dma_wait3A_1287] : memref<1000000x16xf32, #tpu.memory_space<hbm>> -> memref<1000000x16xf32, #tpu.memory_space<hbm>>
    tpu.wait_indirect_dma semaphore(%arg9 : memref<!tpu.dma_semaphore, #tpu.memory_space<semaphore_mem>>) src(%dma_wait3A_1288 : memref<1000000x16xf32, #tpu.memory_space<hbm>>) dst(%dma_wait3A_1283 : memref<128x16xf32, #tpu.memory_space<vmem>>)
    %dma_wait3A_1289 = arith.constant 896 : i32
    %dma_wait3A_1290 = arith.constant 0 : i32
    %dma_wait3A_1291 = tpu.memref_slice %arg7[%dma_wait3A_1289, %dma_wait3A_1290] : memref<2048x16xf32, #tpu.memory_space<vmem>> -> memref<128x16xf32, #tpu.memory_space<vmem>>
    %dma_wait3A_1292 = arith.constant 4992 : i32
    %dma_wait3A_1293 = tpu.memref_slice %arg6[%dma_wait3A_1292] : memref<6144xi32, #tpu.memory_space<vmem>> -> memref<128xi32, #tpu.memory_space<vmem>>
    %dma_wait3A_1294 = arith.constant 0 : i32
    %dma_wait3A_1295 = arith.constant 0 : i32
    %dma_wait3A_1296 = tpu.memref_slice %arg3[%dma_wait3A_1294, %dma_wait3A_1295] : memref<1000000x16xf32, #tpu.memory_space<hbm>> -> memref<1000000x16xf32, #tpu.memory_space<hbm>>
    tpu.wait_indirect_dma semaphore(%arg9 : memref<!tpu.dma_semaphore, #tpu.memory_space<semaphore_mem>>) src(%dma_wait3A_1296 : memref<1000000x16xf32, #tpu.memory_space<hbm>>) dst(%dma_wait3A_1291 : memref<128x16xf32, #tpu.memory_space<vmem>>)
    %dma_wait3A_1297 = arith.constant 1024 : i32
    %dma_wait3A_1298 = arith.constant 0 : i32
    %dma_wait3A_1299 = tpu.memref_slice %arg7[%dma_wait3A_1297, %dma_wait3A_1298] : memref<2048x16xf32, #tpu.memory_space<vmem>> -> memref<128x16xf32, #tpu.memory_space<vmem>>
    %dma_wait3A_1300 = arith.constant 5120 : i32
    %dma_wait3A_1301 = tpu.memref_slice %arg6[%dma_wait3A_1300] : memref<6144xi32, #tpu.memory_space<vmem>> -> memref<128xi32, #tpu.memory_space<vmem>>
    %dma_wait3A_1302 = arith.constant 0 : i32
    %dma_wait3A_1303 = arith.constant 0 : i32
    %dma_wait3A_1304 = tpu.memref_slice %arg3[%dma_wait3A_1302, %dma_wait3A_1303] : memref<1000000x16xf32, #tpu.memory_space<hbm>> -> memref<1000000x16xf32, #tpu.memory_space<hbm>>
    tpu.wait_indirect_dma semaphore(%arg9 : memref<!tpu.dma_semaphore, #tpu.memory_space<semaphore_mem>>) src(%dma_wait3A_1304 : memref<1000000x16xf32, #tpu.memory_space<hbm>>) dst(%dma_wait3A_1299 : memref<128x16xf32, #tpu.memory_space<vmem>>)
    %dma_wait3A_1305 = arith.constant 1152 : i32
    %dma_wait3A_1306 = arith.constant 0 : i32
    %dma_wait3A_1307 = tpu.memref_slice %arg7[%dma_wait3A_1305, %dma_wait3A_1306] : memref<2048x16xf32, #tpu.memory_space<vmem>> -> memref<128x16xf32, #tpu.memory_space<vmem>>
    %dma_wait3A_1308 = arith.constant 5248 : i32
    %dma_wait3A_1309 = tpu.memref_slice %arg6[%dma_wait3A_1308] : memref<6144xi32, #tpu.memory_space<vmem>> -> memref<128xi32, #tpu.memory_space<vmem>>
    %dma_wait3A_1310 = arith.constant 0 : i32
    %dma_wait3A_1311 = arith.constant 0 : i32
    %dma_wait3A_1312 = tpu.memref_slice %arg3[%dma_wait3A_1310, %dma_wait3A_1311] : memref<1000000x16xf32, #tpu.memory_space<hbm>> -> memref<1000000x16xf32, #tpu.memory_space<hbm>>
    tpu.wait_indirect_dma semaphore(%arg9 : memref<!tpu.dma_semaphore, #tpu.memory_space<semaphore_mem>>) src(%dma_wait3A_1312 : memref<1000000x16xf32, #tpu.memory_space<hbm>>) dst(%dma_wait3A_1307 : memref<128x16xf32, #tpu.memory_space<vmem>>)
    %dma_wait3A_1313 = arith.constant 1280 : i32
    %dma_wait3A_1314 = arith.constant 0 : i32
    %dma_wait3A_1315 = tpu.memref_slice %arg7[%dma_wait3A_1313, %dma_wait3A_1314] : memref<2048x16xf32, #tpu.memory_space<vmem>> -> memref<128x16xf32, #tpu.memory_space<vmem>>
    %dma_wait3A_1316 = arith.constant 5376 : i32
    %dma_wait3A_1317 = tpu.memref_slice %arg6[%dma_wait3A_1316] : memref<6144xi32, #tpu.memory_space<vmem>> -> memref<128xi32, #tpu.memory_space<vmem>>
    %dma_wait3A_1318 = arith.constant 0 : i32
    %dma_wait3A_1319 = arith.constant 0 : i32
    %dma_wait3A_1320 = tpu.memref_slice %arg3[%dma_wait3A_1318, %dma_wait3A_1319] : memref<1000000x16xf32, #tpu.memory_space<hbm>> -> memref<1000000x16xf32, #tpu.memory_space<hbm>>
    tpu.wait_indirect_dma semaphore(%arg9 : memref<!tpu.dma_semaphore, #tpu.memory_space<semaphore_mem>>) src(%dma_wait3A_1320 : memref<1000000x16xf32, #tpu.memory_space<hbm>>) dst(%dma_wait3A_1315 : memref<128x16xf32, #tpu.memory_space<vmem>>)
    %dma_wait3A_1321 = arith.constant 1408 : i32
    %dma_wait3A_1322 = arith.constant 0 : i32
    %dma_wait3A_1323 = tpu.memref_slice %arg7[%dma_wait3A_1321, %dma_wait3A_1322] : memref<2048x16xf32, #tpu.memory_space<vmem>> -> memref<128x16xf32, #tpu.memory_space<vmem>>
    %dma_wait3A_1324 = arith.constant 5504 : i32
    %dma_wait3A_1325 = tpu.memref_slice %arg6[%dma_wait3A_1324] : memref<6144xi32, #tpu.memory_space<vmem>> -> memref<128xi32, #tpu.memory_space<vmem>>
    %dma_wait3A_1326 = arith.constant 0 : i32
    %dma_wait3A_1327 = arith.constant 0 : i32
    %dma_wait3A_1328 = tpu.memref_slice %arg3[%dma_wait3A_1326, %dma_wait3A_1327] : memref<1000000x16xf32, #tpu.memory_space<hbm>> -> memref<1000000x16xf32, #tpu.memory_space<hbm>>
    tpu.wait_indirect_dma semaphore(%arg9 : memref<!tpu.dma_semaphore, #tpu.memory_space<semaphore_mem>>) src(%dma_wait3A_1328 : memref<1000000x16xf32, #tpu.memory_space<hbm>>) dst(%dma_wait3A_1323 : memref<128x16xf32, #tpu.memory_space<vmem>>)
    %dma_wait3A_1329 = arith.constant 1536 : i32
    %dma_wait3A_1330 = arith.constant 0 : i32
    %dma_wait3A_1331 = tpu.memref_slice %arg7[%dma_wait3A_1329, %dma_wait3A_1330] : memref<2048x16xf32, #tpu.memory_space<vmem>> -> memref<128x16xf32, #tpu.memory_space<vmem>>
    %dma_wait3A_1332 = arith.constant 5632 : i32
    %dma_wait3A_1333 = tpu.memref_slice %arg6[%dma_wait3A_1332] : memref<6144xi32, #tpu.memory_space<vmem>> -> memref<128xi32, #tpu.memory_space<vmem>>
    %dma_wait3A_1334 = arith.constant 0 : i32
    %dma_wait3A_1335 = arith.constant 0 : i32
    %dma_wait3A_1336 = tpu.memref_slice %arg3[%dma_wait3A_1334, %dma_wait3A_1335] : memref<1000000x16xf32, #tpu.memory_space<hbm>> -> memref<1000000x16xf32, #tpu.memory_space<hbm>>
    tpu.wait_indirect_dma semaphore(%arg9 : memref<!tpu.dma_semaphore, #tpu.memory_space<semaphore_mem>>) src(%dma_wait3A_1336 : memref<1000000x16xf32, #tpu.memory_space<hbm>>) dst(%dma_wait3A_1331 : memref<128x16xf32, #tpu.memory_space<vmem>>)
    %dma_wait3A_1337 = arith.constant 1664 : i32
    %dma_wait3A_1338 = arith.constant 0 : i32
    %dma_wait3A_1339 = tpu.memref_slice %arg7[%dma_wait3A_1337, %dma_wait3A_1338] : memref<2048x16xf32, #tpu.memory_space<vmem>> -> memref<128x16xf32, #tpu.memory_space<vmem>>
    %dma_wait3A_1340 = arith.constant 5760 : i32
    %dma_wait3A_1341 = tpu.memref_slice %arg6[%dma_wait3A_1340] : memref<6144xi32, #tpu.memory_space<vmem>> -> memref<128xi32, #tpu.memory_space<vmem>>
    %dma_wait3A_1342 = arith.constant 0 : i32
    %dma_wait3A_1343 = arith.constant 0 : i32
    %dma_wait3A_1344 = tpu.memref_slice %arg3[%dma_wait3A_1342, %dma_wait3A_1343] : memref<1000000x16xf32, #tpu.memory_space<hbm>> -> memref<1000000x16xf32, #tpu.memory_space<hbm>>
    tpu.wait_indirect_dma semaphore(%arg9 : memref<!tpu.dma_semaphore, #tpu.memory_space<semaphore_mem>>) src(%dma_wait3A_1344 : memref<1000000x16xf32, #tpu.memory_space<hbm>>) dst(%dma_wait3A_1339 : memref<128x16xf32, #tpu.memory_space<vmem>>)
    %dma_wait3A_1345 = arith.constant 1792 : i32
    %dma_wait3A_1346 = arith.constant 0 : i32
    %dma_wait3A_1347 = tpu.memref_slice %arg7[%dma_wait3A_1345, %dma_wait3A_1346] : memref<2048x16xf32, #tpu.memory_space<vmem>> -> memref<128x16xf32, #tpu.memory_space<vmem>>
    %dma_wait3A_1348 = arith.constant 5888 : i32
    %dma_wait3A_1349 = tpu.memref_slice %arg6[%dma_wait3A_1348] : memref<6144xi32, #tpu.memory_space<vmem>> -> memref<128xi32, #tpu.memory_space<vmem>>
    %dma_wait3A_1350 = arith.constant 0 : i32
    %dma_wait3A_1351 = arith.constant 0 : i32
    %dma_wait3A_1352 = tpu.memref_slice %arg3[%dma_wait3A_1350, %dma_wait3A_1351] : memref<1000000x16xf32, #tpu.memory_space<hbm>> -> memref<1000000x16xf32, #tpu.memory_space<hbm>>
    tpu.wait_indirect_dma semaphore(%arg9 : memref<!tpu.dma_semaphore, #tpu.memory_space<semaphore_mem>>) src(%dma_wait3A_1352 : memref<1000000x16xf32, #tpu.memory_space<hbm>>) dst(%dma_wait3A_1347 : memref<128x16xf32, #tpu.memory_space<vmem>>)
    %dma_wait3A_1353 = arith.constant 1920 : i32
    %dma_wait3A_1354 = arith.constant 0 : i32
    %dma_wait3A_1355 = tpu.memref_slice %arg7[%dma_wait3A_1353, %dma_wait3A_1354] : memref<2048x16xf32, #tpu.memory_space<vmem>> -> memref<128x16xf32, #tpu.memory_space<vmem>>
    %dma_wait3A_1356 = arith.constant 6016 : i32
    %dma_wait3A_1357 = tpu.memref_slice %arg6[%dma_wait3A_1356] : memref<6144xi32, #tpu.memory_space<vmem>> -> memref<128xi32, #tpu.memory_space<vmem>>
    %dma_wait3A_1358 = arith.constant 0 : i32
    %dma_wait3A_1359 = arith.constant 0 : i32
    %dma_wait3A_1360 = tpu.memref_slice %arg3[%dma_wait3A_1358, %dma_wait3A_1359] : memref<1000000x16xf32, #tpu.memory_space<hbm>> -> memref<1000000x16xf32, #tpu.memory_space<hbm>>
    tpu.wait_indirect_dma semaphore(%arg9 : memref<!tpu.dma_semaphore, #tpu.memory_space<semaphore_mem>>) src(%dma_wait3A_1360 : memref<1000000x16xf32, #tpu.memory_space<hbm>>) dst(%dma_wait3A_1355 : memref<128x16xf32, #tpu.memory_space<vmem>>)
    %mul3A_1361 = arith.constant 2048 : i32
    %mul3A_1362 = arith.muli %add3A, %mul3A_1361 : i32
    %dma_start3A_1363 = arith.constant 2 : i32
    %dma_start3A_1364 = arith.constant 0 : i32
    %dma_start3A_1365 = tpu.memref_slice %arg4[%dma_start3A_1363, %mul3A_1362, %dma_start3A_1364] : memref<3x65536x16xf32, #tpu.memory_space<hbm>> -> memref<1x2048x16xf32, #tpu.memory_space<hbm>>
    %dma_start3A_1366 = tpu.memref_squeeze %dma_start3A_1365 : memref<1x2048x16xf32, #tpu.memory_space<hbm>> -> memref<2048x16xf32, #tpu.memory_space<hbm>>
    %dma_start3A_1367 = arith.constant 0 : i32
    %dma_start3A_1368 = tpu.memref_slice %arg4[%dma_start3A_1363, %mul3A_1362, %dma_start3A_1367] : memref<3x65536x16xf32, #tpu.memory_space<hbm>> -> memref<1x2048x16xf32, #tpu.memory_space<hbm>>
    %dma_start3A_1369 = tpu.memref_squeeze %dma_start3A_1368 : memref<1x2048x16xf32, #tpu.memory_space<hbm>> -> memref<2048x16xf32, #tpu.memory_space<hbm>>
    tpu.enqueue_dma source(%arg7 : memref<2048x16xf32, #tpu.memory_space<vmem>>) target(%dma_start3A_1369 : memref<2048x16xf32, #tpu.memory_space<hbm>>) target_semaphore(%arg10 : memref<!tpu.dma_semaphore, #tpu.memory_space<semaphore_mem>>)
    %dma_wait3A_1370 = arith.constant 2 : i32
    %dma_wait3A_1371 = arith.constant 0 : i32
    %dma_wait3A_1372 = tpu.memref_slice %arg4[%dma_wait3A_1370, %mul3A_1362, %dma_wait3A_1371] : memref<3x65536x16xf32, #tpu.memory_space<hbm>> -> memref<1x2048x16xf32, #tpu.memory_space<hbm>>
    %dma_wait3A_1373 = tpu.memref_squeeze %dma_wait3A_1372 : memref<1x2048x16xf32, #tpu.memory_space<hbm>> -> memref<2048x16xf32, #tpu.memory_space<hbm>>
    %dma_wait3A_1374 = arith.constant 0 : i32
    %dma_wait3A_1375 = tpu.memref_slice %arg4[%dma_wait3A_1370, %mul3A_1362, %dma_wait3A_1374] : memref<3x65536x16xf32, #tpu.memory_space<hbm>> -> memref<1x2048x16xf32, #tpu.memory_space<hbm>>
    %dma_wait3A_1376 = tpu.memref_squeeze %dma_wait3A_1375 : memref<1x2048x16xf32, #tpu.memory_space<hbm>> -> memref<2048x16xf32, #tpu.memory_space<hbm>>
    tpu.wait_dma2 semaphore(%arg10 : memref<!tpu.dma_semaphore, #tpu.memory_space<semaphore_mem>>) src(%arg7 : memref<2048x16xf32, #tpu.memory_space<vmem>>) dst(%dma_wait3A_1376 : memref<2048x16xf32, #tpu.memory_space<hbm>>)
    %dma_wait3A_1377 = arith.constant 1 : i32
    %dma_wait3A_1378 = arith.constant 0 : i32
    %dma_wait3A_1379 = tpu.memref_slice %arg4[%dma_wait3A_1377, %mul3A_1090, %dma_wait3A_1378] : memref<3x65536x16xf32, #tpu.memory_space<hbm>> -> memref<1x2048x16xf32, #tpu.memory_space<hbm>>
    %dma_wait3A_1380 = tpu.memref_squeeze %dma_wait3A_1379 : memref<1x2048x16xf32, #tpu.memory_space<hbm>> -> memref<2048x16xf32, #tpu.memory_space<hbm>>
    %dma_wait3A_1381 = arith.constant 0 : i32
    %dma_wait3A_1382 = tpu.memref_slice %arg4[%dma_wait3A_1377, %mul3A_1090, %dma_wait3A_1381] : memref<3x65536x16xf32, #tpu.memory_space<hbm>> -> memref<1x2048x16xf32, #tpu.memory_space<hbm>>
    %dma_wait3A_1383 = tpu.memref_squeeze %dma_wait3A_1382 : memref<1x2048x16xf32, #tpu.memory_space<hbm>> -> memref<2048x16xf32, #tpu.memory_space<hbm>>
    tpu.wait_dma2 semaphore(%arg10 : memref<!tpu.dma_semaphore, #tpu.memory_space<semaphore_mem>>) src(%arg8 : memref<2048x16xf32, #tpu.memory_space<vmem>>) dst(%dma_wait3A_1383 : memref<2048x16xf32, #tpu.memory_space<hbm>>)
    return
  }
}

module attributes {stable_mosaic.version = 14 : i64} {
  func.func @body(%arg0: i32, %arg1: memref<3x64x8x128xf32, #tpu.memory_space<vmem>>, %arg2: memref<3x128x512xf32, #tpu.memory_space<vmem>>, %arg3: memref<1x512xf32, #tpu.memory_space<vmem>>, %arg4: memref<512x256xf32, #tpu.memory_space<vmem>>, %arg5: memref<1x256xf32, #tpu.memory_space<vmem>>, %arg6: memref<256x1xf32, #tpu.memory_space<vmem>>, %arg7: memref<1x1xf32, #tpu.memory_space<vmem>>, %arg8: memref<512x1xf32, #tpu.memory_space<vmem>>) attributes {dimension_semantics = [#tpu.dimension_semantics<arbitrary>], iteration_bounds = array<i64: 16>, scalar_prefetch = 0 : i64, scratch_operands = 0 : i64, tpu.core_type = #tpu.core_type<tc>, window_params = [{transform_indices = @transform_0, window_bounds = array<i64: 3, 64, 8, 128>}, {pipeline_mode = #tpu.pipeline_mode<synchronous>, transform_indices = @transform_1, window_bounds = array<i64: 3, 128, 512>}, {pipeline_mode = #tpu.pipeline_mode<synchronous>, transform_indices = @transform_2, window_bounds = array<i64: 1, 512>}, {pipeline_mode = #tpu.pipeline_mode<synchronous>, transform_indices = @transform_3, window_bounds = array<i64: 512, 256>}, {pipeline_mode = #tpu.pipeline_mode<synchronous>, transform_indices = @transform_4, window_bounds = array<i64: 1, 256>}, {pipeline_mode = #tpu.pipeline_mode<synchronous>, transform_indices = @transform_5, window_bounds = array<i64: 256, 1>}, {pipeline_mode = #tpu.pipeline_mode<synchronous>, transform_indices = @transform_6, window_bounds = array<i64: 1, 1>}, {transform_indices = @transform_7, window_bounds = array<i64: 512, 1>}]} {
    %get3A = arith.constant 0 : index
    %get3A_0 = arith.constant 0 : index
    %get3A_1 = vector.load %arg3[%get3A, %get3A_0] : memref<1x512xf32, #tpu.memory_space<vmem>>, vector<1x512xf32>
    %get3A_2 = arith.constant 0 : index
    %get3A_3 = arith.constant 0 : index
    %get3A_4 = arith.constant 0 : index
    %get3A_5 = arith.constant 0 : index
    %get3A_6 = vector.load %arg1[%get3A_2, %get3A_3, %get3A_4, %get3A_5] : memref<3x64x8x128xf32, #tpu.memory_space<vmem>>, vector<1x64x8x128xf32>
    %get3A_7 = vector.shape_cast %get3A_6 : vector<1x64x8x128xf32> to vector<64x8x128xf32>
    %reshape3A = vector.shape_cast %get3A_7 : vector<64x8x128xf32> to vector<512x128xf32>
    %get3A_8 = arith.constant 0 : index
    %get3A_9 = arith.constant 0 : index
    %get3A_10 = arith.constant 0 : index
    %get3A_11 = vector.load %arg2[%get3A_8, %get3A_9, %get3A_10] : memref<3x128x512xf32, #tpu.memory_space<vmem>>, vector<1x128x512xf32>
    %get3A_12 = vector.shape_cast %get3A_11 : vector<1x128x512xf32> to vector<128x512xf32>
    %dot_general3A = arith.constant dense<0.000000e+00> : vector<512x512xf32>
    %dot_general3A_13 = tpu.matmul %reshape3A, %get3A_12, %dot_general3A {dimension_numbers = #tpu.dot_dimension_numbers<[1], [0], [0], [1], [0, 0, 1, 1], [], []>, transpose_lhs_hint = false} : vector<512x128xf32>, vector<128x512xf32>, vector<512x512xf32> -> vector<512x512xf32>
    %add3A = vector.broadcast %get3A_1 : vector<1x512xf32> to vector<512x512xf32>
    %add3A_14 = arith.addf %add3A, %dot_general3A_13 : vector<512x512xf32>
    %get3A_15 = arith.constant 1 : index
    %get3A_16 = arith.constant 0 : index
    %get3A_17 = arith.constant 0 : index
    %get3A_18 = arith.constant 0 : index
    %get3A_19 = vector.load %arg1[%get3A_15, %get3A_16, %get3A_17, %get3A_18] : memref<3x64x8x128xf32, #tpu.memory_space<vmem>>, vector<1x64x8x128xf32>
    %get3A_20 = vector.shape_cast %get3A_19 : vector<1x64x8x128xf32> to vector<64x8x128xf32>
    %reshape3A_21 = vector.shape_cast %get3A_20 : vector<64x8x128xf32> to vector<512x128xf32>
    %get3A_22 = arith.constant 1 : index
    %get3A_23 = arith.constant 0 : index
    %get3A_24 = arith.constant 0 : index
    %get3A_25 = vector.load %arg2[%get3A_22, %get3A_23, %get3A_24] : memref<3x128x512xf32, #tpu.memory_space<vmem>>, vector<1x128x512xf32>
    %get3A_26 = vector.shape_cast %get3A_25 : vector<1x128x512xf32> to vector<128x512xf32>
    %dot_general3A_27 = arith.constant dense<0.000000e+00> : vector<512x512xf32>
    %dot_general3A_28 = tpu.matmul %reshape3A_21, %get3A_26, %dot_general3A_27 {dimension_numbers = #tpu.dot_dimension_numbers<[1], [0], [0], [1], [0, 0, 1, 1], [], []>, transpose_lhs_hint = false} : vector<512x128xf32>, vector<128x512xf32>, vector<512x512xf32> -> vector<512x512xf32>
    %add3A_29 = arith.addf %add3A_14, %dot_general3A_28 : vector<512x512xf32>
    %get3A_30 = arith.constant 2 : index
    %get3A_31 = arith.constant 0 : index
    %get3A_32 = arith.constant 0 : index
    %get3A_33 = arith.constant 0 : index
    %get3A_34 = vector.load %arg1[%get3A_30, %get3A_31, %get3A_32, %get3A_33] : memref<3x64x8x128xf32, #tpu.memory_space<vmem>>, vector<1x64x8x128xf32>
    %get3A_35 = vector.shape_cast %get3A_34 : vector<1x64x8x128xf32> to vector<64x8x128xf32>
    %reshape3A_36 = vector.shape_cast %get3A_35 : vector<64x8x128xf32> to vector<512x128xf32>
    %get3A_37 = arith.constant 2 : index
    %get3A_38 = arith.constant 0 : index
    %get3A_39 = arith.constant 0 : index
    %get3A_40 = vector.load %arg2[%get3A_37, %get3A_38, %get3A_39] : memref<3x128x512xf32, #tpu.memory_space<vmem>>, vector<1x128x512xf32>
    %get3A_41 = vector.shape_cast %get3A_40 : vector<1x128x512xf32> to vector<128x512xf32>
    %dot_general3A_42 = arith.constant dense<0.000000e+00> : vector<512x512xf32>
    %dot_general3A_43 = tpu.matmul %reshape3A_36, %get3A_41, %dot_general3A_42 {dimension_numbers = #tpu.dot_dimension_numbers<[1], [0], [0], [1], [0, 0, 1, 1], [], []>, transpose_lhs_hint = false} : vector<512x128xf32>, vector<128x512xf32>, vector<512x512xf32> -> vector<512x512xf32>
    %add3A_44 = arith.addf %add3A_29, %dot_general3A_43 : vector<512x512xf32>
    %gt3A = arith.constant 0.000000e+00 : f32
    %gt3A_45 = vector.broadcast %gt3A : f32 to vector<512x512xf32>
    %gt3A_46 = arith.cmpf ogt, %add3A_44, %gt3A_45 : vector<512x512xf32>
    %mul3A = arith.constant 2.000000e-01 : f32
    %mul3A_47 = vector.broadcast %mul3A : f32 to vector<512x512xf32>
    %mul3A_48 = arith.mulf %mul3A_47, %add3A_44 : vector<512x512xf32>
    %select_n3A = arith.select %gt3A_46, %add3A_44, %mul3A_48 : vector<512x512xi1>, vector<512x512xf32>
    %get3A_49 = arith.constant 0 : index
    %get3A_50 = arith.constant 0 : index
    %get3A_51 = vector.load %arg4[%get3A_49, %get3A_50] : memref<512x256xf32, #tpu.memory_space<vmem>>, vector<512x256xf32>
    %dot_general3A_52 = arith.constant dense<0.000000e+00> : vector<512x256xf32>
    %dot_general3A_53 = tpu.matmul %select_n3A, %get3A_51, %dot_general3A_52 {dimension_numbers = #tpu.dot_dimension_numbers<[1], [0], [0], [1], [0, 0, 1, 1], [], []>, transpose_lhs_hint = false} : vector<512x512xf32>, vector<512x256xf32>, vector<512x256xf32> -> vector<512x256xf32>
    %get3A_54 = arith.constant 0 : index
    %get3A_55 = arith.constant 0 : index
    %get3A_56 = vector.load %arg5[%get3A_54, %get3A_55] : memref<1x256xf32, #tpu.memory_space<vmem>>, vector<1x256xf32>
    %add3A_57 = vector.broadcast %get3A_56 : vector<1x256xf32> to vector<512x256xf32>
    %add3A_58 = arith.addf %dot_general3A_53, %add3A_57 : vector<512x256xf32>
    %gt3A_59 = arith.constant 0.000000e+00 : f32
    %gt3A_60 = vector.broadcast %gt3A_59 : f32 to vector<512x256xf32>
    %gt3A_61 = arith.cmpf ogt, %add3A_58, %gt3A_60 : vector<512x256xf32>
    %mul3A_62 = arith.constant 2.000000e-01 : f32
    %mul3A_63 = vector.broadcast %mul3A_62 : f32 to vector<512x256xf32>
    %mul3A_64 = arith.mulf %mul3A_63, %add3A_58 : vector<512x256xf32>
    %select_n3A_65 = arith.select %gt3A_61, %add3A_58, %mul3A_64 : vector<512x256xi1>, vector<512x256xf32>
    %get3A_66 = arith.constant 0 : index
    %get3A_67 = arith.constant 0 : index
    %get3A_68 = vector.load %arg6[%get3A_66, %get3A_67] : memref<256x1xf32, #tpu.memory_space<vmem>>, vector<256x1xf32>
    %dot_general3A_69 = arith.constant dense<0.000000e+00> : vector<512x1xf32>
    %dot_general3A_70 = tpu.matmul %select_n3A_65, %get3A_68, %dot_general3A_69 {dimension_numbers = #tpu.dot_dimension_numbers<[1], [0], [0], [1], [0, 0, 1, 1], [], []>, transpose_lhs_hint = false} : vector<512x256xf32>, vector<256x1xf32>, vector<512x1xf32> -> vector<512x1xf32>
    %get3A_71 = arith.constant 0 : index
    %get3A_72 = arith.constant 0 : index
    %get3A_73 = vector.load %arg7[%get3A_71, %get3A_72] : memref<1x1xf32, #tpu.memory_space<vmem>>, vector<1x1xf32>
    %add3A_74 = vector.broadcast %get3A_73 : vector<1x1xf32> to vector<512x1xf32>
    %add3A_75 = arith.addf %dot_general3A_70, %add3A_74 : vector<512x1xf32>
    %swap3A = arith.constant 0 : index
    %swap3A_76 = arith.constant 0 : index
    %swap3A_77 = vector.load %arg8[%swap3A, %swap3A_76] : memref<512x1xf32, #tpu.memory_space<vmem>>, vector<512x1xf32>
    tpu.vector_store %arg8[%swap3A, %swap3A_76], %add3A_75 {strides = array<i32>} : memref<512x1xf32, #tpu.memory_space<vmem>>, vector<512x1xf32>,
    return
  }
  func.func @transform_0(%arg0: i32) -> (i32, i32, i32, i32) {
    %c0_i32 = arith.constant 0 : i32
    %c0_i32_0 = arith.constant 0 : i32
    %c0_i32_1 = arith.constant 0 : i32
    %c0_i32_2 = arith.constant 0 : i32
    return %c0_i32, %arg0, %c0_i32_0, %c0_i32_1 : i32, i32, i32, i32
  }
  func.func @transform_1(%arg0: i32) -> (i32, i32, i32) {
    %c0_i32 = arith.constant 0 : i32
    %c0_i32_0 = arith.constant 0 : i32
    %c0_i32_1 = arith.constant 0 : i32
    %c0_i32_2 = arith.constant 0 : i32
    return %c0_i32, %c0_i32_0, %c0_i32_1 : i32, i32, i32
  }
  func.func @transform_2(%arg0: i32) -> (i32, i32) {
    %c0_i32 = arith.constant 0 : i32
    %c0_i32_0 = arith.constant 0 : i32
    %c0_i32_1 = arith.constant 0 : i32
    return %c0_i32, %c0_i32_0 : i32, i32
  }
  func.func @transform_3(%arg0: i32) -> (i32, i32) {
    %c0_i32 = arith.constant 0 : i32
    %c0_i32_0 = arith.constant 0 : i32
    %c0_i32_1 = arith.constant 0 : i32
    return %c0_i32, %c0_i32_0 : i32, i32
  }
  func.func @transform_4(%arg0: i32) -> (i32, i32) {
    %c0_i32 = arith.constant 0 : i32
    %c0_i32_0 = arith.constant 0 : i32
    %c0_i32_1 = arith.constant 0 : i32
    return %c0_i32, %c0_i32_0 : i32, i32
  }
  func.func @transform_5(%arg0: i32) -> (i32, i32) {
    %c0_i32 = arith.constant 0 : i32
    %c0_i32_0 = arith.constant 0 : i32
    %c0_i32_1 = arith.constant 0 : i32
    return %c0_i32, %c0_i32_0 : i32, i32
  }
  func.func @transform_6(%arg0: i32) -> (i32, i32) {
    %c0_i32 = arith.constant 0 : i32
    %c0_i32_0 = arith.constant 0 : i32
    %c0_i32_1 = arith.constant 0 : i32
    return %c0_i32, %c0_i32_0 : i32, i32
  }
  func.func @transform_7(%arg0: i32) -> (i32, i32) {
    %c0_i32 = arith.constant 0 : i32
    %c0_i32_0 = arith.constant 0 : i32
    return %arg0, %c0_i32 : i32, i32
  }
}

</mosaic_0001>

<sc_bundles>
// kernel: kernel.6.cloned.1.call-start
scs
__scs_entry_jumppad:
0x0: {  	(pc) =	sbr.rel $0x88, $3  }
0x1: {  	(tag) =	ssettag $0x0;
	lr =	simm.s32 $0x1  }
0x2: {  	[smem:$0x3F99] =	sst lr;
	_ =	strace $0xD0000000  }
0x3: {  	_ = 	snop  }
0x4: {  	_ = 	snop  }
0x5: {  	_ = 	snop  }
0x6: {  	_ = 	snop  }
0x7: {  	_ = 	snop  }
__scs_overlays_trampoline_lowered:
0x8: {  	[smem:$0x3FA8] =	sst s0  }
0x9: {  	[smem:$0x3FA9] =	sst s1  }
0xa: {  	[smem:$0x3FAA] =	sst s2  }
0xb: {  	[smem:$0x3FAB] =	sst s3  }
0xc: {  	[smem:$0x3FAC] =	sst s4  }
0xd: {  	[smem:$0x3FAD] =	sst s5  }
0xe: {  	[smem:$0x3FAE] =	sst s6  }
0xf: {  	[smem:$0x3FAF] =	sst s7  }
0x10: {  	[smem:$0x3FB0] =	sst s8  }
0x11: {  	[smem:$0x3FB1] =	sst s9;
	s0 =	simm.s32 @!p0 $0x0  }
0x12: {  	s1 =	sld [smem:$0x3F97];
	s0 =	simm.s32 @p0 $0x1  }
0x13: {  	[smem:$0x3FB2] =	sst s0;
	s0 =	simm.s32 @!p1 $0x0  }
0x14: {  	s2 =	sld [smem:$0x3F96];
	s0 =	simm.s32 @p1 $0x1  }
0x15: {  	[smem:$0x3FB3] =	sst s0;
	s0 =	simm.s32 @!p2 $0x0  }
0x16: {  	s3 =	sld [smem:$0x3FDB];
	s0 =	simm.s32 @p2 $0x1  }
0x17: {  	s4 =	simm.s32 $0x1BF5;
	[smem:$0x3FB5] =	sst s0  }
0x18: {  	s0 =	sld [smem:$0x3F98];
	_ =	swait.ge [sflag:s4], $0x0  }
0x19: {  	s7 =	sld [smem:$0x3F99]  }
0x1a: {  	s8 =	sadd.s32 $0xFFFFE003, lr  }
0x1b: {  	s9 =	sadd.s32 $0xFFFFFEF7, lr;
	s5 =	simm.s32 $0xFFFFFFFF;
	p2 =	slt.u32 s8, $0xFFFFF086  }
0x1c: {  	p1 =	slt.u32 s9, $0xF7A;
	s5 =	simm.s32 @!p2 $0x0  }
0x1d: {  	s5 =	simm.s32 @p1 $0x1;
	p0 =	seq.s32 s7, s2  }
0x1e: {  	s7 =	smul.u32 @!p0 $0xF7A, s2;
	p2 =	seq.s32 @!p0 s5, $0x0  }
0x1f: {  	s9 =	smul.u32 $0xF7A, s1;
	s8 =	simm.s32 @!p0 $0x1BF5;
	p2 =	por !p2, p0  }
0x20: {  	[sflag:s8] =	ssyncset.s32 @!p0 $0xFFFFF086;
	s6 =	sadd.s32 @!p0 s3, s7;
	s7 =	simm.s32 @!p0 $0x108  }
0x21: {  	s3 =	sadd.s32 s3, s9;
	s6 =	sadd.s32 @!p0 $0x88, s6;
	s7 =	simm.s32 @p2 $0x1082  }
0x22: {  	[simem:s7], [sflag:s8] =	dma.local @!p0 [hbm:s6], $0xF7A  }
0x23: {  	s9 =	sor.u32 $0xD0000000, s2;
	s6 =	simm.s32 $0x108;
	_ =	swait.ge @!p0 [sflag:s8], $0x0  }
0x24: {  	s3 =	sadd.s32 $0x88, s3;
	s6 =	simm.s32 @!p1 $0x1082;
	[sflag:s4] =	ssyncset.s32 $0xFFFFF086  }
0x25: {  	[simem:s6], [sflag:s4] =	dma.local [hbm:s3], $0xF7A  }
0x26: {  	[smem:$0x3F99] =	sst s1;
	(tag) =	ssettag s2;
	_ =	strace s9  }
0x27: {  	s1 =	sld [smem:$0x3FA9]  }
0x28: {  	s2 =	sld [smem:$0x3FAA]  }
0x29: {  	s4 =	sld [smem:$0x3FAC]  }
0x2a: {  	p0 =	seq.s32 s5, $0x0;
	s5 =	sld [smem:$0x3FAD]  }
0x2b: {  	s6 =	sld [smem:$0x3FAE]  }
0x2c: {  	s7 =	sld [smem:$0x3FAF]  }
0x2d: {  	s3 =	simm.s32 $0x108;
	s8 =	sld [smem:$0x3FB0]  }
0x2e: {  	s3 =	simm.s32 @!p0 $0x1082;
	s9 =	sld [smem:$0x3FB1]  }
0x2f: {  	lr =	sadd.s32 s0, s3;
	s0 =	sld [smem:$0x3FA8]  }
0x30: {  	s3 =	sld [smem:$0x3FAB]  }
0x31: {  	[smem:$0x3FB4] =	sst s10  }
0x32: {  	s10 =	sld [smem:$0x3FB2];
	_ =	sdelay $0x3  }
0x33: {  	p0 =	seq.s32 s10, $0x1;
	s10 =	sld [smem:$0x3FB4];
	_ =	sdelay $0x3  }
0x34: {  	[smem:$0x3FB4] =	sst s10  }
0x35: {  	s10 =	sld [smem:$0x3FB3];
	_ =	sdelay $0x3  }
0x36: {  	p1 =	seq.s32 s10, $0x1;
	s10 =	sld [smem:$0x3FB4];
	_ =	sdelay $0x3  }
0x37: {  	[smem:$0x3FB4] =	sst s10  }
0x38: {  	s10 =	sld [smem:$0x3FB5]  }
0x39: {  	_ = 	snop;
	(pc) =	sbr.ind lr, $3  }
0x3a: {  	_ = 	snop  }
0x3b: {  	_ = 	snop  }
0x3c: {  	p2 =	seq.s32 s10, $0x1;
	s10 =	sld [smem:$0x3FB4]  }
0x3d: {  	_ =	shalt  }
0x3e: {  	_ =	shalt  }
0x3f: {  	_ =	shalt  }
0x40: {  	_ =	shalt  }
0x41: {  	_ =	shalt  }
0x42: {  	_ =	shalt  }
0x43: {  	_ =	shalt  }
0x44: {  	_ =	shalt  }
0x45: {  	_ =	shalt  }
0x46: {  	_ =	shalt  }
0x47: {  	_ =	shalt  }
0x48: {  	_ =	shalt  }
0x49: {  	_ =	shalt  }
0x4a: {  	_ =	shalt  }
0x4b: {  	_ =	shalt  }
0x4c: {  	_ =	shalt  }
0x4d: {  	_ =	shalt  }
0x4e: {  	_ =	shalt  }
0x4f: {  	_ =	shalt  }
0x50: {  	_ =	shalt  }
0x51: {  	_ =	shalt  }
0x52: {  	_ =	shalt  }
0x53: {  	_ =	shalt  }
0x54: {  	_ =	shalt  }
0x55: {  	_ =	shalt  }
0x56: {  	_ =	shalt  }
0x57: {  	_ =	shalt  }
0x58: {  	_ =	shalt  }
0x59: {  	_ =	shalt  }
0x5a: {  	_ =	shalt  }
0x5b: {  	_ =	shalt  }
0x5c: {  	_ =	shalt  }
0x5d: {  	_ =	shalt  }
0x5e: {  	_ =	shalt  }
0x5f: {  	_ =	shalt  }
0x60: {  	_ =	shalt  }
0x61: {  	_ =	shalt  }
0x62: {  	_ =	shalt  }
0x63: {  	_ =	shalt  }
0x64: {  	_ =	shalt  }
0x65: {  	_ =	shalt  }
0x66: {  	_ =	shalt  }
0x67: {  	_ =	shalt  }
0x68: {  	_ =	shalt  }
0x69: {  	_ =	shalt  }
0x6a: {  	_ =	shalt  }
0x6b: {  	_ =	shalt  }
0x6c: {  	_ =	shalt  }
0x6d: {  	_ =	shalt  }
0x6e: {  	_ =	shalt  }
0x6f: {  	_ =	shalt  }
0x70: {  	_ =	shalt  }
0x71: {  	_ =	shalt  }
0x72: {  	_ =	shalt  }
0x73: {  	_ =	shalt  }
0x74: {  	_ =	shalt  }
0x75: {  	_ =	shalt  }
0x76: {  	_ =	shalt  }
0x77: {  	_ =	shalt  }
0x78: {  	_ =	shalt  }
0x79: {  	_ =	shalt  }
0x7a: {  	_ =	shalt  }
0x7b: {  	_ =	shalt  }
0x7c: {  	_ =	shalt  }
0x7d: {  	_ =	shalt  }
0x7e: {  	_ =	shalt  }
0x7f: {  	_ =	shalt  }
0x80: {  	_ =	shalt  }
0x81: {  	_ =	shalt  }
0x82: {  	_ =	shalt  }
0x83: {  	_ =	shalt  }
0x84: {  	_ =	shalt  }
0x85: {  	_ =	shalt  }
0x86: {  	_ =	shalt  }
0x87: {  	_ =	shalt  }
.Lfunc_end0:
.L_simem_size_0:
called_computation.1_lowered:
.L_overlay_start_0:
0x88: {  	s2 =	sld [smem:$0x3FD9]  }
0x89: {  	s3 =	sld [smem:$0x3FFE];
	_ =	sdelay $0x1  }
0x8a: {  	s1 =	srdreg.scid  }
0x8b: {  	s0 =	sand.u32 $0x1, s1  }
0x8c: {  	s16 =	sshll.u32 s0, $0xA;
	s2 =	sadd.s32 s3, s2  }
0x8d: {  	s2 =	sadd.s32 s2, s16  }
0x8e: {  	[smem:$0x3FC0] =	sst s2  }
0x8f: {  	_ = 	snop  }
0x90: {  	(tm) =	ssettm $0x1  }
0x91: {  	s17 =	sld [smem:$0x3FFB];
	_ =	sdelay $0x3  }
0x92: {  	_ =	strace s17  }
0x93: {  	s2 =	sld [smem:$0x3FFC];
	_ =	sdelay $0x3  }
0x94: {  	_ =	strace s2  }
0x95: {  	s2 =	sld [smem:$0x3FFD];
	_ =	sdelay $0x3  }
0x96: {  	_ =	strace s2  }
0x97: {  	_ =	strace $0x8FFFFFFF  }
0x98: {  	s18 =	sld [smem:$0x3FDB];
	_ =	sdelay $0x1  }
0x99: {  	s19 =	simm.s32 $_scs_section_size  }
0x9a: {  	s4 =	simm.s32 $_size__tile_overlayer_lowered;
	s5 =	simm.s32 $_tile_overlayer_lowered  }
0x9b: {  	s22 =	simm.s32 $0x1BFF;
	s21 =	sshll.u32 s5, $0x1;
	s2 =	sadd.s32 s19, s18  }
0x9c: {  	s6 =	simm.s32 $0x0;
	s20 =	sshll.u32 s4, $0x1;
	s4 =	sadd.s32 s21, s2  }
0x9d: {  	[timem:s6], [sflag:s22] =	dma.local [hbm:s4], s20  }
0x9e: {  	_ =	swait.ge [sflag:s22], s20  }
0x9f: {  	s3 =	ssub.s32 $0x0, s20;
	[sflag:s22] =	ssyncset.done $0x0  }
0xa0: {  	[sflag:s22] =	ssyncadd.s32 s3;
	_ =	sdelay $0x1  }
0xa1: {  	s23 =	simm.s32 $0x1B8B  }
0xa2: {  	_ =	swait.ge [sflag:s23], $0x1  }
0xa3: {  	[sflag:s23] =	ssyncset.done $0x0  }
0xa4: {  	s25 =	simm.s32 $0x1B8E;
	s24 =	sld [smem:$0x3FFE];
	[sflag:s23] =	ssyncadd.s32 $0xFFFFFFFF  }
0xa5: {  	s26 =	simm.s32 $execute0_lowered;
	[smem:$0x3FD2] =	sst s25  }
0xa6: {  	s4 =	sshll.u32 s26, $0x1;
	_ =	strace $0x80000049;
	[dreg:$0x1] =	wrdreg $0xFFFFFFFF  }
0xa7: {  	s28 =	simm.s32 $_size_execute0_lowered;
	s2 =	sadd.s32 s2, s4;
	[dreg:$0x0] =	wrdreg $0x0  }
0xa8: {  	s4 =	sshll.u32 s28, $0x1;
	[dreg:$0x2] =	wrdreg s2  }
0xa9: {  	[dreg:$0x3] =	wrdreg s4  }
0xaa: {  	[dreg:$0x4] =	wrdreg $0xC0  }
0xab: {  	_ =	task [dreg:s6], $0x5FFFF  }
0xac: {  	[dreg:$0x1] =	wrdreg $0xFFFFFFFF  }
0xad: {  	[dreg:$0x0] =	wrdreg $0x60  }
0xae: {  	[dreg:$0x2] =	wrdreg s24  }
0xaf: {  	[dreg:$0x3] =	wrdreg $0x9  }
0xb0: {  	_ =	task.clear_ibuf [dreg:s6], $0x4FFFF;
	_ =	strace $0x90000049  }
0xb1: {  	s29 =	simm.s32 $0x9;
	_ =	strace $0x8000004B  }
0xb2: {  	_ =	swait.ge [sflag:s29], $0x1  }
0xb3: {  	[sflag:s29] =	ssyncadd.s32 $0xFFFFFFFF  }
0xb4: {  	_ =	strace $0x9000004B  }
0xb5: {  	_ =	sfence  }
0xb6: {  	s30 =	sld [smem:$0x0];
	_ =	sdelay $0x2  }
0xb7: {  	s31 =	sshll.u32 s1, $0xD;
	s1 =	sshrl.u32 s1, $0x2  }
0xb8: {  	s3 =	sand.u32 $0x4000, s31;
	s1 =	sadd.s32 s1, s30  }
0xb9: {  	s0 =	sor.u32 s3, s0;
	s1 =	sshll.u32 s1, $0x11  }
0xba: {  	s0 =	sor.u32 s1, s0  }
0xbb: {  	s0 =	sadd.s32 $0x8F2B, s0  }
0xbc: {  	[sflag:s0] =	ssyncadd.remote.s32 $0x1  }
0xbd: {  	_ =	sfence.sel $0xFFFF  }
0xbe: {  	[dreg:$0x0] =	wrdreg $0xFFFFFFFF;
	(pc) =	sbr.abs _section_cstart, $3  }
0xbf: {  	[dreg:$0x1] =	wrdreg $0xFFFFFFFF  }
0xc0: {  	_ =	task.clear_ibuf [dreg:s6], $0x2FFFF;
	_ =	strace $0x9FFFFFFF  }
0xc1: {  	(tm) =	ssettm $0x7FFFFFFF  }
tec
execute0_lowered:
.L_overlay_start_1:
0x0: {  	(tag) =	ssettag $0x1  }
0x1: {  	s0 =	srdreg.scid;
	s2 =	stileid.u32  }
0x2: {  	s0 =	sand.u32 $0x1, s0;
	s3 =	sshll.u32 s2, $0x1  }
0x3: {  	s3 =	sor.u32 s0, s3  }
0x4: {  	s1 =	rddreg [dreg:$0x0];
	s4 =	sshll.u32 s3, $0x5  }
0x5: {  	s2 =	simm.s32 $0x0;
	s4 =	sadd.s32 s4, s1  }
0x6: {  	[smem:$0x7FF] =	sst s2;
	s8 =	sadd.s32 $0xF44000, s4  }
0x7: {  	_ =	strace $0x8000004A;
	s9 =	sadd.s32 $0xF44800, s4;
	[dreg:$0x2] =	wrdreg s8  }
0x8: {  	s10 =	sadd.s32 $0xF45000, s4;
	[dreg:$0x3] =	wrdreg s9  }
0x9: {  	s6 =	sadd.s32 $0xF45800, s4;
	[dreg:$0x4] =	wrdreg s10  }
0xa: {  	s12 =	sadd.s32 $0xF46800, s4;
	[dreg:$0x5] =	wrdreg s6  }
0xb: {  	s13 =	sadd.s32 $0xF46000, s4;
	[dreg:$0x6] =	wrdreg s12  }
0xc: {  	s29 =	simm.s32 $0x80;
	s14 =	sadd.s32 $0xF47000, s4;
	[dreg:$0x7] =	wrdreg s13  }
0xd: {  	s31 =	simm.s32 $0x2C00;
	s15 =	sadd.s32 $0xF47800, s4;
	[dreg:$0x8] =	wrdreg s14  }
0xe: {  	s30 =	simm.s32 $0x3400;
	s16 =	sadd.s32 $0xF48000, s4;
	[dreg:$0x9] =	wrdreg s15  }
0xf: {  	s7 =	simm.s32 $0x5C00;
	s17 =	sadd.s32 $0xF48800, s4;
	[dreg:$0xa] =	wrdreg s16  }
0x10: {  	s0 =	ssub.s32 $0x2, s0;
	s18 =	sadd.s32 $0xF49000, s4;
	[dreg:$0xb] =	wrdreg s17  }
0x11: {  	v0 =	vimm.s32 $0x300;
	vm0 =	vcmask $0x300;
	s5 =	sshll.u32 s3, $0xC;
	s19 =	sadd.s32 $0xF49800, s4;
	[dreg:$0xc] =	wrdreg s18  }
0x12: {  	vm15 =	vcmask $0x704;
	v0 =	vsel vm0, $0x1000, v0;
	s3 =	sadd.s32 $0xF4E000, s1;
	s20 =	sadd.s32 $0xF4A800, s4;
	[dreg:$0xd] =	wrdreg s19  }
0x13: {  	vm4 =	vcmask $0xB08;
	v0 =	vsel vm15, $0x1100, v0;
	s11 =	sshrl.u32 s0, $0x1;
	s21 =	sadd.s32 $0xF4A000, s4;
	[dreg:$0xe] =	wrdreg s20  }
0x14: {  	vm5 =	vcmask $0xF0C;
	v0 =	vsel vm4, $0x1200, v0;
	s1 =	sadd.s32 s5, s1;
	s22 =	sadd.s32 $0xF4B000, s4;
	[dreg:$0xf] =	wrdreg s21  }
0x15: {  	vm6 =	vcmask $0x1310;
	s0 =	ssub.s32 s0, s11;
	v0 =	vsel vm5, $0x1300, v0;
	s23 =	sadd.s32 $0xF4B800, s4;
	[dreg:$0x10] =	wrdreg s22  }
0x16: {  	vm7 =	vcmask $0x1714;
	s5 =	simm.s32 $0x4C00;
	s24 =	sadd.s32 $0xF4C000, s4;
	v0 =	vsel vm6, $0x0, v0;
	[dreg:$0x11] =	wrdreg s23  }
0x17: {  	vm8 =	vcmask $0x1B18;
	s11 =	simm.s32 $0x7C00;
	s25 =	sadd.s32 $0xF4C800, s4;
	[dreg:$0x12] =	wrdreg s24;
	v0 =	vsel vm7, $0x100, v0  }
0x18: {  	vm9 =	vcmask $0x2320;
	s26 =	sadd.s32 $0xF4D000, s4;
	s28 =	smax.u32 s0, $0x1;
	[dreg:$0x13] =	wrdreg s25;
	v0 =	vsel vm8, $0x200, v0  }
0x19: {  	vm10 =	vcmask $0x2724;
	s0 =	simm.s32 $0x1;
	[dreg:$0x14] =	wrdreg s26;
	s23 =	sadd.s32 $0xF4D800, s4;
	v0 =	vsel vm9, $0x1000, v0  }
0x1a: {  	vm11 =	vcmask $0x2B28;
	s24 =	sadd.s32 $0x1C00, s1;
	s25 =	sadd.s32 $0x21C00, s1;
	s26 =	sadd.s32 $0x41C00, s1;
	v0 =	vsel vm10, $0x1100, v0  }
0x1b: {  	v1 =	vlaneseq.u32;
	vm12 =	vcmask $0x2F2C;
	s1 =	simm.s32 $0x3C00;
	s4 =	simm.s32 $0x4400;
	s6 =	simm.s32 $0x5400;
	v0 =	vsel vm11, $0x1200, v0  }
0x1c: {  	vm13 =	vcmask $0x3330;
	v2 =	vand.u32 $0x7, v1;
	s8 =	simm.s32 $0x6400;
	s9 =	simm.s32 $0x6C00;
	s10 =	simm.s32 $0x7400;
	v3 =	vsel vm12, $0x1300, v0  }
0x1d: {  	vm14 =	vcmask $0x3734;
	s12 =	simm.s32 $0x8400;
	s13 =	simm.s32 $0x8C00;
	s14 =	simm.s32 $0x9400;
	v0 =	vmul.u32 $0x100, v2;
	v2 =	vsel vm13, $0x0, v3  }
0x1e: {  	vm15 =	vcmask $0x3B38;
	s15 =	simm.s32 $0x9C00;
	s16 =	simm.s32 $0xA400;
	s17 =	simm.s32 $0xAC00;
	v3 =	vsel vm14, $0x100, v2  }
0x1f: {  	v1 =	vshrl.u32 v1, $0x3;
	s18 =	simm.s32 $0x2;
	s19 =	simm.s32 $0x2400;
	s20 =	simm.s32 $0x0;
	v2 =	vor.u32 $0x800, v0;
	v3 =	vsel vm15, $0x200, v3  }
.LBB2_1:
0x20: {  	s21 =	rddreg [dreg:$0x2]  }
0x21: {  	[tilespmem:s2], [sflag:$0x1] =	stream.linear.gather [hbm4b:s21+s2], $0x100, $0x38;
	[tilespmem:$0x12C00] =	vst v63  }
0x22: {  	s22 =	simm.s32 $0x100;
	s21 =	rddreg [dreg:$0x3]  }
0x23: {  	[tilespmem:s22], [sflag:$0x1] =	stream.linear.gather [hbm4b:s21+s2], $0x100, $0x38;
	[tilespmem:$0x12C00] =	vst v63  }
0x24: {  	s21 =	rddreg [dreg:$0x4];
	s22 =	simm.s32 $0x200  }
0x25: {  	[tilespmem:s22], [sflag:$0x1] =	stream.linear.gather [hbm4b:s21+s2], $0x100, $0x38;
	[tilespmem:$0x12C00] =	vst v63  }
0x26: {  	s21 =	rddreg [dreg:$0x5];
	s22 =	simm.s32 $0x300  }
0x27: {  	[tilespmem:s22], [sflag:$0x1] =	stream.linear.gather [hbm4b:s21+s2], $0x100, $0x38;
	[tilespmem:$0x12C00] =	vst v63  }
0x28: {  	s21 =	rddreg [dreg:$0x7];
	s22 =	simm.s32 $0x400  }
0x29: {  	[tilespmem:s22], [sflag:$0x1] =	stream.linear.gather [hbm4b:s21+s2], $0x100, $0x38;
	[tilespmem:$0x12C00] =	vst v63  }
0x2a: {  	s21 =	rddreg [dreg:$0x6];
	s22 =	simm.s32 $0x500  }
0x2b: {  	[tilespmem:s22], [sflag:$0x1] =	stream.linear.gather [hbm4b:s21+s2], $0x100, $0x38;
	[tilespmem:$0x12C00] =	vst v63  }
0x2c: {  	s21 =	rddreg [dreg:$0x8];
	s22 =	simm.s32 $0x600  }
0x2d: {  	[tilespmem:s22], [sflag:$0x1] =	stream.linear.gather [hbm4b:s21+s2], $0x100, $0x38;
	[tilespmem:$0x12C00] =	vst v63  }
0x2e: {  	s21 =	rddreg [dreg:$0x9];
	s22 =	simm.s32 $0x700  }
0x2f: {  	[tilespmem:s22], [sflag:$0x1] =	stream.linear.gather [hbm4b:s21+s2], $0x100, $0x38;
	[tilespmem:$0x12C00] =	vst v63  }
0x30: {  	s21 =	rddreg [dreg:$0xa];
	s22 =	simm.s32 $0x800  }
0x31: {  	[tilespmem:s22], [sflag:$0x1] =	stream.linear.gather [hbm4b:s21+s2], $0x100, $0x38;
	[tilespmem:$0x12C00] =	vst v63  }
0x32: {  	s21 =	rddreg [dreg:$0xb];
	s22 =	simm.s32 $0x900  }
0x33: {  	[tilespmem:s22], [sflag:$0x1] =	stream.linear.gather [hbm4b:s21+s2], $0x100, $0x38;
	[tilespmem:$0x12C00] =	vst v63  }
0x34: {  	s21 =	rddreg [dreg:$0xc];
	s22 =	simm.s32 $0xA00  }
0x35: {  	[tilespmem:s22], [sflag:$0x1] =	stream.linear.gather [hbm4b:s21+s2], $0x100, $0x38;
	[tilespmem:$0x12C00] =	vst v63  }
0x36: {  	s21 =	rddreg [dreg:$0xd];
	s22 =	simm.s32 $0xB00  }
0x37: {  	[tilespmem:s22], [sflag:$0x1] =	stream.linear.gather [hbm4b:s21+s2], $0x100, $0x38;
	[tilespmem:$0x12C00] =	vst v63  }
0x38: {  	s21 =	rddreg [dreg:$0xf];
	s22 =	simm.s32 $0xC00  }
0x39: {  	[tilespmem:s22], [sflag:$0x1] =	stream.linear.gather [hbm4b:s21+s2], $0x100, $0x38;
	[tilespmem:$0x12C00] =	vst v63  }
0x3a: {  	s21 =	rddreg [dreg:$0xe];
	s22 =	simm.s32 $0xD00  }
0x3b: {  	[tilespmem:s22], [sflag:$0x1] =	stream.linear.gather [hbm4b:s21+s2], $0x100, $0x38;
	[tilespmem:$0x12C00] =	vst v63  }
0x3c: {  	s21 =	rddreg [dreg:$0x10];
	s22 =	simm.s32 $0xE00  }
0x3d: {  	[tilespmem:s22], [sflag:$0x1] =	stream.linear.gather [hbm4b:s21+s2], $0x100, $0x38;
	[tilespmem:$0x12C00] =	vst v63  }
0x3e: {  	s21 =	rddreg [dreg:$0x11];
	s22 =	simm.s32 $0xF00  }
0x3f: {  	[tilespmem:s22], [sflag:$0x1] =	stream.linear.gather [hbm4b:s21+s2], $0x100, $0x38;
	[tilespmem:$0x12C00] =	vst v63  }
0x40: {  	s21 =	rddreg [dreg:$0x12];
	s22 =	simm.s32 $0x1000  }
0x41: {  	[tilespmem:s22], [sflag:$0x1] =	stream.linear.gather [hbm4b:s21+s2], $0x100, $0x38;
	[tilespmem:$0x12C00] =	vst v63  }
0x42: {  	s21 =	rddreg [dreg:$0x13];
	s22 =	simm.s32 $0x1100  }
0x43: {  	[tilespmem:s22], [sflag:$0x1] =	stream.linear.gather [hbm4b:s21+s2], $0x100, $0x38;
	[tilespmem:$0x12C00] =	vst v63  }
0x44: {  	s21 =	rddreg [dreg:$0x14];
	s22 =	simm.s32 $0x1200  }
0x45: {  	[tilespmem:s22], [sflag:$0x1] =	stream.linear.gather [hbm4b:s21+s2], $0x100, $0x38;
	[tilespmem:$0x12C00] =	vst v63  }
0x46: {  	s22 =	simm.s32 $0x1300  }
0x47: {  	[tilespmem:s22], [sflag:$0x1] =	stream.linear.gather [hbm4b:s23+s2], $0x100, $0x38;
	[tilespmem:$0x12C00] =	vst v63  }
0x48: {  	_ =	swait.ge [sflag:s0], $0x100  }
0x49: {  	[sflag:s0] =	ssyncset.done $0x0  }
0x4a: {  	[sflag:s0] =	ssyncadd.s32 $0xFFFFFF00  }
0x4b: {  	_ =	swait.ge [sflag:s0], $0x100  }
0x4c: {  	[sflag:s0] =	ssyncset.done $0x0  }
0x4d: {  	[sflag:s0] =	ssyncadd.s32 $0xFFFFFF00  }
0x4e: {  	_ =	swait.ge [sflag:s0], $0x100  }
0x4f: {  	[sflag:s0] =	ssyncset.done $0x0  }
0x50: {  	[sflag:s0] =	ssyncadd.s32 $0xFFFFFF00  }
0x51: {  	_ =	swait.ge [sflag:s0], $0x100  }
0x52: {  	[sflag:s0] =	ssyncset.done $0x0  }
0x53: {  	[sflag:s0] =	ssyncadd.s32 $0xFFFFFF00  }
0x54: {  	_ =	swait.ge [sflag:s0], $0x100  }
0x55: {  	[sflag:s0] =	ssyncset.done $0x0  }
0x56: {  	[sflag:s0] =	ssyncadd.s32 $0xFFFFFF00  }
0x57: {  	_ =	swait.ge [sflag:s0], $0x100  }
0x58: {  	[sflag:s0] =	ssyncset.done $0x0  }
0x59: {  	[sflag:s0] =	ssyncadd.s32 $0xFFFFFF00  }
0x5a: {  	_ =	swait.ge [sflag:s0], $0x100  }
0x5b: {  	[sflag:s0] =	ssyncset.done $0x0  }
0x5c: {  	[sflag:s0] =	ssyncadd.s32 $0xFFFFFF00  }
0x5d: {  	_ =	swait.ge [sflag:s0], $0x100  }
0x5e: {  	[sflag:s0] =	ssyncset.done $0x0  }
0x5f: {  	[sflag:s0] =	ssyncadd.s32 $0xFFFFFF00  }
0x60: {  	_ =	swait.ge [sflag:s0], $0x100  }
0x61: {  	[sflag:s0] =	ssyncset.done $0x0  }
0x62: {  	[sflag:s0] =	ssyncadd.s32 $0xFFFFFF00  }
0x63: {  	_ =	swait.ge [sflag:s0], $0x100  }
0x64: {  	[sflag:s0] =	ssyncset.done $0x0  }
0x65: {  	[sflag:s0] =	ssyncadd.s32 $0xFFFFFF00  }
0x66: {  	_ =	swait.ge [sflag:s0], $0x100  }
0x67: {  	[sflag:s0] =	ssyncset.done $0x0  }
0x68: {  	[sflag:s0] =	ssyncadd.s32 $0xFFFFFF00  }
0x69: {  	_ =	swait.ge [sflag:s0], $0x100  }
0x6a: {  	[sflag:s0] =	ssyncset.done $0x0  }
0x6b: {  	[sflag:s0] =	ssyncadd.s32 $0xFFFFFF00  }
0x6c: {  	_ =	swait.ge [sflag:s0], $0x100  }
0x6d: {  	[sflag:s0] =	ssyncset.done $0x0  }
0x6e: {  	[sflag:s0] =	ssyncadd.s32 $0xFFFFFF00  }
0x6f: {  	_ =	swait.ge [sflag:s0], $0x100  }
0x70: {  	[sflag:s0] =	ssyncset.done $0x0  }
0x71: {  	[sflag:s0] =	ssyncadd.s32 $0xFFFFFF00  }
0x72: {  	_ =	swait.ge [sflag:s0], $0x100  }
0x73: {  	[sflag:s0] =	ssyncset.done $0x0  }
0x74: {  	[sflag:s0] =	ssyncadd.s32 $0xFFFFFF00  }
0x75: {  	_ =	swait.ge [sflag:s0], $0x100  }
0x76: {  	[sflag:s0] =	ssyncset.done $0x0  }
0x77: {  	[sflag:s0] =	ssyncadd.s32 $0xFFFFFF00  }
0x78: {  	_ =	swait.ge [sflag:s0], $0x100  }
0x79: {  	[sflag:s0] =	ssyncset.done $0x0  }
0x7a: {  	[sflag:s0] =	ssyncadd.s32 $0xFFFFFF00  }
0x7b: {  	_ =	swait.ge [sflag:s0], $0x100  }
0x7c: {  	[sflag:s0] =	ssyncset.done $0x0  }
0x7d: {  	v4 =	vor.u32 s2, v1;
	[sflag:s0] =	ssyncadd.s32 $0xFFFFFF00  }
0x7e: {  	v4 =	vand.u32 $0xFF, v4;
	_ =	swait.ge [sflag:s0], $0x100  }
0x7f: {  	v5 =	vor.u32 v0, v4;
	[sflag:s0] =	ssyncset.done $0x0  }
0x80: {  	[sflag:s0] =	ssyncadd.s32 $0xFFFFFF00  }
0x81: {  	_ =	swait.ge [sflag:s0], $0x100  }
0x82: {  	[sflag:s0] =	ssyncset.done $0x0  }
0x83: {  	[sflag:s0] =	ssyncadd.s32 $0xFFFFFF00  }
0x84: {  	v5 =	vld.idx.msk [tilespmem:v5+s2+$0x0], $0xffff  }
0x85: {  	v6 =	vor.u32 v2, v4;
	_ =	sdelay $0x3  }
0x86: {  	[tilespmem:s19+$0xFFFFF000] =	vst v5  }
0x87: {  	v5 =	vld.idx.msk [tilespmem:v6+s2+$0x0], $0xffff  }
0x88: {  	v4 =	vor.u32 v3, v4;
	_ =	sdelay $0x3  }
0x89: {  	s22 =	simm.s32 $0x2;
	[tilespmem:s19+$0xFFFFF800] =	vst v5  }
0x8a: {  	s21 =	simm.s32 $0x2400;
	v5 =	vor.u32 s22, v1;
	s22 =	simm.s32 $0x4;
	v4 =	vld.idx.msk [tilespmem:v4+s2+$0x0], $0xffff  }
.LBB2_2:
0x8b: {  	p0 =	sne.s32 s22, $0xFE;
	v5 =	vand.u32 $0xFF, v5  }
0x8c: {  	v6 =	vor.u32 v0, v5;
	_ =	sdelay $0x3  }
0x8d: {  	[tilespmem:s21+$0x0] =	vst v4  }
0x8e: {  	v4 =	vld.idx.msk [tilespmem:v6+s2+$0x0], $0xffff;
	_ =	sdelay $0x1  }
0x8f: {  	v6 =	vor.u32 v2, v5;
	_ =	sdelay $0x2  }
0x90: {  	s21 =	sadd.s32 $0x10, s21  }
0x91: {  	[tilespmem:s21+$0xFFFFF000] =	vst v4  }
0x92: {  	v4 =	vld.idx.msk [tilespmem:v6+s2+$0x0], $0xffff;
	_ =	sdelay $0x1  }
0x93: {  	v6 =	vor.u32 v3, v5  }
.Ltmp0:
0x94: {  	(pc) =	sbr.rel @p0 .LBB2_2-.Ltmp0, $3  }
0x95: {  	_ =	sdelay $0x1  }
0x96: {  	[tilespmem:s21+$0xFFFFF800] =	vst v4  }
0x97: {  	v5 =	vor.u32 s22, v1;
	s22 =	sadd.s32 $0x2, s22;
	v4 =	vld.idx.msk [tilespmem:v6+s2+$0x0], $0xffff  }
0x98: {  	v5 =	vand.u32 $0xFF, v5  }
0x99: {  	v6 =	vor.u32 v0, v5;
	_ =	sdelay $0x3  }
0x9a: {  	[tilespmem:s21+$0x0] =	vst v4  }
0x9b: {  	v4 =	vld.idx.msk [tilespmem:v6+s2+$0x0], $0xffff  }
0x9c: {  	v63 =	vor.u32 v2, v5;
	_ =	sdelay $0x2  }
0x9d: {  	s22 =	sadd.s32 $0x10, s21  }
0x9e: {  	[tilespmem:s22+$0xFFFFF000] =	vst v4  }
0x9f: {  	v4 =	vld.idx.msk [tilespmem:v63+s2+$0x0], $0xffff  }
0xa0: {  	v5 =	vor.u32 v3, v5;
	_ =	sdelay $0x3  }
0xa1: {  	[tilespmem:s22+$0xFFFFF800] =	vst v4  }
0xa2: {  	v4 =	vld.idx.msk [tilespmem:v5+s2+$0x0], $0xffff;
	_ =	sdelay $0x4  }
0xa3: {  	[tilespmem:s22+$0x0] =	vst v4;
	s22 =	simm.s32 $0x1400  }
0xa4: {  	[tilespmem:s31], [sflag:$0x1] =	stream.indirect.gather [hbm4b:s3+s29], $0x10, s22, s29, $0xb8;
	[tilespmem:$0x12C00] =	vst v63  }
0xa5: {  	s22 =	simm.s32 $0x1480  }
0xa6: {  	[tilespmem:s30], [sflag:$0x1] =	stream.indirect.gather [hbm4b:s3+s29], $0x10, s22, s29, $0xb8;
	[tilespmem:$0x12C00] =	vst v63  }
0xa7: {  	s22 =	simm.s32 $0x1500  }
0xa8: {  	[tilespmem:s1], [sflag:$0x1] =	stream.indirect.gather [hbm4b:s3+s29], $0x10, s22, s29, $0xb8;
	[tilespmem:$0x12C00] =	vst v63  }
0xa9: {  	s22 =	simm.s32 $0x1580  }
0xaa: {  	[tilespmem:s4], [sflag:$0x1] =	stream.indirect.gather [hbm4b:s3+s29], $0x10, s22, s29, $0xb8;
	[tilespmem:$0x12C00] =	vst v63  }
0xab: {  	s22 =	simm.s32 $0x1600  }
0xac: {  	[tilespmem:s5], [sflag:$0x1] =	stream.indirect.gather [hbm4b:s3+s29], $0x10, s22, s29, $0xb8;
	[tilespmem:$0x12C00] =	vst v63  }
0xad: {  	s22 =	simm.s32 $0x1680  }
0xae: {  	[tilespmem:s6], [sflag:$0x1] =	stream.indirect.gather [hbm4b:s3+s29], $0x10, s22, s29, $0xb8;
	[tilespmem:$0x12C00] =	vst v63  }
0xaf: {  	s22 =	simm.s32 $0x1700  }
0xb0: {  	[tilespmem:s7], [sflag:$0x1] =	stream.indirect.gather [hbm4b:s3+s29], $0x10, s22, s29, $0xb8;
	[tilespmem:$0x12C00] =	vst v63  }
0xb1: {  	s22 =	simm.s32 $0x1780  }
0xb2: {  	[tilespmem:s8], [sflag:$0x1] =	stream.indirect.gather [hbm4b:s3+s29], $0x10, s22, s29, $0xb8;
	[tilespmem:$0x12C00] =	vst v63  }
0xb3: {  	s22 =	simm.s32 $0x1800  }
0xb4: {  	[tilespmem:s9], [sflag:$0x1] =	stream.indirect.gather [hbm4b:s3+s29], $0x10, s22, s29, $0xb8;
	[tilespmem:$0x12C00] =	vst v63  }
0xb5: {  	s22 =	simm.s32 $0x1880  }
0xb6: {  	[tilespmem:s10], [sflag:$0x1] =	stream.indirect.gather [hbm4b:s3+s29], $0x10, s22, s29, $0xb8;
	[tilespmem:$0x12C00] =	vst v63  }
0xb7: {  	s22 =	simm.s32 $0x1900  }
0xb8: {  	[tilespmem:s11], [sflag:$0x1] =	stream.indirect.gather [hbm4b:s3+s29], $0x10, s22, s29, $0xb8;
	[tilespmem:$0x12C00] =	vst v63  }
0xb9: {  	s22 =	simm.s32 $0x1980  }
0xba: {  	[tilespmem:s12], [sflag:$0x1] =	stream.indirect.gather [hbm4b:s3+s29], $0x10, s22, s29, $0xb8;
	[tilespmem:$0x12C00] =	vst v63  }
0xbb: {  	s22 =	simm.s32 $0x1A00  }
0xbc: {  	[tilespmem:s13], [sflag:$0x1] =	stream.indirect.gather [hbm4b:s3+s29], $0x10, s22, s29, $0xb8;
	[tilespmem:$0x12C00] =	vst v63  }
0xbd: {  	s22 =	simm.s32 $0x1A80  }
0xbe: {  	[tilespmem:s14], [sflag:$0x1] =	stream.indirect.gather [hbm4b:s3+s29], $0x10, s22, s29, $0xb8;
	[tilespmem:$0x12C00] =	vst v63  }
0xbf: {  	s22 =	simm.s32 $0x1B00  }
0xc0: {  	[tilespmem:s15], [sflag:$0x1] =	stream.indirect.gather [hbm4b:s3+s29], $0x10, s22, s29, $0xb8;
	[tilespmem:$0x12C00] =	vst v63  }
0xc1: {  	s22 =	simm.s32 $0x1B80  }
0xc2: {  	[tilespmem:s16], [sflag:$0x1] =	stream.indirect.gather [hbm4b:s3+s29], $0x10, s22, s29, $0xb8;
	[tilespmem:$0x12C00] =	vst v63  }
0xc3: {  	_ =	swait.ge [sflag:s0], $0x800  }
0xc4: {  	[sflag:s0] =	ssyncset.done $0x0  }
0xc5: {  	[sflag:s0] =	ssyncadd.s32 $0xFFFFF800  }
0xc6: {  	_ =	swait.ge [sflag:s0], $0x800  }
0xc7: {  	[sflag:s0] =	ssyncset.done $0x0  }
0xc8: {  	[sflag:s0] =	ssyncadd.s32 $0xFFFFF800  }
0xc9: {  	_ =	swait.ge [sflag:s0], $0x800  }
0xca: {  	[sflag:s0] =	ssyncset.done $0x0  }
0xcb: {  	[sflag:s0] =	ssyncadd.s32 $0xFFFFF800  }
0xcc: {  	_ =	swait.ge [sflag:s0], $0x800  }
0xcd: {  	[sflag:s0] =	ssyncset.done $0x0  }
0xce: {  	[sflag:s0] =	ssyncadd.s32 $0xFFFFF800  }
0xcf: {  	_ =	swait.ge [sflag:s0], $0x800  }
0xd0: {  	[sflag:s0] =	ssyncset.done $0x0  }
0xd1: {  	[sflag:s0] =	ssyncadd.s32 $0xFFFFF800  }
0xd2: {  	_ =	swait.ge [sflag:s0], $0x800  }
0xd3: {  	[sflag:s0] =	ssyncset.done $0x0  }
0xd4: {  	[sflag:s0] =	ssyncadd.s32 $0xFFFFF800  }
0xd5: {  	_ =	swait.ge [sflag:s0], $0x800  }
0xd6: {  	[sflag:s0] =	ssyncset.done $0x0  }
0xd7: {  	[sflag:s0] =	ssyncadd.s32 $0xFFFFF800  }
0xd8: {  	_ =	swait.ge [sflag:s0], $0x800  }
0xd9: {  	[sflag:s0] =	ssyncset.done $0x0  }
0xda: {  	[sflag:s0] =	ssyncadd.s32 $0xFFFFF800  }
0xdb: {  	_ =	swait.ge [sflag:s0], $0x800  }
0xdc: {  	[sflag:s0] =	ssyncset.done $0x0  }
0xdd: {  	[sflag:s0] =	ssyncadd.s32 $0xFFFFF800  }
0xde: {  	_ =	swait.ge [sflag:s0], $0x800  }
0xdf: {  	[sflag:s0] =	ssyncset.done $0x0  }
0xe0: {  	[sflag:s0] =	ssyncadd.s32 $0xFFFFF800  }
0xe1: {  	_ =	swait.ge [sflag:s0], $0x800  }
0xe2: {  	[sflag:s0] =	ssyncset.done $0x0  }
0xe3: {  	[sflag:s0] =	ssyncadd.s32 $0xFFFFF800  }
0xe4: {  	_ =	swait.ge [sflag:s0], $0x800  }
0xe5: {  	[sflag:s0] =	ssyncset.done $0x0  }
0xe6: {  	[sflag:s0] =	ssyncadd.s32 $0xFFFFF800  }
0xe7: {  	_ =	swait.ge [sflag:s0], $0x800  }
0xe8: {  	[sflag:s0] =	ssyncset.done $0x0  }
0xe9: {  	[sflag:s0] =	ssyncadd.s32 $0xFFFFF800  }
0xea: {  	_ =	swait.ge [sflag:s0], $0x800  }
0xeb: {  	[sflag:s0] =	ssyncset.done $0x0  }
0xec: {  	[sflag:s0] =	ssyncadd.s32 $0xFFFFF800  }
0xed: {  	_ =	swait.ge [sflag:s0], $0x800  }
0xee: {  	[sflag:s0] =	ssyncset.done $0x0  }
0xef: {  	[sflag:s0] =	ssyncadd.s32 $0xFFFFF800  }
0xf0: {  	_ =	swait.ge [sflag:s0], $0x800  }
0xf1: {  	[sflag:s0] =	ssyncset.done $0x0  }
0xf2: {  	[sflag:s0] =	ssyncadd.s32 $0xFFFFF800  }
0xf3: {  	[hbm4b:s24+s2] =	stream.linear.scatter [tilespmem:s31], [sflag:$0x2], $0x8000, $0x38;
	[tilespmem:$0x12C00] =	vst v63  }
0xf4: {  	s22 =	simm.s32 $0x1C00  }
0xf5: {  	[tilespmem:s17], [sflag:$0x1] =	stream.indirect.gather [hbm4b:s3+s29], $0x10, s22, s29, $0xb8;
	[tilespmem:$0x12C00] =	vst v63  }
0xf6: {  	s21 =	simm.s32 $0x1C80;
	s22 =	simm.s32 $0xB400  }
0xf7: {  	[tilespmem:s22], [sflag:$0x1] =	stream.indirect.gather [hbm4b:s3+s29], $0x10, s21, s29, $0xb8;
	[tilespmem:$0x12C00] =	vst v63  }
0xf8: {  	s21 =	simm.s32 $0x1D00;
	s22 =	simm.s32 $0xBC00  }
0xf9: {  	[tilespmem:s22], [sflag:$0x1] =	stream.indirect.gather [hbm4b:s3+s29], $0x10, s21, s29, $0xb8;
	[tilespmem:$0x12C00] =	vst v63  }
0xfa: {  	s21 =	simm.s32 $0x1D80;
	s22 =	simm.s32 $0xC400  }
0xfb: {  	[tilespmem:s22], [sflag:$0x1] =	stream.indirect.gather [hbm4b:s3+s29], $0x10, s21, s29, $0xb8;
	[tilespmem:$0x12C00] =	vst v63  }
0xfc: {  	s21 =	simm.s32 $0x1E00;
	s22 =	simm.s32 $0xCC00  }
0xfd: {  	[tilespmem:s22], [sflag:$0x1] =	stream.indirect.gather [hbm4b:s3+s29], $0x10, s21, s29, $0xb8;
	[tilespmem:$0x12C00] =	vst v63  }
0xfe: {  	s21 =	simm.s32 $0x1E80;
	s22 =	simm.s32 $0xD400  }
0xff: {  	[tilespmem:s22], [sflag:$0x1] =	stream.indirect.gather [hbm4b:s3+s29], $0x10, s21, s29, $0xb8;
	[tilespmem:$0x12C00] =	vst v63  }
0x100: {  	s21 =	simm.s32 $0x1F00;
	s22 =	simm.s32 $0xDC00  }
0x101: {  	[tilespmem:s22], [sflag:$0x1] =	stream.indirect.gather [hbm4b:s3+s29], $0x10, s21, s29, $0xb8;
	[tilespmem:$0x12C00] =	vst v63  }
0x102: {  	s21 =	simm.s32 $0x1F80;
	s22 =	simm.s32 $0xE400  }
0x103: {  	[tilespmem:s22], [sflag:$0x1] =	stream.indirect.gather [hbm4b:s3+s29], $0x10, s21, s29, $0xb8;
	[tilespmem:$0x12C00] =	vst v63  }
0x104: {  	s21 =	simm.s32 $0x2000;
	s22 =	simm.s32 $0xEC00  }
0x105: {  	[tilespmem:s22], [sflag:$0x1] =	stream.indirect.gather [hbm4b:s3+s29], $0x10, s21, s29, $0xb8;
	[tilespmem:$0x12C00] =	vst v63  }
0x106: {  	s21 =	simm.s32 $0x2080;
	s22 =	simm.s32 $0xF400  }
0x107: {  	[tilespmem:s22], [sflag:$0x1] =	stream.indirect.gather [hbm4b:s3+s29], $0x10, s21, s29, $0xb8;
	[tilespmem:$0x12C00] =	vst v63  }
0x108: {  	s21 =	simm.s32 $0x2100;
	s22 =	simm.s32 $0xFC00  }
0x109: {  	[tilespmem:s22], [sflag:$0x1] =	stream.indirect.gather [hbm4b:s3+s29], $0x10, s21, s29, $0xb8;
	[tilespmem:$0x12C00] =	vst v63  }
0x10a: {  	s21 =	simm.s32 $0x2180;
	s22 =	simm.s32 $0x10400  }
0x10b: {  	[tilespmem:s22], [sflag:$0x1] =	stream.indirect.gather [hbm4b:s3+s29], $0x10, s21, s29, $0xb8;
	[tilespmem:$0x12C00] =	vst v63  }
0x10c: {  	s21 =	simm.s32 $0x2200;
	s22 =	simm.s32 $0x10C00  }
0x10d: {  	[tilespmem:s22], [sflag:$0x1] =	stream.indirect.gather [hbm4b:s3+s29], $0x10, s21, s29, $0xb8;
	[tilespmem:$0x12C00] =	vst v63  }
0x10e: {  	s21 =	simm.s32 $0x2280;
	s22 =	simm.s32 $0x11400  }
0x10f: {  	[tilespmem:s22], [sflag:$0x1] =	stream.indirect.gather [hbm4b:s3+s29], $0x10, s21, s29, $0xb8;
	[tilespmem:$0x12C00] =	vst v63  }
0x110: {  	s21 =	simm.s32 $0x2300;
	s22 =	simm.s32 $0x11C00  }
0x111: {  	[tilespmem:s22], [sflag:$0x1] =	stream.indirect.gather [hbm4b:s3+s29], $0x10, s21, s29, $0xb8;
	[tilespmem:$0x12C00] =	vst v63  }
0x112: {  	s21 =	simm.s32 $0x2380;
	s22 =	simm.s32 $0x12400  }
0x113: {  	[tilespmem:s22], [sflag:$0x1] =	stream.indirect.gather [hbm4b:s3+s29], $0x10, s21, s29, $0xb8;
	[tilespmem:$0x12C00] =	vst v63  }
0x114: {  	_ =	swait.ge [sflag:s0], $0x800  }
0x115: {  	[sflag:s0] =	ssyncset.done $0x0  }
0x116: {  	[sflag:s0] =	ssyncadd.s32 $0xFFFFF800  }
0x117: {  	_ =	swait.ge [sflag:s0], $0x800  }
0x118: {  	[sflag:s0] =	ssyncset.done $0x0  }
0x119: {  	[sflag:s0] =	ssyncadd.s32 $0xFFFFF800  }
0x11a: {  	_ =	swait.ge [sflag:s0], $0x800  }
0x11b: {  	[sflag:s0] =	ssyncset.done $0x0  }
0x11c: {  	[sflag:s0] =	ssyncadd.s32 $0xFFFFF800  }
0x11d: {  	_ =	swait.ge [sflag:s0], $0x800  }
0x11e: {  	[sflag:s0] =	ssyncset.done $0x0  }
0x11f: {  	[sflag:s0] =	ssyncadd.s32 $0xFFFFF800  }
0x120: {  	_ =	swait.ge [sflag:s0], $0x800  }
0x121: {  	[sflag:s0] =	ssyncset.done $0x0  }
0x122: {  	[sflag:s0] =	ssyncadd.s32 $0xFFFFF800  }
0x123: {  	_ =	swait.ge [sflag:s0], $0x800  }
0x124: {  	[sflag:s0] =	ssyncset.done $0x0  }
0x125: {  	[sflag:s0] =	ssyncadd.s32 $0xFFFFF800  }
0x126: {  	_ =	swait.ge [sflag:s0], $0x800  }
0x127: {  	[sflag:s0] =	ssyncset.done $0x0  }
0x128: {  	[sflag:s0] =	ssyncadd.s32 $0xFFFFF800  }
0x129: {  	_ =	swait.ge [sflag:s0], $0x800  }
0x12a: {  	[sflag:s0] =	ssyncset.done $0x0  }
0x12b: {  	[sflag:s0] =	ssyncadd.s32 $0xFFFFF800  }
0x12c: {  	_ =	swait.ge [sflag:s0], $0x800  }
0x12d: {  	[sflag:s0] =	ssyncset.done $0x0  }
0x12e: {  	[sflag:s0] =	ssyncadd.s32 $0xFFFFF800  }
0x12f: {  	_ =	swait.ge [sflag:s0], $0x800  }
0x130: {  	[sflag:s0] =	ssyncset.done $0x0  }
0x131: {  	[sflag:s0] =	ssyncadd.s32 $0xFFFFF800  }
0x132: {  	_ =	swait.ge [sflag:s0], $0x800  }
0x133: {  	[sflag:s0] =	ssyncset.done $0x0  }
0x134: {  	[sflag:s0] =	ssyncadd.s32 $0xFFFFF800  }
0x135: {  	_ =	swait.ge [sflag:s0], $0x800  }
0x136: {  	[sflag:s0] =	ssyncset.done $0x0  }
0x137: {  	[sflag:s0] =	ssyncadd.s32 $0xFFFFF800  }
0x138: {  	_ =	swait.ge [sflag:s0], $0x800  }
0x139: {  	[sflag:s0] =	ssyncset.done $0x0  }
0x13a: {  	[sflag:s0] =	ssyncadd.s32 $0xFFFFF800  }
0x13b: {  	_ =	swait.ge [sflag:s0], $0x800  }
0x13c: {  	[sflag:s0] =	ssyncset.done $0x0  }
0x13d: {  	[sflag:s0] =	ssyncadd.s32 $0xFFFFF800  }
0x13e: {  	_ =	swait.ge [sflag:s0], $0x800  }
0x13f: {  	[sflag:s0] =	ssyncset.done $0x0  }
0x140: {  	[sflag:s0] =	ssyncadd.s32 $0xFFFFF800  }
0x141: {  	_ =	swait.ge [sflag:s0], $0x800  }
0x142: {  	[sflag:s0] =	ssyncset.done $0x0  }
0x143: {  	[sflag:s0] =	ssyncadd.s32 $0xFFFFF800  }
0x144: {  	[hbm4b:s25+s2] =	stream.linear.scatter [tilespmem:s17], [sflag:$0x2], $0x8000, $0x38;
	[tilespmem:$0x12C00] =	vst v63  }
0x145: {  	_ =	swait.ge [sflag:s18], $0x8000  }
0x146: {  	[sflag:s18] =	ssyncset.done $0x0  }
0x147: {  	[sflag:s18] =	ssyncadd.s32 $0xFFFF8000  }
0x148: {  	[tilespmem:s31], [sflag:$0x1] =	stream.indirect.gather [hbm4b:s3+s29], $0x10, s19, s29, $0xb8;
	[tilespmem:$0x12C00] =	vst v63  }
0x149: {  	s22 =	simm.s32 $0x2480  }
0x14a: {  	[tilespmem:s30], [sflag:$0x1] =	stream.indirect.gather [hbm4b:s3+s29], $0x10, s22, s29, $0xb8;
	[tilespmem:$0x12C00] =	vst v63  }
0x14b: {  	s22 =	simm.s32 $0x2500  }
0x14c: {  	[tilespmem:s1], [sflag:$0x1] =	stream.indirect.gather [hbm4b:s3+s29], $0x10, s22, s29, $0xb8;
	[tilespmem:$0x12C00] =	vst v63  }
0x14d: {  	s22 =	simm.s32 $0x2580  }
0x14e: {  	[tilespmem:s4], [sflag:$0x1] =	stream.indirect.gather [hbm4b:s3+s29], $0x10, s22, s29, $0xb8;
	[tilespmem:$0x12C00] =	vst v63  }
0x14f: {  	s22 =	simm.s32 $0x2600  }
0x150: {  	[tilespmem:s5], [sflag:$0x1] =	stream.indirect.gather [hbm4b:s3+s29], $0x10, s22, s29, $0xb8;
	[tilespmem:$0x12C00] =	vst v63  }
0x151: {  	s22 =	simm.s32 $0x2680  }
0x152: {  	[tilespmem:s6], [sflag:$0x1] =	stream.indirect.gather [hbm4b:s3+s29], $0x10, s22, s29, $0xb8;
	[tilespmem:$0x12C00] =	vst v63  }
0x153: {  	s22 =	simm.s32 $0x2700  }
0x154: {  	[tilespmem:s7], [sflag:$0x1] =	stream.indirect.gather [hbm4b:s3+s29], $0x10, s22, s29, $0xb8;
	[tilespmem:$0x12C00] =	vst v63  }
0x155: {  	s22 =	simm.s32 $0x2780  }
0x156: {  	[tilespmem:s8], [sflag:$0x1] =	stream.indirect.gather [hbm4b:s3+s29], $0x10, s22, s29, $0xb8;
	[tilespmem:$0x12C00] =	vst v63  }
0x157: {  	s22 =	simm.s32 $0x2800  }
0x158: {  	[tilespmem:s9], [sflag:$0x1] =	stream.indirect.gather [hbm4b:s3+s29], $0x10, s22, s29, $0xb8;
	[tilespmem:$0x12C00] =	vst v63  }
0x159: {  	s22 =	simm.s32 $0x2880  }
0x15a: {  	[tilespmem:s10], [sflag:$0x1] =	stream.indirect.gather [hbm4b:s3+s29], $0x10, s22, s29, $0xb8;
	[tilespmem:$0x12C00] =	vst v63  }
0x15b: {  	s22 =	simm.s32 $0x2900  }
0x15c: {  	[tilespmem:s11], [sflag:$0x1] =	stream.indirect.gather [hbm4b:s3+s29], $0x10, s22, s29, $0xb8;
	[tilespmem:$0x12C00] =	vst v63  }
0x15d: {  	s22 =	simm.s32 $0x2980  }
0x15e: {  	[tilespmem:s12], [sflag:$0x1] =	stream.indirect.gather [hbm4b:s3+s29], $0x10, s22, s29, $0xb8;
	[tilespmem:$0x12C00] =	vst v63  }
0x15f: {  	s22 =	simm.s32 $0x2A00  }
0x160: {  	[tilespmem:s13], [sflag:$0x1] =	stream.indirect.gather [hbm4b:s3+s29], $0x10, s22, s29, $0xb8;
	[tilespmem:$0x12C00] =	vst v63  }
0x161: {  	s22 =	simm.s32 $0x2A80  }
0x162: {  	[tilespmem:s14], [sflag:$0x1] =	stream.indirect.gather [hbm4b:s3+s29], $0x10, s22, s29, $0xb8;
	[tilespmem:$0x12C00] =	vst v63  }
0x163: {  	s22 =	simm.s32 $0x2B00  }
0x164: {  	[tilespmem:s15], [sflag:$0x1] =	stream.indirect.gather [hbm4b:s3+s29], $0x10, s22, s29, $0xb8;
	[tilespmem:$0x12C00] =	vst v63  }
0x165: {  	s22 =	simm.s32 $0x2B80  }
0x166: {  	[tilespmem:s16], [sflag:$0x1] =	stream.indirect.gather [hbm4b:s3+s29], $0x10, s22, s29, $0xb8;
	[tilespmem:$0x12C00] =	vst v63  }
0x167: {  	_ =	swait.ge [sflag:s0], $0x800  }
0x168: {  	[sflag:s0] =	ssyncset.done $0x0  }
0x169: {  	[sflag:s0] =	ssyncadd.s32 $0xFFFFF800  }
0x16a: {  	_ =	swait.ge [sflag:s0], $0x800  }
0x16b: {  	[sflag:s0] =	ssyncset.done $0x0  }
0x16c: {  	[sflag:s0] =	ssyncadd.s32 $0xFFFFF800  }
0x16d: {  	_ =	swait.ge [sflag:s0], $0x800  }
0x16e: {  	[sflag:s0] =	ssyncset.done $0x0  }
0x16f: {  	[sflag:s0] =	ssyncadd.s32 $0xFFFFF800  }
0x170: {  	_ =	swait.ge [sflag:s0], $0x800  }
0x171: {  	[sflag:s0] =	ssyncset.done $0x0  }
0x172: {  	[sflag:s0] =	ssyncadd.s32 $0xFFFFF800  }
0x173: {  	_ =	swait.ge [sflag:s0], $0x800  }
0x174: {  	[sflag:s0] =	ssyncset.done $0x0  }
0x175: {  	[sflag:s0] =	ssyncadd.s32 $0xFFFFF800  }
0x176: {  	_ =	swait.ge [sflag:s0], $0x800  }
0x177: {  	[sflag:s0] =	ssyncset.done $0x0  }
0x178: {  	[sflag:s0] =	ssyncadd.s32 $0xFFFFF800  }
0x179: {  	_ =	swait.ge [sflag:s0], $0x800  }
0x17a: {  	[sflag:s0] =	ssyncset.done $0x0  }
0x17b: {  	[sflag:s0] =	ssyncadd.s32 $0xFFFFF800  }
0x17c: {  	_ =	swait.ge [sflag:s0], $0x800  }
0x17d: {  	[sflag:s0] =	ssyncset.done $0x0  }
0x17e: {  	[sflag:s0] =	ssyncadd.s32 $0xFFFFF800  }
0x17f: {  	_ =	swait.ge [sflag:s0], $0x800  }
0x180: {  	[sflag:s0] =	ssyncset.done $0x0  }
0x181: {  	[sflag:s0] =	ssyncadd.s32 $0xFFFFF800  }
0x182: {  	_ =	swait.ge [sflag:s0], $0x800  }
0x183: {  	[sflag:s0] =	ssyncset.done $0x0  }
0x184: {  	[sflag:s0] =	ssyncadd.s32 $0xFFFFF800  }
0x185: {  	_ =	swait.ge [sflag:s0], $0x800  }
0x186: {  	[sflag:s0] =	ssyncset.done $0x0  }
0x187: {  	[sflag:s0] =	ssyncadd.s32 $0xFFFFF800  }
0x188: {  	_ =	swait.ge [sflag:s0], $0x800  }
0x189: {  	[sflag:s0] =	ssyncset.done $0x0  }
0x18a: {  	[sflag:s0] =	ssyncadd.s32 $0xFFFFF800  }
0x18b: {  	_ =	swait.ge [sflag:s0], $0x800  }
0x18c: {  	[sflag:s0] =	ssyncset.done $0x0  }
0x18d: {  	[sflag:s0] =	ssyncadd.s32 $0xFFFFF800  }
0x18e: {  	_ =	swait.ge [sflag:s0], $0x800  }
0x18f: {  	[sflag:s0] =	ssyncset.done $0x0  }
0x190: {  	[sflag:s0] =	ssyncadd.s32 $0xFFFFF800  }
0x191: {  	_ =	swait.ge [sflag:s0], $0x800  }
0x192: {  	[sflag:s0] =	ssyncset.done $0x0  }
0x193: {  	[sflag:s0] =	ssyncadd.s32 $0xFFFFF800  }
0x194: {  	_ =	swait.ge [sflag:s0], $0x800  }
0x195: {  	[sflag:s0] =	ssyncset.done $0x0  }
0x196: {  	s20 =	sadd.s32 $0x1, s20;
	[sflag:s0] =	ssyncadd.s32 $0xFFFFF800  }
0x197: {  	[hbm4b:s26+s2] =	stream.linear.scatter [tilespmem:s31], [sflag:$0x2], $0x8000, $0x38;
	[tilespmem:$0x12C00] =	vst v63  }
0x198: {  	p0 =	sne.s32 s20, s28;
	_ =	swait.ge [sflag:s18], $0x8000  }
.Ltmp1:
0x199: {  	[sflag:s18] =	ssyncset.done $0x0;
	(pc) =	sbr.rel @p0 .LBB2_1-.Ltmp1, $4  }
0x19a: {  	[sflag:s18] =	ssyncadd.s32 $0xFFFF8000  }
0x19b: {  	_ =	swait.ge [sflag:s18], $0x8000  }
0x19c: {  	[sflag:s18] =	ssyncset.done $0x0  }
0x19d: {  	[sflag:s18] =	ssyncadd.s32 $0xFFFF8000  }
0x19e: {  	_ =	sfence.sel $0x180000  }
0x19f: {  	[bflag:$0x0] =	sbarrier.arrive $0xFFFF  }
0x1a0: {  	_ =	strace $0x9000004A  }
0x1a1: {  	s0 =	stileid.u32;
	[bflag:$0x2] =	sbarrier.arrive $0xFFFF  }
0x1a2: {  	p0 =	sne.s32 s0, $0x0;
	s0 =	rddreg [dreg:$0x1]  }
0x1a3: {  	s0 =	sadd.s32 @!p0 $0x100000, s0  }
0x1a4: {  	[sflag:s0] =	ssyncadd.tile.s32 @!p0 $0x1;
	_ =	shalt  }
.Lfunc_end2:
_tile_overlayer_lowered:
.L_overlay_start_2:
0x1a5: {  	(tag) =	ssettag $0x2  }
0x1a6: {  	s0 =	rddreg [dreg:$0x0];
	s2 =	stileid.u32  }
0x1a7: {  	s1 =	rddreg [dreg:$0x1];
	p0 =	sne.s32 s2, $0x0  }
0x1a8: {  	s3 =	rddreg [dreg:$0x2];
	[bflag:$0x3] =	sbarrier.arrive $0xFFFF;
	s2 =	simm.s32 @!p0 $0x1C03  }
0x1a9: {  	[timem:s3], [sflag:s2] =	dma.local @!p0 [hbm:s0], s1  }
0x1aa: {  	s0 =	simm.s32 @!p0 $0x3  }
0x1ab: {  	_ =	swait.ge @!p0 [sflag:s0], s1  }
0x1ac: {  	s1 =	ssub.s32 @!p0 $0x0, s1;
	[sflag:s0] =	ssyncset.done @!p0 $0x0  }
0x1ad: {  	[sflag:s0] =	ssyncadd.s32 @!p0 s1  }
0x1ae: {  	[bflag:$0x3] =	sbarrier.arrive $0xFFFF  }
0x1af: {  	_ =	shalt  }

// kernel: kernel.9.cloned.1.call-start
scs
__scs_entry_jumppad:
0x0: {  	(pc) =	sbr.rel $0x88, $3  }
0x1: {  	(tag) =	ssettag $0x0;
	lr =	simm.s32 $0x1  }
0x2: {  	[smem:$0x3F99] =	sst lr;
	_ =	strace $0xD0000000  }
0x3: {  	_ = 	snop  }
0x4: {  	_ = 	snop  }
0x5: {  	_ = 	snop  }
0x6: {  	_ = 	snop  }
0x7: {  	_ = 	snop  }
__scs_overlays_trampoline_lowered:
0x8: {  	[smem:$0x3FA8] =	sst s0  }
0x9: {  	[smem:$0x3FA9] =	sst s1  }
0xa: {  	[smem:$0x3FAA] =	sst s2  }
0xb: {  	[smem:$0x3FAB] =	sst s3  }
0xc: {  	[smem:$0x3FAC] =	sst s4  }
0xd: {  	[smem:$0x3FAD] =	sst s5  }
0xe: {  	[smem:$0x3FAE] =	sst s6  }
0xf: {  	[smem:$0x3FAF] =	sst s7  }
0x10: {  	[smem:$0x3FB0] =	sst s8  }
0x11: {  	[smem:$0x3FB1] =	sst s9;
	s0 =	simm.s32 @!p0 $0x0  }
0x12: {  	s1 =	sld [smem:$0x3F97];
	s0 =	simm.s32 @p0 $0x1  }
0x13: {  	[smem:$0x3FB2] =	sst s0;
	s0 =	simm.s32 @!p1 $0x0  }
0x14: {  	s2 =	sld [smem:$0x3F96];
	s0 =	simm.s32 @p1 $0x1  }
0x15: {  	[smem:$0x3FB3] =	sst s0;
	s0 =	simm.s32 @!p2 $0x0  }
0x16: {  	s3 =	sld [smem:$0x3FDB];
	s0 =	simm.s32 @p2 $0x1  }
0x17: {  	s4 =	simm.s32 $0x1BF5;
	[smem:$0x3FB5] =	sst s0  }
0x18: {  	s0 =	sld [smem:$0x3F98];
	_ =	swait.ge [sflag:s4], $0x0  }
0x19: {  	s7 =	sld [smem:$0x3F99]  }
0x1a: {  	s8 =	sadd.s32 $0xFFFFE003, lr  }
0x1b: {  	s9 =	sadd.s32 $0xFFFFFEF7, lr;
	s5 =	simm.s32 $0xFFFFFFFF;
	p2 =	slt.u32 s8, $0xFFFFF086  }
0x1c: {  	p1 =	slt.u32 s9, $0xF7A;
	s5 =	simm.s32 @!p2 $0x0  }
0x1d: {  	s5 =	simm.s32 @p1 $0x1;
	p0 =	seq.s32 s7, s2  }
0x1e: {  	s7 =	smul.u32 @!p0 $0xF7A, s2;
	p2 =	seq.s32 @!p0 s5, $0x0  }
0x1f: {  	s9 =	smul.u32 $0xF7A, s1;
	s8 =	simm.s32 @!p0 $0x1BF5;
	p2 =	por !p2, p0  }
0x20: {  	[sflag:s8] =	ssyncset.s32 @!p0 $0xFFFFF086;
	s6 =	sadd.s32 @!p0 s3, s7;
	s7 =	simm.s32 @!p0 $0x108  }
0x21: {  	s3 =	sadd.s32 s3, s9;
	s6 =	sadd.s32 @!p0 $0x88, s6;
	s7 =	simm.s32 @p2 $0x1082  }
0x22: {  	[simem:s7], [sflag:s8] =	dma.local @!p0 [hbm:s6], $0xF7A  }
0x23: {  	s9 =	sor.u32 $0xD0000000, s2;
	s6 =	simm.s32 $0x108;
	_ =	swait.ge @!p0 [sflag:s8], $0x0  }
0x24: {  	s3 =	sadd.s32 $0x88, s3;
	s6 =	simm.s32 @!p1 $0x1082;
	[sflag:s4] =	ssyncset.s32 $0xFFFFF086  }
0x25: {  	[simem:s6], [sflag:s4] =	dma.local [hbm:s3], $0xF7A  }
0x26: {  	[smem:$0x3F99] =	sst s1;
	(tag) =	ssettag s2;
	_ =	strace s9  }
0x27: {  	s1 =	sld [smem:$0x3FA9]  }
0x28: {  	s2 =	sld [smem:$0x3FAA]  }
0x29: {  	s4 =	sld [smem:$0x3FAC]  }
0x2a: {  	p0 =	seq.s32 s5, $0x0;
	s5 =	sld [smem:$0x3FAD]  }
0x2b: {  	s6 =	sld [smem:$0x3FAE]  }
0x2c: {  	s7 =	sld [smem:$0x3FAF]  }
0x2d: {  	s3 =	simm.s32 $0x108;
	s8 =	sld [smem:$0x3FB0]  }
0x2e: {  	s3 =	simm.s32 @!p0 $0x1082;
	s9 =	sld [smem:$0x3FB1]  }
0x2f: {  	lr =	sadd.s32 s0, s3;
	s0 =	sld [smem:$0x3FA8]  }
0x30: {  	s3 =	sld [smem:$0x3FAB]  }
0x31: {  	[smem:$0x3FB4] =	sst s10  }
0x32: {  	s10 =	sld [smem:$0x3FB2];
	_ =	sdelay $0x3  }
0x33: {  	p0 =	seq.s32 s10, $0x1;
	s10 =	sld [smem:$0x3FB4];
	_ =	sdelay $0x3  }
0x34: {  	[smem:$0x3FB4] =	sst s10  }
0x35: {  	s10 =	sld [smem:$0x3FB3];
	_ =	sdelay $0x3  }
0x36: {  	p1 =	seq.s32 s10, $0x1;
	s10 =	sld [smem:$0x3FB4];
	_ =	sdelay $0x3  }
0x37: {  	[smem:$0x3FB4] =	sst s10  }
0x38: {  	s10 =	sld [smem:$0x3FB5]  }
0x39: {  	_ = 	snop;
	(pc) =	sbr.ind lr, $3  }
0x3a: {  	_ = 	snop  }
0x3b: {  	_ = 	snop  }
0x3c: {  	p2 =	seq.s32 s10, $0x1;
	s10 =	sld [smem:$0x3FB4]  }
0x3d: {  	_ =	shalt  }
0x3e: {  	_ =	shalt  }
0x3f: {  	_ =	shalt  }
0x40: {  	_ =	shalt  }
0x41: {  	_ =	shalt  }
0x42: {  	_ =	shalt  }
0x43: {  	_ =	shalt  }
0x44: {  	_ =	shalt  }
0x45: {  	_ =	shalt  }
0x46: {  	_ =	shalt  }
0x47: {  	_ =	shalt  }
0x48: {  	_ =	shalt  }
0x49: {  	_ =	shalt  }
0x4a: {  	_ =	shalt  }
0x4b: {  	_ =	shalt  }
0x4c: {  	_ =	shalt  }
0x4d: {  	_ =	shalt  }
0x4e: {  	_ =	shalt  }
0x4f: {  	_ =	shalt  }
0x50: {  	_ =	shalt  }
0x51: {  	_ =	shalt  }
0x52: {  	_ =	shalt  }
0x53: {  	_ =	shalt  }
0x54: {  	_ =	shalt  }
0x55: {  	_ =	shalt  }
0x56: {  	_ =	shalt  }
0x57: {  	_ =	shalt  }
0x58: {  	_ =	shalt  }
0x59: {  	_ =	shalt  }
0x5a: {  	_ =	shalt  }
0x5b: {  	_ =	shalt  }
0x5c: {  	_ =	shalt  }
0x5d: {  	_ =	shalt  }
0x5e: {  	_ =	shalt  }
0x5f: {  	_ =	shalt  }
0x60: {  	_ =	shalt  }
0x61: {  	_ =	shalt  }
0x62: {  	_ =	shalt  }
0x63: {  	_ =	shalt  }
0x64: {  	_ =	shalt  }
0x65: {  	_ =	shalt  }
0x66: {  	_ =	shalt  }
0x67: {  	_ =	shalt  }
0x68: {  	_ =	shalt  }
0x69: {  	_ =	shalt  }
0x6a: {  	_ =	shalt  }
0x6b: {  	_ =	shalt  }
0x6c: {  	_ =	shalt  }
0x6d: {  	_ =	shalt  }
0x6e: {  	_ =	shalt  }
0x6f: {  	_ =	shalt  }
0x70: {  	_ =	shalt  }
0x71: {  	_ =	shalt  }
0x72: {  	_ =	shalt  }
0x73: {  	_ =	shalt  }
0x74: {  	_ =	shalt  }
0x75: {  	_ =	shalt  }
0x76: {  	_ =	shalt  }
0x77: {  	_ =	shalt  }
0x78: {  	_ =	shalt  }
0x79: {  	_ =	shalt  }
0x7a: {  	_ =	shalt  }
0x7b: {  	_ =	shalt  }
0x7c: {  	_ =	shalt  }
0x7d: {  	_ =	shalt  }
0x7e: {  	_ =	shalt  }
0x7f: {  	_ =	shalt  }
0x80: {  	_ =	shalt  }
0x81: {  	_ =	shalt  }
0x82: {  	_ =	shalt  }
0x83: {  	_ =	shalt  }
0x84: {  	_ =	shalt  }
0x85: {  	_ =	shalt  }
0x86: {  	_ =	shalt  }
0x87: {  	_ =	shalt  }
.Lfunc_end0:
.L_simem_size_0:
called_computation.2_lowered:
.L_overlay_start_0:
0x88: {  	s2 =	sld [smem:$0x3FD9]  }
0x89: {  	s3 =	sld [smem:$0x3FFE];
	_ =	sdelay $0x1  }
0x8a: {  	s1 =	srdreg.scid  }
0x8b: {  	s0 =	sand.u32 $0x1, s1  }
0x8c: {  	s17 =	sshll.u32 s0, $0xA;
	s2 =	sadd.s32 s3, s2  }
0x8d: {  	s2 =	sadd.s32 s2, s17  }
0x8e: {  	[smem:$0x3FC0] =	sst s2  }
0x8f: {  	_ = 	snop  }
0x90: {  	(tm) =	ssettm $0x1  }
0x91: {  	s18 =	sld [smem:$0x3FFB];
	_ =	sdelay $0x3  }
0x92: {  	_ =	strace s18  }
0x93: {  	s2 =	sld [smem:$0x3FFC];
	_ =	sdelay $0x3  }
0x94: {  	_ =	strace s2  }
0x95: {  	s2 =	sld [smem:$0x3FFD];
	_ =	sdelay $0x3  }
0x96: {  	_ =	strace s2  }
0x97: {  	_ =	strace $0x8FFFFFFF  }
0x98: {  	s19 =	sld [smem:$0x3FDB];
	_ =	sdelay $0x1  }
0x99: {  	s20 =	simm.s32 $_scs_section_size  }
0x9a: {  	s4 =	simm.s32 $_size__tile_overlayer_lowered;
	s5 =	simm.s32 $_tile_overlayer_lowered  }
0x9b: {  	s6 =	simm.s32 $0x1BFF;
	s21 =	sshll.u32 s5, $0x1;
	s3 =	sadd.s32 s20, s19  }
0x9c: {  	s22 =	simm.s32 $0x0;
	s4 =	sshll.u32 s4, $0x1;
	s5 =	sadd.s32 s21, s3  }
0x9d: {  	[timem:s22], [sflag:s6] =	dma.local [hbm:s5], s4  }
0x9e: {  	_ =	swait.ge [sflag:s6], s4  }
0x9f: {  	s4 =	ssub.s32 $0x0, s4;
	[sflag:s6] =	ssyncset.done $0x0  }
0xa0: {  	[sflag:s6] =	ssyncadd.s32 s4;
	_ =	sdelay $0x1  }
0xa1: {  	s23 =	simm.s32 $0x1B8B  }
0xa2: {  	_ =	swait.ge [sflag:s23], $0x1  }
0xa3: {  	[sflag:s23] =	ssyncset.done $0x0  }
0xa4: {  	[sflag:s23] =	ssyncadd.s32 $0xFFFFFFFF  }
0xa5: {  	s4 =	sld [smem:$0x0]  }
0xa6: {  	s5 =	sand.u32 $0xFFFFFFFE, s1  }
0xa7: {  	p0 =	sne.s32 s1, s5  }
0xa8: {  	s5 =	sshll.u32 @p0 s5, $0xE  }
0xa9: {  	s5 =	sadd.s32 @p0 $0x11B8D, s5;
	s6 =	sshll.u32 @p0 s4, $0x11  }
0xaa: {  	s5 =	sor.u32 @p0 s6, s5  }
0xab: {  	[sflag:s5] =	ssyncadd.remote.s32 @p0 $0x1;
	_ =	sdelay $0x1  }
0xac: {  	s5 =	simm.s32 @p0 $0x1B8D  }
0xad: {  	_ =	swait.eq @p0 [sflag:s5], $0x1  }
0xae: {  	[sflag:s5] =	ssyncadd.s32 @p0 $0xFFFFFFFF  }
0xaf: {  	s6 =	sshll.u32 @!p0 s1, $0xE  }
0xb0: {  	s6 =	sor.u32 @!p0 $0x4000, s6;
	s5 =	simm.s32 @!p0 $0x1B8D  }
0xb1: {  	s4 =	sshll.u32 @!p0 s4, $0x11;
	s6 =	sadd.s32 @!p0 $0x11B8D, s6;
	_ =	swait.eq @!p0 [sflag:s5], $0x1  }
0xb2: {  	s4 =	sor.u32 @!p0 s4, s6;
	[sflag:s5] =	ssyncadd.s32 @!p0 $0xFFFFFFFF  }
0xb3: {  	s25 =	simm.s32 $0x1B8E;
	s24 =	sld [smem:$0x3FFE];
	[sflag:s4] =	ssyncadd.remote.s32 @!p0 $0x1  }
0xb4: {  	s26 =	simm.s32 $execute0_lowered;
	[smem:$0x3FD2] =	sst s25  }
0xb5: {  	s5 =	sshll.u32 s26, $0x1;
	_ =	strace $0x8000004C;
	[dreg:$0x1] =	wrdreg $0xFFFFFFFF  }
0xb6: {  	s28 =	simm.s32 $_size_execute0_lowered;
	s3 =	sadd.s32 s3, s5;
	[dreg:$0x0] =	wrdreg $0x0  }
0xb7: {  	s5 =	sshll.u32 s28, $0x1;
	[dreg:$0x2] =	wrdreg s3  }
0xb8: {  	[dreg:$0x3] =	wrdreg s5  }
0xb9: {  	[dreg:$0x4] =	wrdreg $0xC0  }
0xba: {  	_ =	task [dreg:s22], $0x5FFFF  }
0xbb: {  	[dreg:$0x1] =	wrdreg $0xFFFFFFFF  }
0xbc: {  	[dreg:$0x0] =	wrdreg $0x60  }
0xbd: {  	[dreg:$0x2] =	wrdreg s24  }
0xbe: {  	[dreg:$0x3] =	wrdreg $0xA  }
0xbf: {  	_ =	task.clear_ibuf [dreg:s22], $0x4FFFF;
	_ =	strace $0x9000004C  }
0xc0: {  	s29 =	simm.s32 $0xA;
	_ =	strace $0x8000004E  }
0xc1: {  	_ =	swait.ge [sflag:s29], $0x1  }
0xc2: {  	[sflag:s29] =	ssyncadd.s32 $0xFFFFFFFF  }
0xc3: {  	_ =	strace $0x9000004E  }
0xc4: {  	_ =	sfence  }
0xc5: {  	s30 =	sld [smem:$0x0];
	_ =	sdelay $0x2  }
0xc6: {  	s31 =	sshll.u32 s1, $0xD;
	s1 =	sshrl.u32 s1, $0x2  }
0xc7: {  	s4 =	sand.u32 $0x4000, s31;
	s1 =	sadd.s32 s1, s30  }
0xc8: {  	s0 =	sor.u32 s4, s0;
	s1 =	sshll.u32 s1, $0x11  }
0xc9: {  	s0 =	sor.u32 s1, s0  }
0xca: {  	s0 =	sadd.s32 $0x8F2B, s0  }
0xcb: {  	[sflag:s0] =	ssyncadd.remote.s32 $0x1  }
0xcc: {  	_ =	sfence.sel $0xFFFF  }
0xcd: {  	[dreg:$0x0] =	wrdreg $0xFFFFFFFF;
	(pc) =	sbr.abs _section_cstart, $3  }
0xce: {  	[dreg:$0x1] =	wrdreg $0xFFFFFFFF  }
0xcf: {  	_ =	task.clear_ibuf [dreg:s22], $0x2FFFF;
	_ =	strace $0x9FFFFFFF  }
0xd0: {  	(tm) =	ssettm $0x7FFFFFFF  }
0xd1: {  	_ =	shalt  }
tec
execute0_lowered:
.L_overlay_start_1:
0x0: {  	(tag) =	ssettag $0x1  }
0x1: {  	s0 =	srdreg.scid;
	s2 =	stileid.u32  }
0x2: {  	s0 =	sand.u32 $0x1, s0;
	s3 =	sshll.u32 s2, $0x1  }
0x3: {  	s4 =	sor.u32 s0, s3  }
0x4: {  	s1 =	rddreg [dreg:$0x0];
	s3 =	sshll.u32 s4, $0x5  }
0x5: {  	s2 =	simm.s32 $0x0;
	s5 =	sadd.s32 s3, s1  }
0x6: {  	[smem:$0x7FF] =	sst s2;
	s6 =	sadd.s32 $0xF44400, s5  }
0x7: {  	_ =	strace $0x8000004D;
	s8 =	sadd.s32 $0xF44C00, s5;
	[dreg:$0x2] =	wrdreg s6  }
0x8: {  	s9 =	sadd.s32 $0xF45400, s5;
	[dreg:$0x3] =	wrdreg s8  }
0x9: {  	s10 =	sadd.s32 $0xF45C00, s5;
	[dreg:$0x4] =	wrdreg s9  }
0xa: {  	s11 =	sadd.s32 $0xF46400, s5;
	[dreg:$0x5] =	wrdreg s10  }
0xb: {  	s12 =	sadd.s32 $0xF46C00, s5;
	[dreg:$0x6] =	wrdreg s11  }
0xc: {  	s29 =	simm.s32 $0x80;
	s13 =	sadd.s32 $0xF47400, s5;
	[dreg:$0x7] =	wrdreg s12  }
0xd: {  	s31 =	simm.s32 $0x2C00;
	s14 =	sadd.s32 $0xF47C00, s5;
	[dreg:$0x8] =	wrdreg s13  }
0xe: {  	s30 =	simm.s32 $0x3400;
	s15 =	sadd.s32 $0xF48400, s5;
	[dreg:$0x9] =	wrdreg s14  }
0xf: {  	s7 =	simm.s32 $0x5C00;
	s16 =	sadd.s32 $0xF48C00, s5;
	[dreg:$0xa] =	wrdreg s15  }
0x10: {  	s0 =	ssub.s32 $0x2, s0;
	s17 =	sadd.s32 $0xF49400, s5;
	[dreg:$0xb] =	wrdreg s16  }
0x11: {  	v0 =	vimm.s32 $0x300;
	vm0 =	vcmask $0x300;
	s4 =	sshll.u32 s4, $0xC;
	s18 =	sadd.s32 $0xF49C00, s5;
	[dreg:$0xc] =	wrdreg s17  }
0x12: {  	vm15 =	vcmask $0x704;
	v0 =	vsel vm0, $0x1000, v0;
	s22 =	sshrl.u32 s0, $0x1;
	s19 =	sadd.s32 $0xF4A400, s5;
	[dreg:$0xd] =	wrdreg s18  }
0x13: {  	vm4 =	vcmask $0xB08;
	v0 =	vsel vm15, $0x1100, v0;
	s3 =	sadd.s32 $0xF4E000, s1;
	s20 =	sadd.s32 $0xF4AC00, s5;
	[dreg:$0xe] =	wrdreg s19  }
0x14: {  	vm5 =	vcmask $0xF0C;
	v0 =	vsel vm4, $0x1200, v0;
	s1 =	sadd.s32 s4, s1;
	s21 =	sadd.s32 $0xF4B400, s5;
	[dreg:$0xf] =	wrdreg s20  }
0x15: {  	vm6 =	vcmask $0x1310;
	s0 =	ssub.s32 s0, s22;
	v0 =	vsel vm5, $0x1300, v0;
	s23 =	sadd.s32 $0xF4BC00, s5;
	[dreg:$0x10] =	wrdreg s21  }
0x16: {  	vm7 =	vcmask $0x1714;
	s4 =	simm.s32 $0x4400;
	s24 =	sadd.s32 $0xF4C400, s5;
	v0 =	vsel vm6, $0x0, v0;
	[dreg:$0x11] =	wrdreg s23  }
0x17: {  	vm8 =	vcmask $0x1B18;
	s25 =	sadd.s32 $0xF4CC00, s5;
	s26 =	sadd.s32 $0xF4D400, s5;
	[dreg:$0x12] =	wrdreg s24;
	v0 =	vsel vm7, $0x100, v0  }
0x18: {  	vm9 =	vcmask $0x2320;
	s28 =	smax.u32 s0, $0x1;
	s0 =	simm.s32 $0x1;
	[dreg:$0x13] =	wrdreg s25;
	v0 =	vsel vm8, $0x200, v0  }
0x19: {  	vm10 =	vcmask $0x2724;
	[dreg:$0x14] =	wrdreg s26;
	s23 =	sadd.s32 $0xF4DC00, s5;
	s24 =	sadd.s32 $0x61C00, s1;
	v0 =	vsel vm9, $0x1000, v0  }
0x1a: {  	vm11 =	vcmask $0x2B28;
	s25 =	sadd.s32 $0x81C00, s1;
	s26 =	sadd.s32 $0xA1C00, s1;
	s1 =	simm.s32 $0x3C00;
	v0 =	vsel vm10, $0x1100, v0  }
0x1b: {  	v1 =	vlaneseq.u32;
	vm12 =	vcmask $0x2F2C;
	s5 =	simm.s32 $0x4C00;
	s6 =	simm.s32 $0x5400;
	s8 =	simm.s32 $0x6400;
	v0 =	vsel vm11, $0x1200, v0  }
0x1c: {  	vm13 =	vcmask $0x3330;
	v2 =	vand.u32 $0x7, v1;
	s9 =	simm.s32 $0x6C00;
	s10 =	simm.s32 $0x7400;
	s11 =	simm.s32 $0x7C00;
	v3 =	vsel vm12, $0x1300, v0  }
0x1d: {  	vm14 =	vcmask $0x3734;
	s12 =	simm.s32 $0x8400;
	s13 =	simm.s32 $0x8C00;
	s14 =	simm.s32 $0x9400;
	v0 =	vmul.u32 $0x100, v2;
	v2 =	vsel vm13, $0x0, v3  }
0x1e: {  	vm15 =	vcmask $0x3B38;
	s15 =	simm.s32 $0x9C00;
	s16 =	simm.s32 $0xA400;
	s17 =	simm.s32 $0xAC00;
	v3 =	vsel vm14, $0x100, v2  }
0x1f: {  	v1 =	vshrl.u32 v1, $0x3;
	s18 =	simm.s32 $0x2;
	s19 =	simm.s32 $0x2400;
	s20 =	simm.s32 $0x0;
	v2 =	vor.u32 $0x800, v0;
	v3 =	vsel vm15, $0x200, v3  }
.LBB2_1:
0x20: {  	s21 =	rddreg [dreg:$0x2]  }
0x21: {  	[tilespmem:s2], [sflag:$0x1] =	stream.linear.gather [hbm4b:s21+s2], $0x100, $0x38;
	[tilespmem:$0x12C00] =	vst v63  }
0x22: {  	s22 =	simm.s32 $0x100;
	s21 =	rddreg [dreg:$0x3]  }
0x23: {  	[tilespmem:s22], [sflag:$0x1] =	stream.linear.gather [hbm4b:s21+s2], $0x100, $0x38;
	[tilespmem:$0x12C00] =	vst v63  }
0x24: {  	s21 =	rddreg [dreg:$0x4];
	s22 =	simm.s32 $0x200  }
0x25: {  	[tilespmem:s22], [sflag:$0x1] =	stream.linear.gather [hbm4b:s21+s2], $0x100, $0x38;
	[tilespmem:$0x12C00] =	vst v63  }
0x26: {  	s21 =	rddreg [dreg:$0x5];
	s22 =	simm.s32 $0x300  }
0x27: {  	[tilespmem:s22], [sflag:$0x1] =	stream.linear.gather [hbm4b:s21+s2], $0x100, $0x38;
	[tilespmem:$0x12C00] =	vst v63  }
0x28: {  	s21 =	rddreg [dreg:$0x6];
	s22 =	simm.s32 $0x400  }
0x29: {  	[tilespmem:s22], [sflag:$0x1] =	stream.linear.gather [hbm4b:s21+s2], $0x100, $0x38;
	[tilespmem:$0x12C00] =	vst v63  }
0x2a: {  	s21 =	rddreg [dreg:$0x7];
	s22 =	simm.s32 $0x500  }
0x2b: {  	[tilespmem:s22], [sflag:$0x1] =	stream.linear.gather [hbm4b:s21+s2], $0x100, $0x38;
	[tilespmem:$0x12C00] =	vst v63  }
0x2c: {  	s21 =	rddreg [dreg:$0x8];
	s22 =	simm.s32 $0x600  }
0x2d: {  	[tilespmem:s22], [sflag:$0x1] =	stream.linear.gather [hbm4b:s21+s2], $0x100, $0x38;
	[tilespmem:$0x12C00] =	vst v63  }
0x2e: {  	s21 =	rddreg [dreg:$0x9];
	s22 =	simm.s32 $0x700  }
0x2f: {  	[tilespmem:s22], [sflag:$0x1] =	stream.linear.gather [hbm4b:s21+s2], $0x100, $0x38;
	[tilespmem:$0x12C00] =	vst v63  }
0x30: {  	s21 =	rddreg [dreg:$0xa];
	s22 =	simm.s32 $0x800  }
0x31: {  	[tilespmem:s22], [sflag:$0x1] =	stream.linear.gather [hbm4b:s21+s2], $0x100, $0x38;
	[tilespmem:$0x12C00] =	vst v63  }
0x32: {  	s21 =	rddreg [dreg:$0xb];
	s22 =	simm.s32 $0x900  }
0x33: {  	[tilespmem:s22], [sflag:$0x1] =	stream.linear.gather [hbm4b:s21+s2], $0x100, $0x38;
	[tilespmem:$0x12C00] =	vst v63  }
0x34: {  	s21 =	rddreg [dreg:$0xc];
	s22 =	simm.s32 $0xA00  }
0x35: {  	[tilespmem:s22], [sflag:$0x1] =	stream.linear.gather [hbm4b:s21+s2], $0x100, $0x38;
	[tilespmem:$0x12C00] =	vst v63  }
0x36: {  	s21 =	rddreg [dreg:$0xd];
	s22 =	simm.s32 $0xB00  }
0x37: {  	[tilespmem:s22], [sflag:$0x1] =	stream.linear.gather [hbm4b:s21+s2], $0x100, $0x38;
	[tilespmem:$0x12C00] =	vst v63  }
0x38: {  	s21 =	rddreg [dreg:$0xe];
	s22 =	simm.s32 $0xC00  }
0x39: {  	[tilespmem:s22], [sflag:$0x1] =	stream.linear.gather [hbm4b:s21+s2], $0x100, $0x38;
	[tilespmem:$0x12C00] =	vst v63  }
0x3a: {  	s21 =	rddreg [dreg:$0xf];
	s22 =	simm.s32 $0xD00  }
0x3b: {  	[tilespmem:s22], [sflag:$0x1] =	stream.linear.gather [hbm4b:s21+s2], $0x100, $0x38;
	[tilespmem:$0x12C00] =	vst v63  }
0x3c: {  	s21 =	rddreg [dreg:$0x10];
	s22 =	simm.s32 $0xE00  }
0x3d: {  	[tilespmem:s22], [sflag:$0x1] =	stream.linear.gather [hbm4b:s21+s2], $0x100, $0x38;
	[tilespmem:$0x12C00] =	vst v63  }
0x3e: {  	s21 =	rddreg [dreg:$0x11];
	s22 =	simm.s32 $0xF00  }
0x3f: {  	[tilespmem:s22], [sflag:$0x1] =	stream.linear.gather [hbm4b:s21+s2], $0x100, $0x38;
	[tilespmem:$0x12C00] =	vst v63  }
0x40: {  	s21 =	rddreg [dreg:$0x12];
	s22 =	simm.s32 $0x1000  }
0x41: {  	[tilespmem:s22], [sflag:$0x1] =	stream.linear.gather [hbm4b:s21+s2], $0x100, $0x38;
	[tilespmem:$0x12C00] =	vst v63  }
0x42: {  	s21 =	rddreg [dreg:$0x13];
	s22 =	simm.s32 $0x1100  }
0x43: {  	[tilespmem:s22], [sflag:$0x1] =	stream.linear.gather [hbm4b:s21+s2], $0x100, $0x38;
	[tilespmem:$0x12C00] =	vst v63  }
0x44: {  	s21 =	rddreg [dreg:$0x14];
	s22 =	simm.s32 $0x1200  }
0x45: {  	[tilespmem:s22], [sflag:$0x1] =	stream.linear.gather [hbm4b:s21+s2], $0x100, $0x38;
	[tilespmem:$0x12C00] =	vst v63  }
0x46: {  	s22 =	simm.s32 $0x1300  }
0x47: {  	[tilespmem:s22], [sflag:$0x1] =	stream.linear.gather [hbm4b:s23+s2], $0x100, $0x38;
	[tilespmem:$0x12C00] =	vst v63  }
0x48: {  	_ =	swait.ge [sflag:s0], $0x100  }
0x49: {  	[sflag:s0] =	ssyncset.done $0x0  }
0x4a: {  	[sflag:s0] =	ssyncadd.s32 $0xFFFFFF00  }
0x4b: {  	_ =	swait.ge [sflag:s0], $0x100  }
0x4c: {  	[sflag:s0] =	ssyncset.done $0x0  }
0x4d: {  	[sflag:s0] =	ssyncadd.s32 $0xFFFFFF00  }
0x4e: {  	_ =	swait.ge [sflag:s0], $0x100  }
0x4f: {  	[sflag:s0] =	ssyncset.done $0x0  }
0x50: {  	[sflag:s0] =	ssyncadd.s32 $0xFFFFFF00  }
0x51: {  	_ =	swait.ge [sflag:s0], $0x100  }
0x52: {  	[sflag:s0] =	ssyncset.done $0x0  }
0x53: {  	[sflag:s0] =	ssyncadd.s32 $0xFFFFFF00  }
0x54: {  	_ =	swait.ge [sflag:s0], $0x100  }
0x55: {  	[sflag:s0] =	ssyncset.done $0x0  }
0x56: {  	[sflag:s0] =	ssyncadd.s32 $0xFFFFFF00  }
0x57: {  	_ =	swait.ge [sflag:s0], $0x100  }
0x58: {  	[sflag:s0] =	ssyncset.done $0x0  }
0x59: {  	[sflag:s0] =	ssyncadd.s32 $0xFFFFFF00  }
0x5a: {  	_ =	swait.ge [sflag:s0], $0x100  }
0x5b: {  	[sflag:s0] =	ssyncset.done $0x0  }
0x5c: {  	[sflag:s0] =	ssyncadd.s32 $0xFFFFFF00  }
0x5d: {  	_ =	swait.ge [sflag:s0], $0x100  }
0x5e: {  	[sflag:s0] =	ssyncset.done $0x0  }
0x5f: {  	[sflag:s0] =	ssyncadd.s32 $0xFFFFFF00  }
0x60: {  	_ =	swait.ge [sflag:s0], $0x100  }
0x61: {  	[sflag:s0] =	ssyncset.done $0x0  }
0x62: {  	[sflag:s0] =	ssyncadd.s32 $0xFFFFFF00  }
0x63: {  	_ =	swait.ge [sflag:s0], $0x100  }
0x64: {  	[sflag:s0] =	ssyncset.done $0x0  }
0x65: {  	[sflag:s0] =	ssyncadd.s32 $0xFFFFFF00  }
0x66: {  	_ =	swait.ge [sflag:s0], $0x100  }
0x67: {  	[sflag:s0] =	ssyncset.done $0x0  }
0x68: {  	[sflag:s0] =	ssyncadd.s32 $0xFFFFFF00  }
0x69: {  	_ =	swait.ge [sflag:s0], $0x100  }
0x6a: {  	[sflag:s0] =	ssyncset.done $0x0  }
0x6b: {  	[sflag:s0] =	ssyncadd.s32 $0xFFFFFF00  }
0x6c: {  	_ =	swait.ge [sflag:s0], $0x100  }
0x6d: {  	[sflag:s0] =	ssyncset.done $0x0  }
0x6e: {  	[sflag:s0] =	ssyncadd.s32 $0xFFFFFF00  }
0x6f: {  	_ =	swait.ge [sflag:s0], $0x100  }
0x70: {  	[sflag:s0] =	ssyncset.done $0x0  }
0x71: {  	[sflag:s0] =	ssyncadd.s32 $0xFFFFFF00  }
0x72: {  	_ =	swait.ge [sflag:s0], $0x100  }
0x73: {  	[sflag:s0] =	ssyncset.done $0x0  }
0x74: {  	[sflag:s0] =	ssyncadd.s32 $0xFFFFFF00  }
0x75: {  	_ =	swait.ge [sflag:s0], $0x100  }
0x76: {  	[sflag:s0] =	ssyncset.done $0x0  }
0x77: {  	[sflag:s0] =	ssyncadd.s32 $0xFFFFFF00  }
0x78: {  	_ =	swait.ge [sflag:s0], $0x100  }
0x79: {  	[sflag:s0] =	ssyncset.done $0x0  }
0x7a: {  	[sflag:s0] =	ssyncadd.s32 $0xFFFFFF00  }
0x7b: {  	_ =	swait.ge [sflag:s0], $0x100  }
0x7c: {  	[sflag:s0] =	ssyncset.done $0x0  }
0x7d: {  	v4 =	vor.u32 s2, v1;
	[sflag:s0] =	ssyncadd.s32 $0xFFFFFF00  }
0x7e: {  	v4 =	vand.u32 $0xFF, v4;
	_ =	swait.ge [sflag:s0], $0x100  }
0x7f: {  	v5 =	vor.u32 v0, v4;
	[sflag:s0] =	ssyncset.done $0x0  }
0x80: {  	[sflag:s0] =	ssyncadd.s32 $0xFFFFFF00  }
0x81: {  	_ =	swait.ge [sflag:s0], $0x100  }
0x82: {  	[sflag:s0] =	ssyncset.done $0x0  }
0x83: {  	[sflag:s0] =	ssyncadd.s32 $0xFFFFFF00  }
0x84: {  	v5 =	vld.idx.msk [tilespmem:v5+s2+$0x0], $0xffff  }
0x85: {  	v6 =	vor.u32 v2, v4;
	_ =	sdelay $0x3  }
0x86: {  	[tilespmem:s19+$0xFFFFF000] =	vst v5  }
0x87: {  	v5 =	vld.idx.msk [tilespmem:v6+s2+$0x0], $0xffff  }
0x88: {  	v4 =	vor.u32 v3, v4;
	_ =	sdelay $0x3  }
0x89: {  	s22 =	simm.s32 $0x2;
	[tilespmem:s19+$0xFFFFF800] =	vst v5  }
0x8a: {  	s21 =	simm.s32 $0x2400;
	v5 =	vor.u32 s22, v1;
	s22 =	simm.s32 $0x4;
	v4 =	vld.idx.msk [tilespmem:v4+s2+$0x0], $0xffff  }
.LBB2_2:
0x8b: {  	p0 =	sne.s32 s22, $0xFE;
	v5 =	vand.u32 $0xFF, v5  }
0x8c: {  	v6 =	vor.u32 v0, v5;
	_ =	sdelay $0x3  }
0x8d: {  	[tilespmem:s21+$0x0] =	vst v4  }
0x8e: {  	v4 =	vld.idx.msk [tilespmem:v6+s2+$0x0], $0xffff;
	_ =	sdelay $0x1  }
0x8f: {  	v6 =	vor.u32 v2, v5;
	_ =	sdelay $0x2  }
0x90: {  	s21 =	sadd.s32 $0x10, s21  }
0x91: {  	[tilespmem:s21+$0xFFFFF000] =	vst v4  }
0x92: {  	v4 =	vld.idx.msk [tilespmem:v6+s2+$0x0], $0xffff;
	_ =	sdelay $0x1  }
0x93: {  	v6 =	vor.u32 v3, v5  }
.Ltmp0:
0x94: {  	(pc) =	sbr.rel @p0 .LBB2_2-.Ltmp0, $3  }
0x95: {  	_ =	sdelay $0x1  }
0x96: {  	[tilespmem:s21+$0xFFFFF800] =	vst v4  }
0x97: {  	v5 =	vor.u32 s22, v1;
	s22 =	sadd.s32 $0x2, s22;
	v4 =	vld.idx.msk [tilespmem:v6+s2+$0x0], $0xffff  }
0x98: {  	v5 =	vand.u32 $0xFF, v5  }
0x99: {  	v6 =	vor.u32 v0, v5;
	_ =	sdelay $0x3  }
0x9a: {  	[tilespmem:s21+$0x0] =	vst v4  }
0x9b: {  	v4 =	vld.idx.msk [tilespmem:v6+s2+$0x0], $0xffff  }
0x9c: {  	v63 =	vor.u32 v2, v5;
	_ =	sdelay $0x2  }
0x9d: {  	s22 =	sadd.s32 $0x10, s21  }
0x9e: {  	[tilespmem:s22+$0xFFFFF000] =	vst v4  }
0x9f: {  	v4 =	vld.idx.msk [tilespmem:v63+s2+$0x0], $0xffff  }
0xa0: {  	v5 =	vor.u32 v3, v5;
	_ =	sdelay $0x3  }
0xa1: {  	[tilespmem:s22+$0xFFFFF800] =	vst v4  }
0xa2: {  	v4 =	vld.idx.msk [tilespmem:v5+s2+$0x0], $0xffff;
	_ =	sdelay $0x4  }
0xa3: {  	[tilespmem:s22+$0x0] =	vst v4;
	s22 =	simm.s32 $0x1400  }
0xa4: {  	[tilespmem:s31], [sflag:$0x1] =	stream.indirect.gather [hbm4b:s3+s29], $0x10, s22, s29, $0xb8;
	[tilespmem:$0x12C00] =	vst v63  }
0xa5: {  	s22 =	simm.s32 $0x1480  }
0xa6: {  	[tilespmem:s30], [sflag:$0x1] =	stream.indirect.gather [hbm4b:s3+s29], $0x10, s22, s29, $0xb8;
	[tilespmem:$0x12C00] =	vst v63  }
0xa7: {  	s22 =	simm.s32 $0x1500  }
0xa8: {  	[tilespmem:s1], [sflag:$0x1] =	stream.indirect.gather [hbm4b:s3+s29], $0x10, s22, s29, $0xb8;
	[tilespmem:$0x12C00] =	vst v63  }
0xa9: {  	s22 =	simm.s32 $0x1580  }
0xaa: {  	[tilespmem:s4], [sflag:$0x1] =	stream.indirect.gather [hbm4b:s3+s29], $0x10, s22, s29, $0xb8;
	[tilespmem:$0x12C00] =	vst v63  }
0xab: {  	s22 =	simm.s32 $0x1600  }
0xac: {  	[tilespmem:s5], [sflag:$0x1] =	stream.indirect.gather [hbm4b:s3+s29], $0x10, s22, s29, $0xb8;
	[tilespmem:$0x12C00] =	vst v63  }
0xad: {  	s22 =	simm.s32 $0x1680  }
0xae: {  	[tilespmem:s6], [sflag:$0x1] =	stream.indirect.gather [hbm4b:s3+s29], $0x10, s22, s29, $0xb8;
	[tilespmem:$0x12C00] =	vst v63  }
0xaf: {  	s22 =	simm.s32 $0x1700  }
0xb0: {  	[tilespmem:s7], [sflag:$0x1] =	stream.indirect.gather [hbm4b:s3+s29], $0x10, s22, s29, $0xb8;
	[tilespmem:$0x12C00] =	vst v63  }
0xb1: {  	s22 =	simm.s32 $0x1780  }
0xb2: {  	[tilespmem:s8], [sflag:$0x1] =	stream.indirect.gather [hbm4b:s3+s29], $0x10, s22, s29, $0xb8;
	[tilespmem:$0x12C00] =	vst v63  }
0xb3: {  	s22 =	simm.s32 $0x1800  }
0xb4: {  	[tilespmem:s9], [sflag:$0x1] =	stream.indirect.gather [hbm4b:s3+s29], $0x10, s22, s29, $0xb8;
	[tilespmem:$0x12C00] =	vst v63  }
0xb5: {  	s22 =	simm.s32 $0x1880  }
0xb6: {  	[tilespmem:s10], [sflag:$0x1] =	stream.indirect.gather [hbm4b:s3+s29], $0x10, s22, s29, $0xb8;
	[tilespmem:$0x12C00] =	vst v63  }
0xb7: {  	s22 =	simm.s32 $0x1900  }
0xb8: {  	[tilespmem:s11], [sflag:$0x1] =	stream.indirect.gather [hbm4b:s3+s29], $0x10, s22, s29, $0xb8;
	[tilespmem:$0x12C00] =	vst v63  }
0xb9: {  	s22 =	simm.s32 $0x1980  }
0xba: {  	[tilespmem:s12], [sflag:$0x1] =	stream.indirect.gather [hbm4b:s3+s29], $0x10, s22, s29, $0xb8;
	[tilespmem:$0x12C00] =	vst v63  }
0xbb: {  	s22 =	simm.s32 $0x1A00  }
0xbc: {  	[tilespmem:s13], [sflag:$0x1] =	stream.indirect.gather [hbm4b:s3+s29], $0x10, s22, s29, $0xb8;
	[tilespmem:$0x12C00] =	vst v63  }
0xbd: {  	s22 =	simm.s32 $0x1A80  }
0xbe: {  	[tilespmem:s14], [sflag:$0x1] =	stream.indirect.gather [hbm4b:s3+s29], $0x10, s22, s29, $0xb8;
	[tilespmem:$0x12C00] =	vst v63  }
0xbf: {  	s22 =	simm.s32 $0x1B00  }
0xc0: {  	[tilespmem:s15], [sflag:$0x1] =	stream.indirect.gather [hbm4b:s3+s29], $0x10, s22, s29, $0xb8;
	[tilespmem:$0x12C00] =	vst v63  }
0xc1: {  	s22 =	simm.s32 $0x1B80  }
0xc2: {  	[tilespmem:s16], [sflag:$0x1] =	stream.indirect.gather [hbm4b:s3+s29], $0x10, s22, s29, $0xb8;
	[tilespmem:$0x12C00] =	vst v63  }
0xc3: {  	_ =	swait.ge [sflag:s0], $0x800  }
0xc4: {  	[sflag:s0] =	ssyncset.done $0x0  }
0xc5: {  	[sflag:s0] =	ssyncadd.s32 $0xFFFFF800  }
0xc6: {  	_ =	swait.ge [sflag:s0], $0x800  }
0xc7: {  	[sflag:s0] =	ssyncset.done $0x0  }
0xc8: {  	[sflag:s0] =	ssyncadd.s32 $0xFFFFF800  }
0xc9: {  	_ =	swait.ge [sflag:s0], $0x800  }
0xca: {  	[sflag:s0] =	ssyncset.done $0x0  }
0xcb: {  	[sflag:s0] =	ssyncadd.s32 $0xFFFFF800  }
0xcc: {  	_ =	swait.ge [sflag:s0], $0x800  }
0xcd: {  	[sflag:s0] =	ssyncset.done $0x0  }
0xce: {  	[sflag:s0] =	ssyncadd.s32 $0xFFFFF800  }
0xcf: {  	_ =	swait.ge [sflag:s0], $0x800  }
0xd0: {  	[sflag:s0] =	ssyncset.done $0x0  }
0xd1: {  	[sflag:s0] =	ssyncadd.s32 $0xFFFFF800  }
0xd2: {  	_ =	swait.ge [sflag:s0], $0x800  }
0xd3: {  	[sflag:s0] =	ssyncset.done $0x0  }
0xd4: {  	[sflag:s0] =	ssyncadd.s32 $0xFFFFF800  }
0xd5: {  	_ =	swait.ge [sflag:s0], $0x800  }
0xd6: {  	[sflag:s0] =	ssyncset.done $0x0  }
0xd7: {  	[sflag:s0] =	ssyncadd.s32 $0xFFFFF800  }
0xd8: {  	_ =	swait.ge [sflag:s0], $0x800  }
0xd9: {  	[sflag:s0] =	ssyncset.done $0x0  }
0xda: {  	[sflag:s0] =	ssyncadd.s32 $0xFFFFF800  }
0xdb: {  	_ =	swait.ge [sflag:s0], $0x800  }
0xdc: {  	[sflag:s0] =	ssyncset.done $0x0  }
0xdd: {  	[sflag:s0] =	ssyncadd.s32 $0xFFFFF800  }
0xde: {  	_ =	swait.ge [sflag:s0], $0x800  }
0xdf: {  	[sflag:s0] =	ssyncset.done $0x0  }
0xe0: {  	[sflag:s0] =	ssyncadd.s32 $0xFFFFF800  }
0xe1: {  	_ =	swait.ge [sflag:s0], $0x800  }
0xe2: {  	[sflag:s0] =	ssyncset.done $0x0  }
0xe3: {  	[sflag:s0] =	ssyncadd.s32 $0xFFFFF800  }
0xe4: {  	_ =	swait.ge [sflag:s0], $0x800  }
0xe5: {  	[sflag:s0] =	ssyncset.done $0x0  }
0xe6: {  	[sflag:s0] =	ssyncadd.s32 $0xFFFFF800  }
0xe7: {  	_ =	swait.ge [sflag:s0], $0x800  }
0xe8: {  	[sflag:s0] =	ssyncset.done $0x0  }
0xe9: {  	[sflag:s0] =	ssyncadd.s32 $0xFFFFF800  }
0xea: {  	_ =	swait.ge [sflag:s0], $0x800  }
0xeb: {  	[sflag:s0] =	ssyncset.done $0x0  }
0xec: {  	[sflag:s0] =	ssyncadd.s32 $0xFFFFF800  }
0xed: {  	_ =	swait.ge [sflag:s0], $0x800  }
0xee: {  	[sflag:s0] =	ssyncset.done $0x0  }
0xef: {  	[sflag:s0] =	ssyncadd.s32 $0xFFFFF800  }
0xf0: {  	_ =	swait.ge [sflag:s0], $0x800  }
0xf1: {  	[sflag:s0] =	ssyncset.done $0x0  }
0xf2: {  	[sflag:s0] =	ssyncadd.s32 $0xFFFFF800  }
0xf3: {  	[hbm4b:s24+s2] =	stream.linear.scatter [tilespmem:s31], [sflag:$0x2], $0x8000, $0x38;
	[tilespmem:$0x12C00] =	vst v63  }
0xf4: {  	s22 =	simm.s32 $0x1C00  }
0xf5: {  	[tilespmem:s17], [sflag:$0x1] =	stream.indirect.gather [hbm4b:s3+s29], $0x10, s22, s29, $0xb8;
	[tilespmem:$0x12C00] =	vst v63  }
0xf6: {  	s21 =	simm.s32 $0x1C80;
	s22 =	simm.s32 $0xB400  }
0xf7: {  	[tilespmem:s22], [sflag:$0x1] =	stream.indirect.gather [hbm4b:s3+s29], $0x10, s21, s29, $0xb8;
	[tilespmem:$0x12C00] =	vst v63  }
0xf8: {  	s21 =	simm.s32 $0x1D00;
	s22 =	simm.s32 $0xBC00  }
0xf9: {  	[tilespmem:s22], [sflag:$0x1] =	stream.indirect.gather [hbm4b:s3+s29], $0x10, s21, s29, $0xb8;
	[tilespmem:$0x12C00] =	vst v63  }
0xfa: {  	s21 =	simm.s32 $0x1D80;
	s22 =	simm.s32 $0xC400  }
0xfb: {  	[tilespmem:s22], [sflag:$0x1] =	stream.indirect.gather [hbm4b:s3+s29], $0x10, s21, s29, $0xb8;
	[tilespmem:$0x12C00] =	vst v63  }
0xfc: {  	s21 =	simm.s32 $0x1E00;
	s22 =	simm.s32 $0xCC00  }
0xfd: {  	[tilespmem:s22], [sflag:$0x1] =	stream.indirect.gather [hbm4b:s3+s29], $0x10, s21, s29, $0xb8;
	[tilespmem:$0x12C00] =	vst v63  }
0xfe: {  	s21 =	simm.s32 $0x1E80;
	s22 =	simm.s32 $0xD400  }
0xff: {  	[tilespmem:s22], [sflag:$0x1] =	stream.indirect.gather [hbm4b:s3+s29], $0x10, s21, s29, $0xb8;
	[tilespmem:$0x12C00] =	vst v63  }
0x100: {  	s21 =	simm.s32 $0x1F00;
	s22 =	simm.s32 $0xDC00  }
0x101: {  	[tilespmem:s22], [sflag:$0x1] =	stream.indirect.gather [hbm4b:s3+s29], $0x10, s21, s29, $0xb8;
	[tilespmem:$0x12C00] =	vst v63  }
0x102: {  	s21 =	simm.s32 $0x1F80;
	s22 =	simm.s32 $0xE400  }
0x103: {  	[tilespmem:s22], [sflag:$0x1] =	stream.indirect.gather [hbm4b:s3+s29], $0x10, s21, s29, $0xb8;
	[tilespmem:$0x12C00] =	vst v63  }
0x104: {  	s21 =	simm.s32 $0x2000;
	s22 =	simm.s32 $0xEC00  }
0x105: {  	[tilespmem:s22], [sflag:$0x1] =	stream.indirect.gather [hbm4b:s3+s29], $0x10, s21, s29, $0xb8;
	[tilespmem:$0x12C00] =	vst v63  }
0x106: {  	s21 =	simm.s32 $0x2080;
	s22 =	simm.s32 $0xF400  }
0x107: {  	[tilespmem:s22], [sflag:$0x1] =	stream.indirect.gather [hbm4b:s3+s29], $0x10, s21, s29, $0xb8;
	[tilespmem:$0x12C00] =	vst v63  }
0x108: {  	s21 =	simm.s32 $0x2100;
	s22 =	simm.s32 $0xFC00  }
0x109: {  	[tilespmem:s22], [sflag:$0x1] =	stream.indirect.gather [hbm4b:s3+s29], $0x10, s21, s29, $0xb8;
	[tilespmem:$0x12C00] =	vst v63  }
0x10a: {  	s21 =	simm.s32 $0x2180;
	s22 =	simm.s32 $0x10400  }
0x10b: {  	[tilespmem:s22], [sflag:$0x1] =	stream.indirect.gather [hbm4b:s3+s29], $0x10, s21, s29, $0xb8;
	[tilespmem:$0x12C00] =	vst v63  }
0x10c: {  	s21 =	simm.s32 $0x2200;
	s22 =	simm.s32 $0x10C00  }
0x10d: {  	[tilespmem:s22], [sflag:$0x1] =	stream.indirect.gather [hbm4b:s3+s29], $0x10, s21, s29, $0xb8;
	[tilespmem:$0x12C00] =	vst v63  }
0x10e: {  	s21 =	simm.s32 $0x2280;
	s22 =	simm.s32 $0x11400  }
0x10f: {  	[tilespmem:s22], [sflag:$0x1] =	stream.indirect.gather [hbm4b:s3+s29], $0x10, s21, s29, $0xb8;
	[tilespmem:$0x12C00] =	vst v63  }
0x110: {  	s21 =	simm.s32 $0x2300;
	s22 =	simm.s32 $0x11C00  }
0x111: {  	[tilespmem:s22], [sflag:$0x1] =	stream.indirect.gather [hbm4b:s3+s29], $0x10, s21, s29, $0xb8;
	[tilespmem:$0x12C00] =	vst v63  }
0x112: {  	s21 =	simm.s32 $0x2380;
	s22 =	simm.s32 $0x12400  }
0x113: {  	[tilespmem:s22], [sflag:$0x1] =	stream.indirect.gather [hbm4b:s3+s29], $0x10, s21, s29, $0xb8;
	[tilespmem:$0x12C00] =	vst v63  }
0x114: {  	_ =	swait.ge [sflag:s0], $0x800  }
0x115: {  	[sflag:s0] =	ssyncset.done $0x0  }
0x116: {  	[sflag:s0] =	ssyncadd.s32 $0xFFFFF800  }
0x117: {  	_ =	swait.ge [sflag:s0], $0x800  }
0x118: {  	[sflag:s0] =	ssyncset.done $0x0  }
0x119: {  	[sflag:s0] =	ssyncadd.s32 $0xFFFFF800  }
0x11a: {  	_ =	swait.ge [sflag:s0], $0x800  }
0x11b: {  	[sflag:s0] =	ssyncset.done $0x0  }
0x11c: {  	[sflag:s0] =	ssyncadd.s32 $0xFFFFF800  }
0x11d: {  	_ =	swait.ge [sflag:s0], $0x800  }
0x11e: {  	[sflag:s0] =	ssyncset.done $0x0  }
0x11f: {  	[sflag:s0] =	ssyncadd.s32 $0xFFFFF800  }
0x120: {  	_ =	swait.ge [sflag:s0], $0x800  }
0x121: {  	[sflag:s0] =	ssyncset.done $0x0  }
0x122: {  	[sflag:s0] =	ssyncadd.s32 $0xFFFFF800  }
0x123: {  	_ =	swait.ge [sflag:s0], $0x800  }
0x124: {  	[sflag:s0] =	ssyncset.done $0x0  }
0x125: {  	[sflag:s0] =	ssyncadd.s32 $0xFFFFF800  }
0x126: {  	_ =	swait.ge [sflag:s0], $0x800  }
0x127: {  	[sflag:s0] =	ssyncset.done $0x0  }
0x128: {  	[sflag:s0] =	ssyncadd.s32 $0xFFFFF800  }
0x129: {  	_ =	swait.ge [sflag:s0], $0x800  }
0x12a: {  	[sflag:s0] =	ssyncset.done $0x0  }
0x12b: {  	[sflag:s0] =	ssyncadd.s32 $0xFFFFF800  }
0x12c: {  	_ =	swait.ge [sflag:s0], $0x800  }
0x12d: {  	[sflag:s0] =	ssyncset.done $0x0  }
0x12e: {  	[sflag:s0] =	ssyncadd.s32 $0xFFFFF800  }
0x12f: {  	_ =	swait.ge [sflag:s0], $0x800  }
0x130: {  	[sflag:s0] =	ssyncset.done $0x0  }
0x131: {  	[sflag:s0] =	ssyncadd.s32 $0xFFFFF800  }
0x132: {  	_ =	swait.ge [sflag:s0], $0x800  }
0x133: {  	[sflag:s0] =	ssyncset.done $0x0  }
0x134: {  	[sflag:s0] =	ssyncadd.s32 $0xFFFFF800  }
0x135: {  	_ =	swait.ge [sflag:s0], $0x800  }
0x136: {  	[sflag:s0] =	ssyncset.done $0x0  }
0x137: {  	[sflag:s0] =	ssyncadd.s32 $0xFFFFF800  }
0x138: {  	_ =	swait.ge [sflag:s0], $0x800  }
0x139: {  	[sflag:s0] =	ssyncset.done $0x0  }
0x13a: {  	[sflag:s0] =	ssyncadd.s32 $0xFFFFF800  }
0x13b: {  	_ =	swait.ge [sflag:s0], $0x800  }
0x13c: {  	[sflag:s0] =	ssyncset.done $0x0  }
0x13d: {  	[sflag:s0] =	ssyncadd.s32 $0xFFFFF800  }
0x13e: {  	_ =	swait.ge [sflag:s0], $0x800  }
0x13f: {  	[sflag:s0] =	ssyncset.done $0x0  }
0x140: {  	[sflag:s0] =	ssyncadd.s32 $0xFFFFF800  }
0x141: {  	_ =	swait.ge [sflag:s0], $0x800  }
0x142: {  	[sflag:s0] =	ssyncset.done $0x0  }
0x143: {  	[sflag:s0] =	ssyncadd.s32 $0xFFFFF800  }
0x144: {  	[hbm4b:s25+s2] =	stream.linear.scatter [tilespmem:s17], [sflag:$0x2], $0x8000, $0x38;
	[tilespmem:$0x12C00] =	vst v63  }
0x145: {  	_ =	swait.ge [sflag:s18], $0x8000  }
0x146: {  	[sflag:s18] =	ssyncset.done $0x0  }
0x147: {  	[sflag:s18] =	ssyncadd.s32 $0xFFFF8000  }
0x148: {  	[tilespmem:s31], [sflag:$0x1] =	stream.indirect.gather [hbm4b:s3+s29], $0x10, s19, s29, $0xb8;
	[tilespmem:$0x12C00] =	vst v63  }
0x149: {  	s22 =	simm.s32 $0x2480  }
0x14a: {  	[tilespmem:s30], [sflag:$0x1] =	stream.indirect.gather [hbm4b:s3+s29], $0x10, s22, s29, $0xb8;
	[tilespmem:$0x12C00] =	vst v63  }
0x14b: {  	s22 =	simm.s32 $0x2500  }
0x14c: {  	[tilespmem:s1], [sflag:$0x1] =	stream.indirect.gather [hbm4b:s3+s29], $0x10, s22, s29, $0xb8;
	[tilespmem:$0x12C00] =	vst v63  }
0x14d: {  	s22 =	simm.s32 $0x2580  }
0x14e: {  	[tilespmem:s4], [sflag:$0x1] =	stream.indirect.gather [hbm4b:s3+s29], $0x10, s22, s29, $0xb8;
	[tilespmem:$0x12C00] =	vst v63  }
0x14f: {  	s22 =	simm.s32 $0x2600  }
0x150: {  	[tilespmem:s5], [sflag:$0x1] =	stream.indirect.gather [hbm4b:s3+s29], $0x10, s22, s29, $0xb8;
	[tilespmem:$0x12C00] =	vst v63  }
0x151: {  	s22 =	simm.s32 $0x2680  }
0x152: {  	[tilespmem:s6], [sflag:$0x1] =	stream.indirect.gather [hbm4b:s3+s29], $0x10, s22, s29, $0xb8;
	[tilespmem:$0x12C00] =	vst v63  }
0x153: {  	s22 =	simm.s32 $0x2700  }
0x154: {  	[tilespmem:s7], [sflag:$0x1] =	stream.indirect.gather [hbm4b:s3+s29], $0x10, s22, s29, $0xb8;
	[tilespmem:$0x12C00] =	vst v63  }
0x155: {  	s22 =	simm.s32 $0x2780  }
0x156: {  	[tilespmem:s8], [sflag:$0x1] =	stream.indirect.gather [hbm4b:s3+s29], $0x10, s22, s29, $0xb8;
	[tilespmem:$0x12C00] =	vst v63  }
0x157: {  	s22 =	simm.s32 $0x2800  }
0x158: {  	[tilespmem:s9], [sflag:$0x1] =	stream.indirect.gather [hbm4b:s3+s29], $0x10, s22, s29, $0xb8;
	[tilespmem:$0x12C00] =	vst v63  }
0x159: {  	s22 =	simm.s32 $0x2880  }
0x15a: {  	[tilespmem:s10], [sflag:$0x1] =	stream.indirect.gather [hbm4b:s3+s29], $0x10, s22, s29, $0xb8;
	[tilespmem:$0x12C00] =	vst v63  }
0x15b: {  	s22 =	simm.s32 $0x2900  }
0x15c: {  	[tilespmem:s11], [sflag:$0x1] =	stream.indirect.gather [hbm4b:s3+s29], $0x10, s22, s29, $0xb8;
	[tilespmem:$0x12C00] =	vst v63  }
0x15d: {  	s22 =	simm.s32 $0x2980  }
0x15e: {  	[tilespmem:s12], [sflag:$0x1] =	stream.indirect.gather [hbm4b:s3+s29], $0x10, s22, s29, $0xb8;
	[tilespmem:$0x12C00] =	vst v63  }
0x15f: {  	s22 =	simm.s32 $0x2A00  }
0x160: {  	[tilespmem:s13], [sflag:$0x1] =	stream.indirect.gather [hbm4b:s3+s29], $0x10, s22, s29, $0xb8;
	[tilespmem:$0x12C00] =	vst v63  }
0x161: {  	s22 =	simm.s32 $0x2A80  }
0x162: {  	[tilespmem:s14], [sflag:$0x1] =	stream.indirect.gather [hbm4b:s3+s29], $0x10, s22, s29, $0xb8;
	[tilespmem:$0x12C00] =	vst v63  }
0x163: {  	s22 =	simm.s32 $0x2B00  }
0x164: {  	[tilespmem:s15], [sflag:$0x1] =	stream.indirect.gather [hbm4b:s3+s29], $0x10, s22, s29, $0xb8;
	[tilespmem:$0x12C00] =	vst v63  }
0x165: {  	s22 =	simm.s32 $0x2B80  }
0x166: {  	[tilespmem:s16], [sflag:$0x1] =	stream.indirect.gather [hbm4b:s3+s29], $0x10, s22, s29, $0xb8;
	[tilespmem:$0x12C00] =	vst v63  }
0x167: {  	_ =	swait.ge [sflag:s0], $0x800  }
0x168: {  	[sflag:s0] =	ssyncset.done $0x0  }
0x169: {  	[sflag:s0] =	ssyncadd.s32 $0xFFFFF800  }
0x16a: {  	_ =	swait.ge [sflag:s0], $0x800  }
0x16b: {  	[sflag:s0] =	ssyncset.done $0x0  }
0x16c: {  	[sflag:s0] =	ssyncadd.s32 $0xFFFFF800  }
0x16d: {  	_ =	swait.ge [sflag:s0], $0x800  }
0x16e: {  	[sflag:s0] =	ssyncset.done $0x0  }
0x16f: {  	[sflag:s0] =	ssyncadd.s32 $0xFFFFF800  }
0x170: {  	_ =	swait.ge [sflag:s0], $0x800  }
0x171: {  	[sflag:s0] =	ssyncset.done $0x0  }
0x172: {  	[sflag:s0] =	ssyncadd.s32 $0xFFFFF800  }
0x173: {  	_ =	swait.ge [sflag:s0], $0x800  }
0x174: {  	[sflag:s0] =	ssyncset.done $0x0  }
0x175: {  	[sflag:s0] =	ssyncadd.s32 $0xFFFFF800  }
0x176: {  	_ =	swait.ge [sflag:s0], $0x800  }
0x177: {  	[sflag:s0] =	ssyncset.done $0x0  }
0x178: {  	[sflag:s0] =	ssyncadd.s32 $0xFFFFF800  }
0x179: {  	_ =	swait.ge [sflag:s0], $0x800  }
0x17a: {  	[sflag:s0] =	ssyncset.done $0x0  }
0x17b: {  	[sflag:s0] =	ssyncadd.s32 $0xFFFFF800  }
0x17c: {  	_ =	swait.ge [sflag:s0], $0x800  }
0x17d: {  	[sflag:s0] =	ssyncset.done $0x0  }
0x17e: {  	[sflag:s0] =	ssyncadd.s32 $0xFFFFF800  }
0x17f: {  	_ =	swait.ge [sflag:s0], $0x800  }
0x180: {  	[sflag:s0] =	ssyncset.done $0x0  }
0x181: {  	[sflag:s0] =	ssyncadd.s32 $0xFFFFF800  }
0x182: {  	_ =	swait.ge [sflag:s0], $0x800  }
0x183: {  	[sflag:s0] =	ssyncset.done $0x0  }
0x184: {  	[sflag:s0] =	ssyncadd.s32 $0xFFFFF800  }
0x185: {  	_ =	swait.ge [sflag:s0], $0x800  }
0x186: {  	[sflag:s0] =	ssyncset.done $0x0  }
0x187: {  	[sflag:s0] =	ssyncadd.s32 $0xFFFFF800  }
0x188: {  	_ =	swait.ge [sflag:s0], $0x800  }
0x189: {  	[sflag:s0] =	ssyncset.done $0x0  }
0x18a: {  	[sflag:s0] =	ssyncadd.s32 $0xFFFFF800  }
0x18b: {  	_ =	swait.ge [sflag:s0], $0x800  }
0x18c: {  	[sflag:s0] =	ssyncset.done $0x0  }
0x18d: {  	[sflag:s0] =	ssyncadd.s32 $0xFFFFF800  }
0x18e: {  	_ =	swait.ge [sflag:s0], $0x800  }
0x18f: {  	[sflag:s0] =	ssyncset.done $0x0  }
0x190: {  	[sflag:s0] =	ssyncadd.s32 $0xFFFFF800  }
0x191: {  	_ =	swait.ge [sflag:s0], $0x800  }
0x192: {  	[sflag:s0] =	ssyncset.done $0x0  }
0x193: {  	[sflag:s0] =	ssyncadd.s32 $0xFFFFF800  }
0x194: {  	_ =	swait.ge [sflag:s0], $0x800  }
0x195: {  	[sflag:s0] =	ssyncset.done $0x0  }
0x196: {  	s20 =	sadd.s32 $0x1, s20;
	[sflag:s0] =	ssyncadd.s32 $0xFFFFF800  }
0x197: {  	[hbm4b:s26+s2] =	stream.linear.scatter [tilespmem:s31], [sflag:$0x2], $0x8000, $0x38;
	[tilespmem:$0x12C00] =	vst v63  }
0x198: {  	p0 =	sne.s32 s20, s28;
	_ =	swait.ge [sflag:s18], $0x8000  }
.Ltmp1:
0x199: {  	[sflag:s18] =	ssyncset.done $0x0;
	(pc) =	sbr.rel @p0 .LBB2_1-.Ltmp1, $4  }
0x19a: {  	[sflag:s18] =	ssyncadd.s32 $0xFFFF8000  }
0x19b: {  	_ =	swait.ge [sflag:s18], $0x8000  }
0x19c: {  	[sflag:s18] =	ssyncset.done $0x0  }
0x19d: {  	[sflag:s18] =	ssyncadd.s32 $0xFFFF8000  }
0x19e: {  	_ =	sfence.sel $0x180000  }
0x19f: {  	[bflag:$0x0] =	sbarrier.arrive $0xFFFF  }
0x1a0: {  	_ =	strace $0x9000004D  }
0x1a1: {  	s0 =	stileid.u32;
	[bflag:$0x2] =	sbarrier.arrive $0xFFFF  }
0x1a2: {  	p0 =	sne.s32 s0, $0x0;
	s0 =	rddreg [dreg:$0x1]  }
0x1a3: {  	s0 =	sadd.s32 @!p0 $0x100000, s0  }
0x1a4: {  	[sflag:s0] =	ssyncadd.tile.s32 @!p0 $0x1;
	_ =	shalt  }
.Lfunc_end2:
_tile_overlayer_lowered:
.L_overlay_start_2:
0x1a5: {  	(tag) =	ssettag $0x2  }
0x1a6: {  	s0 =	rddreg [dreg:$0x0];
	s2 =	stileid.u32  }
0x1a7: {  	s1 =	rddreg [dreg:$0x1];
	p0 =	sne.s32 s2, $0x0  }
0x1a8: {  	s3 =	rddreg [dreg:$0x2];
	[bflag:$0x3] =	sbarrier.arrive $0xFFFF;
	s2 =	simm.s32 @!p0 $0x1C03  }
0x1a9: {  	[timem:s3], [sflag:s2] =	dma.local @!p0 [hbm:s0], s1  }
0x1aa: {  	s0 =	simm.s32 @!p0 $0x3  }
0x1ab: {  	_ =	swait.ge @!p0 [sflag:s0], s1  }
0x1ac: {  	s1 =	ssub.s32 @!p0 $0x0, s1;
	[sflag:s0] =	ssyncset.done @!p0 $0x0  }
0x1ad: {  	[sflag:s0] =	ssyncadd.s32 @!p0 s1  }
0x1ae: {  	[bflag:$0x3] =	sbarrier.arrive $0xFFFF  }
0x1af: {  	_ =	shalt  }

// kernel: sparse-core-data-format-call.cloned.1.call-start
scs
called_computation_lowered:
.L_overlay_start_0:
0x0: {  	s2 =	sld [smem:$0x3FD9]  }
0x1: {  	s3 =	sld [smem:$0x3FFE];
	_ =	sdelay $0x1  }
0x2: {  	s1 =	srdreg.scid  }
0x3: {  	s0 =	sand.u32 $0x1, s1  }
0x4: {  	s18 =	sshll.u32 s0, $0xA;
	s2 =	sadd.s32 s3, s2  }
0x5: {  	s2 =	sadd.s32 s2, s18  }
0x6: {  	[smem:$0x3FC0] =	sst s2  }
0x7: {  	_ = 	snop  }
0x8: {  	s2 =	sld [smem:$0x3FC8];
	(tm) =	ssettm $0x1  }
0x9: {  	s19 =	sld [smem:$0x3FFB];
	_ =	sdelay $0x3  }
0xa: {  	_ =	strace s19  }
0xb: {  	s3 =	sld [smem:$0x3FFC];
	_ =	sdelay $0x3  }
0xc: {  	_ =	strace s3  }
0xd: {  	s3 =	sld [smem:$0x3FFD];
	_ =	sdelay $0x3  }
0xe: {  	_ =	strace s3  }
0xf: {  	_ =	strace $0x8FFFFFFF  }
0x10: {  	s20 =	sld [smem:$0x3FDB];
	_ =	sdelay $0x1  }
0x11: {  	s4 =	simm.s32 $_scs_section_size  }
0x12: {  	s5 =	simm.s32 $_size__tile_overlayer_lowered;
	s6 =	simm.s32 $_tile_overlayer_lowered  }
0x13: {  	s23 =	simm.s32 $0x1BFF;
	s22 =	sshll.u32 s6, $0x1;
	s3 =	sadd.s32 s4, s20  }
0x14: {  	s7 =	simm.s32 $0x0;
	s21 =	sshll.u32 s5, $0x1;
	s5 =	sadd.s32 s22, s3  }
0x15: {  	[timem:s7], [sflag:s23] =	dma.local [hbm:s5], s21  }
0x16: {  	_ =	swait.ge [sflag:s23], s21  }
0x17: {  	s4 =	ssub.s32 $0x0, s21;
	[sflag:s23] =	ssyncset.done $0x0  }
0x18: {  	[sflag:s23] =	ssyncadd.s32 s4;
	_ =	sdelay $0x1  }
0x19: {  	s24 =	simm.s32 $0x1B8B  }
0x1a: {  	_ =	swait.ge [sflag:s24], $0x1  }
0x1b: {  	[sflag:s24] =	ssyncset.done $0x0  }
0x1c: {  	s26 =	simm.s32 $0x1B8E;
	s25 =	sld [smem:$0x3FFE];
	[sflag:s24] =	ssyncadd.s32 $0xFFFFFFFF  }
0x1d: {  	s27 =	simm.s32 $execute0_lowered;
	[smem:$0x3FD2] =	sst s26  }
0x1e: {  	s5 =	sshll.u32 s27, $0x1;
	_ =	strace $0x80000046;
	[dreg:$0x1] =	wrdreg $0xFFFFFFFF  }
0x1f: {  	s28 =	simm.s32 $_size_execute0_lowered;
	s3 =	sadd.s32 s3, s5;
	[dreg:$0x0] =	wrdreg $0x0  }
0x20: {  	s5 =	sshll.u32 s28, $0x1;
	[dreg:$0x2] =	wrdreg s3  }
0x21: {  	[dreg:$0x3] =	wrdreg s5  }
0x22: {  	[dreg:$0x4] =	wrdreg $0xC0  }
0x23: {  	_ =	task [dreg:s7], $0x5FFFF  }
0x24: {  	[dreg:$0x1] =	wrdreg $0xFFFFFFFF  }
0x25: {  	[dreg:$0x0] =	wrdreg $0x60  }
0x26: {  	[dreg:$0x2] =	wrdreg s2  }
0x27: {  	[dreg:$0x3] =	wrdreg s25  }
0x28: {  	[dreg:$0x4] =	wrdreg $0x9  }
0x29: {  	_ =	task.clear_ibuf [dreg:s7], $0x5FFFF;
	_ =	strace $0x90000046  }
0x2a: {  	s29 =	simm.s32 $0x9;
	_ =	strace $0x80000048  }
0x2b: {  	_ =	swait.ge [sflag:s29], $0x1  }
0x2c: {  	[sflag:s29] =	ssyncadd.s32 $0xFFFFFFFF  }
0x2d: {  	_ =	strace $0x90000048  }
0x2e: {  	_ =	sfence  }
0x2f: {  	s30 =	sld [smem:$0x0];
	_ =	sdelay $0x2  }
0x30: {  	s31 =	sshll.u32 s1, $0xD;
	s1 =	sshrl.u32 s1, $0x2  }
0x31: {  	s3 =	sand.u32 $0x4000, s31;
	s1 =	sadd.s32 s1, s30  }
0x32: {  	s0 =	sor.u32 s3, s0;
	s1 =	sshll.u32 s1, $0x11  }
0x33: {  	s0 =	sor.u32 s1, s0  }
0x34: {  	s0 =	sadd.s32 $0x8F2B, s0  }
0x35: {  	[sflag:s0] =	ssyncadd.remote.s32 $0x1  }
0x36: {  	_ =	sfence.sel $0xFFFF  }
0x37: {  	[dreg:$0x0] =	wrdreg $0xFFFFFFFF;
	(pc) =	sbr.abs _section_cstart, $3  }
0x38: {  	[dreg:$0x1] =	wrdreg $0xFFFFFFFF  }
0x39: {  	_ =	task.clear_ibuf [dreg:s7], $0x2FFFF;
	_ =	strace $0x9FFFFFFF  }
0x3a: {  	(tm) =	ssettm $0x7FFFFFFF  }
0x3b: {  	_ =	shalt  }
tec
execute0_lowered:
.L_overlay_start_1:
0x0: {  	(tag) =	ssettag $0x1  }
0x1: {  	s0 =	srdreg.scid;
	s2 =	rddreg [dreg:$0x0]  }
0x2: {  	s5 =	rddreg [dreg:$0x1];
	s1 =	stileid.u32  }
0x3: {  	s4 =	simm.s32 $0x1;
	s6 =	simm.s32 $0x2;
	s15 =	simm.s32 $0x0  }
0x4: {  	p0 =	por $0x0, $0x0;
	s8 =	simm.s32 $0x80;
	s0 =	sshll.u32 s0, $0x4  }
0x5: {  	s14 =	simm.s32 $0x0;
	s9 =	simm.s32 $0x0;
	s3 =	sand.u32 $0x10, s0  }
.Ltmp0:
0x6: {  	s10 =	simm.s32 $0x0;
	s3 =	sor.u32 s1, s3;
	(pc) =	sbr.rel .LBB1_1-.Ltmp0, $4  }
0x7: {  	s0 =	rddreg [dreg:$0x2];
	_ =	strace $0x80000047;
	s3 =	sshll.u32 s3, $0x7  }
0x8: {  	s12 =	simm.s32 $0x0;
	[sflag:s4] =	ssyncpa.u1 $0x0;
	s7 =	ssub.s32 $0xF4200, s3  }
0x9: {  	s13 =	simm.s32 $0x0;
	[sflag:s6] =	ssyncpa.u1 $0x0;
	s6 =	sshrl.u32 s7, $0xC  }
0xa: {  	s5 =	sadd.s32 $0x1C00, s5;
	s11 =	smov.u32 s3;
	s7 =	sadd.s32 $0x2, s6  }
.LBB1_5:
0xb: {  	p1 =	slt.u32 s13, $0x2  }
0xc: {  	s17 =	smov.u32 s15;
	p2 =	sgt.s32 @!p1 s15, $0xF41C0;
	s16 =	sshra.s32 @!p1 s15, $0x1F  }
0xd: {  	p3 =	sgt.s32 @!p1 s14, $0x70;
	s18 =	sshra.s32 @!p1 s14, $0x1F;
	p2 =	por !p2, p1  }
0xe: {  	s15 =	sand.u32 @!p1 s16, s15;
	p3 =	por !p3, p1;
	s16 =	smov.u32 s14  }
0xf: {  	s14 =	sand.u32 @!p1 s18, s14;
	s17 =	simm.s32 @p2 $0xF41C0;
	s16 =	simm.s32 @p3 $0x70  }
0x10: {  	s15 =	ssub.s32 @!p1 s17, s15;
	s14 =	ssub.s32 @!p1 s16, s14  }
0x11: {  	s18 =	smov.u32 s12;
	s16 =	sadd.s32 @!p1 $0xFFF0BE40, s15;
	s17 =	sadd.s32 @!p1 $0xFFFFFF90, s14  }
0x12: {  	s15 =	ssub.s32 @!p1 $0xF4240, s15;
	p2 =	sgt.s32 @!p1 s16, $0x7F;
	p3 =	sgt.s32 @!p1 s17, $0xF  }
0x13: {  	s14 =	ssub.s32 @!p1 $0x80, s14;
	p2 =	por !p2, p1;
	p3 =	por !p3, p1  }
0x14: {  	s16 =	sadd.s32 $0x1000, s11;
	s15 =	simm.s32 @!p2 $0x0;
	s14 =	simm.s32 @!p3 $0x0  }
0x15: {  	p2 =	sgt.s32 s16, $0xF423F;
	s14 =	smul.u32 @!p1 s14, s15;
	s15 =	sadd.s32 $0x10, s12  }
0x16: {  	s18 =	smov.u32 @p2 s15  }
0x17: {  	s16 =	smov.u32 @p2 s3;
	p2 =	sgt.s32 s18, $0xF  }
0x18: {  	s18 =	simm.s32 @p2 $0x0;
	p2 =	sne.s32 s13, s7  }
.Ltmp1:
0x19: {  	p0 =	por !p0, !p0;
	s17 =	simm.s32 @!p1 $0x2;
	(pc) =	sbr.rel @!p2 .LBB1_6-.Ltmp1, $4  }
0x1a: {  	s15 =	smov.u32 s9;
	s9 =	smov.u32 s11;
	s14 =	sand.u32 @!p1 $0x3FFFFFFF, s14  }
0x1b: {  	s11 =	smov.u32 s16;
	_ =	swait.ge @!p1 [sflag:s17], s14;
	s19 =	ssub.s32 @!p1 $0x0, s14  }
0x1c: {  	s14 =	smov.u32 s10;
	s13 =	sadd.s32 $0x1, s13;
	[sflag:s17] =	ssyncset.done @!p1 $0x0  }
0x1d: {  	s10 =	smov.u32 s12;
	s12 =	smov.u32 s18;
	[sflag:s17] =	ssyncadd.s32 @!p1 s19  }
.LBB1_1:
0x1e: {  	p1 =	sgt.u32 s13, s6  }
0x1f: {  	s16 =	sshrl.u32 @!p1 s12, $0x3  }
0x20: {  	s17 =	sshll.u32 @!p1 s11, $0x3;
	s16 =	smul.u32 @!p1 $0x7A1400, s16  }
0x21: {  	s18 =	sshll.u32 @!p1 s12, $0x7;
	s17 =	sand.u32 @!p1 $0xFFFFFC00, s17  }
0x22: {  	s16 =	sadd.s32 @!p1 s16, s17;
	s17 =	sand.u32 @!p1 $0x380, s18  }
0x23: {  	s18 =	sand.u32 @!p1 $0x7F, s11;
	s16 =	sor.u32 @!p1 s17, s16  }
0x24: {  	s17 =	sor.u32 @!p1 s18, s16  }
0x25: {  	s18 =	smulhi.u32 @!p1 $0x218D6287, s17;
	_ =	sdelay $0x1  }
0x26: {  	s16 =	smulhi.u32 @!p1 $0x218D6287, s16;
	s18 =	sshrl.u32 @!p1 s18, $0x11  }
0x27: {  	s18 =	smul.u32 @!p1 $0xF4280, s18  }
0x28: {  	s19 =	sxor.u32 @!p1 $0xFFFFFFFF, s13;
	s16 =	sshrl.u32 @!p1 s16, $0x11  }
0x29: {  	s19 =	sshll.u32 @!p1 s19, $0xB;
	s16 =	sand.u32 @!p1 $0xF, s16;
	s17 =	ssub.s32 @!p1 s17, s18  }
0x2a: {  	s16 =	smul.u32 @!p1 $0x1E850, s16;
	s18 =	sshrl.u32 @!p1 s17, $0x3;
	s17 =	sand.u32 @!p1 $0x7, s17  }
0x2b: {  	s19 =	sand.u32 @!p1 $0x800, s19;
	s18 =	sadd.s32 @!p1 s2, s18;
	s17 =	sshll.u32 @!p1 s17, $0x12  }
0x2c: {  	s16 =	sadd.s32 @!p1 s16, s18;
	s17 =	sor.u32 @!p1 $0x400, s17;
	s18 =	simm.s32 @!p1 $0x7A1400  }
0x2d: {  	[tilespmem:s19], [sflag:$0x1] =	stream.strided.gather @!p1 [hbm4b:s16+s17], $0x800, s18, s17, $0x38;
	[tilespmem:$0x2100] =	vst v63  }
0x2e: {  	p1 =	seq.s32 s13, $0x0  }
0x2f: {  	p2 =	sge.u32 @!p1 s13, s7  }
0x30: {  	p1 =	por p1, p2  }
.Ltmp2:
0x31: {  	_ = 	snop;
	(pc) =	sbr.rel @p1 .LBB1_5-.Ltmp2, $1  }
0x32: {  	_ =	sdelay $0x3  }
0x33: {  	s16 =	simm.s32 $0x1  }
0x34: {  	_ =	swait.ge [sflag:s4], $0x800;
	s16 =	simm.s32 @!p0 $0x0  }
0x35: {  	[sflag:s4] =	ssyncset.done $0x0;
	s17 =	sshll.u32 s16, $0xB  }
0x36: {  	[sflag:s4] =	ssyncadd.s32 $0xFFFFF800;
	s17 =	sor.u32 $0x40, s17  }
0x37: {  	s16 =	smul.u32 $0x2200, s16;
	v0 =	vld [tilespmem:s17+$0x30]  }
0x38: {  	v1 =	vld [tilespmem:s17+$0xFFFFFFD0]  }
0x39: {  	s16 =	sshrl.u32 s16, $0x2;
	v5 =	vld [tilespmem:s17+$0xFFFFFFE0]  }
0x3a: {  	v6 =	vld [tilespmem:s17+$0xFFFFFFF0];
	s19 =	sor.u32 $0x1000, s16  }
0x3b: {  	s31 =	sand.u32 $0x1, s13;
	v4 =	vld [tilespmem:s17+$0x0];
	s18 =	sadd.s32 $0x0, s19  }
0x3c: {  	v3 =	vld [tilespmem:s17+$0x10];
	s16 =	smul.u32 $0x2200, s31;
	[tilespmem:s18+$0x770 ss:$0x11] =	vst.msk $0xffff, v0  }
0x3d: {  	v2 =	vld [tilespmem:s17+$0x20];
	[tilespmem:s18+$0x110 ss:$0x11] =	vst.msk $0xffff, v1  }
0x3e: {  	s16 =	sshrl.u32 s16, $0x2;
	v1 =	vld [tilespmem:s17+$0xFFFFFFC0];
	[tilespmem:s18+$0x220 ss:$0x11] =	vst.msk $0xffff, v5;
	s17 =	sadd.s32 $0x80, s17  }
0x3f: {  	s20 =	simm.s32 $0x4;
	s21 =	simm.s32 $0x8;
	s16 =	sor.u32 $0x1000, s16;
	[tilespmem:s18+$0x330 ss:$0x11] =	vst.msk $0xffff, v6;
	v0 =	vld [tilespmem:s17+$0x30]  }
.LBB1_3:
0x40: {  	p1 =	sne.s32 s21, $0x3C;
	v5 =	vld [tilespmem:s17+$0xFFFFFFD0];
	[tilespmem:s18+$0x440 ss:$0x11] =	vst.msk $0xffff, v4  }
0x41: {  	v6 =	vld [tilespmem:s17+$0xFFFFFFE0];
	[tilespmem:s18+$0x550 ss:$0x11] =	vst.msk $0xffff, v3  }
0x42: {  	s22 =	sshra.s32 s20, $0x2;
	s20 =	smov.u32 s21;
	v7 =	vld [tilespmem:s17+$0xFFFFFFF0];
	[tilespmem:s18+$0x660 ss:$0x11] =	vst.msk $0xffff, v2  }
.Ltmp3:
0x43: {  	v4 =	vld [tilespmem:s17+$0x0];
	[tilespmem:s18+$0x0 ss:$0x11] =	vst.msk $0xffff, v1;
	s18 =	sadd.s32 s22, s19;
	(pc) =	sbr.rel @p1 .LBB1_3-.Ltmp3, $4  }
0x44: {  	v3 =	vld [tilespmem:s17+$0x10];
	[tilespmem:s18+$0x770 ss:$0x11] =	vst.msk $0xffff, v0  }
0x45: {  	[tilespmem:s18+$0x110 ss:$0x11] =	vst.msk $0xffff, v5;
	v2 =	vld [tilespmem:s17+$0x20]  }
0x46: {  	v1 =	vld [tilespmem:s17+$0xFFFFFFC0];
	[tilespmem:s18+$0x220 ss:$0x11] =	vst.msk $0xffff, v6;
	s17 =	sadd.s32 $0x80, s17  }
0x47: {  	s21 =	sadd.s32 $0x4, s21;
	v0 =	vld [tilespmem:s17+$0x30];
	[tilespmem:s18+$0x330 ss:$0x11] =	vst.msk $0xffff, v7  }
0x48: {  	s21 =	sshll.u32 s9, $0x7;
	s22 =	sshll.u32 s10, $0x3;
	s20 =	sshra.s32 s20, $0x2  }
0x49: {  	p1 =	sgt.s32 s9, $0xF41C0;
	s30 =	sshra.s32 s9, $0x1F;
	s25 =	sshra.s32 s10, $0x1F  }
0x4a: {  	v5 =	vld [tilespmem:s17+$0xFFFFFFD0];
	s28 =	sshrl.u32 s10, $0x3;
	s23 =	sand.u32 $0xFFFFFC00, s21;
	s22 =	sand.u32 $0xFFFFFC00, s22  }
0x4b: {  	[tilespmem:s18+$0x440 ss:$0x11] =	vst.msk $0xffff, v4;
	v58 =	vld [tilespmem:s17+$0xFFFFFFE0];
	s21 =	sand.u32 $0x380, s21;
	s19 =	sadd.s32 s20, s19;
	s22 =	sadd.s32 s22, s23  }
0x4c: {  	v59 =	vld [tilespmem:s17+$0xFFFFFFF0];
	[tilespmem:s18+$0x550 ss:$0x11] =	vst.msk $0xffff, v3;
	s29 =	sor.u32 s21, s22;
	s21 =	smov.u32 s9;
	s22 =	sand.u32 s30, s9  }
0x4d: {  	v60 =	vld [tilespmem:s17+$0x0];
	[tilespmem:s18+$0x660 ss:$0x11] =	vst.msk $0xffff, v2;
	s30 =	sand.u32 $0x7, s10;
	s20 =	sshrl.u32 s29, $0x7;
	s21 =	simm.s32 @!p1 $0xF41C0  }
0x4e: {  	v61 =	vld [tilespmem:s17+$0x10];
	[tilespmem:s18+$0x0 ss:$0x11] =	vst.msk $0xffff, v1;
	p1 =	sgt.s32 s10, $0x70;
	s24 =	ssub.s32 s21, s22;
	s21 =	smov.u32 s10  }
0x4f: {  	v62 =	vld [tilespmem:s17+$0x20];
	[tilespmem:s19+$0x770 ss:$0x11] =	vst.msk $0xffff, v0;
	s31 =	smulhi.u32 $0x218DEF5, s20;
	s22 =	sand.u32 s25, s10;
	s21 =	simm.s32 @!p1 $0x70  }
0x50: {  	v63 =	vld [tilespmem:s17+$0xFFFFFFC0];
	[tilespmem:s19+$0x110 ss:$0x11] =	vst.msk $0xffff, v5;
	s26 =	sadd.s32 $0xFFF0BE40, s24;
	s17 =	ssub.s32 $0xF4240, s24;
	s21 =	ssub.s32 s21, s22  }
0x51: {  	[tilespmem:s19+$0x220 ss:$0x11] =	vst.msk $0xffff, v58;
	s23 =	sshrl.u32 s31, $0xD;
	p1 =	sgt.s32 s26, $0x7F;
	s27 =	sadd.s32 $0xFFFFFF90, s21  }
0x52: {  	[tilespmem:s19+$0x330 ss:$0x11] =	vst.msk $0xffff, v59;
	s23 =	smul.u32 $0xF4240, s23;
	s18 =	ssub.s32 $0x80, s21;
	p2 =	sgt.s32 s27, $0xF  }
.Ltmp4:
0x53: {  	[tilespmem:s19+$0x440 ss:$0x11] =	vst.msk $0xffff, v60;
	s17 =	simm.s32 @p1 $0x0;
	s18 =	simm.s32 @p2 $0x0;
	(pc) =	sbr.rel .LBB1_5-.Ltmp4, $4  }
0x54: {  	s29 =	sand.u32 $0xF, s28;
	[tilespmem:s19+$0x550 ss:$0x11] =	vst.msk $0xffff, v61;
	s20 =	ssub.s32 s20, s23;
	s17 =	smul.u32 s18, s17  }
0x55: {  	[tilespmem:s19+$0x660 ss:$0x11] =	vst.msk $0xffff, v62;
	s21 =	sshll.u32 s30, $0x12;
	s20 =	sshll.u32 s20, $0x4;
	s18 =	sadd.s32 s5, s29  }
0x56: {  	[tilespmem:s19+$0x0 ss:$0x11] =	vst.msk $0xffff, v63;
	s31 =	sor.u32 $0x10, s21;
	s18 =	sadd.s32 s20, s18;
	s17 =	sand.u32 $0x3FFFFFFF, s17  }
0x57: {  	[hbm4b:s18+s31] =	stream.strided.scatter [tilespmem:s16], [sflag:$0x2], s17, s8, s31, $0x8;
	[tilespmem:$0x2100] =	vst v63  }
.LBB1_6:
0x58: {  	_ =	sfence.sel $0x180000  }
0x59: {  	s2 =	simm.s32 $0x1;
	[bflag:$0x0] =	sbarrier.arrive $0xFFFF  }
0x5a: {  	s31 =	simm.s32 $0x2;
	[sflag:s2] =	ssyncpa.u1 $0x1  }
0x5b: {  	[sflag:s31] =	ssyncpa.u1 $0x1  }
0x5c: {  	p0 =	sne.s32 s1, $0x0;
	_ =	strace $0x90000047  }
0x5d: {  	s0 =	sadd.s32 @!p0 $0x100000, s0;
	[bflag:$0x2] =	sbarrier.arrive $0xFFFF  }
0x5e: {  	[sflag:s0] =	ssyncadd.tile.s32 @!p0 $0x1;
	_ =	shalt  }
.Lfunc_end1:
_tile_overlayer_lowered:
.L_overlay_start_2:
0x5f: {  	(tag) =	ssettag $0x2  }
0x60: {  	s0 =	rddreg [dreg:$0x0];
	s2 =	stileid.u32  }
0x61: {  	s1 =	rddreg [dreg:$0x1];
	p0 =	sne.s32 s2, $0x0  }
0x62: {  	s3 =	rddreg [dreg:$0x2];
	[bflag:$0x3] =	sbarrier.arrive $0xFFFF;
	s2 =	simm.s32 @!p0 $0x1C01  }
0x63: {  	[timem:s3], [sflag:s2] =	dma.local @!p0 [hbm:s0], s1  }
0x64: {  	s0 =	simm.s32 @!p0 $0x1  }
0x65: {  	_ =	swait.ge @!p0 [sflag:s0], s1  }
0x66: {  	s1 =	ssub.s32 @!p0 $0x0, s1;
	[sflag:s0] =	ssyncset.done @!p0 $0x0  }
0x67: {  	[sflag:s0] =	ssyncadd.s32 @!p0 s1  }
0x68: {  	[bflag:$0x3] =	sbarrier.arrive $0xFFFF  }
0x69: {  	_ =	shalt  }

</sc_bundles>
